<compile_context>
chip_gen: v7x
topology: tpu7x:2x2x1
jax: 0.10.2.dev20260603
libtpu: 0.0.44.dev20260713+nightly
codegen_flags: <defaults>
</compile_context>

<pallas_src>
import functools

import jax
import jax.numpy as jnp
from jax import lax
from jax.experimental import pallas as pl
from jax.experimental.pallas import tpu as pltpu
from jax.experimental.pallas import tpu_sc as plsc

DIM = 64
R = 8
SCALING = 2.0

NC = 2
NS = 16
NW = NC * NS
IW = 128
NBUF = 3
L = 16
UNROLL = 4


def _sc_fused(xf, weight, lora_a, b2):
    n_idx_rows = xf.shape[0]
    B = n_idx_rows * IW
    rows_pw = n_idx_rows // NW
    n_chunks = rows_pw
    mesh = plsc.VectorSubcoreMesh(core_axis_name="c", subcore_axis_name="s",
                                  num_cores=NC)

    @functools.partial(
        pl.kernel,
        mesh=mesh,
        compiler_params=pltpu.CompilerParams(use_tc_tiling_on_sc=False,
                                             needs_layout_passes=False),
        out_type=jax.ShapeDtypeStruct((B, DIM), jnp.float32),
        scratch_types=[
            pltpu.VMEM((rows_pw, IW), jnp.int32),
            pltpu.VMEM((NBUF, IW, DIM), jnp.float32),
            pltpu.VMEM((NBUF * IW, R), jnp.float32),
            pltpu.VMEM((R, DIM), jnp.float32),
            pltpu.SemaphoreType.DMA,
            pltpu.SemaphoreType.DMA,
            pltpu.SemaphoreType.DMA,
            pltpu.SemaphoreType.DMA,
        ],
    )
    def fused_kernel(xf_hbm, w_hbm, a_hbm, b2_hbm, out_hbm,
                     idx_v, wbuf, abuf, bv, sem_w, sem_a, sem_b, sem_o):
        cid = lax.axis_index("c")
        sid = lax.axis_index("s")
        wid = sid * NC + cid
        r0 = wid * rows_pw
        b0 = r0 * IW
        pltpu.sync_copy(xf_hbm.at[pl.ds(r0, rows_pw)], idx_v)
        pltpu.async_copy(b2_hbm, bv, sem_b).wait()

        bregs = [[bv[k, pl.ds(c * L, L)] for c in range(DIM // L)]
                 for k in range(R)]
        kf = [jnp.full((L,), k, jnp.int32) for k in range(R)]

        def g_copies(c, s):
            return [
                pltpu.make_async_copy(
                    w_hbm.at[idx_v.at[c]], wbuf.at[s], sem_w),
                pltpu.make_async_copy(
                    a_hbm.at[idx_v.at[c]], abuf.at[pl.ds(s * IW, IW)], sem_a),
            ]

        def o_copy(c, s):
            return pltpu.make_async_copy(
                wbuf.at[s], out_hbm.at[pl.ds(b0 + c * IW, IW)], sem_o)

        def compute(s):
            def row_body(it, carry):
                for u in range(UNROLL):
                    r = it * UNROLL + u
                    arow = jnp.full((L,), s * IW, jnp.int32) + r
                    accs = [wbuf[s, r, pl.ds(c * L, L)]
                            for c in range(DIM // L)]
                    for k in range(R):
                        a_s = plsc.load_gather(abuf, [arow, kf[k]])
                        for c in range(DIM // L):
                            accs[c] = accs[c] + a_s * bregs[k][c]
                    for c in range(DIM // L):
                        wbuf[s, r, pl.ds(c * L, L)] = accs[c]
                return carry

            lax.fori_loop(0, IW // UNROLL, row_body, 0)

        LA = NBUF - 1

        def step(c, s1, s3):
            for cp in g_copies(c, s1):
                cp.wait()
            compute(s1)
            o_copy(c, s1).start()

            @pl.when(c + LA < n_chunks)
            def _():
                @pl.when(c >= 1)
                def _():
                    o_copy(c - 1, s3).wait()
                for cp in g_copies(c + LA, s3):
                    cp.start()

        for p in range(LA):
            for cp in g_copies(p, p):
                cp.start()

        def group(t, carry):
            for b in range(NBUF):
                step(t * NBUF + b, b, (b + LA) % NBUF)
            return carry

        full = (n_chunks // NBUF) * NBUF
        lax.fori_loop(0, n_chunks // NBUF, group, 0)
        for c in range(full, n_chunks):
            step(jnp.int32(c), c % NBUF, (c + LA) % NBUF)
        for c in range(n_chunks - NBUF, n_chunks):
            o_copy(c, c % NBUF).wait()

    return fused_kernel(xf, weight, lora_a, b2)


def kernel(x, weight, lora_a, lora_b):
    b2 = lora_b * jnp.float32(SCALING)
    xf = x.reshape(-1).reshape(-1, IW)
    out = _sc_fused(xf, weight, lora_a, b2)
    return out.reshape(x.shape + (DIM,))

# --- scband reference (transcript-rebuilt; emitter-appended) ---
"""Pipeline reference for scband-embedding-78640851190366 (READ-ONLY COPY).

The authoritative reference and input builder live on the scoring server;
editing this copy changes nothing except your own understanding.
"""

import jax, jax.numpy as jnp
import numpy as np

NUM_EMBEDDINGS = 1000000
EMBEDDING_DIM = 64
R = 8
ALPHA = 16
SCALING = ALPHA / R


def setup_inputs(seed: int = 0) -> dict:
    key = jax.random.key(seed)
    k1, k2, k3, k4 = jax.random.split(key, 4)
    x = jax.random.randint(k1, (16384, 20), 0, NUM_EMBEDDINGS, dtype=jnp.int64 if jax.config.read('jax_enable_x64') else jnp.int32).astype(jnp.int32)
    weight = jax.random.normal(k2, (NUM_EMBEDDINGS, EMBEDDING_DIM), dtype=jnp.float32)
    lora_a = jax.random.normal(k3, (NUM_EMBEDDINGS, R), dtype=jnp.float32)
    lora_b = jax.random.normal(k4, (R, EMBEDDING_DIM), dtype=jnp.float32) * 0.02
    return {"x": x, "weight": weight, "lora_a": lora_a, "lora_b": lora_b}


def reference(x, weight, lora_a, lora_b):
    # result = embedding(x, weight)
    result = jnp.take(weight, x, axis=0)
    # result += embedding(x, lora_a) @ lora_b * scaling
    low_rank = jnp.take(lora_a, x, axis=0)
    result = result + (low_rank @ lora_b) * SCALING
    return result

if __name__ == "__main__":
    import jax
    _d = setup_inputs()
    print(jax.jit(kernel)(*tuple(_d.values())))

</pallas_src>

<mosaic_0001>
#map = affine_map<(d0, d1) -> (0, 0)>
module attributes {stable_mosaic.version = 14 : i64} {
  func.func @fused_kernel(%arg0: i32, %arg1: i32, %arg2: memref<2560x128xi32, #tpu.memory_space<hbm>>, %arg3: memref<1000000x64xf32, #tpu.memory_space<hbm>>, %arg4: memref<1000000x8xf32, #tpu.memory_space<hbm>>, %arg5: memref<8x64xf32, #tpu.memory_space<hbm>>, %arg6: memref<327680x64xf32, #tpu.memory_space<hbm>>, %arg7: memref<80x128xi32, #tpu.memory_space<vmem>>, %arg8: memref<3x128x64xf32, #tpu.memory_space<vmem>>, %arg9: memref<384x8xf32, #tpu.memory_space<vmem>>, %arg10: memref<8x64xf32, #tpu.memory_space<vmem>>, %arg11: memref<!tpu.dma_semaphore, #tpu.memory_space<semaphore_mem>>, %arg12: memref<!tpu.dma_semaphore, #tpu.memory_space<semaphore_mem>>, %arg13: memref<!tpu.dma_semaphore, #tpu.memory_space<semaphore_mem>>, %arg14: memref<!tpu.dma_semaphore, #tpu.memory_space<semaphore_mem>>) attributes {dimension_semantics = [#tpu.dimension_semantics<core_parallel>, #tpu.dimension_semantics<subcore_parallel>], iteration_bounds = array<i64: 2, 16>, scalar_prefetch = 0 : i64, scratch_operands = 8 : i64, tpu.core_type = #tpu.core_type<sc_vector_subcore>, window_params = [{transform_indices = #map}, {transform_indices = #map}, {transform_indices = #map}, {transform_indices = #map}, {transform_indices = #map}]} {
    %mul3A = arith.constant 2 : i32
    %mul3A_0 = arith.muli %arg1, %mul3A : i32
    %add3A = arith.addi %mul3A_0, %arg0 : i32
    %mul3A_1 = arith.constant 80 : i32
    %mul3A_2 = arith.muli %add3A, %mul3A_1 : i32
    %mul3A_3 = arith.constant 128 : i32
    %mul3A_4 = arith.muli %mul3A_2, %mul3A_3 : i32
    "tpu.region"() ({
      %run_scoped3A = tpu.sem_alloc : memref<!tpu.dma_semaphore, #tpu.memory_space<semaphore_mem>>
      %dma_start3A_344 = arith.constant 0 : i32
      %dma_start3A_345 = tpu.memref_slice %arg2[%mul3A_2, %dma_start3A_344] : memref<2560x128xi32, #tpu.memory_space<hbm>> -> memref<80x128xi32, #tpu.memory_space<hbm>>
      %dma_start3A_346 = arith.constant 0 : i32
      %dma_start3A_347 = tpu.memref_slice %arg2[%mul3A_2, %dma_start3A_346] : memref<2560x128xi32, #tpu.memory_space<hbm>> -> memref<80x128xi32, #tpu.memory_space<hbm>>
      tpu.enqueue_dma source(%dma_start3A_347 : memref<80x128xi32, #tpu.memory_space<hbm>>) target(%arg7 : memref<80x128xi32, #tpu.memory_space<vmem>>) target_semaphore(%run_scoped3A : memref<!tpu.dma_semaphore, #tpu.memory_space<semaphore_mem>>)
      %dma_wait3A_348 = arith.constant 0 : i32
      %dma_wait3A_349 = tpu.memref_slice %arg2[%mul3A_2, %dma_wait3A_348] : memref<2560x128xi32, #tpu.memory_space<hbm>> -> memref<80x128xi32, #tpu.memory_space<hbm>>
      %dma_wait3A_350 = arith.constant 0 : i32
      %dma_wait3A_351 = tpu.memref_slice %arg2[%mul3A_2, %dma_wait3A_350] : memref<2560x128xi32, #tpu.memory_space<hbm>> -> memref<80x128xi32, #tpu.memory_space<hbm>>
      tpu.wait_dma2 semaphore(%run_scoped3A : memref<!tpu.dma_semaphore, #tpu.memory_space<semaphore_mem>>) src(%dma_wait3A_351 : memref<80x128xi32, #tpu.memory_space<hbm>>) dst(%arg7 : memref<80x128xi32, #tpu.memory_space<vmem>>)
      tpu.yield
    }) : () -> ()
    tpu.enqueue_dma source(%arg5 : memref<8x64xf32, #tpu.memory_space<hbm>>) target(%arg10 : memref<8x64xf32, #tpu.memory_space<vmem>>) target_semaphore(%arg13 : memref<!tpu.dma_semaphore, #tpu.memory_space<semaphore_mem>>)
    tpu.wait_dma2 semaphore(%arg13 : memref<!tpu.dma_semaphore, #tpu.memory_space<semaphore_mem>>) src(%arg5 : memref<8x64xf32, #tpu.memory_space<hbm>>) dst(%arg10 : memref<8x64xf32, #tpu.memory_space<vmem>>)
    %get3A = arith.constant 0 : i32
    %get3A_5 = arith.index_cast %get3A : i32 to index
    %get3A_6 = arith.constant 0 : index
    %get3A_7 = tpu.vector_load %arg10[%get3A_5, %get3A_6] {strides = array<i32>} : memref<8x64xf32, #tpu.memory_space<vmem>>, vector<16xf32>,
    %get3A_8 = arith.constant 0 : i32
    %get3A_9 = arith.index_cast %get3A_8 : i32 to index
    %get3A_10 = arith.constant 16 : index
    %get3A_11 = tpu.vector_load %arg10[%get3A_9, %get3A_10] {strides = array<i32>} : memref<8x64xf32, #tpu.memory_space<vmem>>, vector<16xf32>,
    %get3A_12 = arith.constant 0 : i32
    %get3A_13 = arith.index_cast %get3A_12 : i32 to index
    %get3A_14 = arith.constant 32 : index
    %get3A_15 = tpu.vector_load %arg10[%get3A_13, %get3A_14] {strides = array<i32>} : memref<8x64xf32, #tpu.memory_space<vmem>>, vector<16xf32>,
    %get3A_16 = arith.constant 0 : i32
    %get3A_17 = arith.index_cast %get3A_16 : i32 to index
    %get3A_18 = arith.constant 48 : index
    %get3A_19 = tpu.vector_load %arg10[%get3A_17, %get3A_18] {strides = array<i32>} : memref<8x64xf32, #tpu.memory_space<vmem>>, vector<16xf32>,
    %get3A_20 = arith.constant 1 : i32
    %get3A_21 = arith.index_cast %get3A_20 : i32 to index
    %get3A_22 = arith.constant 0 : index
    %get3A_23 = tpu.vector_load %arg10[%get3A_21, %get3A_22] {strides = array<i32>} : memref<8x64xf32, #tpu.memory_space<vmem>>, vector<16xf32>,
    %get3A_24 = arith.constant 1 : i32
    %get3A_25 = arith.index_cast %get3A_24 : i32 to index
    %get3A_26 = arith.constant 16 : index
    %get3A_27 = tpu.vector_load %arg10[%get3A_25, %get3A_26] {strides = array<i32>} : memref<8x64xf32, #tpu.memory_space<vmem>>, vector<16xf32>,
    %get3A_28 = arith.constant 1 : i32
    %get3A_29 = arith.index_cast %get3A_28 : i32 to index
    %get3A_30 = arith.constant 32 : index
    %get3A_31 = tpu.vector_load %arg10[%get3A_29, %get3A_30] {strides = array<i32>} : memref<8x64xf32, #tpu.memory_space<vmem>>, vector<16xf32>,
    %get3A_32 = arith.constant 1 : i32
    %get3A_33 = arith.index_cast %get3A_32 : i32 to index
    %get3A_34 = arith.constant 48 : index
    %get3A_35 = tpu.vector_load %arg10[%get3A_33, %get3A_34] {strides = array<i32>} : memref<8x64xf32, #tpu.memory_space<vmem>>, vector<16xf32>,
    %get3A_36 = arith.constant 2 : i32
    %get3A_37 = arith.index_cast %get3A_36 : i32 to index
    %get3A_38 = arith.constant 0 : index
    %get3A_39 = tpu.vector_load %arg10[%get3A_37, %get3A_38] {strides = array<i32>} : memref<8x64xf32, #tpu.memory_space<vmem>>, vector<16xf32>,
    %get3A_40 = arith.constant 2 : i32
    %get3A_41 = arith.index_cast %get3A_40 : i32 to index
    %get3A_42 = arith.constant 16 : index
    %get3A_43 = tpu.vector_load %arg10[%get3A_41, %get3A_42] {strides = array<i32>} : memref<8x64xf32, #tpu.memory_space<vmem>>, vector<16xf32>,
    %get3A_44 = arith.constant 2 : i32
    %get3A_45 = arith.index_cast %get3A_44 : i32 to index
    %get3A_46 = arith.constant 32 : index
    %get3A_47 = tpu.vector_load %arg10[%get3A_45, %get3A_46] {strides = array<i32>} : memref<8x64xf32, #tpu.memory_space<vmem>>, vector<16xf32>,
    %get3A_48 = arith.constant 2 : i32
    %get3A_49 = arith.index_cast %get3A_48 : i32 to index
    %get3A_50 = arith.constant 48 : index
    %get3A_51 = tpu.vector_load %arg10[%get3A_49, %get3A_50] {strides = array<i32>} : memref<8x64xf32, #tpu.memory_space<vmem>>, vector<16xf32>,
    %get3A_52 = arith.constant 3 : i32
    %get3A_53 = arith.index_cast %get3A_52 : i32 to index
    %get3A_54 = arith.constant 0 : index
    %get3A_55 = tpu.vector_load %arg10[%get3A_53, %get3A_54] {strides = array<i32>} : memref<8x64xf32, #tpu.memory_space<vmem>>, vector<16xf32>,
    %get3A_56 = arith.constant 3 : i32
    %get3A_57 = arith.index_cast %get3A_56 : i32 to index
    %get3A_58 = arith.constant 16 : index
    %get3A_59 = tpu.vector_load %arg10[%get3A_57, %get3A_58] {strides = array<i32>} : memref<8x64xf32, #tpu.memory_space<vmem>>, vector<16xf32>,
    %get3A_60 = arith.constant 3 : i32
    %get3A_61 = arith.index_cast %get3A_60 : i32 to index
    %get3A_62 = arith.constant 32 : index
    %get3A_63 = tpu.vector_load %arg10[%get3A_61, %get3A_62] {strides = array<i32>} : memref<8x64xf32, #tpu.memory_space<vmem>>, vector<16xf32>,
    %get3A_64 = arith.constant 3 : i32
    %get3A_65 = arith.index_cast %get3A_64 : i32 to index
    %get3A_66 = arith.constant 48 : index
    %get3A_67 = tpu.vector_load %arg10[%get3A_65, %get3A_66] {strides = array<i32>} : memref<8x64xf32, #tpu.memory_space<vmem>>, vector<16xf32>,
    %get3A_68 = arith.constant 4 : i32
    %get3A_69 = arith.index_cast %get3A_68 : i32 to index
    %get3A_70 = arith.constant 0 : index
    %get3A_71 = tpu.vector_load %arg10[%get3A_69, %get3A_70] {strides = array<i32>} : memref<8x64xf32, #tpu.memory_space<vmem>>, vector<16xf32>,
    %get3A_72 = arith.constant 4 : i32
    %get3A_73 = arith.index_cast %get3A_72 : i32 to index
    %get3A_74 = arith.constant 16 : index
    %get3A_75 = tpu.vector_load %arg10[%get3A_73, %get3A_74] {strides = array<i32>} : memref<8x64xf32, #tpu.memory_space<vmem>>, vector<16xf32>,
    %get3A_76 = arith.constant 4 : i32
    %get3A_77 = arith.index_cast %get3A_76 : i32 to index
    %get3A_78 = arith.constant 32 : index
    %get3A_79 = tpu.vector_load %arg10[%get3A_77, %get3A_78] {strides = array<i32>} : memref<8x64xf32, #tpu.memory_space<vmem>>, vector<16xf32>,
    %get3A_80 = arith.constant 4 : i32
    %get3A_81 = arith.index_cast %get3A_80 : i32 to index
    %get3A_82 = arith.constant 48 : index
    %get3A_83 = tpu.vector_load %arg10[%get3A_81, %get3A_82] {strides = array<i32>} : memref<8x64xf32, #tpu.memory_space<vmem>>, vector<16xf32>,
    %get3A_84 = arith.constant 5 : i32
    %get3A_85 = arith.index_cast %get3A_84 : i32 to index
    %get3A_86 = arith.constant 0 : index
    %get3A_87 = tpu.vector_load %arg10[%get3A_85, %get3A_86] {strides = array<i32>} : memref<8x64xf32, #tpu.memory_space<vmem>>, vector<16xf32>,
    %get3A_88 = arith.constant 5 : i32
    %get3A_89 = arith.index_cast %get3A_88 : i32 to index
    %get3A_90 = arith.constant 16 : index
    %get3A_91 = tpu.vector_load %arg10[%get3A_89, %get3A_90] {strides = array<i32>} : memref<8x64xf32, #tpu.memory_space<vmem>>, vector<16xf32>,
    %get3A_92 = arith.constant 5 : i32
    %get3A_93 = arith.index_cast %get3A_92 : i32 to index
    %get3A_94 = arith.constant 32 : index
    %get3A_95 = tpu.vector_load %arg10[%get3A_93, %get3A_94] {strides = array<i32>} : memref<8x64xf32, #tpu.memory_space<vmem>>, vector<16xf32>,
    %get3A_96 = arith.constant 5 : i32
    %get3A_97 = arith.index_cast %get3A_96 : i32 to index
    %get3A_98 = arith.constant 48 : index
    %get3A_99 = tpu.vector_load %arg10[%get3A_97, %get3A_98] {strides = array<i32>} : memref<8x64xf32, #tpu.memory_space<vmem>>, vector<16xf32>,
    %get3A_100 = arith.constant 6 : i32
    %get3A_101 = arith.index_cast %get3A_100 : i32 to index
    %get3A_102 = arith.constant 0 : index
    %get3A_103 = tpu.vector_load %arg10[%get3A_101, %get3A_102] {strides = array<i32>} : memref<8x64xf32, #tpu.memory_space<vmem>>, vector<16xf32>,
    %get3A_104 = arith.constant 6 : i32
    %get3A_105 = arith.index_cast %get3A_104 : i32 to index
    %get3A_106 = arith.constant 16 : index
    %get3A_107 = tpu.vector_load %arg10[%get3A_105, %get3A_106] {strides = array<i32>} : memref<8x64xf32, #tpu.memory_space<vmem>>, vector<16xf32>,
    %get3A_108 = arith.constant 6 : i32
    %get3A_109 = arith.index_cast %get3A_108 : i32 to index
    %get3A_110 = arith.constant 32 : index
    %get3A_111 = tpu.vector_load %arg10[%get3A_109, %get3A_110] {strides = array<i32>} : memref<8x64xf32, #tpu.memory_space<vmem>>, vector<16xf32>,
    %get3A_112 = arith.constant 6 : i32
    %get3A_113 = arith.index_cast %get3A_112 : i32 to index
    %get3A_114 = arith.constant 48 : index
    %get3A_115 = tpu.vector_load %arg10[%get3A_113, %get3A_114] {strides = array<i32>} : memref<8x64xf32, #tpu.memory_space<vmem>>, vector<16xf32>,
    %get3A_116 = arith.constant 7 : i32
    %get3A_117 = arith.index_cast %get3A_116 : i32 to index
    %get3A_118 = arith.constant 0 : index
    %get3A_119 = tpu.vector_load %arg10[%get3A_117, %get3A_118] {strides = array<i32>} : memref<8x64xf32, #tpu.memory_space<vmem>>, vector<16xf32>,
    %get3A_120 = arith.constant 7 : i32
    %get3A_121 = arith.index_cast %get3A_120 : i32 to index
    %get3A_122 = arith.constant 16 : index
    %get3A_123 = tpu.vector_load %arg10[%get3A_121, %get3A_122] {strides = array<i32>} : memref<8x64xf32, #tpu.memory_space<vmem>>, vector<16xf32>,
    %get3A_124 = arith.constant 7 : i32
    %get3A_125 = arith.index_cast %get3A_124 : i32 to index
    %get3A_126 = arith.constant 32 : index
    %get3A_127 = tpu.vector_load %arg10[%get3A_125, %get3A_126] {strides = array<i32>} : memref<8x64xf32, #tpu.memory_space<vmem>>, vector<16xf32>,
    %get3A_128 = arith.constant 7 : i32
    %get3A_129 = arith.index_cast %get3A_128 : i32 to index
    %get3A_130 = arith.constant 48 : index
    %get3A_131 = tpu.vector_load %arg10[%get3A_129, %get3A_130] {strides = array<i32>} : memref<8x64xf32, #tpu.memory_space<vmem>>, vector<16xf32>,
    %broadcast_in_dim3A = arith.constant 0 : i32
    %broadcast_in_dim3A_132 = vector.broadcast %broadcast_in_dim3A : i32 to vector<16xi32>
    %broadcast_in_dim3A_133 = arith.constant 1 : i32
    %broadcast_in_dim3A_134 = vector.broadcast %broadcast_in_dim3A_133 : i32 to vector<16xi32>
    %broadcast_in_dim3A_135 = arith.constant 2 : i32
    %broadcast_in_dim3A_136 = vector.broadcast %broadcast_in_dim3A_135 : i32 to vector<16xi32>
    %broadcast_in_dim3A_137 = arith.constant 3 : i32
    %broadcast_in_dim3A_138 = vector.broadcast %broadcast_in_dim3A_137 : i32 to vector<16xi32>
    %broadcast_in_dim3A_139 = arith.constant 4 : i32
    %broadcast_in_dim3A_140 = vector.broadcast %broadcast_in_dim3A_139 : i32 to vector<16xi32>
    %broadcast_in_dim3A_141 = arith.constant 5 : i32
    %broadcast_in_dim3A_142 = vector.broadcast %broadcast_in_dim3A_141 : i32 to vector<16xi32>
    %broadcast_in_dim3A_143 = arith.constant 6 : i32
    %broadcast_in_dim3A_144 = vector.broadcast %broadcast_in_dim3A_143 : i32 to vector<16xi32>
    %broadcast_in_dim3A_145 = arith.constant 7 : i32
    %broadcast_in_dim3A_146 = vector.broadcast %broadcast_in_dim3A_145 : i32 to vector<16xi32>
    %dma_start3A = arith.constant 0 : i32
    %dma_start3A_147 = arith.constant 0 : i32
    %dma_start3A_148 = arith.constant 0 : i32
    %dma_start3A_149 = arith.constant 0 : i32
    %dma_start3A_150 = tpu.memref_slice %arg8[%dma_start3A_147, %dma_start3A_148, %dma_start3A_149] : memref<3x128x64xf32, #tpu.memory_space<vmem>> -> memref<1x128x64xf32, #tpu.memory_space<vmem>>
    %dma_start3A_151 = tpu.memref_squeeze %dma_start3A_150 : memref<1x128x64xf32, #tpu.memory_space<vmem>> -> memref<128x64xf32, #tpu.memory_space<vmem>>
    %dma_start3A_152 = arith.constant 0 : i32
    %dma_start3A_153 = tpu.memref_slice %arg7[%dma_start3A, %dma_start3A_152] : memref<80x128xi32, #tpu.memory_space<vmem>> -> memref<1x128xi32, #tpu.memory_space<vmem>>
    %dma_start3A_154 = tpu.memref_squeeze %dma_start3A_153 : memref<1x128xi32, #tpu.memory_space<vmem>> -> memref<128xi32, #tpu.memory_space<vmem>>
    %dma_start3A_155 = arith.constant 0 : i32
    %dma_start3A_156 = arith.constant 0 : i32
    %dma_start3A_157 = tpu.memref_slice %arg3[%dma_start3A_155, %dma_start3A_156] : memref<1000000x64xf32, #tpu.memory_space<hbm>> -> memref<1000000x64xf32, #tpu.memory_space<hbm>>
    tpu.enqueue_indirect_dma source(%dma_start3A_157 : memref<1000000x64xf32, #tpu.memory_space<hbm>>) target(%dma_start3A_151 : memref<128x64xf32, #tpu.memory_space<vmem>>) offsets(%dma_start3A_154 : memref<128xi32, #tpu.memory_space<vmem>>) semaphore(%arg11 : memref<!tpu.dma_semaphore, #tpu.memory_space<semaphore_mem>>)
    %dma_start3A_158 = arith.constant 0 : i32
    %dma_start3A_159 = arith.constant 0 : i32
    %dma_start3A_160 = arith.constant 0 : i32
    %dma_start3A_161 = tpu.memref_slice %arg9[%dma_start3A_159, %dma_start3A_160] : memref<384x8xf32, #tpu.memory_space<vmem>> -> memref<128x8xf32, #tpu.memory_space<vmem>>
    %dma_start3A_162 = arith.constant 0 : i32
    %dma_start3A_163 = tpu.memref_slice %arg7[%dma_start3A_158, %dma_start3A_162] : memref<80x128xi32, #tpu.memory_space<vmem>> -> memref<1x128xi32, #tpu.memory_space<vmem>>
    %dma_start3A_164 = tpu.memref_squeeze %dma_start3A_163 : memref<1x128xi32, #tpu.memory_space<vmem>> -> memref<128xi32, #tpu.memory_space<vmem>>
    %dma_start3A_165 = arith.constant 0 : i32
    %dma_start3A_166 = arith.constant 0 : i32
    %dma_start3A_167 = tpu.memref_slice %arg4[%dma_start3A_165, %dma_start3A_166] : memref<1000000x8xf32, #tpu.memory_space<hbm>> -> memref<1000000x8xf32, #tpu.memory_space<hbm>>
    tpu.enqueue_indirect_dma source(%dma_start3A_167 : memref<1000000x8xf32, #tpu.memory_space<hbm>>) target(%dma_start3A_161 : memref<128x8xf32, #tpu.memory_space<vmem>>) offsets(%dma_start3A_164 : memref<128xi32, #tpu.memory_space<vmem>>) semaphore(%arg12 : memref<!tpu.dma_semaphore, #tpu.memory_space<semaphore_mem>>)
    %dma_start3A_168 = arith.constant 1 : i32
    %dma_start3A_169 = arith.constant 1 : i32
    %dma_start3A_170 = arith.constant 0 : i32
    %dma_start3A_171 = arith.constant 0 : i32
    %dma_start3A_172 = tpu.memref_slice %arg8[%dma_start3A_169, %dma_start3A_170, %dma_start3A_171] : memref<3x128x64xf32, #tpu.memory_space<vmem>> -> memref<1x128x64xf32, #tpu.memory_space<vmem>>
    %dma_start3A_173 = tpu.memref_squeeze %dma_start3A_172 : memref<1x128x64xf32, #tpu.memory_space<vmem>> -> memref<128x64xf32, #tpu.memory_space<vmem>>
    %dma_start3A_174 = arith.constant 0 : i32
    %dma_start3A_175 = tpu.memref_slice %arg7[%dma_start3A_168, %dma_start3A_174] : memref<80x128xi32, #tpu.memory_space<vmem>> -> memref<1x128xi32, #tpu.memory_space<vmem>>
    %dma_start3A_176 = tpu.memref_squeeze %dma_start3A_175 : memref<1x128xi32, #tpu.memory_space<vmem>> -> memref<128xi32, #tpu.memory_space<vmem>>
    %dma_start3A_177 = arith.constant 0 : i32
    %dma_start3A_178 = arith.constant 0 : i32
    %dma_start3A_179 = tpu.memref_slice %arg3[%dma_start3A_177, %dma_start3A_178] : memref<1000000x64xf32, #tpu.memory_space<hbm>> -> memref<1000000x64xf32, #tpu.memory_space<hbm>>
    tpu.enqueue_indirect_dma source(%dma_start3A_179 : memref<1000000x64xf32, #tpu.memory_space<hbm>>) target(%dma_start3A_173 : memref<128x64xf32, #tpu.memory_space<vmem>>) offsets(%dma_start3A_176 : memref<128xi32, #tpu.memory_space<vmem>>) semaphore(%arg11 : memref<!tpu.dma_semaphore, #tpu.memory_space<semaphore_mem>>)
    %dma_start3A_180 = arith.constant 1 : i32
    %dma_start3A_181 = arith.constant 128 : i32
    %dma_start3A_182 = arith.constant 0 : i32
    %dma_start3A_183 = tpu.memref_slice %arg9[%dma_start3A_181, %dma_start3A_182] : memref<384x8xf32, #tpu.memory_space<vmem>> -> memref<128x8xf32, #tpu.memory_space<vmem>>
    %dma_start3A_184 = arith.constant 0 : i32
    %dma_start3A_185 = tpu.memref_slice %arg7[%dma_start3A_180, %dma_start3A_184] : memref<80x128xi32, #tpu.memory_space<vmem>> -> memref<1x128xi32, #tpu.memory_space<vmem>>
    %dma_start3A_186 = tpu.memref_squeeze %dma_start3A_185 : memref<1x128xi32, #tpu.memory_space<vmem>> -> memref<128xi32, #tpu.memory_space<vmem>>
    %dma_start3A_187 = arith.constant 0 : i32
    %dma_start3A_188 = arith.constant 0 : i32
    %dma_start3A_189 = tpu.memref_slice %arg4[%dma_start3A_187, %dma_start3A_188] : memref<1000000x8xf32, #tpu.memory_space<hbm>> -> memref<1000000x8xf32, #tpu.memory_space<hbm>>
    tpu.enqueue_indirect_dma source(%dma_start3A_189 : memref<1000000x8xf32, #tpu.memory_space<hbm>>) target(%dma_start3A_183 : memref<128x8xf32, #tpu.memory_space<vmem>>) offsets(%dma_start3A_186 : memref<128xi32, #tpu.memory_space<vmem>>) semaphore(%arg12 : memref<!tpu.dma_semaphore, #tpu.memory_space<semaphore_mem>>)
    %scan3A = arith.constant 0 : i32
    %scan3A_190 = arith.constant 0 : i32
    %scan3A_191 = arith.constant 26 : i32
    %scan3A_192 = arith.addi %scan3A_190, %scan3A_191 : i32
    %scan3A_193 = arith.constant 1 : i32
    scf.for %scan3A_344 = %scan3A_190 to %scan3A_192 step %scan3A_193  : i32 {
      %mul3A_345 = arith.constant 3 : i32
      %mul3A_346 = arith.muli %scan3A_344, %mul3A_345 : i32
      %add3A_347 = arith.constant 0 : i32
      %add3A_348 = arith.addi %mul3A_346, %add3A_347 : i32
      %dma_wait3A_349 = arith.constant 0 : i32
      %dma_wait3A_350 = arith.constant 0 : i32
      %dma_wait3A_351 = arith.constant 0 : i32
      %dma_wait3A_352 = tpu.memref_slice %arg8[%dma_wait3A_349, %dma_wait3A_350, %dma_wait3A_351] : memref<3x128x64xf32, #tpu.memory_space<vmem>> -> memref<1x128x64xf32, #tpu.memory_space<vmem>>
      %dma_wait3A_353 = tpu.memref_squeeze %dma_wait3A_352 : memref<1x128x64xf32, #tpu.memory_space<vmem>> -> memref<128x64xf32, #tpu.memory_space<vmem>>
      %dma_wait3A_354 = arith.constant 0 : i32
      %dma_wait3A_355 = tpu.memref_slice %arg7[%add3A_348, %dma_wait3A_354] : memref<80x128xi32, #tpu.memory_space<vmem>> -> memref<1x128xi32, #tpu.memory_space<vmem>>
      %dma_wait3A_356 = tpu.memref_squeeze %dma_wait3A_355 : memref<1x128xi32, #tpu.memory_space<vmem>> -> memref<128xi32, #tpu.memory_space<vmem>>
      %dma_wait3A_357 = arith.constant 0 : i32
      %dma_wait3A_358 = arith.constant 0 : i32
      %dma_wait3A_359 = tpu.memref_slice %arg3[%dma_wait3A_357, %dma_wait3A_358] : memref<1000000x64xf32, #tpu.memory_space<hbm>> -> memref<1000000x64xf32, #tpu.memory_space<hbm>>
      tpu.wait_indirect_dma semaphore(%arg11 : memref<!tpu.dma_semaphore, #tpu.memory_space<semaphore_mem>>) src(%dma_wait3A_359 : memref<1000000x64xf32, #tpu.memory_space<hbm>>) dst(%dma_wait3A_353 : memref<128x64xf32, #tpu.memory_space<vmem>>)
      %dma_wait3A_360 = arith.constant 0 : i32
      %dma_wait3A_361 = arith.constant 0 : i32
      %dma_wait3A_362 = tpu.memref_slice %arg9[%dma_wait3A_360, %dma_wait3A_361] : memref<384x8xf32, #tpu.memory_space<vmem>> -> memref<128x8xf32, #tpu.memory_space<vmem>>
      %dma_wait3A_363 = arith.constant 0 : i32
      %dma_wait3A_364 = tpu.memref_slice %arg7[%add3A_348, %dma_wait3A_363] : memref<80x128xi32, #tpu.memory_space<vmem>> -> memref<1x128xi32, #tpu.memory_space<vmem>>
      %dma_wait3A_365 = tpu.memref_squeeze %dma_wait3A_364 : memref<1x128xi32, #tpu.memory_space<vmem>> -> memref<128xi32, #tpu.memory_space<vmem>>
      %dma_wait3A_366 = arith.constant 0 : i32
      %dma_wait3A_367 = arith.constant 0 : i32
      %dma_wait3A_368 = tpu.memref_slice %arg4[%dma_wait3A_366, %dma_wait3A_367] : memref<1000000x8xf32, #tpu.memory_space<hbm>> -> memref<1000000x8xf32, #tpu.memory_space<hbm>>
      tpu.wait_indirect_dma semaphore(%arg12 : memref<!tpu.dma_semaphore, #tpu.memory_space<semaphore_mem>>) src(%dma_wait3A_368 : memref<1000000x8xf32, #tpu.memory_space<hbm>>) dst(%dma_wait3A_362 : memref<128x8xf32, #tpu.memory_space<vmem>>)
      %scan3A_369 = arith.constant 0 : i32
      %scan3A_370 = arith.constant 0 : i32
      %scan3A_371 = arith.constant 32 : i32
      %scan3A_372 = arith.addi %scan3A_370, %scan3A_371 : i32
      %scan3A_373 = arith.constant 1 : i32
      scf.for %scan3A_504 = %scan3A_370 to %scan3A_372 step %scan3A_373  : i32 {
        %mul3A_505 = arith.constant 4 : i32
        %mul3A_506 = arith.muli %scan3A_504, %mul3A_505 : i32
        %add3A_507 = arith.constant 0 : i32
        %add3A_508 = arith.addi %mul3A_506, %add3A_507 : i32
        %broadcast_in_dim3A_509 = arith.constant 0 : i32
        %broadcast_in_dim3A_510 = vector.broadcast %broadcast_in_dim3A_509 : i32 to vector<16xi32>
        %add3A_511 = vector.broadcast %add3A_508 : i32 to vector<16xi32>
        %add3A_512 = arith.addi %broadcast_in_dim3A_510, %add3A_511 : vector<16xi32>
        %get3A_513 = arith.constant 0 : i32
        %get3A_514 = arith.index_cast %get3A_513 : i32 to index
        %get3A_515 = arith.index_cast %add3A_508 : i32 to index
        %get3A_516 = arith.constant 0 : index
        %get3A_517 = tpu.vector_load %arg8[%get3A_514, %get3A_515, %get3A_516] {strides = array<i32>} : memref<3x128x64xf32, #tpu.memory_space<vmem>>, vector<16xf32>,
        %get3A_518 = arith.constant 0 : i32
        %get3A_519 = arith.index_cast %get3A_518 : i32 to index
        %get3A_520 = arith.index_cast %add3A_508 : i32 to index
        %get3A_521 = arith.constant 16 : index
        %get3A_522 = tpu.vector_load %arg8[%get3A_519, %get3A_520, %get3A_521] {strides = array<i32>} : memref<3x128x64xf32, #tpu.memory_space<vmem>>, vector<16xf32>,
        %get3A_523 = arith.constant 0 : i32
        %get3A_524 = arith.index_cast %get3A_523 : i32 to index
        %get3A_525 = arith.index_cast %add3A_508 : i32 to index
        %get3A_526 = arith.constant 32 : index
        %get3A_527 = tpu.vector_load %arg8[%get3A_524, %get3A_525, %get3A_526] {strides = array<i32>} : memref<3x128x64xf32, #tpu.memory_space<vmem>>, vector<16xf32>,
        %get3A_528 = arith.constant 0 : i32
        %get3A_529 = arith.index_cast %get3A_528 : i32 to index
        %get3A_530 = arith.index_cast %add3A_508 : i32 to index
        %get3A_531 = arith.constant 48 : index
        %get3A_532 = tpu.vector_load %arg8[%get3A_529, %get3A_530, %get3A_531] {strides = array<i32>} : memref<3x128x64xf32, #tpu.memory_space<vmem>>, vector<16xf32>,
        %gather3A = tpu.vector_load_idx %arg9[%add3A_512, %broadcast_in_dim3A_132] : memref<384x8xf32, #tpu.memory_space<vmem>>[vector<16xi32>, vector<16xi32>], vector<16xf32>,
        %mul3A_533 = arith.mulf %gather3A, %get3A_7 : vector<16xf32>
        %add3A_534 = arith.addf %get3A_517, %mul3A_533 : vector<16xf32>
        %mul3A_535 = arith.mulf %gather3A, %get3A_11 : vector<16xf32>
        %add3A_536 = arith.addf %get3A_522, %mul3A_535 : vector<16xf32>
        %mul3A_537 = arith.mulf %gather3A, %get3A_15 : vector<16xf32>
        %add3A_538 = arith.addf %get3A_527, %mul3A_537 : vector<16xf32>
        %mul3A_539 = arith.mulf %gather3A, %get3A_19 : vector<16xf32>
        %add3A_540 = arith.addf %get3A_532, %mul3A_539 : vector<16xf32>
        %gather3A_541 = tpu.vector_load_idx %arg9[%add3A_512, %broadcast_in_dim3A_134] : memref<384x8xf32, #tpu.memory_space<vmem>>[vector<16xi32>, vector<16xi32>], vector<16xf32>,
        %mul3A_542 = arith.mulf %gather3A_541, %get3A_23 : vector<16xf32>
        %add3A_543 = arith.addf %add3A_534, %mul3A_542 : vector<16xf32>
        %mul3A_544 = arith.mulf %gather3A_541, %get3A_27 : vector<16xf32>
        %add3A_545 = arith.addf %add3A_536, %mul3A_544 : vector<16xf32>
        %mul3A_546 = arith.mulf %gather3A_541, %get3A_31 : vector<16xf32>
        %add3A_547 = arith.addf %add3A_538, %mul3A_546 : vector<16xf32>
        %mul3A_548 = arith.mulf %gather3A_541, %get3A_35 : vector<16xf32>
        %add3A_549 = arith.addf %add3A_540, %mul3A_548 : vector<16xf32>
        %gather3A_550 = tpu.vector_load_idx %arg9[%add3A_512, %broadcast_in_dim3A_136] : memref<384x8xf32, #tpu.memory_space<vmem>>[vector<16xi32>, vector<16xi32>], vector<16xf32>,
        %mul3A_551 = arith.mulf %gather3A_550, %get3A_39 : vector<16xf32>
        %add3A_552 = arith.addf %add3A_543, %mul3A_551 : vector<16xf32>
        %mul3A_553 = arith.mulf %gather3A_550, %get3A_43 : vector<16xf32>
        %add3A_554 = arith.addf %add3A_545, %mul3A_553 : vector<16xf32>
        %mul3A_555 = arith.mulf %gather3A_550, %get3A_47 : vector<16xf32>
        %add3A_556 = arith.addf %add3A_547, %mul3A_555 : vector<16xf32>
        %mul3A_557 = arith.mulf %gather3A_550, %get3A_51 : vector<16xf32>
        %add3A_558 = arith.addf %add3A_549, %mul3A_557 : vector<16xf32>
        %gather3A_559 = tpu.vector_load_idx %arg9[%add3A_512, %broadcast_in_dim3A_138] : memref<384x8xf32, #tpu.memory_space<vmem>>[vector<16xi32>, vector<16xi32>], vector<16xf32>,
        %mul3A_560 = arith.mulf %gather3A_559, %get3A_55 : vector<16xf32>
        %add3A_561 = arith.addf %add3A_552, %mul3A_560 : vector<16xf32>
        %mul3A_562 = arith.mulf %gather3A_559, %get3A_59 : vector<16xf32>
        %add3A_563 = arith.addf %add3A_554, %mul3A_562 : vector<16xf32>
        %mul3A_564 = arith.mulf %gather3A_559, %get3A_63 : vector<16xf32>
        %add3A_565 = arith.addf %add3A_556, %mul3A_564 : vector<16xf32>
        %mul3A_566 = arith.mulf %gather3A_559, %get3A_67 : vector<16xf32>
        %add3A_567 = arith.addf %add3A_558, %mul3A_566 : vector<16xf32>
        %gather3A_568 = tpu.vector_load_idx %arg9[%add3A_512, %broadcast_in_dim3A_140] : memref<384x8xf32, #tpu.memory_space<vmem>>[vector<16xi32>, vector<16xi32>], vector<16xf32>,
        %mul3A_569 = arith.mulf %gather3A_568, %get3A_71 : vector<16xf32>
        %add3A_570 = arith.addf %add3A_561, %mul3A_569 : vector<16xf32>
        %mul3A_571 = arith.mulf %gather3A_568, %get3A_75 : vector<16xf32>
        %add3A_572 = arith.addf %add3A_563, %mul3A_571 : vector<16xf32>
        %mul3A_573 = arith.mulf %gather3A_568, %get3A_79 : vector<16xf32>
        %add3A_574 = arith.addf %add3A_565, %mul3A_573 : vector<16xf32>
        %mul3A_575 = arith.mulf %gather3A_568, %get3A_83 : vector<16xf32>
        %add3A_576 = arith.addf %add3A_567, %mul3A_575 : vector<16xf32>
        %gather3A_577 = tpu.vector_load_idx %arg9[%add3A_512, %broadcast_in_dim3A_142] : memref<384x8xf32, #tpu.memory_space<vmem>>[vector<16xi32>, vector<16xi32>], vector<16xf32>,
        %mul3A_578 = arith.mulf %gather3A_577, %get3A_87 : vector<16xf32>
        %add3A_579 = arith.addf %add3A_570, %mul3A_578 : vector<16xf32>
        %mul3A_580 = arith.mulf %gather3A_577, %get3A_91 : vector<16xf32>
        %add3A_581 = arith.addf %add3A_572, %mul3A_580 : vector<16xf32>
        %mul3A_582 = arith.mulf %gather3A_577, %get3A_95 : vector<16xf32>
        %add3A_583 = arith.addf %add3A_574, %mul3A_582 : vector<16xf32>
        %mul3A_584 = arith.mulf %gather3A_577, %get3A_99 : vector<16xf32>
        %add3A_585 = arith.addf %add3A_576, %mul3A_584 : vector<16xf32>
        %gather3A_586 = tpu.vector_load_idx %arg9[%add3A_512, %broadcast_in_dim3A_144] : memref<384x8xf32, #tpu.memory_space<vmem>>[vector<16xi32>, vector<16xi32>], vector<16xf32>,
        %mul3A_587 = arith.mulf %gather3A_586, %get3A_103 : vector<16xf32>
        %add3A_588 = arith.addf %add3A_579, %mul3A_587 : vector<16xf32>
        %mul3A_589 = arith.mulf %gather3A_586, %get3A_107 : vector<16xf32>
        %add3A_590 = arith.addf %add3A_581, %mul3A_589 : vector<16xf32>
        %mul3A_591 = arith.mulf %gather3A_586, %get3A_111 : vector<16xf32>
        %add3A_592 = arith.addf %add3A_583, %mul3A_591 : vector<16xf32>
        %mul3A_593 = arith.mulf %gather3A_586, %get3A_115 : vector<16xf32>
        %add3A_594 = arith.addf %add3A_585, %mul3A_593 : vector<16xf32>
        %gather3A_595 = tpu.vector_load_idx %arg9[%add3A_512, %broadcast_in_dim3A_146] : memref<384x8xf32, #tpu.memory_space<vmem>>[vector<16xi32>, vector<16xi32>], vector<16xf32>,
        %mul3A_596 = arith.mulf %gather3A_595, %get3A_119 : vector<16xf32>
        %add3A_597 = arith.addf %add3A_588, %mul3A_596 : vector<16xf32>
        %mul3A_598 = arith.mulf %gather3A_595, %get3A_123 : vector<16xf32>
        %add3A_599 = arith.addf %add3A_590, %mul3A_598 : vector<16xf32>
        %mul3A_600 = arith.mulf %gather3A_595, %get3A_127 : vector<16xf32>
        %add3A_601 = arith.addf %add3A_592, %mul3A_600 : vector<16xf32>
        %mul3A_602 = arith.mulf %gather3A_595, %get3A_131 : vector<16xf32>
        %add3A_603 = arith.addf %add3A_594, %mul3A_602 : vector<16xf32>
        %swap3A = arith.constant 0 : i32
        %swap3A_604 = arith.index_cast %swap3A : i32 to index
        %swap3A_605 = arith.index_cast %add3A_508 : i32 to index
        %swap3A_606 = arith.constant 0 : index
        %swap3A_607 = tpu.vector_load %arg8[%swap3A_604, %swap3A_605, %swap3A_606] {strides = array<i32>} : memref<3x128x64xf32, #tpu.memory_space<vmem>>, vector<16xf32>,
        tpu.vector_store %arg8[%swap3A_604, %swap3A_605, %swap3A_606], %add3A_597 {strides = array<i32>} : memref<3x128x64xf32, #tpu.memory_space<vmem>>, vector<16xf32>,
        %swap3A_608 = arith.constant 0 : i32
        %swap3A_609 = arith.index_cast %swap3A_608 : i32 to index
        %swap3A_610 = arith.index_cast %add3A_508 : i32 to index
        %swap3A_611 = arith.constant 16 : index
        %swap3A_612 = tpu.vector_load %arg8[%swap3A_609, %swap3A_610, %swap3A_611] {strides = array<i32>} : memref<3x128x64xf32, #tpu.memory_space<vmem>>, vector<16xf32>,
        tpu.vector_store %arg8[%swap3A_609, %swap3A_610, %swap3A_611], %add3A_599 {strides = array<i32>} : memref<3x128x64xf32, #tpu.memory_space<vmem>>, vector<16xf32>,
        %swap3A_613 = arith.constant 0 : i32
        %swap3A_614 = arith.index_cast %swap3A_613 : i32 to index
        %swap3A_615 = arith.index_cast %add3A_508 : i32 to index
        %swap3A_616 = arith.constant 32 : index
        %swap3A_617 = tpu.vector_load %arg8[%swap3A_614, %swap3A_615, %swap3A_616] {strides = array<i32>} : memref<3x128x64xf32, #tpu.memory_space<vmem>>, vector<16xf32>,
        tpu.vector_store %arg8[%swap3A_614, %swap3A_615, %swap3A_616], %add3A_601 {strides = array<i32>} : memref<3x128x64xf32, #tpu.memory_space<vmem>>, vector<16xf32>,
        %swap3A_618 = arith.constant 0 : i32
        %swap3A_619 = arith.index_cast %swap3A_618 : i32 to index
        %swap3A_620 = arith.index_cast %add3A_508 : i32 to index
        %swap3A_621 = arith.constant 48 : index
        %swap3A_622 = tpu.vector_load %arg8[%swap3A_619, %swap3A_620, %swap3A_621] {strides = array<i32>} : memref<3x128x64xf32, #tpu.memory_space<vmem>>, vector<16xf32>,
        tpu.vector_store %arg8[%swap3A_619, %swap3A_620, %swap3A_621], %add3A_603 {strides = array<i32>} : memref<3x128x64xf32, #tpu.memory_space<vmem>>, vector<16xf32>,
        %mul3A_623 = arith.constant 4 : i32
        %mul3A_624 = arith.muli %scan3A_504, %mul3A_623 : i32
        %add3A_625 = arith.constant 1 : i32
        %add3A_626 = arith.addi %mul3A_624, %add3A_625 : i32
        %broadcast_in_dim3A_627 = arith.constant 0 : i32
        %broadcast_in_dim3A_628 = vector.broadcast %broadcast_in_dim3A_627 : i32 to vector<16xi32>
        %add3A_629 = vector.broadcast %add3A_626 : i32 to vector<16xi32>
        %add3A_630 = arith.addi %broadcast_in_dim3A_628, %add3A_629 : vector<16xi32>
        %get3A_631 = arith.constant 0 : i32
        %get3A_632 = arith.index_cast %get3A_631 : i32 to index
        %get3A_633 = arith.index_cast %add3A_626 : i32 to index
        %get3A_634 = arith.constant 0 : index
        %get3A_635 = tpu.vector_load %arg8[%get3A_632, %get3A_633, %get3A_634] {strides = array<i32>} : memref<3x128x64xf32, #tpu.memory_space<vmem>>, vector<16xf32>,
        %get3A_636 = arith.constant 0 : i32
        %get3A_637 = arith.index_cast %get3A_636 : i32 to index
        %get3A_638 = arith.index_cast %add3A_626 : i32 to index
        %get3A_639 = arith.constant 16 : index
        %get3A_640 = tpu.vector_load %arg8[%get3A_637, %get3A_638, %get3A_639] {strides = array<i32>} : memref<3x128x64xf32, #tpu.memory_space<vmem>>, vector<16xf32>,
        %get3A_641 = arith.constant 0 : i32
        %get3A_642 = arith.index_cast %get3A_641 : i32 to index
        %get3A_643 = arith.index_cast %add3A_626 : i32 to index
        %get3A_644 = arith.constant 32 : index
        %get3A_645 = tpu.vector_load %arg8[%get3A_642, %get3A_643, %get3A_644] {strides = array<i32>} : memref<3x128x64xf32, #tpu.memory_space<vmem>>, vector<16xf32>,
        %get3A_646 = arith.constant 0 : i32
        %get3A_647 = arith.index_cast %get3A_646 : i32 to index
        %get3A_648 = arith.index_cast %add3A_626 : i32 to index
        %get3A_649 = arith.constant 48 : index
        %get3A_650 = tpu.vector_load %arg8[%get3A_647, %get3A_648, %get3A_649] {strides = array<i32>} : memref<3x128x64xf32, #tpu.memory_space<vmem>>, vector<16xf32>,
        %gather3A_651 = tpu.vector_load_idx %arg9[%add3A_630, %broadcast_in_dim3A_132] : memref<384x8xf32, #tpu.memory_space<vmem>>[vector<16xi32>, vector<16xi32>], vector<16xf32>,
        %mul3A_652 = arith.mulf %gather3A_651, %get3A_7 : vector<16xf32>
        %add3A_653 = arith.addf %get3A_635, %mul3A_652 : vector<16xf32>
        %mul3A_654 = arith.mulf %gather3A_651, %get3A_11 : vector<16xf32>
        %add3A_655 = arith.addf %get3A_640, %mul3A_654 : vector<16xf32>
        %mul3A_656 = arith.mulf %gather3A_651, %get3A_15 : vector<16xf32>
        %add3A_657 = arith.addf %get3A_645, %mul3A_656 : vector<16xf32>
        %mul3A_658 = arith.mulf %gather3A_651, %get3A_19 : vector<16xf32>
        %add3A_659 = arith.addf %get3A_650, %mul3A_658 : vector<16xf32>
        %gather3A_660 = tpu.vector_load_idx %arg9[%add3A_630, %broadcast_in_dim3A_134] : memref<384x8xf32, #tpu.memory_space<vmem>>[vector<16xi32>, vector<16xi32>], vector<16xf32>,
        %mul3A_661 = arith.mulf %gather3A_660, %get3A_23 : vector<16xf32>
        %add3A_662 = arith.addf %add3A_653, %mul3A_661 : vector<16xf32>
        %mul3A_663 = arith.mulf %gather3A_660, %get3A_27 : vector<16xf32>
        %add3A_664 = arith.addf %add3A_655, %mul3A_663 : vector<16xf32>
        %mul3A_665 = arith.mulf %gather3A_660, %get3A_31 : vector<16xf32>
        %add3A_666 = arith.addf %add3A_657, %mul3A_665 : vector<16xf32>
        %mul3A_667 = arith.mulf %gather3A_660, %get3A_35 : vector<16xf32>
        %add3A_668 = arith.addf %add3A_659, %mul3A_667 : vector<16xf32>
        %gather3A_669 = tpu.vector_load_idx %arg9[%add3A_630, %broadcast_in_dim3A_136] : memref<384x8xf32, #tpu.memory_space<vmem>>[vector<16xi32>, vector<16xi32>], vector<16xf32>,
        %mul3A_670 = arith.mulf %gather3A_669, %get3A_39 : vector<16xf32>
        %add3A_671 = arith.addf %add3A_662, %mul3A_670 : vector<16xf32>
        %mul3A_672 = arith.mulf %gather3A_669, %get3A_43 : vector<16xf32>
        %add3A_673 = arith.addf %add3A_664, %mul3A_672 : vector<16xf32>
        %mul3A_674 = arith.mulf %gather3A_669, %get3A_47 : vector<16xf32>
        %add3A_675 = arith.addf %add3A_666, %mul3A_674 : vector<16xf32>
        %mul3A_676 = arith.mulf %gather3A_669, %get3A_51 : vector<16xf32>
        %add3A_677 = arith.addf %add3A_668, %mul3A_676 : vector<16xf32>
        %gather3A_678 = tpu.vector_load_idx %arg9[%add3A_630, %broadcast_in_dim3A_138] : memref<384x8xf32, #tpu.memory_space<vmem>>[vector<16xi32>, vector<16xi32>], vector<16xf32>,
        %mul3A_679 = arith.mulf %gather3A_678, %get3A_55 : vector<16xf32>
        %add3A_680 = arith.addf %add3A_671, %mul3A_679 : vector<16xf32>
        %mul3A_681 = arith.mulf %gather3A_678, %get3A_59 : vector<16xf32>
        %add3A_682 = arith.addf %add3A_673, %mul3A_681 : vector<16xf32>
        %mul3A_683 = arith.mulf %gather3A_678, %get3A_63 : vector<16xf32>
        %add3A_684 = arith.addf %add3A_675, %mul3A_683 : vector<16xf32>
        %mul3A_685 = arith.mulf %gather3A_678, %get3A_67 : vector<16xf32>
        %add3A_686 = arith.addf %add3A_677, %mul3A_685 : vector<16xf32>
        %gather3A_687 = tpu.vector_load_idx %arg9[%add3A_630, %broadcast_in_dim3A_140] : memref<384x8xf32, #tpu.memory_space<vmem>>[vector<16xi32>, vector<16xi32>], vector<16xf32>,
        %mul3A_688 = arith.mulf %gather3A_687, %get3A_71 : vector<16xf32>
        %add3A_689 = arith.addf %add3A_680, %mul3A_688 : vector<16xf32>
        %mul3A_690 = arith.mulf %gather3A_687, %get3A_75 : vector<16xf32>
        %add3A_691 = arith.addf %add3A_682, %mul3A_690 : vector<16xf32>
        %mul3A_692 = arith.mulf %gather3A_687, %get3A_79 : vector<16xf32>
        %add3A_693 = arith.addf %add3A_684, %mul3A_692 : vector<16xf32>
        %mul3A_694 = arith.mulf %gather3A_687, %get3A_83 : vector<16xf32>
        %add3A_695 = arith.addf %add3A_686, %mul3A_694 : vector<16xf32>
        %gather3A_696 = tpu.vector_load_idx %arg9[%add3A_630, %broadcast_in_dim3A_142] : memref<384x8xf32, #tpu.memory_space<vmem>>[vector<16xi32>, vector<16xi32>], vector<16xf32>,
        %mul3A_697 = arith.mulf %gather3A_696, %get3A_87 : vector<16xf32>
        %add3A_698 = arith.addf %add3A_689, %mul3A_697 : vector<16xf32>
        %mul3A_699 = arith.mulf %gather3A_696, %get3A_91 : vector<16xf32>
        %add3A_700 = arith.addf %add3A_691, %mul3A_699 : vector<16xf32>
        %mul3A_701 = arith.mulf %gather3A_696, %get3A_95 : vector<16xf32>
        %add3A_702 = arith.addf %add3A_693, %mul3A_701 : vector<16xf32>
        %mul3A_703 = arith.mulf %gather3A_696, %get3A_99 : vector<16xf32>
        %add3A_704 = arith.addf %add3A_695, %mul3A_703 : vector<16xf32>
        %gather3A_705 = tpu.vector_load_idx %arg9[%add3A_630, %broadcast_in_dim3A_144] : memref<384x8xf32, #tpu.memory_space<vmem>>[vector<16xi32>, vector<16xi32>], vector<16xf32>,
        %mul3A_706 = arith.mulf %gather3A_705, %get3A_103 : vector<16xf32>
        %add3A_707 = arith.addf %add3A_698, %mul3A_706 : vector<16xf32>
        %mul3A_708 = arith.mulf %gather3A_705, %get3A_107 : vector<16xf32>
        %add3A_709 = arith.addf %add3A_700, %mul3A_708 : vector<16xf32>
        %mul3A_710 = arith.mulf %gather3A_705, %get3A_111 : vector<16xf32>
        %add3A_711 = arith.addf %add3A_702, %mul3A_710 : vector<16xf32>
        %mul3A_712 = arith.mulf %gather3A_705, %get3A_115 : vector<16xf32>
        %add3A_713 = arith.addf %add3A_704, %mul3A_712 : vector<16xf32>
        %gather3A_714 = tpu.vector_load_idx %arg9[%add3A_630, %broadcast_in_dim3A_146] : memref<384x8xf32, #tpu.memory_space<vmem>>[vector<16xi32>, vector<16xi32>], vector<16xf32>,
        %mul3A_715 = arith.mulf %gather3A_714, %get3A_119 : vector<16xf32>
        %add3A_716 = arith.addf %add3A_707, %mul3A_715 : vector<16xf32>
        %mul3A_717 = arith.mulf %gather3A_714, %get3A_123 : vector<16xf32>
        %add3A_718 = arith.addf %add3A_709, %mul3A_717 : vector<16xf32>
        %mul3A_719 = arith.mulf %gather3A_714, %get3A_127 : vector<16xf32>
        %add3A_720 = arith.addf %add3A_711, %mul3A_719 : vector<16xf32>
        %mul3A_721 = arith.mulf %gather3A_714, %get3A_131 : vector<16xf32>
        %add3A_722 = arith.addf %add3A_713, %mul3A_721 : vector<16xf32>
        %swap3A_723 = arith.constant 0 : i32
        %swap3A_724 = arith.index_cast %swap3A_723 : i32 to index
        %swap3A_725 = arith.index_cast %add3A_626 : i32 to index
        %swap3A_726 = arith.constant 0 : index
        %swap3A_727 = tpu.vector_load %arg8[%swap3A_724, %swap3A_725, %swap3A_726] {strides = array<i32>} : memref<3x128x64xf32, #tpu.memory_space<vmem>>, vector<16xf32>,
        tpu.vector_store %arg8[%swap3A_724, %swap3A_725, %swap3A_726], %add3A_716 {strides = array<i32>} : memref<3x128x64xf32, #tpu.memory_space<vmem>>, vector<16xf32>,
        %swap3A_728 = arith.constant 0 : i32
        %swap3A_729 = arith.index_cast %swap3A_728 : i32 to index
        %swap3A_730 = arith.index_cast %add3A_626 : i32 to index
        %swap3A_731 = arith.constant 16 : index
        %swap3A_732 = tpu.vector_load %arg8[%swap3A_729, %swap3A_730, %swap3A_731] {strides = array<i32>} : memref<3x128x64xf32, #tpu.memory_space<vmem>>, vector<16xf32>,
        tpu.vector_store %arg8[%swap3A_729, %swap3A_730, %swap3A_731], %add3A_718 {strides = array<i32>} : memref<3x128x64xf32, #tpu.memory_space<vmem>>, vector<16xf32>,
        %swap3A_733 = arith.constant 0 : i32
        %swap3A_734 = arith.index_cast %swap3A_733 : i32 to index
        %swap3A_735 = arith.index_cast %add3A_626 : i32 to index
        %swap3A_736 = arith.constant 32 : index
        %swap3A_737 = tpu.vector_load %arg8[%swap3A_734, %swap3A_735, %swap3A_736] {strides = array<i32>} : memref<3x128x64xf32, #tpu.memory_space<vmem>>, vector<16xf32>,
        tpu.vector_store %arg8[%swap3A_734, %swap3A_735, %swap3A_736], %add3A_720 {strides = array<i32>} : memref<3x128x64xf32, #tpu.memory_space<vmem>>, vector<16xf32>,
        %swap3A_738 = arith.constant 0 : i32
        %swap3A_739 = arith.index_cast %swap3A_738 : i32 to index
        %swap3A_740 = arith.index_cast %add3A_626 : i32 to index
        %swap3A_741 = arith.constant 48 : index
        %swap3A_742 = tpu.vector_load %arg8[%swap3A_739, %swap3A_740, %swap3A_741] {strides = array<i32>} : memref<3x128x64xf32, #tpu.memory_space<vmem>>, vector<16xf32>,
        tpu.vector_store %arg8[%swap3A_739, %swap3A_740, %swap3A_741], %add3A_722 {strides = array<i32>} : memref<3x128x64xf32, #tpu.memory_space<vmem>>, vector<16xf32>,
        %mul3A_743 = arith.constant 4 : i32
        %mul3A_744 = arith.muli %scan3A_504, %mul3A_743 : i32
        %add3A_745 = arith.constant 2 : i32
        %add3A_746 = arith.addi %mul3A_744, %add3A_745 : i32
        %broadcast_in_dim3A_747 = arith.constant 0 : i32
        %broadcast_in_dim3A_748 = vector.broadcast %broadcast_in_dim3A_747 : i32 to vector<16xi32>
        %add3A_749 = vector.broadcast %add3A_746 : i32 to vector<16xi32>
        %add3A_750 = arith.addi %broadcast_in_dim3A_748, %add3A_749 : vector<16xi32>
        %get3A_751 = arith.constant 0 : i32
        %get3A_752 = arith.index_cast %get3A_751 : i32 to index
        %get3A_753 = arith.index_cast %add3A_746 : i32 to index
        %get3A_754 = arith.constant 0 : index
        %get3A_755 = tpu.vector_load %arg8[%get3A_752, %get3A_753, %get3A_754] {strides = array<i32>} : memref<3x128x64xf32, #tpu.memory_space<vmem>>, vector<16xf32>,
        %get3A_756 = arith.constant 0 : i32
        %get3A_757 = arith.index_cast %get3A_756 : i32 to index
        %get3A_758 = arith.index_cast %add3A_746 : i32 to index
        %get3A_759 = arith.constant 16 : index
        %get3A_760 = tpu.vector_load %arg8[%get3A_757, %get3A_758, %get3A_759] {strides = array<i32>} : memref<3x128x64xf32, #tpu.memory_space<vmem>>, vector<16xf32>,
        %get3A_761 = arith.constant 0 : i32
        %get3A_762 = arith.index_cast %get3A_761 : i32 to index
        %get3A_763 = arith.index_cast %add3A_746 : i32 to index
        %get3A_764 = arith.constant 32 : index
        %get3A_765 = tpu.vector_load %arg8[%get3A_762, %get3A_763, %get3A_764] {strides = array<i32>} : memref<3x128x64xf32, #tpu.memory_space<vmem>>, vector<16xf32>,
        %get3A_766 = arith.constant 0 : i32
        %get3A_767 = arith.index_cast %get3A_766 : i32 to index
        %get3A_768 = arith.index_cast %add3A_746 : i32 to index
        %get3A_769 = arith.constant 48 : index
        %get3A_770 = tpu.vector_load %arg8[%get3A_767, %get3A_768, %get3A_769] {strides = array<i32>} : memref<3x128x64xf32, #tpu.memory_space<vmem>>, vector<16xf32>,
        %gather3A_771 = tpu.vector_load_idx %arg9[%add3A_750, %broadcast_in_dim3A_132] : memref<384x8xf32, #tpu.memory_space<vmem>>[vector<16xi32>, vector<16xi32>], vector<16xf32>,
        %mul3A_772 = arith.mulf %gather3A_771, %get3A_7 : vector<16xf32>
        %add3A_773 = arith.addf %get3A_755, %mul3A_772 : vector<16xf32>
        %mul3A_774 = arith.mulf %gather3A_771, %get3A_11 : vector<16xf32>
        %add3A_775 = arith.addf %get3A_760, %mul3A_774 : vector<16xf32>
        %mul3A_776 = arith.mulf %gather3A_771, %get3A_15 : vector<16xf32>
        %add3A_777 = arith.addf %get3A_765, %mul3A_776 : vector<16xf32>
        %mul3A_778 = arith.mulf %gather3A_771, %get3A_19 : vector<16xf32>
        %add3A_779 = arith.addf %get3A_770, %mul3A_778 : vector<16xf32>
        %gather3A_780 = tpu.vector_load_idx %arg9[%add3A_750, %broadcast_in_dim3A_134] : memref<384x8xf32, #tpu.memory_space<vmem>>[vector<16xi32>, vector<16xi32>], vector<16xf32>,
        %mul3A_781 = arith.mulf %gather3A_780, %get3A_23 : vector<16xf32>
        %add3A_782 = arith.addf %add3A_773, %mul3A_781 : vector<16xf32>
        %mul3A_783 = arith.mulf %gather3A_780, %get3A_27 : vector<16xf32>
        %add3A_784 = arith.addf %add3A_775, %mul3A_783 : vector<16xf32>
        %mul3A_785 = arith.mulf %gather3A_780, %get3A_31 : vector<16xf32>
        %add3A_786 = arith.addf %add3A_777, %mul3A_785 : vector<16xf32>
        %mul3A_787 = arith.mulf %gather3A_780, %get3A_35 : vector<16xf32>
        %add3A_788 = arith.addf %add3A_779, %mul3A_787 : vector<16xf32>
        %gather3A_789 = tpu.vector_load_idx %arg9[%add3A_750, %broadcast_in_dim3A_136] : memref<384x8xf32, #tpu.memory_space<vmem>>[vector<16xi32>, vector<16xi32>], vector<16xf32>,
        %mul3A_790 = arith.mulf %gather3A_789, %get3A_39 : vector<16xf32>
        %add3A_791 = arith.addf %add3A_782, %mul3A_790 : vector<16xf32>
        %mul3A_792 = arith.mulf %gather3A_789, %get3A_43 : vector<16xf32>
        %add3A_793 = arith.addf %add3A_784, %mul3A_792 : vector<16xf32>
        %mul3A_794 = arith.mulf %gather3A_789, %get3A_47 : vector<16xf32>
        %add3A_795 = arith.addf %add3A_786, %mul3A_794 : vector<16xf32>
        %mul3A_796 = arith.mulf %gather3A_789, %get3A_51 : vector<16xf32>
        %add3A_797 = arith.addf %add3A_788, %mul3A_796 : vector<16xf32>
        %gather3A_798 = tpu.vector_load_idx %arg9[%add3A_750, %broadcast_in_dim3A_138] : memref<384x8xf32, #tpu.memory_space<vmem>>[vector<16xi32>, vector<16xi32>], vector<16xf32>,
        %mul3A_799 = arith.mulf %gather3A_798, %get3A_55 : vector<16xf32>
        %add3A_800 = arith.addf %add3A_791, %mul3A_799 : vector<16xf32>
        %mul3A_801 = arith.mulf %gather3A_798, %get3A_59 : vector<16xf32>
        %add3A_802 = arith.addf %add3A_793, %mul3A_801 : vector<16xf32>
        %mul3A_803 = arith.mulf %gather3A_798, %get3A_63 : vector<16xf32>
        %add3A_804 = arith.addf %add3A_795, %mul3A_803 : vector<16xf32>
        %mul3A_805 = arith.mulf %gather3A_798, %get3A_67 : vector<16xf32>
        %add3A_806 = arith.addf %add3A_797, %mul3A_805 : vector<16xf32>
        %gather3A_807 = tpu.vector_load_idx %arg9[%add3A_750, %broadcast_in_dim3A_140] : memref<384x8xf32, #tpu.memory_space<vmem>>[vector<16xi32>, vector<16xi32>], vector<16xf32>,
        %mul3A_808 = arith.mulf %gather3A_807, %get3A_71 : vector<16xf32>
        %add3A_809 = arith.addf %add3A_800, %mul3A_808 : vector<16xf32>
        %mul3A_810 = arith.mulf %gather3A_807, %get3A_75 : vector<16xf32>
        %add3A_811 = arith.addf %add3A_802, %mul3A_810 : vector<16xf32>
        %mul3A_812 = arith.mulf %gather3A_807, %get3A_79 : vector<16xf32>
        %add3A_813 = arith.addf %add3A_804, %mul3A_812 : vector<16xf32>
        %mul3A_814 = arith.mulf %gather3A_807, %get3A_83 : vector<16xf32>
        %add3A_815 = arith.addf %add3A_806, %mul3A_814 : vector<16xf32>
        %gather3A_816 = tpu.vector_load_idx %arg9[%add3A_750, %broadcast_in_dim3A_142] : memref<384x8xf32, #tpu.memory_space<vmem>>[vector<16xi32>, vector<16xi32>], vector<16xf32>,
        %mul3A_817 = arith.mulf %gather3A_816, %get3A_87 : vector<16xf32>
        %add3A_818 = arith.addf %add3A_809, %mul3A_817 : vector<16xf32>
        %mul3A_819 = arith.mulf %gather3A_816, %get3A_91 : vector<16xf32>
        %add3A_820 = arith.addf %add3A_811, %mul3A_819 : vector<16xf32>
        %mul3A_821 = arith.mulf %gather3A_816, %get3A_95 : vector<16xf32>
        %add3A_822 = arith.addf %add3A_813, %mul3A_821 : vector<16xf32>
        %mul3A_823 = arith.mulf %gather3A_816, %get3A_99 : vector<16xf32>
        %add3A_824 = arith.addf %add3A_815, %mul3A_823 : vector<16xf32>
        %gather3A_825 = tpu.vector_load_idx %arg9[%add3A_750, %broadcast_in_dim3A_144] : memref<384x8xf32, #tpu.memory_space<vmem>>[vector<16xi32>, vector<16xi32>], vector<16xf32>,
        %mul3A_826 = arith.mulf %gather3A_825, %get3A_103 : vector<16xf32>
        %add3A_827 = arith.addf %add3A_818, %mul3A_826 : vector<16xf32>
        %mul3A_828 = arith.mulf %gather3A_825, %get3A_107 : vector<16xf32>
        %add3A_829 = arith.addf %add3A_820, %mul3A_828 : vector<16xf32>
        %mul3A_830 = arith.mulf %gather3A_825, %get3A_111 : vector<16xf32>
        %add3A_831 = arith.addf %add3A_822, %mul3A_830 : vector<16xf32>
        %mul3A_832 = arith.mulf %gather3A_825, %get3A_115 : vector<16xf32>
        %add3A_833 = arith.addf %add3A_824, %mul3A_832 : vector<16xf32>
        %gather3A_834 = tpu.vector_load_idx %arg9[%add3A_750, %broadcast_in_dim3A_146] : memref<384x8xf32, #tpu.memory_space<vmem>>[vector<16xi32>, vector<16xi32>], vector<16xf32>,
        %mul3A_835 = arith.mulf %gather3A_834, %get3A_119 : vector<16xf32>
        %add3A_836 = arith.addf %add3A_827, %mul3A_835 : vector<16xf32>
        %mul3A_837 = arith.mulf %gather3A_834, %get3A_123 : vector<16xf32>
        %add3A_838 = arith.addf %add3A_829, %mul3A_837 : vector<16xf32>
        %mul3A_839 = arith.mulf %gather3A_834, %get3A_127 : vector<16xf32>
        %add3A_840 = arith.addf %add3A_831, %mul3A_839 : vector<16xf32>
        %mul3A_841 = arith.mulf %gather3A_834, %get3A_131 : vector<16xf32>
        %add3A_842 = arith.addf %add3A_833, %mul3A_841 : vector<16xf32>
        %swap3A_843 = arith.constant 0 : i32
        %swap3A_844 = arith.index_cast %swap3A_843 : i32 to index
        %swap3A_845 = arith.index_cast %add3A_746 : i32 to index
        %swap3A_846 = arith.constant 0 : index
        %swap3A_847 = tpu.vector_load %arg8[%swap3A_844, %swap3A_845, %swap3A_846] {strides = array<i32>} : memref<3x128x64xf32, #tpu.memory_space<vmem>>, vector<16xf32>,
        tpu.vector_store %arg8[%swap3A_844, %swap3A_845, %swap3A_846], %add3A_836 {strides = array<i32>} : memref<3x128x64xf32, #tpu.memory_space<vmem>>, vector<16xf32>,
        %swap3A_848 = arith.constant 0 : i32
        %swap3A_849 = arith.index_cast %swap3A_848 : i32 to index
        %swap3A_850 = arith.index_cast %add3A_746 : i32 to index
        %swap3A_851 = arith.constant 16 : index
        %swap3A_852 = tpu.vector_load %arg8[%swap3A_849, %swap3A_850, %swap3A_851] {strides = array<i32>} : memref<3x128x64xf32, #tpu.memory_space<vmem>>, vector<16xf32>,
        tpu.vector_store %arg8[%swap3A_849, %swap3A_850, %swap3A_851], %add3A_838 {strides = array<i32>} : memref<3x128x64xf32, #tpu.memory_space<vmem>>, vector<16xf32>,
        %swap3A_853 = arith.constant 0 : i32
        %swap3A_854 = arith.index_cast %swap3A_853 : i32 to index
        %swap3A_855 = arith.index_cast %add3A_746 : i32 to index
        %swap3A_856 = arith.constant 32 : index
        %swap3A_857 = tpu.vector_load %arg8[%swap3A_854, %swap3A_855, %swap3A_856] {strides = array<i32>} : memref<3x128x64xf32, #tpu.memory_space<vmem>>, vector<16xf32>,
        tpu.vector_store %arg8[%swap3A_854, %swap3A_855, %swap3A_856], %add3A_840 {strides = array<i32>} : memref<3x128x64xf32, #tpu.memory_space<vmem>>, vector<16xf32>,
        %swap3A_858 = arith.constant 0 : i32
        %swap3A_859 = arith.index_cast %swap3A_858 : i32 to index
        %swap3A_860 = arith.index_cast %add3A_746 : i32 to index
        %swap3A_861 = arith.constant 48 : index
        %swap3A_862 = tpu.vector_load %arg8[%swap3A_859, %swap3A_860, %swap3A_861] {strides = array<i32>} : memref<3x128x64xf32, #tpu.memory_space<vmem>>, vector<16xf32>,
        tpu.vector_store %arg8[%swap3A_859, %swap3A_860, %swap3A_861], %add3A_842 {strides = array<i32>} : memref<3x128x64xf32, #tpu.memory_space<vmem>>, vector<16xf32>,
        %mul3A_863 = arith.constant 4 : i32
        %mul3A_864 = arith.muli %scan3A_504, %mul3A_863 : i32
        %add3A_865 = arith.constant 3 : i32
        %add3A_866 = arith.addi %mul3A_864, %add3A_865 : i32
        %broadcast_in_dim3A_867 = arith.constant 0 : i32
        %broadcast_in_dim3A_868 = vector.broadcast %broadcast_in_dim3A_867 : i32 to vector<16xi32>
        %add3A_869 = vector.broadcast %add3A_866 : i32 to vector<16xi32>
        %add3A_870 = arith.addi %broadcast_in_dim3A_868, %add3A_869 : vector<16xi32>
        %get3A_871 = arith.constant 0 : i32
        %get3A_872 = arith.index_cast %get3A_871 : i32 to index
        %get3A_873 = arith.index_cast %add3A_866 : i32 to index
        %get3A_874 = arith.constant 0 : index
        %get3A_875 = tpu.vector_load %arg8[%get3A_872, %get3A_873, %get3A_874] {strides = array<i32>} : memref<3x128x64xf32, #tpu.memory_space<vmem>>, vector<16xf32>,
        %get3A_876 = arith.constant 0 : i32
        %get3A_877 = arith.index_cast %get3A_876 : i32 to index
        %get3A_878 = arith.index_cast %add3A_866 : i32 to index
        %get3A_879 = arith.constant 16 : index
        %get3A_880 = tpu.vector_load %arg8[%get3A_877, %get3A_878, %get3A_879] {strides = array<i32>} : memref<3x128x64xf32, #tpu.memory_space<vmem>>, vector<16xf32>,
        %get3A_881 = arith.constant 0 : i32
        %get3A_882 = arith.index_cast %get3A_881 : i32 to index
        %get3A_883 = arith.index_cast %add3A_866 : i32 to index
        %get3A_884 = arith.constant 32 : index
        %get3A_885 = tpu.vector_load %arg8[%get3A_882, %get3A_883, %get3A_884] {strides = array<i32>} : memref<3x128x64xf32, #tpu.memory_space<vmem>>, vector<16xf32>,
        %get3A_886 = arith.constant 0 : i32
        %get3A_887 = arith.index_cast %get3A_886 : i32 to index
        %get3A_888 = arith.index_cast %add3A_866 : i32 to index
        %get3A_889 = arith.constant 48 : index
        %get3A_890 = tpu.vector_load %arg8[%get3A_887, %get3A_888, %get3A_889] {strides = array<i32>} : memref<3x128x64xf32, #tpu.memory_space<vmem>>, vector<16xf32>,
        %gather3A_891 = tpu.vector_load_idx %arg9[%add3A_870, %broadcast_in_dim3A_132] : memref<384x8xf32, #tpu.memory_space<vmem>>[vector<16xi32>, vector<16xi32>], vector<16xf32>,
        %mul3A_892 = arith.mulf %gather3A_891, %get3A_7 : vector<16xf32>
        %add3A_893 = arith.addf %get3A_875, %mul3A_892 : vector<16xf32>
        %mul3A_894 = arith.mulf %gather3A_891, %get3A_11 : vector<16xf32>
        %add3A_895 = arith.addf %get3A_880, %mul3A_894 : vector<16xf32>
        %mul3A_896 = arith.mulf %gather3A_891, %get3A_15 : vector<16xf32>
        %add3A_897 = arith.addf %get3A_885, %mul3A_896 : vector<16xf32>
        %mul3A_898 = arith.mulf %gather3A_891, %get3A_19 : vector<16xf32>
        %add3A_899 = arith.addf %get3A_890, %mul3A_898 : vector<16xf32>
        %gather3A_900 = tpu.vector_load_idx %arg9[%add3A_870, %broadcast_in_dim3A_134] : memref<384x8xf32, #tpu.memory_space<vmem>>[vector<16xi32>, vector<16xi32>], vector<16xf32>,
        %mul3A_901 = arith.mulf %gather3A_900, %get3A_23 : vector<16xf32>
        %add3A_902 = arith.addf %add3A_893, %mul3A_901 : vector<16xf32>
        %mul3A_903 = arith.mulf %gather3A_900, %get3A_27 : vector<16xf32>
        %add3A_904 = arith.addf %add3A_895, %mul3A_903 : vector<16xf32>
        %mul3A_905 = arith.mulf %gather3A_900, %get3A_31 : vector<16xf32>
        %add3A_906 = arith.addf %add3A_897, %mul3A_905 : vector<16xf32>
        %mul3A_907 = arith.mulf %gather3A_900, %get3A_35 : vector<16xf32>
        %add3A_908 = arith.addf %add3A_899, %mul3A_907 : vector<16xf32>
        %gather3A_909 = tpu.vector_load_idx %arg9[%add3A_870, %broadcast_in_dim3A_136] : memref<384x8xf32, #tpu.memory_space<vmem>>[vector<16xi32>, vector<16xi32>], vector<16xf32>,
        %mul3A_910 = arith.mulf %gather3A_909, %get3A_39 : vector<16xf32>
        %add3A_911 = arith.addf %add3A_902, %mul3A_910 : vector<16xf32>
        %mul3A_912 = arith.mulf %gather3A_909, %get3A_43 : vector<16xf32>
        %add3A_913 = arith.addf %add3A_904, %mul3A_912 : vector<16xf32>
        %mul3A_914 = arith.mulf %gather3A_909, %get3A_47 : vector<16xf32>
        %add3A_915 = arith.addf %add3A_906, %mul3A_914 : vector<16xf32>
        %mul3A_916 = arith.mulf %gather3A_909, %get3A_51 : vector<16xf32>
        %add3A_917 = arith.addf %add3A_908, %mul3A_916 : vector<16xf32>
        %gather3A_918 = tpu.vector_load_idx %arg9[%add3A_870, %broadcast_in_dim3A_138] : memref<384x8xf32, #tpu.memory_space<vmem>>[vector<16xi32>, vector<16xi32>], vector<16xf32>,
        %mul3A_919 = arith.mulf %gather3A_918, %get3A_55 : vector<16xf32>
        %add3A_920 = arith.addf %add3A_911, %mul3A_919 : vector<16xf32>
        %mul3A_921 = arith.mulf %gather3A_918, %get3A_59 : vector<16xf32>
        %add3A_922 = arith.addf %add3A_913, %mul3A_921 : vector<16xf32>
        %mul3A_923 = arith.mulf %gather3A_918, %get3A_63 : vector<16xf32>
        %add3A_924 = arith.addf %add3A_915, %mul3A_923 : vector<16xf32>
        %mul3A_925 = arith.mulf %gather3A_918, %get3A_67 : vector<16xf32>
        %add3A_926 = arith.addf %add3A_917, %mul3A_925 : vector<16xf32>
        %gather3A_927 = tpu.vector_load_idx %arg9[%add3A_870, %broadcast_in_dim3A_140] : memref<384x8xf32, #tpu.memory_space<vmem>>[vector<16xi32>, vector<16xi32>], vector<16xf32>,
        %mul3A_928 = arith.mulf %gather3A_927, %get3A_71 : vector<16xf32>
        %add3A_929 = arith.addf %add3A_920, %mul3A_928 : vector<16xf32>
        %mul3A_930 = arith.mulf %gather3A_927, %get3A_75 : vector<16xf32>
        %add3A_931 = arith.addf %add3A_922, %mul3A_930 : vector<16xf32>
        %mul3A_932 = arith.mulf %gather3A_927, %get3A_79 : vector<16xf32>
        %add3A_933 = arith.addf %add3A_924, %mul3A_932 : vector<16xf32>
        %mul3A_934 = arith.mulf %gather3A_927, %get3A_83 : vector<16xf32>
        %add3A_935 = arith.addf %add3A_926, %mul3A_934 : vector<16xf32>
        %gather3A_936 = tpu.vector_load_idx %arg9[%add3A_870, %broadcast_in_dim3A_142] : memref<384x8xf32, #tpu.memory_space<vmem>>[vector<16xi32>, vector<16xi32>], vector<16xf32>,
        %mul3A_937 = arith.mulf %gather3A_936, %get3A_87 : vector<16xf32>
        %add3A_938 = arith.addf %add3A_929, %mul3A_937 : vector<16xf32>
        %mul3A_939 = arith.mulf %gather3A_936, %get3A_91 : vector<16xf32>
        %add3A_940 = arith.addf %add3A_931, %mul3A_939 : vector<16xf32>
        %mul3A_941 = arith.mulf %gather3A_936, %get3A_95 : vector<16xf32>
        %add3A_942 = arith.addf %add3A_933, %mul3A_941 : vector<16xf32>
        %mul3A_943 = arith.mulf %gather3A_936, %get3A_99 : vector<16xf32>
        %add3A_944 = arith.addf %add3A_935, %mul3A_943 : vector<16xf32>
        %gather3A_945 = tpu.vector_load_idx %arg9[%add3A_870, %broadcast_in_dim3A_144] : memref<384x8xf32, #tpu.memory_space<vmem>>[vector<16xi32>, vector<16xi32>], vector<16xf32>,
        %mul3A_946 = arith.mulf %gather3A_945, %get3A_103 : vector<16xf32>
        %add3A_947 = arith.addf %add3A_938, %mul3A_946 : vector<16xf32>
        %mul3A_948 = arith.mulf %gather3A_945, %get3A_107 : vector<16xf32>
        %add3A_949 = arith.addf %add3A_940, %mul3A_948 : vector<16xf32>
        %mul3A_950 = arith.mulf %gather3A_945, %get3A_111 : vector<16xf32>
        %add3A_951 = arith.addf %add3A_942, %mul3A_950 : vector<16xf32>
        %mul3A_952 = arith.mulf %gather3A_945, %get3A_115 : vector<16xf32>
        %add3A_953 = arith.addf %add3A_944, %mul3A_952 : vector<16xf32>
        %gather3A_954 = tpu.vector_load_idx %arg9[%add3A_870, %broadcast_in_dim3A_146] : memref<384x8xf32, #tpu.memory_space<vmem>>[vector<16xi32>, vector<16xi32>], vector<16xf32>,
        %mul3A_955 = arith.mulf %gather3A_954, %get3A_119 : vector<16xf32>
        %add3A_956 = arith.addf %add3A_947, %mul3A_955 : vector<16xf32>
        %mul3A_957 = arith.mulf %gather3A_954, %get3A_123 : vector<16xf32>
        %add3A_958 = arith.addf %add3A_949, %mul3A_957 : vector<16xf32>
        %mul3A_959 = arith.mulf %gather3A_954, %get3A_127 : vector<16xf32>
        %add3A_960 = arith.addf %add3A_951, %mul3A_959 : vector<16xf32>
        %mul3A_961 = arith.mulf %gather3A_954, %get3A_131 : vector<16xf32>
        %add3A_962 = arith.addf %add3A_953, %mul3A_961 : vector<16xf32>
        %swap3A_963 = arith.constant 0 : i32
        %swap3A_964 = arith.index_cast %swap3A_963 : i32 to index
        %swap3A_965 = arith.index_cast %add3A_866 : i32 to index
        %swap3A_966 = arith.constant 0 : index
        %swap3A_967 = tpu.vector_load %arg8[%swap3A_964, %swap3A_965, %swap3A_966] {strides = array<i32>} : memref<3x128x64xf32, #tpu.memory_space<vmem>>, vector<16xf32>,
        tpu.vector_store %arg8[%swap3A_964, %swap3A_965, %swap3A_966], %add3A_956 {strides = array<i32>} : memref<3x128x64xf32, #tpu.memory_space<vmem>>, vector<16xf32>,
        %swap3A_968 = arith.constant 0 : i32
        %swap3A_969 = arith.index_cast %swap3A_968 : i32 to index
        %swap3A_970 = arith.index_cast %add3A_866 : i32 to index
        %swap3A_971 = arith.constant 16 : index
        %swap3A_972 = tpu.vector_load %arg8[%swap3A_969, %swap3A_970, %swap3A_971] {strides = array<i32>} : memref<3x128x64xf32, #tpu.memory_space<vmem>>, vector<16xf32>,
        tpu.vector_store %arg8[%swap3A_969, %swap3A_970, %swap3A_971], %add3A_958 {strides = array<i32>} : memref<3x128x64xf32, #tpu.memory_space<vmem>>, vector<16xf32>,
        %swap3A_973 = arith.constant 0 : i32
        %swap3A_974 = arith.index_cast %swap3A_973 : i32 to index
        %swap3A_975 = arith.index_cast %add3A_866 : i32 to index
        %swap3A_976 = arith.constant 32 : index
        %swap3A_977 = tpu.vector_load %arg8[%swap3A_974, %swap3A_975, %swap3A_976] {strides = array<i32>} : memref<3x128x64xf32, #tpu.memory_space<vmem>>, vector<16xf32>,
        tpu.vector_store %arg8[%swap3A_974, %swap3A_975, %swap3A_976], %add3A_960 {strides = array<i32>} : memref<3x128x64xf32, #tpu.memory_space<vmem>>, vector<16xf32>,
        %swap3A_978 = arith.constant 0 : i32
        %swap3A_979 = arith.index_cast %swap3A_978 : i32 to index
        %swap3A_980 = arith.index_cast %add3A_866 : i32 to index
        %swap3A_981 = arith.constant 48 : index
        %swap3A_982 = tpu.vector_load %arg8[%swap3A_979, %swap3A_980, %swap3A_981] {strides = array<i32>} : memref<3x128x64xf32, #tpu.memory_space<vmem>>, vector<16xf32>,
        tpu.vector_store %arg8[%swap3A_979, %swap3A_980, %swap3A_981], %add3A_962 {strides = array<i32>} : memref<3x128x64xf32, #tpu.memory_space<vmem>>, vector<16xf32>,
      }
      %scan3A_374 = arith.constant 32 : i32
      %mul3A_375 = arith.constant 128 : i32
      %mul3A_376 = arith.muli %add3A_348, %mul3A_375 : i32
      %add3A_377 = arith.addi %mul3A_4, %mul3A_376 : i32
      %dma_start3A_378 = arith.constant 0 : i32
      %dma_start3A_379 = arith.constant 0 : i32
      %dma_start3A_380 = arith.constant 0 : i32
      %dma_start3A_381 = tpu.memref_slice %arg8[%dma_start3A_378, %dma_start3A_379, %dma_start3A_380] : memref<3x128x64xf32, #tpu.memory_space<vmem>> -> memref<1x128x64xf32, #tpu.memory_space<vmem>>
      %dma_start3A_382 = tpu.memref_squeeze %dma_start3A_381 : memref<1x128x64xf32, #tpu.memory_space<vmem>> -> memref<128x64xf32, #tpu.memory_space<vmem>>
      %dma_start3A_383 = arith.constant 0 : i32
      %dma_start3A_384 = tpu.memref_slice %arg6[%add3A_377, %dma_start3A_383] : memref<327680x64xf32, #tpu.memory_space<hbm>> -> memref<128x64xf32, #tpu.memory_space<hbm>>
      %dma_start3A_385 = arith.constant 0 : i32
      %dma_start3A_386 = tpu.memref_slice %arg6[%add3A_377, %dma_start3A_385] : memref<327680x64xf32, #tpu.memory_space<hbm>> -> memref<128x64xf32, #tpu.memory_space<hbm>>
      %dma_start3A_387 = arith.constant 0 : i32
      %dma_start3A_388 = arith.constant 0 : i32
      %dma_start3A_389 = tpu.memref_slice %arg8[%dma_start3A_378, %dma_start3A_387, %dma_start3A_388] : memref<3x128x64xf32, #tpu.memory_space<vmem>> -> memref<1x128x64xf32, #tpu.memory_space<vmem>>
      %dma_start3A_390 = tpu.memref_squeeze %dma_start3A_389 : memref<1x128x64xf32, #tpu.memory_space<vmem>> -> memref<128x64xf32, #tpu.memory_space<vmem>>
      tpu.enqueue_dma source(%dma_start3A_390 : memref<128x64xf32, #tpu.memory_space<vmem>>) target(%dma_start3A_386 : memref<128x64xf32, #tpu.memory_space<hbm>>) target_semaphore(%arg14 : memref<!tpu.dma_semaphore, #tpu.memory_space<semaphore_mem>>)
      %add3A_391 = arith.constant 2 : i32
      %add3A_392 = arith.addi %add3A_348, %add3A_391 : i32
      %lt3A_393 = arith.constant 80 : i32
      %lt3A_394 = arith.cmpi slt, %add3A_392, %lt3A_393 : i32
      %convert_element_type3A_395 = arith.extui %lt3A_394 : i1 to i32
      %cond3A_396 = arith.constant 0 : i32
      %cond3A_397 = arith.cmpi ne, %convert_element_type3A_395, %cond3A_396 : i32
      scf.if %cond3A_397 {
        %ge3A = arith.constant 1 : i32
        %ge3A_504 = arith.cmpi sge, %add3A_348, %ge3A : i32
        %convert_element_type3A_505 = arith.extui %ge3A_504 : i1 to i32
        %cond3A_506 = arith.constant 0 : i32
        %cond3A_507 = arith.cmpi ne, %convert_element_type3A_505, %cond3A_506 : i32
        scf.if %cond3A_507 {
          %sub3A = arith.constant 1 : i32
          %sub3A_530 = arith.subi %add3A_348, %sub3A : i32
          %mul3A_531 = arith.constant 128 : i32
          %mul3A_532 = arith.muli %sub3A_530, %mul3A_531 : i32
          %add3A_533 = arith.addi %mul3A_4, %mul3A_532 : i32
          %dma_wait3A_534 = arith.constant 2 : i32
          %dma_wait3A_535 = arith.constant 0 : i32
          %dma_wait3A_536 = arith.constant 0 : i32
          %dma_wait3A_537 = tpu.memref_slice %arg8[%dma_wait3A_534, %dma_wait3A_535, %dma_wait3A_536] : memref<3x128x64xf32, #tpu.memory_space<vmem>> -> memref<1x128x64xf32, #tpu.memory_space<vmem>>
          %dma_wait3A_538 = tpu.memref_squeeze %dma_wait3A_537 : memref<1x128x64xf32, #tpu.memory_space<vmem>> -> memref<128x64xf32, #tpu.memory_space<vmem>>
          %dma_wait3A_539 = arith.constant 0 : i32
          %dma_wait3A_540 = tpu.memref_slice %arg6[%add3A_533, %dma_wait3A_539] : memref<327680x64xf32, #tpu.memory_space<hbm>> -> memref<128x64xf32, #tpu.memory_space<hbm>>
          %dma_wait3A_541 = arith.constant 0 : i32
          %dma_wait3A_542 = tpu.memref_slice %arg6[%add3A_533, %dma_wait3A_541] : memref<327680x64xf32, #tpu.memory_space<hbm>> -> memref<128x64xf32, #tpu.memory_space<hbm>>
          %dma_wait3A_543 = arith.constant 0 : i32
          %dma_wait3A_544 = arith.constant 0 : i32
          %dma_wait3A_545 = tpu.memref_slice %arg8[%dma_wait3A_534, %dma_wait3A_543, %dma_wait3A_544] : memref<3x128x64xf32, #tpu.memory_space<vmem>> -> memref<1x128x64xf32, #tpu.memory_space<vmem>>
          %dma_wait3A_546 = tpu.memref_squeeze %dma_wait3A_545 : memref<1x128x64xf32, #tpu.memory_space<vmem>> -> memref<128x64xf32, #tpu.memory_space<vmem>>
          tpu.wait_dma2 semaphore(%arg14 : memref<!tpu.dma_semaphore, #tpu.memory_space<semaphore_mem>>) src(%dma_wait3A_546 : memref<128x64xf32, #tpu.memory_space<vmem>>) dst(%dma_wait3A_542 : memref<128x64xf32, #tpu.memory_space<hbm>>)
        } else {
        }
        %add3A_508 = arith.constant 2 : i32
        %add3A_509 = arith.addi %add3A_348, %add3A_508 : i32
        %dma_start3A_510 = arith.constant 2 : i32
        %dma_start3A_511 = arith.constant 0 : i32
        %dma_start3A_512 = arith.constant 0 : i32
        %dma_start3A_513 = tpu.memref_slice %arg8[%dma_start3A_510, %dma_start3A_511, %dma_start3A_512] : memref<3x128x64xf32, #tpu.memory_space<vmem>> -> memref<1x128x64xf32, #tpu.memory_space<vmem>>
        %dma_start3A_514 = tpu.memref_squeeze %dma_start3A_513 : memref<1x128x64xf32, #tpu.memory_space<vmem>> -> memref<128x64xf32, #tpu.memory_space<vmem>>
        %dma_start3A_515 = arith.constant 0 : i32
        %dma_start3A_516 = tpu.memref_slice %arg7[%add3A_509, %dma_start3A_515] : memref<80x128xi32, #tpu.memory_space<vmem>> -> memref<1x128xi32, #tpu.memory_space<vmem>>
        %dma_start3A_517 = tpu.memref_squeeze %dma_start3A_516 : memref<1x128xi32, #tpu.memory_space<vmem>> -> memref<128xi32, #tpu.memory_space<vmem>>
        %dma_start3A_518 = arith.constant 0 : i32
        %dma_start3A_519 = arith.constant 0 : i32
        %dma_start3A_520 = tpu.memref_slice %arg3[%dma_start3A_518, %dma_start3A_519] : memref<1000000x64xf32, #tpu.memory_space<hbm>> -> memref<1000000x64xf32, #tpu.memory_space<hbm>>
        tpu.enqueue_indirect_dma source(%dma_start3A_520 : memref<1000000x64xf32, #tpu.memory_space<hbm>>) target(%dma_start3A_514 : memref<128x64xf32, #tpu.memory_space<vmem>>) offsets(%dma_start3A_517 : memref<128xi32, #tpu.memory_space<vmem>>) semaphore(%arg11 : memref<!tpu.dma_semaphore, #tpu.memory_space<semaphore_mem>>)
        %dma_start3A_521 = arith.constant 256 : i32
        %dma_start3A_522 = arith.constant 0 : i32
        %dma_start3A_523 = tpu.memref_slice %arg9[%dma_start3A_521, %dma_start3A_522] : memref<384x8xf32, #tpu.memory_space<vmem>> -> memref<128x8xf32, #tpu.memory_space<vmem>>
        %dma_start3A_524 = arith.constant 0 : i32
        %dma_start3A_525 = tpu.memref_slice %arg7[%add3A_509, %dma_start3A_524] : memref<80x128xi32, #tpu.memory_space<vmem>> -> memref<1x128xi32, #tpu.memory_space<vmem>>
        %dma_start3A_526 = tpu.memref_squeeze %dma_start3A_525 : memref<1x128xi32, #tpu.memory_space<vmem>> -> memref<128xi32, #tpu.memory_space<vmem>>
        %dma_start3A_527 = arith.constant 0 : i32
        %dma_start3A_528 = arith.constant 0 : i32
        %dma_start3A_529 = tpu.memref_slice %arg4[%dma_start3A_527, %dma_start3A_528] : memref<1000000x8xf32, #tpu.memory_space<hbm>> -> memref<1000000x8xf32, #tpu.memory_space<hbm>>
        tpu.enqueue_indirect_dma source(%dma_start3A_529 : memref<1000000x8xf32, #tpu.memory_space<hbm>>) target(%dma_start3A_523 : memref<128x8xf32, #tpu.memory_space<vmem>>) offsets(%dma_start3A_526 : memref<128xi32, #tpu.memory_space<vmem>>) semaphore(%arg12 : memref<!tpu.dma_semaphore, #tpu.memory_space<semaphore_mem>>)
      } else {
      }
      %mul3A_398 = arith.constant 3 : i32
      %mul3A_399 = arith.muli %scan3A_344, %mul3A_398 : i32
      %add3A_400 = arith.constant 1 : i32
      %add3A_401 = arith.addi %mul3A_399, %add3A_400 : i32
      %dma_wait3A_402 = arith.constant 1 : i32
      %dma_wait3A_403 = arith.constant 0 : i32
      %dma_wait3A_404 = arith.constant 0 : i32
      %dma_wait3A_405 = tpu.memref_slice %arg8[%dma_wait3A_402, %dma_wait3A_403, %dma_wait3A_404] : memref<3x128x64xf32, #tpu.memory_space<vmem>> -> memref<1x128x64xf32, #tpu.memory_space<vmem>>
      %dma_wait3A_406 = tpu.memref_squeeze %dma_wait3A_405 : memref<1x128x64xf32, #tpu.memory_space<vmem>> -> memref<128x64xf32, #tpu.memory_space<vmem>>
      %dma_wait3A_407 = arith.constant 0 : i32
      %dma_wait3A_408 = tpu.memref_slice %arg7[%add3A_401, %dma_wait3A_407] : memref<80x128xi32, #tpu.memory_space<vmem>> -> memref<1x128xi32, #tpu.memory_space<vmem>>
      %dma_wait3A_409 = tpu.memref_squeeze %dma_wait3A_408 : memref<1x128xi32, #tpu.memory_space<vmem>> -> memref<128xi32, #tpu.memory_space<vmem>>
      %dma_wait3A_410 = arith.constant 0 : i32
      %dma_wait3A_411 = arith.constant 0 : i32
      %dma_wait3A_412 = tpu.memref_slice %arg3[%dma_wait3A_410, %dma_wait3A_411] : memref<1000000x64xf32, #tpu.memory_space<hbm>> -> memref<1000000x64xf32, #tpu.memory_space<hbm>>
      tpu.wait_indirect_dma semaphore(%arg11 : memref<!tpu.dma_semaphore, #tpu.memory_space<semaphore_mem>>) src(%dma_wait3A_412 : memref<1000000x64xf32, #tpu.memory_space<hbm>>) dst(%dma_wait3A_406 : memref<128x64xf32, #tpu.memory_space<vmem>>)
      %dma_wait3A_413 = arith.constant 128 : i32
      %dma_wait3A_414 = arith.constant 0 : i32
      %dma_wait3A_415 = tpu.memref_slice %arg9[%dma_wait3A_413, %dma_wait3A_414] : memref<384x8xf32, #tpu.memory_space<vmem>> -> memref<128x8xf32, #tpu.memory_space<vmem>>
      %dma_wait3A_416 = arith.constant 0 : i32
      %dma_wait3A_417 = tpu.memref_slice %arg7[%add3A_401, %dma_wait3A_416] : memref<80x128xi32, #tpu.memory_space<vmem>> -> memref<1x128xi32, #tpu.memory_space<vmem>>
      %dma_wait3A_418 = tpu.memref_squeeze %dma_wait3A_417 : memref<1x128xi32, #tpu.memory_space<vmem>> -> memref<128xi32, #tpu.memory_space<vmem>>
      %dma_wait3A_419 = arith.constant 0 : i32
      %dma_wait3A_420 = arith.constant 0 : i32
      %dma_wait3A_421 = tpu.memref_slice %arg4[%dma_wait3A_419, %dma_wait3A_420] : memref<1000000x8xf32, #tpu.memory_space<hbm>> -> memref<1000000x8xf32, #tpu.memory_space<hbm>>
      tpu.wait_indirect_dma semaphore(%arg12 : memref<!tpu.dma_semaphore, #tpu.memory_space<semaphore_mem>>) src(%dma_wait3A_421 : memref<1000000x8xf32, #tpu.memory_space<hbm>>) dst(%dma_wait3A_415 : memref<128x8xf32, #tpu.memory_space<vmem>>)
      %scan3A_422 = arith.constant 0 : i32
      %scan3A_423 = arith.constant 0 : i32
      %scan3A_424 = arith.constant 32 : i32
      %scan3A_425 = arith.addi %scan3A_423, %scan3A_424 : i32
      %scan3A_426 = arith.constant 1 : i32
      scf.for %scan3A_504 = %scan3A_423 to %scan3A_425 step %scan3A_426  : i32 {
        %mul3A_505 = arith.constant 4 : i32
        %mul3A_506 = arith.muli %scan3A_504, %mul3A_505 : i32
        %add3A_507 = arith.constant 0 : i32
        %add3A_508 = arith.addi %mul3A_506, %add3A_507 : i32
        %broadcast_in_dim3A_509 = arith.constant 128 : i32
        %broadcast_in_dim3A_510 = vector.broadcast %broadcast_in_dim3A_509 : i32 to vector<16xi32>
        %add3A_511 = vector.broadcast %add3A_508 : i32 to vector<16xi32>
        %add3A_512 = arith.addi %broadcast_in_dim3A_510, %add3A_511 : vector<16xi32>
        %get3A_513 = arith.constant 1 : i32
        %get3A_514 = arith.index_cast %get3A_513 : i32 to index
        %get3A_515 = arith.index_cast %add3A_508 : i32 to index
        %get3A_516 = arith.constant 0 : index
        %get3A_517 = tpu.vector_load %arg8[%get3A_514, %get3A_515, %get3A_516] {strides = array<i32>} : memref<3x128x64xf32, #tpu.memory_space<vmem>>, vector<16xf32>,
        %get3A_518 = arith.constant 1 : i32
        %get3A_519 = arith.index_cast %get3A_518 : i32 to index
        %get3A_520 = arith.index_cast %add3A_508 : i32 to index
        %get3A_521 = arith.constant 16 : index
        %get3A_522 = tpu.vector_load %arg8[%get3A_519, %get3A_520, %get3A_521] {strides = array<i32>} : memref<3x128x64xf32, #tpu.memory_space<vmem>>, vector<16xf32>,
        %get3A_523 = arith.constant 1 : i32
        %get3A_524 = arith.index_cast %get3A_523 : i32 to index
        %get3A_525 = arith.index_cast %add3A_508 : i32 to index
        %get3A_526 = arith.constant 32 : index
        %get3A_527 = tpu.vector_load %arg8[%get3A_524, %get3A_525, %get3A_526] {strides = array<i32>} : memref<3x128x64xf32, #tpu.memory_space<vmem>>, vector<16xf32>,
        %get3A_528 = arith.constant 1 : i32
        %get3A_529 = arith.index_cast %get3A_528 : i32 to index
        %get3A_530 = arith.index_cast %add3A_508 : i32 to index
        %get3A_531 = arith.constant 48 : index
        %get3A_532 = tpu.vector_load %arg8[%get3A_529, %get3A_530, %get3A_531] {strides = array<i32>} : memref<3x128x64xf32, #tpu.memory_space<vmem>>, vector<16xf32>,
        %gather3A = tpu.vector_load_idx %arg9[%add3A_512, %broadcast_in_dim3A_132] : memref<384x8xf32, #tpu.memory_space<vmem>>[vector<16xi32>, vector<16xi32>], vector<16xf32>,
        %mul3A_533 = arith.mulf %gather3A, %get3A_7 : vector<16xf32>
        %add3A_534 = arith.addf %get3A_517, %mul3A_533 : vector<16xf32>
        %mul3A_535 = arith.mulf %gather3A, %get3A_11 : vector<16xf32>
        %add3A_536 = arith.addf %get3A_522, %mul3A_535 : vector<16xf32>
        %mul3A_537 = arith.mulf %gather3A, %get3A_15 : vector<16xf32>
        %add3A_538 = arith.addf %get3A_527, %mul3A_537 : vector<16xf32>
        %mul3A_539 = arith.mulf %gather3A, %get3A_19 : vector<16xf32>
        %add3A_540 = arith.addf %get3A_532, %mul3A_539 : vector<16xf32>
        %gather3A_541 = tpu.vector_load_idx %arg9[%add3A_512, %broadcast_in_dim3A_134] : memref<384x8xf32, #tpu.memory_space<vmem>>[vector<16xi32>, vector<16xi32>], vector<16xf32>,
        %mul3A_542 = arith.mulf %gather3A_541, %get3A_23 : vector<16xf32>
        %add3A_543 = arith.addf %add3A_534, %mul3A_542 : vector<16xf32>
        %mul3A_544 = arith.mulf %gather3A_541, %get3A_27 : vector<16xf32>
        %add3A_545 = arith.addf %add3A_536, %mul3A_544 : vector<16xf32>
        %mul3A_546 = arith.mulf %gather3A_541, %get3A_31 : vector<16xf32>
        %add3A_547 = arith.addf %add3A_538, %mul3A_546 : vector<16xf32>
        %mul3A_548 = arith.mulf %gather3A_541, %get3A_35 : vector<16xf32>
        %add3A_549 = arith.addf %add3A_540, %mul3A_548 : vector<16xf32>
        %gather3A_550 = tpu.vector_load_idx %arg9[%add3A_512, %broadcast_in_dim3A_136] : memref<384x8xf32, #tpu.memory_space<vmem>>[vector<16xi32>, vector<16xi32>], vector<16xf32>,
        %mul3A_551 = arith.mulf %gather3A_550, %get3A_39 : vector<16xf32>
        %add3A_552 = arith.addf %add3A_543, %mul3A_551 : vector<16xf32>
        %mul3A_553 = arith.mulf %gather3A_550, %get3A_43 : vector<16xf32>
        %add3A_554 = arith.addf %add3A_545, %mul3A_553 : vector<16xf32>
        %mul3A_555 = arith.mulf %gather3A_550, %get3A_47 : vector<16xf32>
        %add3A_556 = arith.addf %add3A_547, %mul3A_555 : vector<16xf32>
        %mul3A_557 = arith.mulf %gather3A_550, %get3A_51 : vector<16xf32>
        %add3A_558 = arith.addf %add3A_549, %mul3A_557 : vector<16xf32>
        %gather3A_559 = tpu.vector_load_idx %arg9[%add3A_512, %broadcast_in_dim3A_138] : memref<384x8xf32, #tpu.memory_space<vmem>>[vector<16xi32>, vector<16xi32>], vector<16xf32>,
        %mul3A_560 = arith.mulf %gather3A_559, %get3A_55 : vector<16xf32>
        %add3A_561 = arith.addf %add3A_552, %mul3A_560 : vector<16xf32>
        %mul3A_562 = arith.mulf %gather3A_559, %get3A_59 : vector<16xf32>
        %add3A_563 = arith.addf %add3A_554, %mul3A_562 : vector<16xf32>
        %mul3A_564 = arith.mulf %gather3A_559, %get3A_63 : vector<16xf32>
        %add3A_565 = arith.addf %add3A_556, %mul3A_564 : vector<16xf32>
        %mul3A_566 = arith.mulf %gather3A_559, %get3A_67 : vector<16xf32>
        %add3A_567 = arith.addf %add3A_558, %mul3A_566 : vector<16xf32>
        %gather3A_568 = tpu.vector_load_idx %arg9[%add3A_512, %broadcast_in_dim3A_140] : memref<384x8xf32, #tpu.memory_space<vmem>>[vector<16xi32>, vector<16xi32>], vector<16xf32>,
        %mul3A_569 = arith.mulf %gather3A_568, %get3A_71 : vector<16xf32>
        %add3A_570 = arith.addf %add3A_561, %mul3A_569 : vector<16xf32>
        %mul3A_571 = arith.mulf %gather3A_568, %get3A_75 : vector<16xf32>
        %add3A_572 = arith.addf %add3A_563, %mul3A_571 : vector<16xf32>
        %mul3A_573 = arith.mulf %gather3A_568, %get3A_79 : vector<16xf32>
        %add3A_574 = arith.addf %add3A_565, %mul3A_573 : vector<16xf32>
        %mul3A_575 = arith.mulf %gather3A_568, %get3A_83 : vector<16xf32>
        %add3A_576 = arith.addf %add3A_567, %mul3A_575 : vector<16xf32>
        %gather3A_577 = tpu.vector_load_idx %arg9[%add3A_512, %broadcast_in_dim3A_142] : memref<384x8xf32, #tpu.memory_space<vmem>>[vector<16xi32>, vector<16xi32>], vector<16xf32>,
        %mul3A_578 = arith.mulf %gather3A_577, %get3A_87 : vector<16xf32>
        %add3A_579 = arith.addf %add3A_570, %mul3A_578 : vector<16xf32>
        %mul3A_580 = arith.mulf %gather3A_577, %get3A_91 : vector<16xf32>
        %add3A_581 = arith.addf %add3A_572, %mul3A_580 : vector<16xf32>
        %mul3A_582 = arith.mulf %gather3A_577, %get3A_95 : vector<16xf32>
        %add3A_583 = arith.addf %add3A_574, %mul3A_582 : vector<16xf32>
        %mul3A_584 = arith.mulf %gather3A_577, %get3A_99 : vector<16xf32>
        %add3A_585 = arith.addf %add3A_576, %mul3A_584 : vector<16xf32>
        %gather3A_586 = tpu.vector_load_idx %arg9[%add3A_512, %broadcast_in_dim3A_144] : memref<384x8xf32, #tpu.memory_space<vmem>>[vector<16xi32>, vector<16xi32>], vector<16xf32>,
        %mul3A_587 = arith.mulf %gather3A_586, %get3A_103 : vector<16xf32>
        %add3A_588 = arith.addf %add3A_579, %mul3A_587 : vector<16xf32>
        %mul3A_589 = arith.mulf %gather3A_586, %get3A_107 : vector<16xf32>
        %add3A_590 = arith.addf %add3A_581, %mul3A_589 : vector<16xf32>
        %mul3A_591 = arith.mulf %gather3A_586, %get3A_111 : vector<16xf32>
        %add3A_592 = arith.addf %add3A_583, %mul3A_591 : vector<16xf32>
        %mul3A_593 = arith.mulf %gather3A_586, %get3A_115 : vector<16xf32>
        %add3A_594 = arith.addf %add3A_585, %mul3A_593 : vector<16xf32>
        %gather3A_595 = tpu.vector_load_idx %arg9[%add3A_512, %broadcast_in_dim3A_146] : memref<384x8xf32, #tpu.memory_space<vmem>>[vector<16xi32>, vector<16xi32>], vector<16xf32>,
        %mul3A_596 = arith.mulf %gather3A_595, %get3A_119 : vector<16xf32>
        %add3A_597 = arith.addf %add3A_588, %mul3A_596 : vector<16xf32>
        %mul3A_598 = arith.mulf %gather3A_595, %get3A_123 : vector<16xf32>
        %add3A_599 = arith.addf %add3A_590, %mul3A_598 : vector<16xf32>
        %mul3A_600 = arith.mulf %gather3A_595, %get3A_127 : vector<16xf32>
        %add3A_601 = arith.addf %add3A_592, %mul3A_600 : vector<16xf32>
        %mul3A_602 = arith.mulf %gather3A_595, %get3A_131 : vector<16xf32>
        %add3A_603 = arith.addf %add3A_594, %mul3A_602 : vector<16xf32>
        %swap3A = arith.constant 1 : i32
        %swap3A_604 = arith.index_cast %swap3A : i32 to index
        %swap3A_605 = arith.index_cast %add3A_508 : i32 to index
        %swap3A_606 = arith.constant 0 : index
        %swap3A_607 = tpu.vector_load %arg8[%swap3A_604, %swap3A_605, %swap3A_606] {strides = array<i32>} : memref<3x128x64xf32, #tpu.memory_space<vmem>>, vector<16xf32>,
        tpu.vector_store %arg8[%swap3A_604, %swap3A_605, %swap3A_606], %add3A_597 {strides = array<i32>} : memref<3x128x64xf32, #tpu.memory_space<vmem>>, vector<16xf32>,
        %swap3A_608 = arith.constant 1 : i32
        %swap3A_609 = arith.index_cast %swap3A_608 : i32 to index
        %swap3A_610 = arith.index_cast %add3A_508 : i32 to index
        %swap3A_611 = arith.constant 16 : index
        %swap3A_612 = tpu.vector_load %arg8[%swap3A_609, %swap3A_610, %swap3A_611] {strides = array<i32>} : memref<3x128x64xf32, #tpu.memory_space<vmem>>, vector<16xf32>,
        tpu.vector_store %arg8[%swap3A_609, %swap3A_610, %swap3A_611], %add3A_599 {strides = array<i32>} : memref<3x128x64xf32, #tpu.memory_space<vmem>>, vector<16xf32>,
        %swap3A_613 = arith.constant 1 : i32
        %swap3A_614 = arith.index_cast %swap3A_613 : i32 to index
        %swap3A_615 = arith.index_cast %add3A_508 : i32 to index
        %swap3A_616 = arith.constant 32 : index
        %swap3A_617 = tpu.vector_load %arg8[%swap3A_614, %swap3A_615, %swap3A_616] {strides = array<i32>} : memref<3x128x64xf32, #tpu.memory_space<vmem>>, vector<16xf32>,
        tpu.vector_store %arg8[%swap3A_614, %swap3A_615, %swap3A_616], %add3A_601 {strides = array<i32>} : memref<3x128x64xf32, #tpu.memory_space<vmem>>, vector<16xf32>,
        %swap3A_618 = arith.constant 1 : i32
        %swap3A_619 = arith.index_cast %swap3A_618 : i32 to index
        %swap3A_620 = arith.index_cast %add3A_508 : i32 to index
        %swap3A_621 = arith.constant 48 : index
        %swap3A_622 = tpu.vector_load %arg8[%swap3A_619, %swap3A_620, %swap3A_621] {strides = array<i32>} : memref<3x128x64xf32, #tpu.memory_space<vmem>>, vector<16xf32>,
        tpu.vector_store %arg8[%swap3A_619, %swap3A_620, %swap3A_621], %add3A_603 {strides = array<i32>} : memref<3x128x64xf32, #tpu.memory_space<vmem>>, vector<16xf32>,
        %mul3A_623 = arith.constant 4 : i32
        %mul3A_624 = arith.muli %scan3A_504, %mul3A_623 : i32
        %add3A_625 = arith.constant 1 : i32
        %add3A_626 = arith.addi %mul3A_624, %add3A_625 : i32
        %broadcast_in_dim3A_627 = arith.constant 128 : i32
        %broadcast_in_dim3A_628 = vector.broadcast %broadcast_in_dim3A_627 : i32 to vector<16xi32>
        %add3A_629 = vector.broadcast %add3A_626 : i32 to vector<16xi32>
        %add3A_630 = arith.addi %broadcast_in_dim3A_628, %add3A_629 : vector<16xi32>
        %get3A_631 = arith.constant 1 : i32
        %get3A_632 = arith.index_cast %get3A_631 : i32 to index
        %get3A_633 = arith.index_cast %add3A_626 : i32 to index
        %get3A_634 = arith.constant 0 : index
        %get3A_635 = tpu.vector_load %arg8[%get3A_632, %get3A_633, %get3A_634] {strides = array<i32>} : memref<3x128x64xf32, #tpu.memory_space<vmem>>, vector<16xf32>,
        %get3A_636 = arith.constant 1 : i32
        %get3A_637 = arith.index_cast %get3A_636 : i32 to index
        %get3A_638 = arith.index_cast %add3A_626 : i32 to index
        %get3A_639 = arith.constant 16 : index
        %get3A_640 = tpu.vector_load %arg8[%get3A_637, %get3A_638, %get3A_639] {strides = array<i32>} : memref<3x128x64xf32, #tpu.memory_space<vmem>>, vector<16xf32>,
        %get3A_641 = arith.constant 1 : i32
        %get3A_642 = arith.index_cast %get3A_641 : i32 to index
        %get3A_643 = arith.index_cast %add3A_626 : i32 to index
        %get3A_644 = arith.constant 32 : index
        %get3A_645 = tpu.vector_load %arg8[%get3A_642, %get3A_643, %get3A_644] {strides = array<i32>} : memref<3x128x64xf32, #tpu.memory_space<vmem>>, vector<16xf32>,
        %get3A_646 = arith.constant 1 : i32
        %get3A_647 = arith.index_cast %get3A_646 : i32 to index
        %get3A_648 = arith.index_cast %add3A_626 : i32 to index
        %get3A_649 = arith.constant 48 : index
        %get3A_650 = tpu.vector_load %arg8[%get3A_647, %get3A_648, %get3A_649] {strides = array<i32>} : memref<3x128x64xf32, #tpu.memory_space<vmem>>, vector<16xf32>,
        %gather3A_651 = tpu.vector_load_idx %arg9[%add3A_630, %broadcast_in_dim3A_132] : memref<384x8xf32, #tpu.memory_space<vmem>>[vector<16xi32>, vector<16xi32>], vector<16xf32>,
        %mul3A_652 = arith.mulf %gather3A_651, %get3A_7 : vector<16xf32>
        %add3A_653 = arith.addf %get3A_635, %mul3A_652 : vector<16xf32>
        %mul3A_654 = arith.mulf %gather3A_651, %get3A_11 : vector<16xf32>
        %add3A_655 = arith.addf %get3A_640, %mul3A_654 : vector<16xf32>
        %mul3A_656 = arith.mulf %gather3A_651, %get3A_15 : vector<16xf32>
        %add3A_657 = arith.addf %get3A_645, %mul3A_656 : vector<16xf32>
        %mul3A_658 = arith.mulf %gather3A_651, %get3A_19 : vector<16xf32>
        %add3A_659 = arith.addf %get3A_650, %mul3A_658 : vector<16xf32>
        %gather3A_660 = tpu.vector_load_idx %arg9[%add3A_630, %broadcast_in_dim3A_134] : memref<384x8xf32, #tpu.memory_space<vmem>>[vector<16xi32>, vector<16xi32>], vector<16xf32>,
        %mul3A_661 = arith.mulf %gather3A_660, %get3A_23 : vector<16xf32>
        %add3A_662 = arith.addf %add3A_653, %mul3A_661 : vector<16xf32>
        %mul3A_663 = arith.mulf %gather3A_660, %get3A_27 : vector<16xf32>
        %add3A_664 = arith.addf %add3A_655, %mul3A_663 : vector<16xf32>
        %mul3A_665 = arith.mulf %gather3A_660, %get3A_31 : vector<16xf32>
        %add3A_666 = arith.addf %add3A_657, %mul3A_665 : vector<16xf32>
        %mul3A_667 = arith.mulf %gather3A_660, %get3A_35 : vector<16xf32>
        %add3A_668 = arith.addf %add3A_659, %mul3A_667 : vector<16xf32>
        %gather3A_669 = tpu.vector_load_idx %arg9[%add3A_630, %broadcast_in_dim3A_136] : memref<384x8xf32, #tpu.memory_space<vmem>>[vector<16xi32>, vector<16xi32>], vector<16xf32>,
        %mul3A_670 = arith.mulf %gather3A_669, %get3A_39 : vector<16xf32>
        %add3A_671 = arith.addf %add3A_662, %mul3A_670 : vector<16xf32>
        %mul3A_672 = arith.mulf %gather3A_669, %get3A_43 : vector<16xf32>
        %add3A_673 = arith.addf %add3A_664, %mul3A_672 : vector<16xf32>
        %mul3A_674 = arith.mulf %gather3A_669, %get3A_47 : vector<16xf32>
        %add3A_675 = arith.addf %add3A_666, %mul3A_674 : vector<16xf32>
        %mul3A_676 = arith.mulf %gather3A_669, %get3A_51 : vector<16xf32>
        %add3A_677 = arith.addf %add3A_668, %mul3A_676 : vector<16xf32>
        %gather3A_678 = tpu.vector_load_idx %arg9[%add3A_630, %broadcast_in_dim3A_138] : memref<384x8xf32, #tpu.memory_space<vmem>>[vector<16xi32>, vector<16xi32>], vector<16xf32>,
        %mul3A_679 = arith.mulf %gather3A_678, %get3A_55 : vector<16xf32>
        %add3A_680 = arith.addf %add3A_671, %mul3A_679 : vector<16xf32>
        %mul3A_681 = arith.mulf %gather3A_678, %get3A_59 : vector<16xf32>
        %add3A_682 = arith.addf %add3A_673, %mul3A_681 : vector<16xf32>
        %mul3A_683 = arith.mulf %gather3A_678, %get3A_63 : vector<16xf32>
        %add3A_684 = arith.addf %add3A_675, %mul3A_683 : vector<16xf32>
        %mul3A_685 = arith.mulf %gather3A_678, %get3A_67 : vector<16xf32>
        %add3A_686 = arith.addf %add3A_677, %mul3A_685 : vector<16xf32>
        %gather3A_687 = tpu.vector_load_idx %arg9[%add3A_630, %broadcast_in_dim3A_140] : memref<384x8xf32, #tpu.memory_space<vmem>>[vector<16xi32>, vector<16xi32>], vector<16xf32>,
        %mul3A_688 = arith.mulf %gather3A_687, %get3A_71 : vector<16xf32>
        %add3A_689 = arith.addf %add3A_680, %mul3A_688 : vector<16xf32>
        %mul3A_690 = arith.mulf %gather3A_687, %get3A_75 : vector<16xf32>
        %add3A_691 = arith.addf %add3A_682, %mul3A_690 : vector<16xf32>
        %mul3A_692 = arith.mulf %gather3A_687, %get3A_79 : vector<16xf32>
        %add3A_693 = arith.addf %add3A_684, %mul3A_692 : vector<16xf32>
        %mul3A_694 = arith.mulf %gather3A_687, %get3A_83 : vector<16xf32>
        %add3A_695 = arith.addf %add3A_686, %mul3A_694 : vector<16xf32>
        %gather3A_696 = tpu.vector_load_idx %arg9[%add3A_630, %broadcast_in_dim3A_142] : memref<384x8xf32, #tpu.memory_space<vmem>>[vector<16xi32>, vector<16xi32>], vector<16xf32>,
        %mul3A_697 = arith.mulf %gather3A_696, %get3A_87 : vector<16xf32>
        %add3A_698 = arith.addf %add3A_689, %mul3A_697 : vector<16xf32>
        %mul3A_699 = arith.mulf %gather3A_696, %get3A_91 : vector<16xf32>
        %add3A_700 = arith.addf %add3A_691, %mul3A_699 : vector<16xf32>
        %mul3A_701 = arith.mulf %gather3A_696, %get3A_95 : vector<16xf32>
        %add3A_702 = arith.addf %add3A_693, %mul3A_701 : vector<16xf32>
        %mul3A_703 = arith.mulf %gather3A_696, %get3A_99 : vector<16xf32>
        %add3A_704 = arith.addf %add3A_695, %mul3A_703 : vector<16xf32>
        %gather3A_705 = tpu.vector_load_idx %arg9[%add3A_630, %broadcast_in_dim3A_144] : memref<384x8xf32, #tpu.memory_space<vmem>>[vector<16xi32>, vector<16xi32>], vector<16xf32>,
        %mul3A_706 = arith.mulf %gather3A_705, %get3A_103 : vector<16xf32>
        %add3A_707 = arith.addf %add3A_698, %mul3A_706 : vector<16xf32>
        %mul3A_708 = arith.mulf %gather3A_705, %get3A_107 : vector<16xf32>
        %add3A_709 = arith.addf %add3A_700, %mul3A_708 : vector<16xf32>
        %mul3A_710 = arith.mulf %gather3A_705, %get3A_111 : vector<16xf32>
        %add3A_711 = arith.addf %add3A_702, %mul3A_710 : vector<16xf32>
        %mul3A_712 = arith.mulf %gather3A_705, %get3A_115 : vector<16xf32>
        %add3A_713 = arith.addf %add3A_704, %mul3A_712 : vector<16xf32>
        %gather3A_714 = tpu.vector_load_idx %arg9[%add3A_630, %broadcast_in_dim3A_146] : memref<384x8xf32, #tpu.memory_space<vmem>>[vector<16xi32>, vector<16xi32>], vector<16xf32>,
        %mul3A_715 = arith.mulf %gather3A_714, %get3A_119 : vector<16xf32>
        %add3A_716 = arith.addf %add3A_707, %mul3A_715 : vector<16xf32>
        %mul3A_717 = arith.mulf %gather3A_714, %get3A_123 : vector<16xf32>
        %add3A_718 = arith.addf %add3A_709, %mul3A_717 : vector<16xf32>
        %mul3A_719 = arith.mulf %gather3A_714, %get3A_127 : vector<16xf32>
        %add3A_720 = arith.addf %add3A_711, %mul3A_719 : vector<16xf32>
        %mul3A_721 = arith.mulf %gather3A_714, %get3A_131 : vector<16xf32>
        %add3A_722 = arith.addf %add3A_713, %mul3A_721 : vector<16xf32>
        %swap3A_723 = arith.constant 1 : i32
        %swap3A_724 = arith.index_cast %swap3A_723 : i32 to index
        %swap3A_725 = arith.index_cast %add3A_626 : i32 to index
        %swap3A_726 = arith.constant 0 : index
        %swap3A_727 = tpu.vector_load %arg8[%swap3A_724, %swap3A_725, %swap3A_726] {strides = array<i32>} : memref<3x128x64xf32, #tpu.memory_space<vmem>>, vector<16xf32>,
        tpu.vector_store %arg8[%swap3A_724, %swap3A_725, %swap3A_726], %add3A_716 {strides = array<i32>} : memref<3x128x64xf32, #tpu.memory_space<vmem>>, vector<16xf32>,
        %swap3A_728 = arith.constant 1 : i32
        %swap3A_729 = arith.index_cast %swap3A_728 : i32 to index
        %swap3A_730 = arith.index_cast %add3A_626 : i32 to index
        %swap3A_731 = arith.constant 16 : index
        %swap3A_732 = tpu.vector_load %arg8[%swap3A_729, %swap3A_730, %swap3A_731] {strides = array<i32>} : memref<3x128x64xf32, #tpu.memory_space<vmem>>, vector<16xf32>,
        tpu.vector_store %arg8[%swap3A_729, %swap3A_730, %swap3A_731], %add3A_718 {strides = array<i32>} : memref<3x128x64xf32, #tpu.memory_space<vmem>>, vector<16xf32>,
        %swap3A_733 = arith.constant 1 : i32
        %swap3A_734 = arith.index_cast %swap3A_733 : i32 to index
        %swap3A_735 = arith.index_cast %add3A_626 : i32 to index
        %swap3A_736 = arith.constant 32 : index
        %swap3A_737 = tpu.vector_load %arg8[%swap3A_734, %swap3A_735, %swap3A_736] {strides = array<i32>} : memref<3x128x64xf32, #tpu.memory_space<vmem>>, vector<16xf32>,
        tpu.vector_store %arg8[%swap3A_734, %swap3A_735, %swap3A_736], %add3A_720 {strides = array<i32>} : memref<3x128x64xf32, #tpu.memory_space<vmem>>, vector<16xf32>,
        %swap3A_738 = arith.constant 1 : i32
        %swap3A_739 = arith.index_cast %swap3A_738 : i32 to index
        %swap3A_740 = arith.index_cast %add3A_626 : i32 to index
        %swap3A_741 = arith.constant 48 : index
        %swap3A_742 = tpu.vector_load %arg8[%swap3A_739, %swap3A_740, %swap3A_741] {strides = array<i32>} : memref<3x128x64xf32, #tpu.memory_space<vmem>>, vector<16xf32>,
        tpu.vector_store %arg8[%swap3A_739, %swap3A_740, %swap3A_741], %add3A_722 {strides = array<i32>} : memref<3x128x64xf32, #tpu.memory_space<vmem>>, vector<16xf32>,
        %mul3A_743 = arith.constant 4 : i32
        %mul3A_744 = arith.muli %scan3A_504, %mul3A_743 : i32
        %add3A_745 = arith.constant 2 : i32
        %add3A_746 = arith.addi %mul3A_744, %add3A_745 : i32
        %broadcast_in_dim3A_747 = arith.constant 128 : i32
        %broadcast_in_dim3A_748 = vector.broadcast %broadcast_in_dim3A_747 : i32 to vector<16xi32>
        %add3A_749 = vector.broadcast %add3A_746 : i32 to vector<16xi32>
        %add3A_750 = arith.addi %broadcast_in_dim3A_748, %add3A_749 : vector<16xi32>
        %get3A_751 = arith.constant 1 : i32
        %get3A_752 = arith.index_cast %get3A_751 : i32 to index
        %get3A_753 = arith.index_cast %add3A_746 : i32 to index
        %get3A_754 = arith.constant 0 : index
        %get3A_755 = tpu.vector_load %arg8[%get3A_752, %get3A_753, %get3A_754] {strides = array<i32>} : memref<3x128x64xf32, #tpu.memory_space<vmem>>, vector<16xf32>,
        %get3A_756 = arith.constant 1 : i32
        %get3A_757 = arith.index_cast %get3A_756 : i32 to index
        %get3A_758 = arith.index_cast %add3A_746 : i32 to index
        %get3A_759 = arith.constant 16 : index
        %get3A_760 = tpu.vector_load %arg8[%get3A_757, %get3A_758, %get3A_759] {strides = array<i32>} : memref<3x128x64xf32, #tpu.memory_space<vmem>>, vector<16xf32>,
        %get3A_761 = arith.constant 1 : i32
        %get3A_762 = arith.index_cast %get3A_761 : i32 to index
        %get3A_763 = arith.index_cast %add3A_746 : i32 to index
        %get3A_764 = arith.constant 32 : index
        %get3A_765 = tpu.vector_load %arg8[%get3A_762, %get3A_763, %get3A_764] {strides = array<i32>} : memref<3x128x64xf32, #tpu.memory_space<vmem>>, vector<16xf32>,
        %get3A_766 = arith.constant 1 : i32
        %get3A_767 = arith.index_cast %get3A_766 : i32 to index
        %get3A_768 = arith.index_cast %add3A_746 : i32 to index
        %get3A_769 = arith.constant 48 : index
        %get3A_770 = tpu.vector_load %arg8[%get3A_767, %get3A_768, %get3A_769] {strides = array<i32>} : memref<3x128x64xf32, #tpu.memory_space<vmem>>, vector<16xf32>,
        %gather3A_771 = tpu.vector_load_idx %arg9[%add3A_750, %broadcast_in_dim3A_132] : memref<384x8xf32, #tpu.memory_space<vmem>>[vector<16xi32>, vector<16xi32>], vector<16xf32>,
        %mul3A_772 = arith.mulf %gather3A_771, %get3A_7 : vector<16xf32>
        %add3A_773 = arith.addf %get3A_755, %mul3A_772 : vector<16xf32>
        %mul3A_774 = arith.mulf %gather3A_771, %get3A_11 : vector<16xf32>
        %add3A_775 = arith.addf %get3A_760, %mul3A_774 : vector<16xf32>
        %mul3A_776 = arith.mulf %gather3A_771, %get3A_15 : vector<16xf32>
        %add3A_777 = arith.addf %get3A_765, %mul3A_776 : vector<16xf32>
        %mul3A_778 = arith.mulf %gather3A_771, %get3A_19 : vector<16xf32>
        %add3A_779 = arith.addf %get3A_770, %mul3A_778 : vector<16xf32>
        %gather3A_780 = tpu.vector_load_idx %arg9[%add3A_750, %broadcast_in_dim3A_134] : memref<384x8xf32, #tpu.memory_space<vmem>>[vector<16xi32>, vector<16xi32>], vector<16xf32>,
        %mul3A_781 = arith.mulf %gather3A_780, %get3A_23 : vector<16xf32>
        %add3A_782 = arith.addf %add3A_773, %mul3A_781 : vector<16xf32>
        %mul3A_783 = arith.mulf %gather3A_780, %get3A_27 : vector<16xf32>
        %add3A_784 = arith.addf %add3A_775, %mul3A_783 : vector<16xf32>
        %mul3A_785 = arith.mulf %gather3A_780, %get3A_31 : vector<16xf32>
        %add3A_786 = arith.addf %add3A_777, %mul3A_785 : vector<16xf32>
        %mul3A_787 = arith.mulf %gather3A_780, %get3A_35 : vector<16xf32>
        %add3A_788 = arith.addf %add3A_779, %mul3A_787 : vector<16xf32>
        %gather3A_789 = tpu.vector_load_idx %arg9[%add3A_750, %broadcast_in_dim3A_136] : memref<384x8xf32, #tpu.memory_space<vmem>>[vector<16xi32>, vector<16xi32>], vector<16xf32>,
        %mul3A_790 = arith.mulf %gather3A_789, %get3A_39 : vector<16xf32>
        %add3A_791 = arith.addf %add3A_782, %mul3A_790 : vector<16xf32>
        %mul3A_792 = arith.mulf %gather3A_789, %get3A_43 : vector<16xf32>
        %add3A_793 = arith.addf %add3A_784, %mul3A_792 : vector<16xf32>
        %mul3A_794 = arith.mulf %gather3A_789, %get3A_47 : vector<16xf32>
        %add3A_795 = arith.addf %add3A_786, %mul3A_794 : vector<16xf32>
        %mul3A_796 = arith.mulf %gather3A_789, %get3A_51 : vector<16xf32>
        %add3A_797 = arith.addf %add3A_788, %mul3A_796 : vector<16xf32>
        %gather3A_798 = tpu.vector_load_idx %arg9[%add3A_750, %broadcast_in_dim3A_138] : memref<384x8xf32, #tpu.memory_space<vmem>>[vector<16xi32>, vector<16xi32>], vector<16xf32>,
        %mul3A_799 = arith.mulf %gather3A_798, %get3A_55 : vector<16xf32>
        %add3A_800 = arith.addf %add3A_791, %mul3A_799 : vector<16xf32>
        %mul3A_801 = arith.mulf %gather3A_798, %get3A_59 : vector<16xf32>
        %add3A_802 = arith.addf %add3A_793, %mul3A_801 : vector<16xf32>
        %mul3A_803 = arith.mulf %gather3A_798, %get3A_63 : vector<16xf32>
        %add3A_804 = arith.addf %add3A_795, %mul3A_803 : vector<16xf32>
        %mul3A_805 = arith.mulf %gather3A_798, %get3A_67 : vector<16xf32>
        %add3A_806 = arith.addf %add3A_797, %mul3A_805 : vector<16xf32>
        %gather3A_807 = tpu.vector_load_idx %arg9[%add3A_750, %broadcast_in_dim3A_140] : memref<384x8xf32, #tpu.memory_space<vmem>>[vector<16xi32>, vector<16xi32>], vector<16xf32>,
        %mul3A_808 = arith.mulf %gather3A_807, %get3A_71 : vector<16xf32>
        %add3A_809 = arith.addf %add3A_800, %mul3A_808 : vector<16xf32>
        %mul3A_810 = arith.mulf %gather3A_807, %get3A_75 : vector<16xf32>
        %add3A_811 = arith.addf %add3A_802, %mul3A_810 : vector<16xf32>
        %mul3A_812 = arith.mulf %gather3A_807, %get3A_79 : vector<16xf32>
        %add3A_813 = arith.addf %add3A_804, %mul3A_812 : vector<16xf32>
        %mul3A_814 = arith.mulf %gather3A_807, %get3A_83 : vector<16xf32>
        %add3A_815 = arith.addf %add3A_806, %mul3A_814 : vector<16xf32>
        %gather3A_816 = tpu.vector_load_idx %arg9[%add3A_750, %broadcast_in_dim3A_142] : memref<384x8xf32, #tpu.memory_space<vmem>>[vector<16xi32>, vector<16xi32>], vector<16xf32>,
        %mul3A_817 = arith.mulf %gather3A_816, %get3A_87 : vector<16xf32>
        %add3A_818 = arith.addf %add3A_809, %mul3A_817 : vector<16xf32>
        %mul3A_819 = arith.mulf %gather3A_816, %get3A_91 : vector<16xf32>
        %add3A_820 = arith.addf %add3A_811, %mul3A_819 : vector<16xf32>
        %mul3A_821 = arith.mulf %gather3A_816, %get3A_95 : vector<16xf32>
        %add3A_822 = arith.addf %add3A_813, %mul3A_821 : vector<16xf32>
        %mul3A_823 = arith.mulf %gather3A_816, %get3A_99 : vector<16xf32>
        %add3A_824 = arith.addf %add3A_815, %mul3A_823 : vector<16xf32>
        %gather3A_825 = tpu.vector_load_idx %arg9[%add3A_750, %broadcast_in_dim3A_144] : memref<384x8xf32, #tpu.memory_space<vmem>>[vector<16xi32>, vector<16xi32>], vector<16xf32>,
        %mul3A_826 = arith.mulf %gather3A_825, %get3A_103 : vector<16xf32>
        %add3A_827 = arith.addf %add3A_818, %mul3A_826 : vector<16xf32>
        %mul3A_828 = arith.mulf %gather3A_825, %get3A_107 : vector<16xf32>
        %add3A_829 = arith.addf %add3A_820, %mul3A_828 : vector<16xf32>
        %mul3A_830 = arith.mulf %gather3A_825, %get3A_111 : vector<16xf32>
        %add3A_831 = arith.addf %add3A_822, %mul3A_830 : vector<16xf32>
        %mul3A_832 = arith.mulf %gather3A_825, %get3A_115 : vector<16xf32>
        %add3A_833 = arith.addf %add3A_824, %mul3A_832 : vector<16xf32>
        %gather3A_834 = tpu.vector_load_idx %arg9[%add3A_750, %broadcast_in_dim3A_146] : memref<384x8xf32, #tpu.memory_space<vmem>>[vector<16xi32>, vector<16xi32>], vector<16xf32>,
        %mul3A_835 = arith.mulf %gather3A_834, %get3A_119 : vector<16xf32>
        %add3A_836 = arith.addf %add3A_827, %mul3A_835 : vector<16xf32>
        %mul3A_837 = arith.mulf %gather3A_834, %get3A_123 : vector<16xf32>
        %add3A_838 = arith.addf %add3A_829, %mul3A_837 : vector<16xf32>
        %mul3A_839 = arith.mulf %gather3A_834, %get3A_127 : vector<16xf32>
        %add3A_840 = arith.addf %add3A_831, %mul3A_839 : vector<16xf32>
        %mul3A_841 = arith.mulf %gather3A_834, %get3A_131 : vector<16xf32>
        %add3A_842 = arith.addf %add3A_833, %mul3A_841 : vector<16xf32>
        %swap3A_843 = arith.constant 1 : i32
        %swap3A_844 = arith.index_cast %swap3A_843 : i32 to index
        %swap3A_845 = arith.index_cast %add3A_746 : i32 to index
        %swap3A_846 = arith.constant 0 : index
        %swap3A_847 = tpu.vector_load %arg8[%swap3A_844, %swap3A_845, %swap3A_846] {strides = array<i32>} : memref<3x128x64xf32, #tpu.memory_space<vmem>>, vector<16xf32>,
        tpu.vector_store %arg8[%swap3A_844, %swap3A_845, %swap3A_846], %add3A_836 {strides = array<i32>} : memref<3x128x64xf32, #tpu.memory_space<vmem>>, vector<16xf32>,
        %swap3A_848 = arith.constant 1 : i32
        %swap3A_849 = arith.index_cast %swap3A_848 : i32 to index
        %swap3A_850 = arith.index_cast %add3A_746 : i32 to index
        %swap3A_851 = arith.constant 16 : index
        %swap3A_852 = tpu.vector_load %arg8[%swap3A_849, %swap3A_850, %swap3A_851] {strides = array<i32>} : memref<3x128x64xf32, #tpu.memory_space<vmem>>, vector<16xf32>,
        tpu.vector_store %arg8[%swap3A_849, %swap3A_850, %swap3A_851], %add3A_838 {strides = array<i32>} : memref<3x128x64xf32, #tpu.memory_space<vmem>>, vector<16xf32>,
        %swap3A_853 = arith.constant 1 : i32
        %swap3A_854 = arith.index_cast %swap3A_853 : i32 to index
        %swap3A_855 = arith.index_cast %add3A_746 : i32 to index
        %swap3A_856 = arith.constant 32 : index
        %swap3A_857 = tpu.vector_load %arg8[%swap3A_854, %swap3A_855, %swap3A_856] {strides = array<i32>} : memref<3x128x64xf32, #tpu.memory_space<vmem>>, vector<16xf32>,
        tpu.vector_store %arg8[%swap3A_854, %swap3A_855, %swap3A_856], %add3A_840 {strides = array<i32>} : memref<3x128x64xf32, #tpu.memory_space<vmem>>, vector<16xf32>,
        %swap3A_858 = arith.constant 1 : i32
        %swap3A_859 = arith.index_cast %swap3A_858 : i32 to index
        %swap3A_860 = arith.index_cast %add3A_746 : i32 to index
        %swap3A_861 = arith.constant 48 : index
        %swap3A_862 = tpu.vector_load %arg8[%swap3A_859, %swap3A_860, %swap3A_861] {strides = array<i32>} : memref<3x128x64xf32, #tpu.memory_space<vmem>>, vector<16xf32>,
        tpu.vector_store %arg8[%swap3A_859, %swap3A_860, %swap3A_861], %add3A_842 {strides = array<i32>} : memref<3x128x64xf32, #tpu.memory_space<vmem>>, vector<16xf32>,
        %mul3A_863 = arith.constant 4 : i32
        %mul3A_864 = arith.muli %scan3A_504, %mul3A_863 : i32
        %add3A_865 = arith.constant 3 : i32
        %add3A_866 = arith.addi %mul3A_864, %add3A_865 : i32
        %broadcast_in_dim3A_867 = arith.constant 128 : i32
        %broadcast_in_dim3A_868 = vector.broadcast %broadcast_in_dim3A_867 : i32 to vector<16xi32>
        %add3A_869 = vector.broadcast %add3A_866 : i32 to vector<16xi32>
        %add3A_870 = arith.addi %broadcast_in_dim3A_868, %add3A_869 : vector<16xi32>
        %get3A_871 = arith.constant 1 : i32
        %get3A_872 = arith.index_cast %get3A_871 : i32 to index
        %get3A_873 = arith.index_cast %add3A_866 : i32 to index
        %get3A_874 = arith.constant 0 : index
        %get3A_875 = tpu.vector_load %arg8[%get3A_872, %get3A_873, %get3A_874] {strides = array<i32>} : memref<3x128x64xf32, #tpu.memory_space<vmem>>, vector<16xf32>,
        %get3A_876 = arith.constant 1 : i32
        %get3A_877 = arith.index_cast %get3A_876 : i32 to index
        %get3A_878 = arith.index_cast %add3A_866 : i32 to index
        %get3A_879 = arith.constant 16 : index
        %get3A_880 = tpu.vector_load %arg8[%get3A_877, %get3A_878, %get3A_879] {strides = array<i32>} : memref<3x128x64xf32, #tpu.memory_space<vmem>>, vector<16xf32>,
        %get3A_881 = arith.constant 1 : i32
        %get3A_882 = arith.index_cast %get3A_881 : i32 to index
        %get3A_883 = arith.index_cast %add3A_866 : i32 to index
        %get3A_884 = arith.constant 32 : index
        %get3A_885 = tpu.vector_load %arg8[%get3A_882, %get3A_883, %get3A_884] {strides = array<i32>} : memref<3x128x64xf32, #tpu.memory_space<vmem>>, vector<16xf32>,
        %get3A_886 = arith.constant 1 : i32
        %get3A_887 = arith.index_cast %get3A_886 : i32 to index
        %get3A_888 = arith.index_cast %add3A_866 : i32 to index
        %get3A_889 = arith.constant 48 : index
        %get3A_890 = tpu.vector_load %arg8[%get3A_887, %get3A_888, %get3A_889] {strides = array<i32>} : memref<3x128x64xf32, #tpu.memory_space<vmem>>, vector<16xf32>,
        %gather3A_891 = tpu.vector_load_idx %arg9[%add3A_870, %broadcast_in_dim3A_132] : memref<384x8xf32, #tpu.memory_space<vmem>>[vector<16xi32>, vector<16xi32>], vector<16xf32>,
        %mul3A_892 = arith.mulf %gather3A_891, %get3A_7 : vector<16xf32>
        %add3A_893 = arith.addf %get3A_875, %mul3A_892 : vector<16xf32>
        %mul3A_894 = arith.mulf %gather3A_891, %get3A_11 : vector<16xf32>
        %add3A_895 = arith.addf %get3A_880, %mul3A_894 : vector<16xf32>
        %mul3A_896 = arith.mulf %gather3A_891, %get3A_15 : vector<16xf32>
        %add3A_897 = arith.addf %get3A_885, %mul3A_896 : vector<16xf32>
        %mul3A_898 = arith.mulf %gather3A_891, %get3A_19 : vector<16xf32>
        %add3A_899 = arith.addf %get3A_890, %mul3A_898 : vector<16xf32>
        %gather3A_900 = tpu.vector_load_idx %arg9[%add3A_870, %broadcast_in_dim3A_134] : memref<384x8xf32, #tpu.memory_space<vmem>>[vector<16xi32>, vector<16xi32>], vector<16xf32>,
        %mul3A_901 = arith.mulf %gather3A_900, %get3A_23 : vector<16xf32>
        %add3A_902 = arith.addf %add3A_893, %mul3A_901 : vector<16xf32>
        %mul3A_903 = arith.mulf %gather3A_900, %get3A_27 : vector<16xf32>
        %add3A_904 = arith.addf %add3A_895, %mul3A_903 : vector<16xf32>
        %mul3A_905 = arith.mulf %gather3A_900, %get3A_31 : vector<16xf32>
        %add3A_906 = arith.addf %add3A_897, %mul3A_905 : vector<16xf32>
        %mul3A_907 = arith.mulf %gather3A_900, %get3A_35 : vector<16xf32>
        %add3A_908 = arith.addf %add3A_899, %mul3A_907 : vector<16xf32>
        %gather3A_909 = tpu.vector_load_idx %arg9[%add3A_870, %broadcast_in_dim3A_136] : memref<384x8xf32, #tpu.memory_space<vmem>>[vector<16xi32>, vector<16xi32>], vector<16xf32>,
        %mul3A_910 = arith.mulf %gather3A_909, %get3A_39 : vector<16xf32>
        %add3A_911 = arith.addf %add3A_902, %mul3A_910 : vector<16xf32>
        %mul3A_912 = arith.mulf %gather3A_909, %get3A_43 : vector<16xf32>
        %add3A_913 = arith.addf %add3A_904, %mul3A_912 : vector<16xf32>
        %mul3A_914 = arith.mulf %gather3A_909, %get3A_47 : vector<16xf32>
        %add3A_915 = arith.addf %add3A_906, %mul3A_914 : vector<16xf32>
        %mul3A_916 = arith.mulf %gather3A_909, %get3A_51 : vector<16xf32>
        %add3A_917 = arith.addf %add3A_908, %mul3A_916 : vector<16xf32>
        %gather3A_918 = tpu.vector_load_idx %arg9[%add3A_870, %broadcast_in_dim3A_138] : memref<384x8xf32, #tpu.memory_space<vmem>>[vector<16xi32>, vector<16xi32>], vector<16xf32>,
        %mul3A_919 = arith.mulf %gather3A_918, %get3A_55 : vector<16xf32>
        %add3A_920 = arith.addf %add3A_911, %mul3A_919 : vector<16xf32>
        %mul3A_921 = arith.mulf %gather3A_918, %get3A_59 : vector<16xf32>
        %add3A_922 = arith.addf %add3A_913, %mul3A_921 : vector<16xf32>
        %mul3A_923 = arith.mulf %gather3A_918, %get3A_63 : vector<16xf32>
        %add3A_924 = arith.addf %add3A_915, %mul3A_923 : vector<16xf32>
        %mul3A_925 = arith.mulf %gather3A_918, %get3A_67 : vector<16xf32>
        %add3A_926 = arith.addf %add3A_917, %mul3A_925 : vector<16xf32>
        %gather3A_927 = tpu.vector_load_idx %arg9[%add3A_870, %broadcast_in_dim3A_140] : memref<384x8xf32, #tpu.memory_space<vmem>>[vector<16xi32>, vector<16xi32>], vector<16xf32>,
        %mul3A_928 = arith.mulf %gather3A_927, %get3A_71 : vector<16xf32>
        %add3A_929 = arith.addf %add3A_920, %mul3A_928 : vector<16xf32>
        %mul3A_930 = arith.mulf %gather3A_927, %get3A_75 : vector<16xf32>
        %add3A_931 = arith.addf %add3A_922, %mul3A_930 : vector<16xf32>
        %mul3A_932 = arith.mulf %gather3A_927, %get3A_79 : vector<16xf32>
        %add3A_933 = arith.addf %add3A_924, %mul3A_932 : vector<16xf32>
        %mul3A_934 = arith.mulf %gather3A_927, %get3A_83 : vector<16xf32>
        %add3A_935 = arith.addf %add3A_926, %mul3A_934 : vector<16xf32>
        %gather3A_936 = tpu.vector_load_idx %arg9[%add3A_870, %broadcast_in_dim3A_142] : memref<384x8xf32, #tpu.memory_space<vmem>>[vector<16xi32>, vector<16xi32>], vector<16xf32>,
        %mul3A_937 = arith.mulf %gather3A_936, %get3A_87 : vector<16xf32>
        %add3A_938 = arith.addf %add3A_929, %mul3A_937 : vector<16xf32>
        %mul3A_939 = arith.mulf %gather3A_936, %get3A_91 : vector<16xf32>
        %add3A_940 = arith.addf %add3A_931, %mul3A_939 : vector<16xf32>
        %mul3A_941 = arith.mulf %gather3A_936, %get3A_95 : vector<16xf32>
        %add3A_942 = arith.addf %add3A_933, %mul3A_941 : vector<16xf32>
        %mul3A_943 = arith.mulf %gather3A_936, %get3A_99 : vector<16xf32>
        %add3A_944 = arith.addf %add3A_935, %mul3A_943 : vector<16xf32>
        %gather3A_945 = tpu.vector_load_idx %arg9[%add3A_870, %broadcast_in_dim3A_144] : memref<384x8xf32, #tpu.memory_space<vmem>>[vector<16xi32>, vector<16xi32>], vector<16xf32>,
        %mul3A_946 = arith.mulf %gather3A_945, %get3A_103 : vector<16xf32>
        %add3A_947 = arith.addf %add3A_938, %mul3A_946 : vector<16xf32>
        %mul3A_948 = arith.mulf %gather3A_945, %get3A_107 : vector<16xf32>
        %add3A_949 = arith.addf %add3A_940, %mul3A_948 : vector<16xf32>
        %mul3A_950 = arith.mulf %gather3A_945, %get3A_111 : vector<16xf32>
        %add3A_951 = arith.addf %add3A_942, %mul3A_950 : vector<16xf32>
        %mul3A_952 = arith.mulf %gather3A_945, %get3A_115 : vector<16xf32>
        %add3A_953 = arith.addf %add3A_944, %mul3A_952 : vector<16xf32>
        %gather3A_954 = tpu.vector_load_idx %arg9[%add3A_870, %broadcast_in_dim3A_146] : memref<384x8xf32, #tpu.memory_space<vmem>>[vector<16xi32>, vector<16xi32>], vector<16xf32>,
        %mul3A_955 = arith.mulf %gather3A_954, %get3A_119 : vector<16xf32>
        %add3A_956 = arith.addf %add3A_947, %mul3A_955 : vector<16xf32>
        %mul3A_957 = arith.mulf %gather3A_954, %get3A_123 : vector<16xf32>
        %add3A_958 = arith.addf %add3A_949, %mul3A_957 : vector<16xf32>
        %mul3A_959 = arith.mulf %gather3A_954, %get3A_127 : vector<16xf32>
        %add3A_960 = arith.addf %add3A_951, %mul3A_959 : vector<16xf32>
        %mul3A_961 = arith.mulf %gather3A_954, %get3A_131 : vector<16xf32>
        %add3A_962 = arith.addf %add3A_953, %mul3A_961 : vector<16xf32>
        %swap3A_963 = arith.constant 1 : i32
        %swap3A_964 = arith.index_cast %swap3A_963 : i32 to index
        %swap3A_965 = arith.index_cast %add3A_866 : i32 to index
        %swap3A_966 = arith.constant 0 : index
        %swap3A_967 = tpu.vector_load %arg8[%swap3A_964, %swap3A_965, %swap3A_966] {strides = array<i32>} : memref<3x128x64xf32, #tpu.memory_space<vmem>>, vector<16xf32>,
        tpu.vector_store %arg8[%swap3A_964, %swap3A_965, %swap3A_966], %add3A_956 {strides = array<i32>} : memref<3x128x64xf32, #tpu.memory_space<vmem>>, vector<16xf32>,
        %swap3A_968 = arith.constant 1 : i32
        %swap3A_969 = arith.index_cast %swap3A_968 : i32 to index
        %swap3A_970 = arith.index_cast %add3A_866 : i32 to index
        %swap3A_971 = arith.constant 16 : index
        %swap3A_972 = tpu.vector_load %arg8[%swap3A_969, %swap3A_970, %swap3A_971] {strides = array<i32>} : memref<3x128x64xf32, #tpu.memory_space<vmem>>, vector<16xf32>,
        tpu.vector_store %arg8[%swap3A_969, %swap3A_970, %swap3A_971], %add3A_958 {strides = array<i32>} : memref<3x128x64xf32, #tpu.memory_space<vmem>>, vector<16xf32>,
        %swap3A_973 = arith.constant 1 : i32
        %swap3A_974 = arith.index_cast %swap3A_973 : i32 to index
        %swap3A_975 = arith.index_cast %add3A_866 : i32 to index
        %swap3A_976 = arith.constant 32 : index
        %swap3A_977 = tpu.vector_load %arg8[%swap3A_974, %swap3A_975, %swap3A_976] {strides = array<i32>} : memref<3x128x64xf32, #tpu.memory_space<vmem>>, vector<16xf32>,
        tpu.vector_store %arg8[%swap3A_974, %swap3A_975, %swap3A_976], %add3A_960 {strides = array<i32>} : memref<3x128x64xf32, #tpu.memory_space<vmem>>, vector<16xf32>,
        %swap3A_978 = arith.constant 1 : i32
        %swap3A_979 = arith.index_cast %swap3A_978 : i32 to index
        %swap3A_980 = arith.index_cast %add3A_866 : i32 to index
        %swap3A_981 = arith.constant 48 : index
        %swap3A_982 = tpu.vector_load %arg8[%swap3A_979, %swap3A_980, %swap3A_981] {strides = array<i32>} : memref<3x128x64xf32, #tpu.memory_space<vmem>>, vector<16xf32>,
        tpu.vector_store %arg8[%swap3A_979, %swap3A_980, %swap3A_981], %add3A_962 {strides = array<i32>} : memref<3x128x64xf32, #tpu.memory_space<vmem>>, vector<16xf32>,
      }
      %scan3A_427 = arith.constant 32 : i32
      %mul3A_428 = arith.constant 128 : i32
      %mul3A_429 = arith.muli %add3A_401, %mul3A_428 : i32
      %add3A_430 = arith.addi %mul3A_4, %mul3A_429 : i32
      %dma_start3A_431 = arith.constant 1 : i32
      %dma_start3A_432 = arith.constant 0 : i32
      %dma_start3A_433 = arith.constant 0 : i32
      %dma_start3A_434 = tpu.memref_slice %arg8[%dma_start3A_431, %dma_start3A_432, %dma_start3A_433] : memref<3x128x64xf32, #tpu.memory_space<vmem>> -> memref<1x128x64xf32, #tpu.memory_space<vmem>>
      %dma_start3A_435 = tpu.memref_squeeze %dma_start3A_434 : memref<1x128x64xf32, #tpu.memory_space<vmem>> -> memref<128x64xf32, #tpu.memory_space<vmem>>
      %dma_start3A_436 = arith.constant 0 : i32
      %dma_start3A_437 = tpu.memref_slice %arg6[%add3A_430, %dma_start3A_436] : memref<327680x64xf32, #tpu.memory_space<hbm>> -> memref<128x64xf32, #tpu.memory_space<hbm>>
      %dma_start3A_438 = arith.constant 0 : i32
      %dma_start3A_439 = tpu.memref_slice %arg6[%add3A_430, %dma_start3A_438] : memref<327680x64xf32, #tpu.memory_space<hbm>> -> memref<128x64xf32, #tpu.memory_space<hbm>>
      %dma_start3A_440 = arith.constant 0 : i32
      %dma_start3A_441 = arith.constant 0 : i32
      %dma_start3A_442 = tpu.memref_slice %arg8[%dma_start3A_431, %dma_start3A_440, %dma_start3A_441] : memref<3x128x64xf32, #tpu.memory_space<vmem>> -> memref<1x128x64xf32, #tpu.memory_space<vmem>>
      %dma_start3A_443 = tpu.memref_squeeze %dma_start3A_442 : memref<1x128x64xf32, #tpu.memory_space<vmem>> -> memref<128x64xf32, #tpu.memory_space<vmem>>
      tpu.enqueue_dma source(%dma_start3A_443 : memref<128x64xf32, #tpu.memory_space<vmem>>) target(%dma_start3A_439 : memref<128x64xf32, #tpu.memory_space<hbm>>) target_semaphore(%arg14 : memref<!tpu.dma_semaphore, #tpu.memory_space<semaphore_mem>>)
      %add3A_444 = arith.constant 2 : i32
      %add3A_445 = arith.addi %add3A_401, %add3A_444 : i32
      %lt3A_446 = arith.constant 80 : i32
      %lt3A_447 = arith.cmpi slt, %add3A_445, %lt3A_446 : i32
      %convert_element_type3A_448 = arith.extui %lt3A_447 : i1 to i32
      %cond3A_449 = arith.constant 0 : i32
      %cond3A_450 = arith.cmpi ne, %convert_element_type3A_448, %cond3A_449 : i32
      scf.if %cond3A_450 {
        %ge3A = arith.constant 1 : i32
        %ge3A_504 = arith.cmpi sge, %add3A_401, %ge3A : i32
        %convert_element_type3A_505 = arith.extui %ge3A_504 : i1 to i32
        %cond3A_506 = arith.constant 0 : i32
        %cond3A_507 = arith.cmpi ne, %convert_element_type3A_505, %cond3A_506 : i32
        scf.if %cond3A_507 {
          %sub3A = arith.constant 1 : i32
          %sub3A_530 = arith.subi %add3A_401, %sub3A : i32
          %mul3A_531 = arith.constant 128 : i32
          %mul3A_532 = arith.muli %sub3A_530, %mul3A_531 : i32
          %add3A_533 = arith.addi %mul3A_4, %mul3A_532 : i32
          %dma_wait3A_534 = arith.constant 0 : i32
          %dma_wait3A_535 = arith.constant 0 : i32
          %dma_wait3A_536 = arith.constant 0 : i32
          %dma_wait3A_537 = tpu.memref_slice %arg8[%dma_wait3A_534, %dma_wait3A_535, %dma_wait3A_536] : memref<3x128x64xf32, #tpu.memory_space<vmem>> -> memref<1x128x64xf32, #tpu.memory_space<vmem>>
          %dma_wait3A_538 = tpu.memref_squeeze %dma_wait3A_537 : memref<1x128x64xf32, #tpu.memory_space<vmem>> -> memref<128x64xf32, #tpu.memory_space<vmem>>
          %dma_wait3A_539 = arith.constant 0 : i32
          %dma_wait3A_540 = tpu.memref_slice %arg6[%add3A_533, %dma_wait3A_539] : memref<327680x64xf32, #tpu.memory_space<hbm>> -> memref<128x64xf32, #tpu.memory_space<hbm>>
          %dma_wait3A_541 = arith.constant 0 : i32
          %dma_wait3A_542 = tpu.memref_slice %arg6[%add3A_533, %dma_wait3A_541] : memref<327680x64xf32, #tpu.memory_space<hbm>> -> memref<128x64xf32, #tpu.memory_space<hbm>>
          %dma_wait3A_543 = arith.constant 0 : i32
          %dma_wait3A_544 = arith.constant 0 : i32
          %dma_wait3A_545 = tpu.memref_slice %arg8[%dma_wait3A_534, %dma_wait3A_543, %dma_wait3A_544] : memref<3x128x64xf32, #tpu.memory_space<vmem>> -> memref<1x128x64xf32, #tpu.memory_space<vmem>>
          %dma_wait3A_546 = tpu.memref_squeeze %dma_wait3A_545 : memref<1x128x64xf32, #tpu.memory_space<vmem>> -> memref<128x64xf32, #tpu.memory_space<vmem>>
          tpu.wait_dma2 semaphore(%arg14 : memref<!tpu.dma_semaphore, #tpu.memory_space<semaphore_mem>>) src(%dma_wait3A_546 : memref<128x64xf32, #tpu.memory_space<vmem>>) dst(%dma_wait3A_542 : memref<128x64xf32, #tpu.memory_space<hbm>>)
        } else {
        }
        %add3A_508 = arith.constant 2 : i32
        %add3A_509 = arith.addi %add3A_401, %add3A_508 : i32
        %dma_start3A_510 = arith.constant 0 : i32
        %dma_start3A_511 = arith.constant 0 : i32
        %dma_start3A_512 = arith.constant 0 : i32
        %dma_start3A_513 = tpu.memref_slice %arg8[%dma_start3A_510, %dma_start3A_511, %dma_start3A_512] : memref<3x128x64xf32, #tpu.memory_space<vmem>> -> memref<1x128x64xf32, #tpu.memory_space<vmem>>
        %dma_start3A_514 = tpu.memref_squeeze %dma_start3A_513 : memref<1x128x64xf32, #tpu.memory_space<vmem>> -> memref<128x64xf32, #tpu.memory_space<vmem>>
        %dma_start3A_515 = arith.constant 0 : i32
        %dma_start3A_516 = tpu.memref_slice %arg7[%add3A_509, %dma_start3A_515] : memref<80x128xi32, #tpu.memory_space<vmem>> -> memref<1x128xi32, #tpu.memory_space<vmem>>
        %dma_start3A_517 = tpu.memref_squeeze %dma_start3A_516 : memref<1x128xi32, #tpu.memory_space<vmem>> -> memref<128xi32, #tpu.memory_space<vmem>>
        %dma_start3A_518 = arith.constant 0 : i32
        %dma_start3A_519 = arith.constant 0 : i32
        %dma_start3A_520 = tpu.memref_slice %arg3[%dma_start3A_518, %dma_start3A_519] : memref<1000000x64xf32, #tpu.memory_space<hbm>> -> memref<1000000x64xf32, #tpu.memory_space<hbm>>
        tpu.enqueue_indirect_dma source(%dma_start3A_520 : memref<1000000x64xf32, #tpu.memory_space<hbm>>) target(%dma_start3A_514 : memref<128x64xf32, #tpu.memory_space<vmem>>) offsets(%dma_start3A_517 : memref<128xi32, #tpu.memory_space<vmem>>) semaphore(%arg11 : memref<!tpu.dma_semaphore, #tpu.memory_space<semaphore_mem>>)
        %dma_start3A_521 = arith.constant 0 : i32
        %dma_start3A_522 = arith.constant 0 : i32
        %dma_start3A_523 = tpu.memref_slice %arg9[%dma_start3A_521, %dma_start3A_522] : memref<384x8xf32, #tpu.memory_space<vmem>> -> memref<128x8xf32, #tpu.memory_space<vmem>>
        %dma_start3A_524 = arith.constant 0 : i32
        %dma_start3A_525 = tpu.memref_slice %arg7[%add3A_509, %dma_start3A_524] : memref<80x128xi32, #tpu.memory_space<vmem>> -> memref<1x128xi32, #tpu.memory_space<vmem>>
        %dma_start3A_526 = tpu.memref_squeeze %dma_start3A_525 : memref<1x128xi32, #tpu.memory_space<vmem>> -> memref<128xi32, #tpu.memory_space<vmem>>
        %dma_start3A_527 = arith.constant 0 : i32
        %dma_start3A_528 = arith.constant 0 : i32
        %dma_start3A_529 = tpu.memref_slice %arg4[%dma_start3A_527, %dma_start3A_528] : memref<1000000x8xf32, #tpu.memory_space<hbm>> -> memref<1000000x8xf32, #tpu.memory_space<hbm>>
        tpu.enqueue_indirect_dma source(%dma_start3A_529 : memref<1000000x8xf32, #tpu.memory_space<hbm>>) target(%dma_start3A_523 : memref<128x8xf32, #tpu.memory_space<vmem>>) offsets(%dma_start3A_526 : memref<128xi32, #tpu.memory_space<vmem>>) semaphore(%arg12 : memref<!tpu.dma_semaphore, #tpu.memory_space<semaphore_mem>>)
      } else {
      }
      %mul3A_451 = arith.constant 3 : i32
      %mul3A_452 = arith.muli %scan3A_344, %mul3A_451 : i32
      %add3A_453 = arith.constant 2 : i32
      %add3A_454 = arith.addi %mul3A_452, %add3A_453 : i32
      %dma_wait3A_455 = arith.constant 2 : i32
      %dma_wait3A_456 = arith.constant 0 : i32
      %dma_wait3A_457 = arith.constant 0 : i32
      %dma_wait3A_458 = tpu.memref_slice %arg8[%dma_wait3A_455, %dma_wait3A_456, %dma_wait3A_457] : memref<3x128x64xf32, #tpu.memory_space<vmem>> -> memref<1x128x64xf32, #tpu.memory_space<vmem>>
      %dma_wait3A_459 = tpu.memref_squeeze %dma_wait3A_458 : memref<1x128x64xf32, #tpu.memory_space<vmem>> -> memref<128x64xf32, #tpu.memory_space<vmem>>
      %dma_wait3A_460 = arith.constant 0 : i32
      %dma_wait3A_461 = tpu.memref_slice %arg7[%add3A_454, %dma_wait3A_460] : memref<80x128xi32, #tpu.memory_space<vmem>> -> memref<1x128xi32, #tpu.memory_space<vmem>>
      %dma_wait3A_462 = tpu.memref_squeeze %dma_wait3A_461 : memref<1x128xi32, #tpu.memory_space<vmem>> -> memref<128xi32, #tpu.memory_space<vmem>>
      %dma_wait3A_463 = arith.constant 0 : i32
      %dma_wait3A_464 = arith.constant 0 : i32
      %dma_wait3A_465 = tpu.memref_slice %arg3[%dma_wait3A_463, %dma_wait3A_464] : memref<1000000x64xf32, #tpu.memory_space<hbm>> -> memref<1000000x64xf32, #tpu.memory_space<hbm>>
      tpu.wait_indirect_dma semaphore(%arg11 : memref<!tpu.dma_semaphore, #tpu.memory_space<semaphore_mem>>) src(%dma_wait3A_465 : memref<1000000x64xf32, #tpu.memory_space<hbm>>) dst(%dma_wait3A_459 : memref<128x64xf32, #tpu.memory_space<vmem>>)
      %dma_wait3A_466 = arith.constant 256 : i32
      %dma_wait3A_467 = arith.constant 0 : i32
      %dma_wait3A_468 = tpu.memref_slice %arg9[%dma_wait3A_466, %dma_wait3A_467] : memref<384x8xf32, #tpu.memory_space<vmem>> -> memref<128x8xf32, #tpu.memory_space<vmem>>
      %dma_wait3A_469 = arith.constant 0 : i32
      %dma_wait3A_470 = tpu.memref_slice %arg7[%add3A_454, %dma_wait3A_469] : memref<80x128xi32, #tpu.memory_space<vmem>> -> memref<1x128xi32, #tpu.memory_space<vmem>>
      %dma_wait3A_471 = tpu.memref_squeeze %dma_wait3A_470 : memref<1x128xi32, #tpu.memory_space<vmem>> -> memref<128xi32, #tpu.memory_space<vmem>>
      %dma_wait3A_472 = arith.constant 0 : i32
      %dma_wait3A_473 = arith.constant 0 : i32
      %dma_wait3A_474 = tpu.memref_slice %arg4[%dma_wait3A_472, %dma_wait3A_473] : memref<1000000x8xf32, #tpu.memory_space<hbm>> -> memref<1000000x8xf32, #tpu.memory_space<hbm>>
      tpu.wait_indirect_dma semaphore(%arg12 : memref<!tpu.dma_semaphore, #tpu.memory_space<semaphore_mem>>) src(%dma_wait3A_474 : memref<1000000x8xf32, #tpu.memory_space<hbm>>) dst(%dma_wait3A_468 : memref<128x8xf32, #tpu.memory_space<vmem>>)
      %scan3A_475 = arith.constant 0 : i32
      %scan3A_476 = arith.constant 0 : i32
      %scan3A_477 = arith.constant 32 : i32
      %scan3A_478 = arith.addi %scan3A_476, %scan3A_477 : i32
      %scan3A_479 = arith.constant 1 : i32
      scf.for %scan3A_504 = %scan3A_476 to %scan3A_478 step %scan3A_479  : i32 {
        %mul3A_505 = arith.constant 4 : i32
        %mul3A_506 = arith.muli %scan3A_504, %mul3A_505 : i32
        %add3A_507 = arith.constant 0 : i32
        %add3A_508 = arith.addi %mul3A_506, %add3A_507 : i32
        %broadcast_in_dim3A_509 = arith.constant 256 : i32
        %broadcast_in_dim3A_510 = vector.broadcast %broadcast_in_dim3A_509 : i32 to vector<16xi32>
        %add3A_511 = vector.broadcast %add3A_508 : i32 to vector<16xi32>
        %add3A_512 = arith.addi %broadcast_in_dim3A_510, %add3A_511 : vector<16xi32>
        %get3A_513 = arith.constant 2 : i32
        %get3A_514 = arith.index_cast %get3A_513 : i32 to index
        %get3A_515 = arith.index_cast %add3A_508 : i32 to index
        %get3A_516 = arith.constant 0 : index
        %get3A_517 = tpu.vector_load %arg8[%get3A_514, %get3A_515, %get3A_516] {strides = array<i32>} : memref<3x128x64xf32, #tpu.memory_space<vmem>>, vector<16xf32>,
        %get3A_518 = arith.constant 2 : i32
        %get3A_519 = arith.index_cast %get3A_518 : i32 to index
        %get3A_520 = arith.index_cast %add3A_508 : i32 to index
        %get3A_521 = arith.constant 16 : index
        %get3A_522 = tpu.vector_load %arg8[%get3A_519, %get3A_520, %get3A_521] {strides = array<i32>} : memref<3x128x64xf32, #tpu.memory_space<vmem>>, vector<16xf32>,
        %get3A_523 = arith.constant 2 : i32
        %get3A_524 = arith.index_cast %get3A_523 : i32 to index
        %get3A_525 = arith.index_cast %add3A_508 : i32 to index
        %get3A_526 = arith.constant 32 : index
        %get3A_527 = tpu.vector_load %arg8[%get3A_524, %get3A_525, %get3A_526] {strides = array<i32>} : memref<3x128x64xf32, #tpu.memory_space<vmem>>, vector<16xf32>,
        %get3A_528 = arith.constant 2 : i32
        %get3A_529 = arith.index_cast %get3A_528 : i32 to index
        %get3A_530 = arith.index_cast %add3A_508 : i32 to index
        %get3A_531 = arith.constant 48 : index
        %get3A_532 = tpu.vector_load %arg8[%get3A_529, %get3A_530, %get3A_531] {strides = array<i32>} : memref<3x128x64xf32, #tpu.memory_space<vmem>>, vector<16xf32>,
        %gather3A = tpu.vector_load_idx %arg9[%add3A_512, %broadcast_in_dim3A_132] : memref<384x8xf32, #tpu.memory_space<vmem>>[vector<16xi32>, vector<16xi32>], vector<16xf32>,
        %mul3A_533 = arith.mulf %gather3A, %get3A_7 : vector<16xf32>
        %add3A_534 = arith.addf %get3A_517, %mul3A_533 : vector<16xf32>
        %mul3A_535 = arith.mulf %gather3A, %get3A_11 : vector<16xf32>
        %add3A_536 = arith.addf %get3A_522, %mul3A_535 : vector<16xf32>
        %mul3A_537 = arith.mulf %gather3A, %get3A_15 : vector<16xf32>
        %add3A_538 = arith.addf %get3A_527, %mul3A_537 : vector<16xf32>
        %mul3A_539 = arith.mulf %gather3A, %get3A_19 : vector<16xf32>
        %add3A_540 = arith.addf %get3A_532, %mul3A_539 : vector<16xf32>
        %gather3A_541 = tpu.vector_load_idx %arg9[%add3A_512, %broadcast_in_dim3A_134] : memref<384x8xf32, #tpu.memory_space<vmem>>[vector<16xi32>, vector<16xi32>], vector<16xf32>,
        %mul3A_542 = arith.mulf %gather3A_541, %get3A_23 : vector<16xf32>
        %add3A_543 = arith.addf %add3A_534, %mul3A_542 : vector<16xf32>
        %mul3A_544 = arith.mulf %gather3A_541, %get3A_27 : vector<16xf32>
        %add3A_545 = arith.addf %add3A_536, %mul3A_544 : vector<16xf32>
        %mul3A_546 = arith.mulf %gather3A_541, %get3A_31 : vector<16xf32>
        %add3A_547 = arith.addf %add3A_538, %mul3A_546 : vector<16xf32>
        %mul3A_548 = arith.mulf %gather3A_541, %get3A_35 : vector<16xf32>
        %add3A_549 = arith.addf %add3A_540, %mul3A_548 : vector<16xf32>
        %gather3A_550 = tpu.vector_load_idx %arg9[%add3A_512, %broadcast_in_dim3A_136] : memref<384x8xf32, #tpu.memory_space<vmem>>[vector<16xi32>, vector<16xi32>], vector<16xf32>,
        %mul3A_551 = arith.mulf %gather3A_550, %get3A_39 : vector<16xf32>
        %add3A_552 = arith.addf %add3A_543, %mul3A_551 : vector<16xf32>
        %mul3A_553 = arith.mulf %gather3A_550, %get3A_43 : vector<16xf32>
        %add3A_554 = arith.addf %add3A_545, %mul3A_553 : vector<16xf32>
        %mul3A_555 = arith.mulf %gather3A_550, %get3A_47 : vector<16xf32>
        %add3A_556 = arith.addf %add3A_547, %mul3A_555 : vector<16xf32>
        %mul3A_557 = arith.mulf %gather3A_550, %get3A_51 : vector<16xf32>
        %add3A_558 = arith.addf %add3A_549, %mul3A_557 : vector<16xf32>
        %gather3A_559 = tpu.vector_load_idx %arg9[%add3A_512, %broadcast_in_dim3A_138] : memref<384x8xf32, #tpu.memory_space<vmem>>[vector<16xi32>, vector<16xi32>], vector<16xf32>,
        %mul3A_560 = arith.mulf %gather3A_559, %get3A_55 : vector<16xf32>
        %add3A_561 = arith.addf %add3A_552, %mul3A_560 : vector<16xf32>
        %mul3A_562 = arith.mulf %gather3A_559, %get3A_59 : vector<16xf32>
        %add3A_563 = arith.addf %add3A_554, %mul3A_562 : vector<16xf32>
        %mul3A_564 = arith.mulf %gather3A_559, %get3A_63 : vector<16xf32>
        %add3A_565 = arith.addf %add3A_556, %mul3A_564 : vector<16xf32>
        %mul3A_566 = arith.mulf %gather3A_559, %get3A_67 : vector<16xf32>
        %add3A_567 = arith.addf %add3A_558, %mul3A_566 : vector<16xf32>
        %gather3A_568 = tpu.vector_load_idx %arg9[%add3A_512, %broadcast_in_dim3A_140] : memref<384x8xf32, #tpu.memory_space<vmem>>[vector<16xi32>, vector<16xi32>], vector<16xf32>,
        %mul3A_569 = arith.mulf %gather3A_568, %get3A_71 : vector<16xf32>
        %add3A_570 = arith.addf %add3A_561, %mul3A_569 : vector<16xf32>
        %mul3A_571 = arith.mulf %gather3A_568, %get3A_75 : vector<16xf32>
        %add3A_572 = arith.addf %add3A_563, %mul3A_571 : vector<16xf32>
        %mul3A_573 = arith.mulf %gather3A_568, %get3A_79 : vector<16xf32>
        %add3A_574 = arith.addf %add3A_565, %mul3A_573 : vector<16xf32>
        %mul3A_575 = arith.mulf %gather3A_568, %get3A_83 : vector<16xf32>
        %add3A_576 = arith.addf %add3A_567, %mul3A_575 : vector<16xf32>
        %gather3A_577 = tpu.vector_load_idx %arg9[%add3A_512, %broadcast_in_dim3A_142] : memref<384x8xf32, #tpu.memory_space<vmem>>[vector<16xi32>, vector<16xi32>], vector<16xf32>,
        %mul3A_578 = arith.mulf %gather3A_577, %get3A_87 : vector<16xf32>
        %add3A_579 = arith.addf %add3A_570, %mul3A_578 : vector<16xf32>
        %mul3A_580 = arith.mulf %gather3A_577, %get3A_91 : vector<16xf32>
        %add3A_581 = arith.addf %add3A_572, %mul3A_580 : vector<16xf32>
        %mul3A_582 = arith.mulf %gather3A_577, %get3A_95 : vector<16xf32>
        %add3A_583 = arith.addf %add3A_574, %mul3A_582 : vector<16xf32>
        %mul3A_584 = arith.mulf %gather3A_577, %get3A_99 : vector<16xf32>
        %add3A_585 = arith.addf %add3A_576, %mul3A_584 : vector<16xf32>
        %gather3A_586 = tpu.vector_load_idx %arg9[%add3A_512, %broadcast_in_dim3A_144] : memref<384x8xf32, #tpu.memory_space<vmem>>[vector<16xi32>, vector<16xi32>], vector<16xf32>,
        %mul3A_587 = arith.mulf %gather3A_586, %get3A_103 : vector<16xf32>
        %add3A_588 = arith.addf %add3A_579, %mul3A_587 : vector<16xf32>
        %mul3A_589 = arith.mulf %gather3A_586, %get3A_107 : vector<16xf32>
        %add3A_590 = arith.addf %add3A_581, %mul3A_589 : vector<16xf32>
        %mul3A_591 = arith.mulf %gather3A_586, %get3A_111 : vector<16xf32>
        %add3A_592 = arith.addf %add3A_583, %mul3A_591 : vector<16xf32>
        %mul3A_593 = arith.mulf %gather3A_586, %get3A_115 : vector<16xf32>
        %add3A_594 = arith.addf %add3A_585, %mul3A_593 : vector<16xf32>
        %gather3A_595 = tpu.vector_load_idx %arg9[%add3A_512, %broadcast_in_dim3A_146] : memref<384x8xf32, #tpu.memory_space<vmem>>[vector<16xi32>, vector<16xi32>], vector<16xf32>,
        %mul3A_596 = arith.mulf %gather3A_595, %get3A_119 : vector<16xf32>
        %add3A_597 = arith.addf %add3A_588, %mul3A_596 : vector<16xf32>
        %mul3A_598 = arith.mulf %gather3A_595, %get3A_123 : vector<16xf32>
        %add3A_599 = arith.addf %add3A_590, %mul3A_598 : vector<16xf32>
        %mul3A_600 = arith.mulf %gather3A_595, %get3A_127 : vector<16xf32>
        %add3A_601 = arith.addf %add3A_592, %mul3A_600 : vector<16xf32>
        %mul3A_602 = arith.mulf %gather3A_595, %get3A_131 : vector<16xf32>
        %add3A_603 = arith.addf %add3A_594, %mul3A_602 : vector<16xf32>
        %swap3A = arith.constant 2 : i32
        %swap3A_604 = arith.index_cast %swap3A : i32 to index
        %swap3A_605 = arith.index_cast %add3A_508 : i32 to index
        %swap3A_606 = arith.constant 0 : index
        %swap3A_607 = tpu.vector_load %arg8[%swap3A_604, %swap3A_605, %swap3A_606] {strides = array<i32>} : memref<3x128x64xf32, #tpu.memory_space<vmem>>, vector<16xf32>,
        tpu.vector_store %arg8[%swap3A_604, %swap3A_605, %swap3A_606], %add3A_597 {strides = array<i32>} : memref<3x128x64xf32, #tpu.memory_space<vmem>>, vector<16xf32>,
        %swap3A_608 = arith.constant 2 : i32
        %swap3A_609 = arith.index_cast %swap3A_608 : i32 to index
        %swap3A_610 = arith.index_cast %add3A_508 : i32 to index
        %swap3A_611 = arith.constant 16 : index
        %swap3A_612 = tpu.vector_load %arg8[%swap3A_609, %swap3A_610, %swap3A_611] {strides = array<i32>} : memref<3x128x64xf32, #tpu.memory_space<vmem>>, vector<16xf32>,
        tpu.vector_store %arg8[%swap3A_609, %swap3A_610, %swap3A_611], %add3A_599 {strides = array<i32>} : memref<3x128x64xf32, #tpu.memory_space<vmem>>, vector<16xf32>,
        %swap3A_613 = arith.constant 2 : i32
        %swap3A_614 = arith.index_cast %swap3A_613 : i32 to index
        %swap3A_615 = arith.index_cast %add3A_508 : i32 to index
        %swap3A_616 = arith.constant 32 : index
        %swap3A_617 = tpu.vector_load %arg8[%swap3A_614, %swap3A_615, %swap3A_616] {strides = array<i32>} : memref<3x128x64xf32, #tpu.memory_space<vmem>>, vector<16xf32>,
        tpu.vector_store %arg8[%swap3A_614, %swap3A_615, %swap3A_616], %add3A_601 {strides = array<i32>} : memref<3x128x64xf32, #tpu.memory_space<vmem>>, vector<16xf32>,
        %swap3A_618 = arith.constant 2 : i32
        %swap3A_619 = arith.index_cast %swap3A_618 : i32 to index
        %swap3A_620 = arith.index_cast %add3A_508 : i32 to index
        %swap3A_621 = arith.constant 48 : index
        %swap3A_622 = tpu.vector_load %arg8[%swap3A_619, %swap3A_620, %swap3A_621] {strides = array<i32>} : memref<3x128x64xf32, #tpu.memory_space<vmem>>, vector<16xf32>,
        tpu.vector_store %arg8[%swap3A_619, %swap3A_620, %swap3A_621], %add3A_603 {strides = array<i32>} : memref<3x128x64xf32, #tpu.memory_space<vmem>>, vector<16xf32>,
        %mul3A_623 = arith.constant 4 : i32
        %mul3A_624 = arith.muli %scan3A_504, %mul3A_623 : i32
        %add3A_625 = arith.constant 1 : i32
        %add3A_626 = arith.addi %mul3A_624, %add3A_625 : i32
        %broadcast_in_dim3A_627 = arith.constant 256 : i32
        %broadcast_in_dim3A_628 = vector.broadcast %broadcast_in_dim3A_627 : i32 to vector<16xi32>
        %add3A_629 = vector.broadcast %add3A_626 : i32 to vector<16xi32>
        %add3A_630 = arith.addi %broadcast_in_dim3A_628, %add3A_629 : vector<16xi32>
        %get3A_631 = arith.constant 2 : i32
        %get3A_632 = arith.index_cast %get3A_631 : i32 to index
        %get3A_633 = arith.index_cast %add3A_626 : i32 to index
        %get3A_634 = arith.constant 0 : index
        %get3A_635 = tpu.vector_load %arg8[%get3A_632, %get3A_633, %get3A_634] {strides = array<i32>} : memref<3x128x64xf32, #tpu.memory_space<vmem>>, vector<16xf32>,
        %get3A_636 = arith.constant 2 : i32
        %get3A_637 = arith.index_cast %get3A_636 : i32 to index
        %get3A_638 = arith.index_cast %add3A_626 : i32 to index
        %get3A_639 = arith.constant 16 : index
        %get3A_640 = tpu.vector_load %arg8[%get3A_637, %get3A_638, %get3A_639] {strides = array<i32>} : memref<3x128x64xf32, #tpu.memory_space<vmem>>, vector<16xf32>,
        %get3A_641 = arith.constant 2 : i32
        %get3A_642 = arith.index_cast %get3A_641 : i32 to index
        %get3A_643 = arith.index_cast %add3A_626 : i32 to index
        %get3A_644 = arith.constant 32 : index
        %get3A_645 = tpu.vector_load %arg8[%get3A_642, %get3A_643, %get3A_644] {strides = array<i32>} : memref<3x128x64xf32, #tpu.memory_space<vmem>>, vector<16xf32>,
        %get3A_646 = arith.constant 2 : i32
        %get3A_647 = arith.index_cast %get3A_646 : i32 to index
        %get3A_648 = arith.index_cast %add3A_626 : i32 to index
        %get3A_649 = arith.constant 48 : index
        %get3A_650 = tpu.vector_load %arg8[%get3A_647, %get3A_648, %get3A_649] {strides = array<i32>} : memref<3x128x64xf32, #tpu.memory_space<vmem>>, vector<16xf32>,
        %gather3A_651 = tpu.vector_load_idx %arg9[%add3A_630, %broadcast_in_dim3A_132] : memref<384x8xf32, #tpu.memory_space<vmem>>[vector<16xi32>, vector<16xi32>], vector<16xf32>,
        %mul3A_652 = arith.mulf %gather3A_651, %get3A_7 : vector<16xf32>
        %add3A_653 = arith.addf %get3A_635, %mul3A_652 : vector<16xf32>
        %mul3A_654 = arith.mulf %gather3A_651, %get3A_11 : vector<16xf32>
        %add3A_655 = arith.addf %get3A_640, %mul3A_654 : vector<16xf32>
        %mul3A_656 = arith.mulf %gather3A_651, %get3A_15 : vector<16xf32>
        %add3A_657 = arith.addf %get3A_645, %mul3A_656 : vector<16xf32>
        %mul3A_658 = arith.mulf %gather3A_651, %get3A_19 : vector<16xf32>
        %add3A_659 = arith.addf %get3A_650, %mul3A_658 : vector<16xf32>
        %gather3A_660 = tpu.vector_load_idx %arg9[%add3A_630, %broadcast_in_dim3A_134] : memref<384x8xf32, #tpu.memory_space<vmem>>[vector<16xi32>, vector<16xi32>], vector<16xf32>,
        %mul3A_661 = arith.mulf %gather3A_660, %get3A_23 : vector<16xf32>
        %add3A_662 = arith.addf %add3A_653, %mul3A_661 : vector<16xf32>
        %mul3A_663 = arith.mulf %gather3A_660, %get3A_27 : vector<16xf32>
        %add3A_664 = arith.addf %add3A_655, %mul3A_663 : vector<16xf32>
        %mul3A_665 = arith.mulf %gather3A_660, %get3A_31 : vector<16xf32>
        %add3A_666 = arith.addf %add3A_657, %mul3A_665 : vector<16xf32>
        %mul3A_667 = arith.mulf %gather3A_660, %get3A_35 : vector<16xf32>
        %add3A_668 = arith.addf %add3A_659, %mul3A_667 : vector<16xf32>
        %gather3A_669 = tpu.vector_load_idx %arg9[%add3A_630, %broadcast_in_dim3A_136] : memref<384x8xf32, #tpu.memory_space<vmem>>[vector<16xi32>, vector<16xi32>], vector<16xf32>,
        %mul3A_670 = arith.mulf %gather3A_669, %get3A_39 : vector<16xf32>
        %add3A_671 = arith.addf %add3A_662, %mul3A_670 : vector<16xf32>
        %mul3A_672 = arith.mulf %gather3A_669, %get3A_43 : vector<16xf32>
        %add3A_673 = arith.addf %add3A_664, %mul3A_672 : vector<16xf32>
        %mul3A_674 = arith.mulf %gather3A_669, %get3A_47 : vector<16xf32>
        %add3A_675 = arith.addf %add3A_666, %mul3A_674 : vector<16xf32>
        %mul3A_676 = arith.mulf %gather3A_669, %get3A_51 : vector<16xf32>
        %add3A_677 = arith.addf %add3A_668, %mul3A_676 : vector<16xf32>
        %gather3A_678 = tpu.vector_load_idx %arg9[%add3A_630, %broadcast_in_dim3A_138] : memref<384x8xf32, #tpu.memory_space<vmem>>[vector<16xi32>, vector<16xi32>], vector<16xf32>,
        %mul3A_679 = arith.mulf %gather3A_678, %get3A_55 : vector<16xf32>
        %add3A_680 = arith.addf %add3A_671, %mul3A_679 : vector<16xf32>
        %mul3A_681 = arith.mulf %gather3A_678, %get3A_59 : vector<16xf32>
        %add3A_682 = arith.addf %add3A_673, %mul3A_681 : vector<16xf32>
        %mul3A_683 = arith.mulf %gather3A_678, %get3A_63 : vector<16xf32>
        %add3A_684 = arith.addf %add3A_675, %mul3A_683 : vector<16xf32>
        %mul3A_685 = arith.mulf %gather3A_678, %get3A_67 : vector<16xf32>
        %add3A_686 = arith.addf %add3A_677, %mul3A_685 : vector<16xf32>
        %gather3A_687 = tpu.vector_load_idx %arg9[%add3A_630, %broadcast_in_dim3A_140] : memref<384x8xf32, #tpu.memory_space<vmem>>[vector<16xi32>, vector<16xi32>], vector<16xf32>,
        %mul3A_688 = arith.mulf %gather3A_687, %get3A_71 : vector<16xf32>
        %add3A_689 = arith.addf %add3A_680, %mul3A_688 : vector<16xf32>
        %mul3A_690 = arith.mulf %gather3A_687, %get3A_75 : vector<16xf32>
        %add3A_691 = arith.addf %add3A_682, %mul3A_690 : vector<16xf32>
        %mul3A_692 = arith.mulf %gather3A_687, %get3A_79 : vector<16xf32>
        %add3A_693 = arith.addf %add3A_684, %mul3A_692 : vector<16xf32>
        %mul3A_694 = arith.mulf %gather3A_687, %get3A_83 : vector<16xf32>
        %add3A_695 = arith.addf %add3A_686, %mul3A_694 : vector<16xf32>
        %gather3A_696 = tpu.vector_load_idx %arg9[%add3A_630, %broadcast_in_dim3A_142] : memref<384x8xf32, #tpu.memory_space<vmem>>[vector<16xi32>, vector<16xi32>], vector<16xf32>,
        %mul3A_697 = arith.mulf %gather3A_696, %get3A_87 : vector<16xf32>
        %add3A_698 = arith.addf %add3A_689, %mul3A_697 : vector<16xf32>
        %mul3A_699 = arith.mulf %gather3A_696, %get3A_91 : vector<16xf32>
        %add3A_700 = arith.addf %add3A_691, %mul3A_699 : vector<16xf32>
        %mul3A_701 = arith.mulf %gather3A_696, %get3A_95 : vector<16xf32>
        %add3A_702 = arith.addf %add3A_693, %mul3A_701 : vector<16xf32>
        %mul3A_703 = arith.mulf %gather3A_696, %get3A_99 : vector<16xf32>
        %add3A_704 = arith.addf %add3A_695, %mul3A_703 : vector<16xf32>
        %gather3A_705 = tpu.vector_load_idx %arg9[%add3A_630, %broadcast_in_dim3A_144] : memref<384x8xf32, #tpu.memory_space<vmem>>[vector<16xi32>, vector<16xi32>], vector<16xf32>,
        %mul3A_706 = arith.mulf %gather3A_705, %get3A_103 : vector<16xf32>
        %add3A_707 = arith.addf %add3A_698, %mul3A_706 : vector<16xf32>
        %mul3A_708 = arith.mulf %gather3A_705, %get3A_107 : vector<16xf32>
        %add3A_709 = arith.addf %add3A_700, %mul3A_708 : vector<16xf32>
        %mul3A_710 = arith.mulf %gather3A_705, %get3A_111 : vector<16xf32>
        %add3A_711 = arith.addf %add3A_702, %mul3A_710 : vector<16xf32>
        %mul3A_712 = arith.mulf %gather3A_705, %get3A_115 : vector<16xf32>
        %add3A_713 = arith.addf %add3A_704, %mul3A_712 : vector<16xf32>
        %gather3A_714 = tpu.vector_load_idx %arg9[%add3A_630, %broadcast_in_dim3A_146] : memref<384x8xf32, #tpu.memory_space<vmem>>[vector<16xi32>, vector<16xi32>], vector<16xf32>,
        %mul3A_715 = arith.mulf %gather3A_714, %get3A_119 : vector<16xf32>
        %add3A_716 = arith.addf %add3A_707, %mul3A_715 : vector<16xf32>
        %mul3A_717 = arith.mulf %gather3A_714, %get3A_123 : vector<16xf32>
        %add3A_718 = arith.addf %add3A_709, %mul3A_717 : vector<16xf32>
        %mul3A_719 = arith.mulf %gather3A_714, %get3A_127 : vector<16xf32>
        %add3A_720 = arith.addf %add3A_711, %mul3A_719 : vector<16xf32>
        %mul3A_721 = arith.mulf %gather3A_714, %get3A_131 : vector<16xf32>
        %add3A_722 = arith.addf %add3A_713, %mul3A_721 : vector<16xf32>
        %swap3A_723 = arith.constant 2 : i32
        %swap3A_724 = arith.index_cast %swap3A_723 : i32 to index
        %swap3A_725 = arith.index_cast %add3A_626 : i32 to index
        %swap3A_726 = arith.constant 0 : index
        %swap3A_727 = tpu.vector_load %arg8[%swap3A_724, %swap3A_725, %swap3A_726] {strides = array<i32>} : memref<3x128x64xf32, #tpu.memory_space<vmem>>, vector<16xf32>,
        tpu.vector_store %arg8[%swap3A_724, %swap3A_725, %swap3A_726], %add3A_716 {strides = array<i32>} : memref<3x128x64xf32, #tpu.memory_space<vmem>>, vector<16xf32>,
        %swap3A_728 = arith.constant 2 : i32
        %swap3A_729 = arith.index_cast %swap3A_728 : i32 to index
        %swap3A_730 = arith.index_cast %add3A_626 : i32 to index
        %swap3A_731 = arith.constant 16 : index
        %swap3A_732 = tpu.vector_load %arg8[%swap3A_729, %swap3A_730, %swap3A_731] {strides = array<i32>} : memref<3x128x64xf32, #tpu.memory_space<vmem>>, vector<16xf32>,
        tpu.vector_store %arg8[%swap3A_729, %swap3A_730, %swap3A_731], %add3A_718 {strides = array<i32>} : memref<3x128x64xf32, #tpu.memory_space<vmem>>, vector<16xf32>,
        %swap3A_733 = arith.constant 2 : i32
        %swap3A_734 = arith.index_cast %swap3A_733 : i32 to index
        %swap3A_735 = arith.index_cast %add3A_626 : i32 to index
        %swap3A_736 = arith.constant 32 : index
        %swap3A_737 = tpu.vector_load %arg8[%swap3A_734, %swap3A_735, %swap3A_736] {strides = array<i32>} : memref<3x128x64xf32, #tpu.memory_space<vmem>>, vector<16xf32>,
        tpu.vector_store %arg8[%swap3A_734, %swap3A_735, %swap3A_736], %add3A_720 {strides = array<i32>} : memref<3x128x64xf32, #tpu.memory_space<vmem>>, vector<16xf32>,
        %swap3A_738 = arith.constant 2 : i32
        %swap3A_739 = arith.index_cast %swap3A_738 : i32 to index
        %swap3A_740 = arith.index_cast %add3A_626 : i32 to index
        %swap3A_741 = arith.constant 48 : index
        %swap3A_742 = tpu.vector_load %arg8[%swap3A_739, %swap3A_740, %swap3A_741] {strides = array<i32>} : memref<3x128x64xf32, #tpu.memory_space<vmem>>, vector<16xf32>,
        tpu.vector_store %arg8[%swap3A_739, %swap3A_740, %swap3A_741], %add3A_722 {strides = array<i32>} : memref<3x128x64xf32, #tpu.memory_space<vmem>>, vector<16xf32>,
        %mul3A_743 = arith.constant 4 : i32
        %mul3A_744 = arith.muli %scan3A_504, %mul3A_743 : i32
        %add3A_745 = arith.constant 2 : i32
        %add3A_746 = arith.addi %mul3A_744, %add3A_745 : i32
        %broadcast_in_dim3A_747 = arith.constant 256 : i32
        %broadcast_in_dim3A_748 = vector.broadcast %broadcast_in_dim3A_747 : i32 to vector<16xi32>
        %add3A_749 = vector.broadcast %add3A_746 : i32 to vector<16xi32>
        %add3A_750 = arith.addi %broadcast_in_dim3A_748, %add3A_749 : vector<16xi32>
        %get3A_751 = arith.constant 2 : i32
        %get3A_752 = arith.index_cast %get3A_751 : i32 to index
        %get3A_753 = arith.index_cast %add3A_746 : i32 to index
        %get3A_754 = arith.constant 0 : index
        %get3A_755 = tpu.vector_load %arg8[%get3A_752, %get3A_753, %get3A_754] {strides = array<i32>} : memref<3x128x64xf32, #tpu.memory_space<vmem>>, vector<16xf32>,
        %get3A_756 = arith.constant 2 : i32
        %get3A_757 = arith.index_cast %get3A_756 : i32 to index
        %get3A_758 = arith.index_cast %add3A_746 : i32 to index
        %get3A_759 = arith.constant 16 : index
        %get3A_760 = tpu.vector_load %arg8[%get3A_757, %get3A_758, %get3A_759] {strides = array<i32>} : memref<3x128x64xf32, #tpu.memory_space<vmem>>, vector<16xf32>,
        %get3A_761 = arith.constant 2 : i32
        %get3A_762 = arith.index_cast %get3A_761 : i32 to index
        %get3A_763 = arith.index_cast %add3A_746 : i32 to index
        %get3A_764 = arith.constant 32 : index
        %get3A_765 = tpu.vector_load %arg8[%get3A_762, %get3A_763, %get3A_764] {strides = array<i32>} : memref<3x128x64xf32, #tpu.memory_space<vmem>>, vector<16xf32>,
        %get3A_766 = arith.constant 2 : i32
        %get3A_767 = arith.index_cast %get3A_766 : i32 to index
        %get3A_768 = arith.index_cast %add3A_746 : i32 to index
        %get3A_769 = arith.constant 48 : index
        %get3A_770 = tpu.vector_load %arg8[%get3A_767, %get3A_768, %get3A_769] {strides = array<i32>} : memref<3x128x64xf32, #tpu.memory_space<vmem>>, vector<16xf32>,
        %gather3A_771 = tpu.vector_load_idx %arg9[%add3A_750, %broadcast_in_dim3A_132] : memref<384x8xf32, #tpu.memory_space<vmem>>[vector<16xi32>, vector<16xi32>], vector<16xf32>,
        %mul3A_772 = arith.mulf %gather3A_771, %get3A_7 : vector<16xf32>
        %add3A_773 = arith.addf %get3A_755, %mul3A_772 : vector<16xf32>
        %mul3A_774 = arith.mulf %gather3A_771, %get3A_11 : vector<16xf32>
        %add3A_775 = arith.addf %get3A_760, %mul3A_774 : vector<16xf32>
        %mul3A_776 = arith.mulf %gather3A_771, %get3A_15 : vector<16xf32>
        %add3A_777 = arith.addf %get3A_765, %mul3A_776 : vector<16xf32>
        %mul3A_778 = arith.mulf %gather3A_771, %get3A_19 : vector<16xf32>
        %add3A_779 = arith.addf %get3A_770, %mul3A_778 : vector<16xf32>
        %gather3A_780 = tpu.vector_load_idx %arg9[%add3A_750, %broadcast_in_dim3A_134] : memref<384x8xf32, #tpu.memory_space<vmem>>[vector<16xi32>, vector<16xi32>], vector<16xf32>,
        %mul3A_781 = arith.mulf %gather3A_780, %get3A_23 : vector<16xf32>
        %add3A_782 = arith.addf %add3A_773, %mul3A_781 : vector<16xf32>
        %mul3A_783 = arith.mulf %gather3A_780, %get3A_27 : vector<16xf32>
        %add3A_784 = arith.addf %add3A_775, %mul3A_783 : vector<16xf32>
        %mul3A_785 = arith.mulf %gather3A_780, %get3A_31 : vector<16xf32>
        %add3A_786 = arith.addf %add3A_777, %mul3A_785 : vector<16xf32>
        %mul3A_787 = arith.mulf %gather3A_780, %get3A_35 : vector<16xf32>
        %add3A_788 = arith.addf %add3A_779, %mul3A_787 : vector<16xf32>
        %gather3A_789 = tpu.vector_load_idx %arg9[%add3A_750, %broadcast_in_dim3A_136] : memref<384x8xf32, #tpu.memory_space<vmem>>[vector<16xi32>, vector<16xi32>], vector<16xf32>,
        %mul3A_790 = arith.mulf %gather3A_789, %get3A_39 : vector<16xf32>
        %add3A_791 = arith.addf %add3A_782, %mul3A_790 : vector<16xf32>
        %mul3A_792 = arith.mulf %gather3A_789, %get3A_43 : vector<16xf32>
        %add3A_793 = arith.addf %add3A_784, %mul3A_792 : vector<16xf32>
        %mul3A_794 = arith.mulf %gather3A_789, %get3A_47 : vector<16xf32>
        %add3A_795 = arith.addf %add3A_786, %mul3A_794 : vector<16xf32>
        %mul3A_796 = arith.mulf %gather3A_789, %get3A_51 : vector<16xf32>
        %add3A_797 = arith.addf %add3A_788, %mul3A_796 : vector<16xf32>
        %gather3A_798 = tpu.vector_load_idx %arg9[%add3A_750, %broadcast_in_dim3A_138] : memref<384x8xf32, #tpu.memory_space<vmem>>[vector<16xi32>, vector<16xi32>], vector<16xf32>,
        %mul3A_799 = arith.mulf %gather3A_798, %get3A_55 : vector<16xf32>
        %add3A_800 = arith.addf %add3A_791, %mul3A_799 : vector<16xf32>
        %mul3A_801 = arith.mulf %gather3A_798, %get3A_59 : vector<16xf32>
        %add3A_802 = arith.addf %add3A_793, %mul3A_801 : vector<16xf32>
        %mul3A_803 = arith.mulf %gather3A_798, %get3A_63 : vector<16xf32>
        %add3A_804 = arith.addf %add3A_795, %mul3A_803 : vector<16xf32>
        %mul3A_805 = arith.mulf %gather3A_798, %get3A_67 : vector<16xf32>
        %add3A_806 = arith.addf %add3A_797, %mul3A_805 : vector<16xf32>
        %gather3A_807 = tpu.vector_load_idx %arg9[%add3A_750, %broadcast_in_dim3A_140] : memref<384x8xf32, #tpu.memory_space<vmem>>[vector<16xi32>, vector<16xi32>], vector<16xf32>,
        %mul3A_808 = arith.mulf %gather3A_807, %get3A_71 : vector<16xf32>
        %add3A_809 = arith.addf %add3A_800, %mul3A_808 : vector<16xf32>
        %mul3A_810 = arith.mulf %gather3A_807, %get3A_75 : vector<16xf32>
        %add3A_811 = arith.addf %add3A_802, %mul3A_810 : vector<16xf32>
        %mul3A_812 = arith.mulf %gather3A_807, %get3A_79 : vector<16xf32>
        %add3A_813 = arith.addf %add3A_804, %mul3A_812 : vector<16xf32>
        %mul3A_814 = arith.mulf %gather3A_807, %get3A_83 : vector<16xf32>
        %add3A_815 = arith.addf %add3A_806, %mul3A_814 : vector<16xf32>
        %gather3A_816 = tpu.vector_load_idx %arg9[%add3A_750, %broadcast_in_dim3A_142] : memref<384x8xf32, #tpu.memory_space<vmem>>[vector<16xi32>, vector<16xi32>], vector<16xf32>,
        %mul3A_817 = arith.mulf %gather3A_816, %get3A_87 : vector<16xf32>
        %add3A_818 = arith.addf %add3A_809, %mul3A_817 : vector<16xf32>
        %mul3A_819 = arith.mulf %gather3A_816, %get3A_91 : vector<16xf32>
        %add3A_820 = arith.addf %add3A_811, %mul3A_819 : vector<16xf32>
        %mul3A_821 = arith.mulf %gather3A_816, %get3A_95 : vector<16xf32>
        %add3A_822 = arith.addf %add3A_813, %mul3A_821 : vector<16xf32>
        %mul3A_823 = arith.mulf %gather3A_816, %get3A_99 : vector<16xf32>
        %add3A_824 = arith.addf %add3A_815, %mul3A_823 : vector<16xf32>
        %gather3A_825 = tpu.vector_load_idx %arg9[%add3A_750, %broadcast_in_dim3A_144] : memref<384x8xf32, #tpu.memory_space<vmem>>[vector<16xi32>, vector<16xi32>], vector<16xf32>,
        %mul3A_826 = arith.mulf %gather3A_825, %get3A_103 : vector<16xf32>
        %add3A_827 = arith.addf %add3A_818, %mul3A_826 : vector<16xf32>
        %mul3A_828 = arith.mulf %gather3A_825, %get3A_107 : vector<16xf32>
        %add3A_829 = arith.addf %add3A_820, %mul3A_828 : vector<16xf32>
        %mul3A_830 = arith.mulf %gather3A_825, %get3A_111 : vector<16xf32>
        %add3A_831 = arith.addf %add3A_822, %mul3A_830 : vector<16xf32>
        %mul3A_832 = arith.mulf %gather3A_825, %get3A_115 : vector<16xf32>
        %add3A_833 = arith.addf %add3A_824, %mul3A_832 : vector<16xf32>
        %gather3A_834 = tpu.vector_load_idx %arg9[%add3A_750, %broadcast_in_dim3A_146] : memref<384x8xf32, #tpu.memory_space<vmem>>[vector<16xi32>, vector<16xi32>], vector<16xf32>,
        %mul3A_835 = arith.mulf %gather3A_834, %get3A_119 : vector<16xf32>
        %add3A_836 = arith.addf %add3A_827, %mul3A_835 : vector<16xf32>
        %mul3A_837 = arith.mulf %gather3A_834, %get3A_123 : vector<16xf32>
        %add3A_838 = arith.addf %add3A_829, %mul3A_837 : vector<16xf32>
        %mul3A_839 = arith.mulf %gather3A_834, %get3A_127 : vector<16xf32>
        %add3A_840 = arith.addf %add3A_831, %mul3A_839 : vector<16xf32>
        %mul3A_841 = arith.mulf %gather3A_834, %get3A_131 : vector<16xf32>
        %add3A_842 = arith.addf %add3A_833, %mul3A_841 : vector<16xf32>
        %swap3A_843 = arith.constant 2 : i32
        %swap3A_844 = arith.index_cast %swap3A_843 : i32 to index
        %swap3A_845 = arith.index_cast %add3A_746 : i32 to index
        %swap3A_846 = arith.constant 0 : index
        %swap3A_847 = tpu.vector_load %arg8[%swap3A_844, %swap3A_845, %swap3A_846] {strides = array<i32>} : memref<3x128x64xf32, #tpu.memory_space<vmem>>, vector<16xf32>,
        tpu.vector_store %arg8[%swap3A_844, %swap3A_845, %swap3A_846], %add3A_836 {strides = array<i32>} : memref<3x128x64xf32, #tpu.memory_space<vmem>>, vector<16xf32>,
        %swap3A_848 = arith.constant 2 : i32
        %swap3A_849 = arith.index_cast %swap3A_848 : i32 to index
        %swap3A_850 = arith.index_cast %add3A_746 : i32 to index
        %swap3A_851 = arith.constant 16 : index
        %swap3A_852 = tpu.vector_load %arg8[%swap3A_849, %swap3A_850, %swap3A_851] {strides = array<i32>} : memref<3x128x64xf32, #tpu.memory_space<vmem>>, vector<16xf32>,
        tpu.vector_store %arg8[%swap3A_849, %swap3A_850, %swap3A_851], %add3A_838 {strides = array<i32>} : memref<3x128x64xf32, #tpu.memory_space<vmem>>, vector<16xf32>,
        %swap3A_853 = arith.constant 2 : i32
        %swap3A_854 = arith.index_cast %swap3A_853 : i32 to index
        %swap3A_855 = arith.index_cast %add3A_746 : i32 to index
        %swap3A_856 = arith.constant 32 : index
        %swap3A_857 = tpu.vector_load %arg8[%swap3A_854, %swap3A_855, %swap3A_856] {strides = array<i32>} : memref<3x128x64xf32, #tpu.memory_space<vmem>>, vector<16xf32>,
        tpu.vector_store %arg8[%swap3A_854, %swap3A_855, %swap3A_856], %add3A_840 {strides = array<i32>} : memref<3x128x64xf32, #tpu.memory_space<vmem>>, vector<16xf32>,
        %swap3A_858 = arith.constant 2 : i32
        %swap3A_859 = arith.index_cast %swap3A_858 : i32 to index
        %swap3A_860 = arith.index_cast %add3A_746 : i32 to index
        %swap3A_861 = arith.constant 48 : index
        %swap3A_862 = tpu.vector_load %arg8[%swap3A_859, %swap3A_860, %swap3A_861] {strides = array<i32>} : memref<3x128x64xf32, #tpu.memory_space<vmem>>, vector<16xf32>,
        tpu.vector_store %arg8[%swap3A_859, %swap3A_860, %swap3A_861], %add3A_842 {strides = array<i32>} : memref<3x128x64xf32, #tpu.memory_space<vmem>>, vector<16xf32>,
        %mul3A_863 = arith.constant 4 : i32
        %mul3A_864 = arith.muli %scan3A_504, %mul3A_863 : i32
        %add3A_865 = arith.constant 3 : i32
        %add3A_866 = arith.addi %mul3A_864, %add3A_865 : i32
        %broadcast_in_dim3A_867 = arith.constant 256 : i32
        %broadcast_in_dim3A_868 = vector.broadcast %broadcast_in_dim3A_867 : i32 to vector<16xi32>
        %add3A_869 = vector.broadcast %add3A_866 : i32 to vector<16xi32>
        %add3A_870 = arith.addi %broadcast_in_dim3A_868, %add3A_869 : vector<16xi32>
        %get3A_871 = arith.constant 2 : i32
        %get3A_872 = arith.index_cast %get3A_871 : i32 to index
        %get3A_873 = arith.index_cast %add3A_866 : i32 to index
        %get3A_874 = arith.constant 0 : index
        %get3A_875 = tpu.vector_load %arg8[%get3A_872, %get3A_873, %get3A_874] {strides = array<i32>} : memref<3x128x64xf32, #tpu.memory_space<vmem>>, vector<16xf32>,
        %get3A_876 = arith.constant 2 : i32
        %get3A_877 = arith.index_cast %get3A_876 : i32 to index
        %get3A_878 = arith.index_cast %add3A_866 : i32 to index
        %get3A_879 = arith.constant 16 : index
        %get3A_880 = tpu.vector_load %arg8[%get3A_877, %get3A_878, %get3A_879] {strides = array<i32>} : memref<3x128x64xf32, #tpu.memory_space<vmem>>, vector<16xf32>,
        %get3A_881 = arith.constant 2 : i32
        %get3A_882 = arith.index_cast %get3A_881 : i32 to index
        %get3A_883 = arith.index_cast %add3A_866 : i32 to index
        %get3A_884 = arith.constant 32 : index
        %get3A_885 = tpu.vector_load %arg8[%get3A_882, %get3A_883, %get3A_884] {strides = array<i32>} : memref<3x128x64xf32, #tpu.memory_space<vmem>>, vector<16xf32>,
        %get3A_886 = arith.constant 2 : i32
        %get3A_887 = arith.index_cast %get3A_886 : i32 to index
        %get3A_888 = arith.index_cast %add3A_866 : i32 to index
        %get3A_889 = arith.constant 48 : index
        %get3A_890 = tpu.vector_load %arg8[%get3A_887, %get3A_888, %get3A_889] {strides = array<i32>} : memref<3x128x64xf32, #tpu.memory_space<vmem>>, vector<16xf32>,
        %gather3A_891 = tpu.vector_load_idx %arg9[%add3A_870, %broadcast_in_dim3A_132] : memref<384x8xf32, #tpu.memory_space<vmem>>[vector<16xi32>, vector<16xi32>], vector<16xf32>,
        %mul3A_892 = arith.mulf %gather3A_891, %get3A_7 : vector<16xf32>
        %add3A_893 = arith.addf %get3A_875, %mul3A_892 : vector<16xf32>
        %mul3A_894 = arith.mulf %gather3A_891, %get3A_11 : vector<16xf32>
        %add3A_895 = arith.addf %get3A_880, %mul3A_894 : vector<16xf32>
        %mul3A_896 = arith.mulf %gather3A_891, %get3A_15 : vector<16xf32>
        %add3A_897 = arith.addf %get3A_885, %mul3A_896 : vector<16xf32>
        %mul3A_898 = arith.mulf %gather3A_891, %get3A_19 : vector<16xf32>
        %add3A_899 = arith.addf %get3A_890, %mul3A_898 : vector<16xf32>
        %gather3A_900 = tpu.vector_load_idx %arg9[%add3A_870, %broadcast_in_dim3A_134] : memref<384x8xf32, #tpu.memory_space<vmem>>[vector<16xi32>, vector<16xi32>], vector<16xf32>,
        %mul3A_901 = arith.mulf %gather3A_900, %get3A_23 : vector<16xf32>
        %add3A_902 = arith.addf %add3A_893, %mul3A_901 : vector<16xf32>
        %mul3A_903 = arith.mulf %gather3A_900, %get3A_27 : vector<16xf32>
        %add3A_904 = arith.addf %add3A_895, %mul3A_903 : vector<16xf32>
        %mul3A_905 = arith.mulf %gather3A_900, %get3A_31 : vector<16xf32>
        %add3A_906 = arith.addf %add3A_897, %mul3A_905 : vector<16xf32>
        %mul3A_907 = arith.mulf %gather3A_900, %get3A_35 : vector<16xf32>
        %add3A_908 = arith.addf %add3A_899, %mul3A_907 : vector<16xf32>
        %gather3A_909 = tpu.vector_load_idx %arg9[%add3A_870, %broadcast_in_dim3A_136] : memref<384x8xf32, #tpu.memory_space<vmem>>[vector<16xi32>, vector<16xi32>], vector<16xf32>,
        %mul3A_910 = arith.mulf %gather3A_909, %get3A_39 : vector<16xf32>
        %add3A_911 = arith.addf %add3A_902, %mul3A_910 : vector<16xf32>
        %mul3A_912 = arith.mulf %gather3A_909, %get3A_43 : vector<16xf32>
        %add3A_913 = arith.addf %add3A_904, %mul3A_912 : vector<16xf32>
        %mul3A_914 = arith.mulf %gather3A_909, %get3A_47 : vector<16xf32>
        %add3A_915 = arith.addf %add3A_906, %mul3A_914 : vector<16xf32>
        %mul3A_916 = arith.mulf %gather3A_909, %get3A_51 : vector<16xf32>
        %add3A_917 = arith.addf %add3A_908, %mul3A_916 : vector<16xf32>
        %gather3A_918 = tpu.vector_load_idx %arg9[%add3A_870, %broadcast_in_dim3A_138] : memref<384x8xf32, #tpu.memory_space<vmem>>[vector<16xi32>, vector<16xi32>], vector<16xf32>,
        %mul3A_919 = arith.mulf %gather3A_918, %get3A_55 : vector<16xf32>
        %add3A_920 = arith.addf %add3A_911, %mul3A_919 : vector<16xf32>
        %mul3A_921 = arith.mulf %gather3A_918, %get3A_59 : vector<16xf32>
        %add3A_922 = arith.addf %add3A_913, %mul3A_921 : vector<16xf32>
        %mul3A_923 = arith.mulf %gather3A_918, %get3A_63 : vector<16xf32>
        %add3A_924 = arith.addf %add3A_915, %mul3A_923 : vector<16xf32>
        %mul3A_925 = arith.mulf %gather3A_918, %get3A_67 : vector<16xf32>
        %add3A_926 = arith.addf %add3A_917, %mul3A_925 : vector<16xf32>
        %gather3A_927 = tpu.vector_load_idx %arg9[%add3A_870, %broadcast_in_dim3A_140] : memref<384x8xf32, #tpu.memory_space<vmem>>[vector<16xi32>, vector<16xi32>], vector<16xf32>,
        %mul3A_928 = arith.mulf %gather3A_927, %get3A_71 : vector<16xf32>
        %add3A_929 = arith.addf %add3A_920, %mul3A_928 : vector<16xf32>
        %mul3A_930 = arith.mulf %gather3A_927, %get3A_75 : vector<16xf32>
        %add3A_931 = arith.addf %add3A_922, %mul3A_930 : vector<16xf32>
        %mul3A_932 = arith.mulf %gather3A_927, %get3A_79 : vector<16xf32>
        %add3A_933 = arith.addf %add3A_924, %mul3A_932 : vector<16xf32>
        %mul3A_934 = arith.mulf %gather3A_927, %get3A_83 : vector<16xf32>
        %add3A_935 = arith.addf %add3A_926, %mul3A_934 : vector<16xf32>
        %gather3A_936 = tpu.vector_load_idx %arg9[%add3A_870, %broadcast_in_dim3A_142] : memref<384x8xf32, #tpu.memory_space<vmem>>[vector<16xi32>, vector<16xi32>], vector<16xf32>,
        %mul3A_937 = arith.mulf %gather3A_936, %get3A_87 : vector<16xf32>
        %add3A_938 = arith.addf %add3A_929, %mul3A_937 : vector<16xf32>
        %mul3A_939 = arith.mulf %gather3A_936, %get3A_91 : vector<16xf32>
        %add3A_940 = arith.addf %add3A_931, %mul3A_939 : vector<16xf32>
        %mul3A_941 = arith.mulf %gather3A_936, %get3A_95 : vector<16xf32>
        %add3A_942 = arith.addf %add3A_933, %mul3A_941 : vector<16xf32>
        %mul3A_943 = arith.mulf %gather3A_936, %get3A_99 : vector<16xf32>
        %add3A_944 = arith.addf %add3A_935, %mul3A_943 : vector<16xf32>
        %gather3A_945 = tpu.vector_load_idx %arg9[%add3A_870, %broadcast_in_dim3A_144] : memref<384x8xf32, #tpu.memory_space<vmem>>[vector<16xi32>, vector<16xi32>], vector<16xf32>,
        %mul3A_946 = arith.mulf %gather3A_945, %get3A_103 : vector<16xf32>
        %add3A_947 = arith.addf %add3A_938, %mul3A_946 : vector<16xf32>
        %mul3A_948 = arith.mulf %gather3A_945, %get3A_107 : vector<16xf32>
        %add3A_949 = arith.addf %add3A_940, %mul3A_948 : vector<16xf32>
        %mul3A_950 = arith.mulf %gather3A_945, %get3A_111 : vector<16xf32>
        %add3A_951 = arith.addf %add3A_942, %mul3A_950 : vector<16xf32>
        %mul3A_952 = arith.mulf %gather3A_945, %get3A_115 : vector<16xf32>
        %add3A_953 = arith.addf %add3A_944, %mul3A_952 : vector<16xf32>
        %gather3A_954 = tpu.vector_load_idx %arg9[%add3A_870, %broadcast_in_dim3A_146] : memref<384x8xf32, #tpu.memory_space<vmem>>[vector<16xi32>, vector<16xi32>], vector<16xf32>,
        %mul3A_955 = arith.mulf %gather3A_954, %get3A_119 : vector<16xf32>
        %add3A_956 = arith.addf %add3A_947, %mul3A_955 : vector<16xf32>
        %mul3A_957 = arith.mulf %gather3A_954, %get3A_123 : vector<16xf32>
        %add3A_958 = arith.addf %add3A_949, %mul3A_957 : vector<16xf32>
        %mul3A_959 = arith.mulf %gather3A_954, %get3A_127 : vector<16xf32>
        %add3A_960 = arith.addf %add3A_951, %mul3A_959 : vector<16xf32>
        %mul3A_961 = arith.mulf %gather3A_954, %get3A_131 : vector<16xf32>
        %add3A_962 = arith.addf %add3A_953, %mul3A_961 : vector<16xf32>
        %swap3A_963 = arith.constant 2 : i32
        %swap3A_964 = arith.index_cast %swap3A_963 : i32 to index
        %swap3A_965 = arith.index_cast %add3A_866 : i32 to index
        %swap3A_966 = arith.constant 0 : index
        %swap3A_967 = tpu.vector_load %arg8[%swap3A_964, %swap3A_965, %swap3A_966] {strides = array<i32>} : memref<3x128x64xf32, #tpu.memory_space<vmem>>, vector<16xf32>,
        tpu.vector_store %arg8[%swap3A_964, %swap3A_965, %swap3A_966], %add3A_956 {strides = array<i32>} : memref<3x128x64xf32, #tpu.memory_space<vmem>>, vector<16xf32>,
        %swap3A_968 = arith.constant 2 : i32
        %swap3A_969 = arith.index_cast %swap3A_968 : i32 to index
        %swap3A_970 = arith.index_cast %add3A_866 : i32 to index
        %swap3A_971 = arith.constant 16 : index
        %swap3A_972 = tpu.vector_load %arg8[%swap3A_969, %swap3A_970, %swap3A_971] {strides = array<i32>} : memref<3x128x64xf32, #tpu.memory_space<vmem>>, vector<16xf32>,
        tpu.vector_store %arg8[%swap3A_969, %swap3A_970, %swap3A_971], %add3A_958 {strides = array<i32>} : memref<3x128x64xf32, #tpu.memory_space<vmem>>, vector<16xf32>,
        %swap3A_973 = arith.constant 2 : i32
        %swap3A_974 = arith.index_cast %swap3A_973 : i32 to index
        %swap3A_975 = arith.index_cast %add3A_866 : i32 to index
        %swap3A_976 = arith.constant 32 : index
        %swap3A_977 = tpu.vector_load %arg8[%swap3A_974, %swap3A_975, %swap3A_976] {strides = array<i32>} : memref<3x128x64xf32, #tpu.memory_space<vmem>>, vector<16xf32>,
        tpu.vector_store %arg8[%swap3A_974, %swap3A_975, %swap3A_976], %add3A_960 {strides = array<i32>} : memref<3x128x64xf32, #tpu.memory_space<vmem>>, vector<16xf32>,
        %swap3A_978 = arith.constant 2 : i32
        %swap3A_979 = arith.index_cast %swap3A_978 : i32 to index
        %swap3A_980 = arith.index_cast %add3A_866 : i32 to index
        %swap3A_981 = arith.constant 48 : index
        %swap3A_982 = tpu.vector_load %arg8[%swap3A_979, %swap3A_980, %swap3A_981] {strides = array<i32>} : memref<3x128x64xf32, #tpu.memory_space<vmem>>, vector<16xf32>,
        tpu.vector_store %arg8[%swap3A_979, %swap3A_980, %swap3A_981], %add3A_962 {strides = array<i32>} : memref<3x128x64xf32, #tpu.memory_space<vmem>>, vector<16xf32>,
      }
      %scan3A_480 = arith.constant 32 : i32
      %mul3A_481 = arith.constant 128 : i32
      %mul3A_482 = arith.muli %add3A_454, %mul3A_481 : i32
      %add3A_483 = arith.addi %mul3A_4, %mul3A_482 : i32
      %dma_start3A_484 = arith.constant 2 : i32
      %dma_start3A_485 = arith.constant 0 : i32
      %dma_start3A_486 = arith.constant 0 : i32
      %dma_start3A_487 = tpu.memref_slice %arg8[%dma_start3A_484, %dma_start3A_485, %dma_start3A_486] : memref<3x128x64xf32, #tpu.memory_space<vmem>> -> memref<1x128x64xf32, #tpu.memory_space<vmem>>
      %dma_start3A_488 = tpu.memref_squeeze %dma_start3A_487 : memref<1x128x64xf32, #tpu.memory_space<vmem>> -> memref<128x64xf32, #tpu.memory_space<vmem>>
      %dma_start3A_489 = arith.constant 0 : i32
      %dma_start3A_490 = tpu.memref_slice %arg6[%add3A_483, %dma_start3A_489] : memref<327680x64xf32, #tpu.memory_space<hbm>> -> memref<128x64xf32, #tpu.memory_space<hbm>>
      %dma_start3A_491 = arith.constant 0 : i32
      %dma_start3A_492 = tpu.memref_slice %arg6[%add3A_483, %dma_start3A_491] : memref<327680x64xf32, #tpu.memory_space<hbm>> -> memref<128x64xf32, #tpu.memory_space<hbm>>
      %dma_start3A_493 = arith.constant 0 : i32
      %dma_start3A_494 = arith.constant 0 : i32
      %dma_start3A_495 = tpu.memref_slice %arg8[%dma_start3A_484, %dma_start3A_493, %dma_start3A_494] : memref<3x128x64xf32, #tpu.memory_space<vmem>> -> memref<1x128x64xf32, #tpu.memory_space<vmem>>
      %dma_start3A_496 = tpu.memref_squeeze %dma_start3A_495 : memref<1x128x64xf32, #tpu.memory_space<vmem>> -> memref<128x64xf32, #tpu.memory_space<vmem>>
      tpu.enqueue_dma source(%dma_start3A_496 : memref<128x64xf32, #tpu.memory_space<vmem>>) target(%dma_start3A_492 : memref<128x64xf32, #tpu.memory_space<hbm>>) target_semaphore(%arg14 : memref<!tpu.dma_semaphore, #tpu.memory_space<semaphore_mem>>)
      %add3A_497 = arith.constant 2 : i32
      %add3A_498 = arith.addi %add3A_454, %add3A_497 : i32
      %lt3A_499 = arith.constant 80 : i32
      %lt3A_500 = arith.cmpi slt, %add3A_498, %lt3A_499 : i32
      %convert_element_type3A_501 = arith.extui %lt3A_500 : i1 to i32
      %cond3A_502 = arith.constant 0 : i32
      %cond3A_503 = arith.cmpi ne, %convert_element_type3A_501, %cond3A_502 : i32
      scf.if %cond3A_503 {
        %ge3A = arith.constant 1 : i32
        %ge3A_504 = arith.cmpi sge, %add3A_454, %ge3A : i32
        %convert_element_type3A_505 = arith.extui %ge3A_504 : i1 to i32
        %cond3A_506 = arith.constant 0 : i32
        %cond3A_507 = arith.cmpi ne, %convert_element_type3A_505, %cond3A_506 : i32
        scf.if %cond3A_507 {
          %sub3A = arith.constant 1 : i32
          %sub3A_530 = arith.subi %add3A_454, %sub3A : i32
          %mul3A_531 = arith.constant 128 : i32
          %mul3A_532 = arith.muli %sub3A_530, %mul3A_531 : i32
          %add3A_533 = arith.addi %mul3A_4, %mul3A_532 : i32
          %dma_wait3A_534 = arith.constant 1 : i32
          %dma_wait3A_535 = arith.constant 0 : i32
          %dma_wait3A_536 = arith.constant 0 : i32
          %dma_wait3A_537 = tpu.memref_slice %arg8[%dma_wait3A_534, %dma_wait3A_535, %dma_wait3A_536] : memref<3x128x64xf32, #tpu.memory_space<vmem>> -> memref<1x128x64xf32, #tpu.memory_space<vmem>>
          %dma_wait3A_538 = tpu.memref_squeeze %dma_wait3A_537 : memref<1x128x64xf32, #tpu.memory_space<vmem>> -> memref<128x64xf32, #tpu.memory_space<vmem>>
          %dma_wait3A_539 = arith.constant 0 : i32
          %dma_wait3A_540 = tpu.memref_slice %arg6[%add3A_533, %dma_wait3A_539] : memref<327680x64xf32, #tpu.memory_space<hbm>> -> memref<128x64xf32, #tpu.memory_space<hbm>>
          %dma_wait3A_541 = arith.constant 0 : i32
          %dma_wait3A_542 = tpu.memref_slice %arg6[%add3A_533, %dma_wait3A_541] : memref<327680x64xf32, #tpu.memory_space<hbm>> -> memref<128x64xf32, #tpu.memory_space<hbm>>
          %dma_wait3A_543 = arith.constant 0 : i32
          %dma_wait3A_544 = arith.constant 0 : i32
          %dma_wait3A_545 = tpu.memref_slice %arg8[%dma_wait3A_534, %dma_wait3A_543, %dma_wait3A_544] : memref<3x128x64xf32, #tpu.memory_space<vmem>> -> memref<1x128x64xf32, #tpu.memory_space<vmem>>
          %dma_wait3A_546 = tpu.memref_squeeze %dma_wait3A_545 : memref<1x128x64xf32, #tpu.memory_space<vmem>> -> memref<128x64xf32, #tpu.memory_space<vmem>>
          tpu.wait_dma2 semaphore(%arg14 : memref<!tpu.dma_semaphore, #tpu.memory_space<semaphore_mem>>) src(%dma_wait3A_546 : memref<128x64xf32, #tpu.memory_space<vmem>>) dst(%dma_wait3A_542 : memref<128x64xf32, #tpu.memory_space<hbm>>)
        } else {
        }
        %add3A_508 = arith.constant 2 : i32
        %add3A_509 = arith.addi %add3A_454, %add3A_508 : i32
        %dma_start3A_510 = arith.constant 1 : i32
        %dma_start3A_511 = arith.constant 0 : i32
        %dma_start3A_512 = arith.constant 0 : i32
        %dma_start3A_513 = tpu.memref_slice %arg8[%dma_start3A_510, %dma_start3A_511, %dma_start3A_512] : memref<3x128x64xf32, #tpu.memory_space<vmem>> -> memref<1x128x64xf32, #tpu.memory_space<vmem>>
        %dma_start3A_514 = tpu.memref_squeeze %dma_start3A_513 : memref<1x128x64xf32, #tpu.memory_space<vmem>> -> memref<128x64xf32, #tpu.memory_space<vmem>>
        %dma_start3A_515 = arith.constant 0 : i32
        %dma_start3A_516 = tpu.memref_slice %arg7[%add3A_509, %dma_start3A_515] : memref<80x128xi32, #tpu.memory_space<vmem>> -> memref<1x128xi32, #tpu.memory_space<vmem>>
        %dma_start3A_517 = tpu.memref_squeeze %dma_start3A_516 : memref<1x128xi32, #tpu.memory_space<vmem>> -> memref<128xi32, #tpu.memory_space<vmem>>
        %dma_start3A_518 = arith.constant 0 : i32
        %dma_start3A_519 = arith.constant 0 : i32
        %dma_start3A_520 = tpu.memref_slice %arg3[%dma_start3A_518, %dma_start3A_519] : memref<1000000x64xf32, #tpu.memory_space<hbm>> -> memref<1000000x64xf32, #tpu.memory_space<hbm>>
        tpu.enqueue_indirect_dma source(%dma_start3A_520 : memref<1000000x64xf32, #tpu.memory_space<hbm>>) target(%dma_start3A_514 : memref<128x64xf32, #tpu.memory_space<vmem>>) offsets(%dma_start3A_517 : memref<128xi32, #tpu.memory_space<vmem>>) semaphore(%arg11 : memref<!tpu.dma_semaphore, #tpu.memory_space<semaphore_mem>>)
        %dma_start3A_521 = arith.constant 128 : i32
        %dma_start3A_522 = arith.constant 0 : i32
        %dma_start3A_523 = tpu.memref_slice %arg9[%dma_start3A_521, %dma_start3A_522] : memref<384x8xf32, #tpu.memory_space<vmem>> -> memref<128x8xf32, #tpu.memory_space<vmem>>
        %dma_start3A_524 = arith.constant 0 : i32
        %dma_start3A_525 = tpu.memref_slice %arg7[%add3A_509, %dma_start3A_524] : memref<80x128xi32, #tpu.memory_space<vmem>> -> memref<1x128xi32, #tpu.memory_space<vmem>>
        %dma_start3A_526 = tpu.memref_squeeze %dma_start3A_525 : memref<1x128xi32, #tpu.memory_space<vmem>> -> memref<128xi32, #tpu.memory_space<vmem>>
        %dma_start3A_527 = arith.constant 0 : i32
        %dma_start3A_528 = arith.constant 0 : i32
        %dma_start3A_529 = tpu.memref_slice %arg4[%dma_start3A_527, %dma_start3A_528] : memref<1000000x8xf32, #tpu.memory_space<hbm>> -> memref<1000000x8xf32, #tpu.memory_space<hbm>>
        tpu.enqueue_indirect_dma source(%dma_start3A_529 : memref<1000000x8xf32, #tpu.memory_space<hbm>>) target(%dma_start3A_523 : memref<128x8xf32, #tpu.memory_space<vmem>>) offsets(%dma_start3A_526 : memref<128xi32, #tpu.memory_space<vmem>>) semaphore(%arg12 : memref<!tpu.dma_semaphore, #tpu.memory_space<semaphore_mem>>)
      } else {
      }
    }
    %scan3A_194 = arith.constant 26 : i32
    %dma_wait3A = arith.constant 78 : i32
    %dma_wait3A_195 = arith.constant 0 : i32
    %dma_wait3A_196 = arith.constant 0 : i32
    %dma_wait3A_197 = arith.constant 0 : i32
    %dma_wait3A_198 = tpu.memref_slice %arg8[%dma_wait3A_195, %dma_wait3A_196, %dma_wait3A_197] : memref<3x128x64xf32, #tpu.memory_space<vmem>> -> memref<1x128x64xf32, #tpu.memory_space<vmem>>
    %dma_wait3A_199 = tpu.memref_squeeze %dma_wait3A_198 : memref<1x128x64xf32, #tpu.memory_space<vmem>> -> memref<128x64xf32, #tpu.memory_space<vmem>>
    %dma_wait3A_200 = arith.constant 0 : i32
    %dma_wait3A_201 = tpu.memref_slice %arg7[%dma_wait3A, %dma_wait3A_200] : memref<80x128xi32, #tpu.memory_space<vmem>> -> memref<1x128xi32, #tpu.memory_space<vmem>>
    %dma_wait3A_202 = tpu.memref_squeeze %dma_wait3A_201 : memref<1x128xi32, #tpu.memory_space<vmem>> -> memref<128xi32, #tpu.memory_space<vmem>>
    %dma_wait3A_203 = arith.constant 0 : i32
    %dma_wait3A_204 = arith.constant 0 : i32
    %dma_wait3A_205 = tpu.memref_slice %arg3[%dma_wait3A_203, %dma_wait3A_204] : memref<1000000x64xf32, #tpu.memory_space<hbm>> -> memref<1000000x64xf32, #tpu.memory_space<hbm>>
    tpu.wait_indirect_dma semaphore(%arg11 : memref<!tpu.dma_semaphore, #tpu.memory_space<semaphore_mem>>) src(%dma_wait3A_205 : memref<1000000x64xf32, #tpu.memory_space<hbm>>) dst(%dma_wait3A_199 : memref<128x64xf32, #tpu.memory_space<vmem>>)
    %dma_wait3A_206 = arith.constant 78 : i32
    %dma_wait3A_207 = arith.constant 0 : i32
    %dma_wait3A_208 = arith.constant 0 : i32
    %dma_wait3A_209 = tpu.memref_slice %arg9[%dma_wait3A_207, %dma_wait3A_208] : memref<384x8xf32, #tpu.memory_space<vmem>> -> memref<128x8xf32, #tpu.memory_space<vmem>>
    %dma_wait3A_210 = arith.constant 0 : i32
    %dma_wait3A_211 = tpu.memref_slice %arg7[%dma_wait3A_206, %dma_wait3A_210] : memref<80x128xi32, #tpu.memory_space<vmem>> -> memref<1x128xi32, #tpu.memory_space<vmem>>
    %dma_wait3A_212 = tpu.memref_squeeze %dma_wait3A_211 : memref<1x128xi32, #tpu.memory_space<vmem>> -> memref<128xi32, #tpu.memory_space<vmem>>
    %dma_wait3A_213 = arith.constant 0 : i32
    %dma_wait3A_214 = arith.constant 0 : i32
    %dma_wait3A_215 = tpu.memref_slice %arg4[%dma_wait3A_213, %dma_wait3A_214] : memref<1000000x8xf32, #tpu.memory_space<hbm>> -> memref<1000000x8xf32, #tpu.memory_space<hbm>>
    tpu.wait_indirect_dma semaphore(%arg12 : memref<!tpu.dma_semaphore, #tpu.memory_space<semaphore_mem>>) src(%dma_wait3A_215 : memref<1000000x8xf32, #tpu.memory_space<hbm>>) dst(%dma_wait3A_209 : memref<128x8xf32, #tpu.memory_space<vmem>>)
    %scan3A_216 = arith.constant 0 : i32
    %scan3A_217 = arith.constant 0 : i32
    %scan3A_218 = arith.constant 32 : i32
    %scan3A_219 = arith.addi %scan3A_217, %scan3A_218 : i32
    %scan3A_220 = arith.constant 1 : i32
    scf.for %scan3A_344 = %scan3A_217 to %scan3A_219 step %scan3A_220  : i32 {
      %mul3A_345 = arith.constant 4 : i32
      %mul3A_346 = arith.muli %scan3A_344, %mul3A_345 : i32
      %add3A_347 = arith.constant 0 : i32
      %add3A_348 = arith.addi %mul3A_346, %add3A_347 : i32
      %broadcast_in_dim3A_349 = arith.constant 0 : i32
      %broadcast_in_dim3A_350 = vector.broadcast %broadcast_in_dim3A_349 : i32 to vector<16xi32>
      %add3A_351 = vector.broadcast %add3A_348 : i32 to vector<16xi32>
      %add3A_352 = arith.addi %broadcast_in_dim3A_350, %add3A_351 : vector<16xi32>
      %get3A_353 = arith.constant 0 : i32
      %get3A_354 = arith.index_cast %get3A_353 : i32 to index
      %get3A_355 = arith.index_cast %add3A_348 : i32 to index
      %get3A_356 = arith.constant 0 : index
      %get3A_357 = tpu.vector_load %arg8[%get3A_354, %get3A_355, %get3A_356] {strides = array<i32>} : memref<3x128x64xf32, #tpu.memory_space<vmem>>, vector<16xf32>,
      %get3A_358 = arith.constant 0 : i32
      %get3A_359 = arith.index_cast %get3A_358 : i32 to index
      %get3A_360 = arith.index_cast %add3A_348 : i32 to index
      %get3A_361 = arith.constant 16 : index
      %get3A_362 = tpu.vector_load %arg8[%get3A_359, %get3A_360, %get3A_361] {strides = array<i32>} : memref<3x128x64xf32, #tpu.memory_space<vmem>>, vector<16xf32>,
      %get3A_363 = arith.constant 0 : i32
      %get3A_364 = arith.index_cast %get3A_363 : i32 to index
      %get3A_365 = arith.index_cast %add3A_348 : i32 to index
      %get3A_366 = arith.constant 32 : index
      %get3A_367 = tpu.vector_load %arg8[%get3A_364, %get3A_365, %get3A_366] {strides = array<i32>} : memref<3x128x64xf32, #tpu.memory_space<vmem>>, vector<16xf32>,
      %get3A_368 = arith.constant 0 : i32
      %get3A_369 = arith.index_cast %get3A_368 : i32 to index
      %get3A_370 = arith.index_cast %add3A_348 : i32 to index
      %get3A_371 = arith.constant 48 : index
      %get3A_372 = tpu.vector_load %arg8[%get3A_369, %get3A_370, %get3A_371] {strides = array<i32>} : memref<3x128x64xf32, #tpu.memory_space<vmem>>, vector<16xf32>,
      %gather3A = tpu.vector_load_idx %arg9[%add3A_352, %broadcast_in_dim3A_132] : memref<384x8xf32, #tpu.memory_space<vmem>>[vector<16xi32>, vector<16xi32>], vector<16xf32>,
      %mul3A_373 = arith.mulf %gather3A, %get3A_7 : vector<16xf32>
      %add3A_374 = arith.addf %get3A_357, %mul3A_373 : vector<16xf32>
      %mul3A_375 = arith.mulf %gather3A, %get3A_11 : vector<16xf32>
      %add3A_376 = arith.addf %get3A_362, %mul3A_375 : vector<16xf32>
      %mul3A_377 = arith.mulf %gather3A, %get3A_15 : vector<16xf32>
      %add3A_378 = arith.addf %get3A_367, %mul3A_377 : vector<16xf32>
      %mul3A_379 = arith.mulf %gather3A, %get3A_19 : vector<16xf32>
      %add3A_380 = arith.addf %get3A_372, %mul3A_379 : vector<16xf32>
      %gather3A_381 = tpu.vector_load_idx %arg9[%add3A_352, %broadcast_in_dim3A_134] : memref<384x8xf32, #tpu.memory_space<vmem>>[vector<16xi32>, vector<16xi32>], vector<16xf32>,
      %mul3A_382 = arith.mulf %gather3A_381, %get3A_23 : vector<16xf32>
      %add3A_383 = arith.addf %add3A_374, %mul3A_382 : vector<16xf32>
      %mul3A_384 = arith.mulf %gather3A_381, %get3A_27 : vector<16xf32>
      %add3A_385 = arith.addf %add3A_376, %mul3A_384 : vector<16xf32>
      %mul3A_386 = arith.mulf %gather3A_381, %get3A_31 : vector<16xf32>
      %add3A_387 = arith.addf %add3A_378, %mul3A_386 : vector<16xf32>
      %mul3A_388 = arith.mulf %gather3A_381, %get3A_35 : vector<16xf32>
      %add3A_389 = arith.addf %add3A_380, %mul3A_388 : vector<16xf32>
      %gather3A_390 = tpu.vector_load_idx %arg9[%add3A_352, %broadcast_in_dim3A_136] : memref<384x8xf32, #tpu.memory_space<vmem>>[vector<16xi32>, vector<16xi32>], vector<16xf32>,
      %mul3A_391 = arith.mulf %gather3A_390, %get3A_39 : vector<16xf32>
      %add3A_392 = arith.addf %add3A_383, %mul3A_391 : vector<16xf32>
      %mul3A_393 = arith.mulf %gather3A_390, %get3A_43 : vector<16xf32>
      %add3A_394 = arith.addf %add3A_385, %mul3A_393 : vector<16xf32>
      %mul3A_395 = arith.mulf %gather3A_390, %get3A_47 : vector<16xf32>
      %add3A_396 = arith.addf %add3A_387, %mul3A_395 : vector<16xf32>
      %mul3A_397 = arith.mulf %gather3A_390, %get3A_51 : vector<16xf32>
      %add3A_398 = arith.addf %add3A_389, %mul3A_397 : vector<16xf32>
      %gather3A_399 = tpu.vector_load_idx %arg9[%add3A_352, %broadcast_in_dim3A_138] : memref<384x8xf32, #tpu.memory_space<vmem>>[vector<16xi32>, vector<16xi32>], vector<16xf32>,
      %mul3A_400 = arith.mulf %gather3A_399, %get3A_55 : vector<16xf32>
      %add3A_401 = arith.addf %add3A_392, %mul3A_400 : vector<16xf32>
      %mul3A_402 = arith.mulf %gather3A_399, %get3A_59 : vector<16xf32>
      %add3A_403 = arith.addf %add3A_394, %mul3A_402 : vector<16xf32>
      %mul3A_404 = arith.mulf %gather3A_399, %get3A_63 : vector<16xf32>
      %add3A_405 = arith.addf %add3A_396, %mul3A_404 : vector<16xf32>
      %mul3A_406 = arith.mulf %gather3A_399, %get3A_67 : vector<16xf32>
      %add3A_407 = arith.addf %add3A_398, %mul3A_406 : vector<16xf32>
      %gather3A_408 = tpu.vector_load_idx %arg9[%add3A_352, %broadcast_in_dim3A_140] : memref<384x8xf32, #tpu.memory_space<vmem>>[vector<16xi32>, vector<16xi32>], vector<16xf32>,
      %mul3A_409 = arith.mulf %gather3A_408, %get3A_71 : vector<16xf32>
      %add3A_410 = arith.addf %add3A_401, %mul3A_409 : vector<16xf32>
      %mul3A_411 = arith.mulf %gather3A_408, %get3A_75 : vector<16xf32>
      %add3A_412 = arith.addf %add3A_403, %mul3A_411 : vector<16xf32>
      %mul3A_413 = arith.mulf %gather3A_408, %get3A_79 : vector<16xf32>
      %add3A_414 = arith.addf %add3A_405, %mul3A_413 : vector<16xf32>
      %mul3A_415 = arith.mulf %gather3A_408, %get3A_83 : vector<16xf32>
      %add3A_416 = arith.addf %add3A_407, %mul3A_415 : vector<16xf32>
      %gather3A_417 = tpu.vector_load_idx %arg9[%add3A_352, %broadcast_in_dim3A_142] : memref<384x8xf32, #tpu.memory_space<vmem>>[vector<16xi32>, vector<16xi32>], vector<16xf32>,
      %mul3A_418 = arith.mulf %gather3A_417, %get3A_87 : vector<16xf32>
      %add3A_419 = arith.addf %add3A_410, %mul3A_418 : vector<16xf32>
      %mul3A_420 = arith.mulf %gather3A_417, %get3A_91 : vector<16xf32>
      %add3A_421 = arith.addf %add3A_412, %mul3A_420 : vector<16xf32>
      %mul3A_422 = arith.mulf %gather3A_417, %get3A_95 : vector<16xf32>
      %add3A_423 = arith.addf %add3A_414, %mul3A_422 : vector<16xf32>
      %mul3A_424 = arith.mulf %gather3A_417, %get3A_99 : vector<16xf32>
      %add3A_425 = arith.addf %add3A_416, %mul3A_424 : vector<16xf32>
      %gather3A_426 = tpu.vector_load_idx %arg9[%add3A_352, %broadcast_in_dim3A_144] : memref<384x8xf32, #tpu.memory_space<vmem>>[vector<16xi32>, vector<16xi32>], vector<16xf32>,
      %mul3A_427 = arith.mulf %gather3A_426, %get3A_103 : vector<16xf32>
      %add3A_428 = arith.addf %add3A_419, %mul3A_427 : vector<16xf32>
      %mul3A_429 = arith.mulf %gather3A_426, %get3A_107 : vector<16xf32>
      %add3A_430 = arith.addf %add3A_421, %mul3A_429 : vector<16xf32>
      %mul3A_431 = arith.mulf %gather3A_426, %get3A_111 : vector<16xf32>
      %add3A_432 = arith.addf %add3A_423, %mul3A_431 : vector<16xf32>
      %mul3A_433 = arith.mulf %gather3A_426, %get3A_115 : vector<16xf32>
      %add3A_434 = arith.addf %add3A_425, %mul3A_433 : vector<16xf32>
      %gather3A_435 = tpu.vector_load_idx %arg9[%add3A_352, %broadcast_in_dim3A_146] : memref<384x8xf32, #tpu.memory_space<vmem>>[vector<16xi32>, vector<16xi32>], vector<16xf32>,
      %mul3A_436 = arith.mulf %gather3A_435, %get3A_119 : vector<16xf32>
      %add3A_437 = arith.addf %add3A_428, %mul3A_436 : vector<16xf32>
      %mul3A_438 = arith.mulf %gather3A_435, %get3A_123 : vector<16xf32>
      %add3A_439 = arith.addf %add3A_430, %mul3A_438 : vector<16xf32>
      %mul3A_440 = arith.mulf %gather3A_435, %get3A_127 : vector<16xf32>
      %add3A_441 = arith.addf %add3A_432, %mul3A_440 : vector<16xf32>
      %mul3A_442 = arith.mulf %gather3A_435, %get3A_131 : vector<16xf32>
      %add3A_443 = arith.addf %add3A_434, %mul3A_442 : vector<16xf32>
      %swap3A = arith.constant 0 : i32
      %swap3A_444 = arith.index_cast %swap3A : i32 to index
      %swap3A_445 = arith.index_cast %add3A_348 : i32 to index
      %swap3A_446 = arith.constant 0 : index
      %swap3A_447 = tpu.vector_load %arg8[%swap3A_444, %swap3A_445, %swap3A_446] {strides = array<i32>} : memref<3x128x64xf32, #tpu.memory_space<vmem>>, vector<16xf32>,
      tpu.vector_store %arg8[%swap3A_444, %swap3A_445, %swap3A_446], %add3A_437 {strides = array<i32>} : memref<3x128x64xf32, #tpu.memory_space<vmem>>, vector<16xf32>,
      %swap3A_448 = arith.constant 0 : i32
      %swap3A_449 = arith.index_cast %swap3A_448 : i32 to index
      %swap3A_450 = arith.index_cast %add3A_348 : i32 to index
      %swap3A_451 = arith.constant 16 : index
      %swap3A_452 = tpu.vector_load %arg8[%swap3A_449, %swap3A_450, %swap3A_451] {strides = array<i32>} : memref<3x128x64xf32, #tpu.memory_space<vmem>>, vector<16xf32>,
      tpu.vector_store %arg8[%swap3A_449, %swap3A_450, %swap3A_451], %add3A_439 {strides = array<i32>} : memref<3x128x64xf32, #tpu.memory_space<vmem>>, vector<16xf32>,
      %swap3A_453 = arith.constant 0 : i32
      %swap3A_454 = arith.index_cast %swap3A_453 : i32 to index
      %swap3A_455 = arith.index_cast %add3A_348 : i32 to index
      %swap3A_456 = arith.constant 32 : index
      %swap3A_457 = tpu.vector_load %arg8[%swap3A_454, %swap3A_455, %swap3A_456] {strides = array<i32>} : memref<3x128x64xf32, #tpu.memory_space<vmem>>, vector<16xf32>,
      tpu.vector_store %arg8[%swap3A_454, %swap3A_455, %swap3A_456], %add3A_441 {strides = array<i32>} : memref<3x128x64xf32, #tpu.memory_space<vmem>>, vector<16xf32>,
      %swap3A_458 = arith.constant 0 : i32
      %swap3A_459 = arith.index_cast %swap3A_458 : i32 to index
      %swap3A_460 = arith.index_cast %add3A_348 : i32 to index
      %swap3A_461 = arith.constant 48 : index
      %swap3A_462 = tpu.vector_load %arg8[%swap3A_459, %swap3A_460, %swap3A_461] {strides = array<i32>} : memref<3x128x64xf32, #tpu.memory_space<vmem>>, vector<16xf32>,
      tpu.vector_store %arg8[%swap3A_459, %swap3A_460, %swap3A_461], %add3A_443 {strides = array<i32>} : memref<3x128x64xf32, #tpu.memory_space<vmem>>, vector<16xf32>,
      %mul3A_463 = arith.constant 4 : i32
      %mul3A_464 = arith.muli %scan3A_344, %mul3A_463 : i32
      %add3A_465 = arith.constant 1 : i32
      %add3A_466 = arith.addi %mul3A_464, %add3A_465 : i32
      %broadcast_in_dim3A_467 = arith.constant 0 : i32
      %broadcast_in_dim3A_468 = vector.broadcast %broadcast_in_dim3A_467 : i32 to vector<16xi32>
      %add3A_469 = vector.broadcast %add3A_466 : i32 to vector<16xi32>
      %add3A_470 = arith.addi %broadcast_in_dim3A_468, %add3A_469 : vector<16xi32>
      %get3A_471 = arith.constant 0 : i32
      %get3A_472 = arith.index_cast %get3A_471 : i32 to index
      %get3A_473 = arith.index_cast %add3A_466 : i32 to index
      %get3A_474 = arith.constant 0 : index
      %get3A_475 = tpu.vector_load %arg8[%get3A_472, %get3A_473, %get3A_474] {strides = array<i32>} : memref<3x128x64xf32, #tpu.memory_space<vmem>>, vector<16xf32>,
      %get3A_476 = arith.constant 0 : i32
      %get3A_477 = arith.index_cast %get3A_476 : i32 to index
      %get3A_478 = arith.index_cast %add3A_466 : i32 to index
      %get3A_479 = arith.constant 16 : index
      %get3A_480 = tpu.vector_load %arg8[%get3A_477, %get3A_478, %get3A_479] {strides = array<i32>} : memref<3x128x64xf32, #tpu.memory_space<vmem>>, vector<16xf32>,
      %get3A_481 = arith.constant 0 : i32
      %get3A_482 = arith.index_cast %get3A_481 : i32 to index
      %get3A_483 = arith.index_cast %add3A_466 : i32 to index
      %get3A_484 = arith.constant 32 : index
      %get3A_485 = tpu.vector_load %arg8[%get3A_482, %get3A_483, %get3A_484] {strides = array<i32>} : memref<3x128x64xf32, #tpu.memory_space<vmem>>, vector<16xf32>,
      %get3A_486 = arith.constant 0 : i32
      %get3A_487 = arith.index_cast %get3A_486 : i32 to index
      %get3A_488 = arith.index_cast %add3A_466 : i32 to index
      %get3A_489 = arith.constant 48 : index
      %get3A_490 = tpu.vector_load %arg8[%get3A_487, %get3A_488, %get3A_489] {strides = array<i32>} : memref<3x128x64xf32, #tpu.memory_space<vmem>>, vector<16xf32>,
      %gather3A_491 = tpu.vector_load_idx %arg9[%add3A_470, %broadcast_in_dim3A_132] : memref<384x8xf32, #tpu.memory_space<vmem>>[vector<16xi32>, vector<16xi32>], vector<16xf32>,
      %mul3A_492 = arith.mulf %gather3A_491, %get3A_7 : vector<16xf32>
      %add3A_493 = arith.addf %get3A_475, %mul3A_492 : vector<16xf32>
      %mul3A_494 = arith.mulf %gather3A_491, %get3A_11 : vector<16xf32>
      %add3A_495 = arith.addf %get3A_480, %mul3A_494 : vector<16xf32>
      %mul3A_496 = arith.mulf %gather3A_491, %get3A_15 : vector<16xf32>
      %add3A_497 = arith.addf %get3A_485, %mul3A_496 : vector<16xf32>
      %mul3A_498 = arith.mulf %gather3A_491, %get3A_19 : vector<16xf32>
      %add3A_499 = arith.addf %get3A_490, %mul3A_498 : vector<16xf32>
      %gather3A_500 = tpu.vector_load_idx %arg9[%add3A_470, %broadcast_in_dim3A_134] : memref<384x8xf32, #tpu.memory_space<vmem>>[vector<16xi32>, vector<16xi32>], vector<16xf32>,
      %mul3A_501 = arith.mulf %gather3A_500, %get3A_23 : vector<16xf32>
      %add3A_502 = arith.addf %add3A_493, %mul3A_501 : vector<16xf32>
      %mul3A_503 = arith.mulf %gather3A_500, %get3A_27 : vector<16xf32>
      %add3A_504 = arith.addf %add3A_495, %mul3A_503 : vector<16xf32>
      %mul3A_505 = arith.mulf %gather3A_500, %get3A_31 : vector<16xf32>
      %add3A_506 = arith.addf %add3A_497, %mul3A_505 : vector<16xf32>
      %mul3A_507 = arith.mulf %gather3A_500, %get3A_35 : vector<16xf32>
      %add3A_508 = arith.addf %add3A_499, %mul3A_507 : vector<16xf32>
      %gather3A_509 = tpu.vector_load_idx %arg9[%add3A_470, %broadcast_in_dim3A_136] : memref<384x8xf32, #tpu.memory_space<vmem>>[vector<16xi32>, vector<16xi32>], vector<16xf32>,
      %mul3A_510 = arith.mulf %gather3A_509, %get3A_39 : vector<16xf32>
      %add3A_511 = arith.addf %add3A_502, %mul3A_510 : vector<16xf32>
      %mul3A_512 = arith.mulf %gather3A_509, %get3A_43 : vector<16xf32>
      %add3A_513 = arith.addf %add3A_504, %mul3A_512 : vector<16xf32>
      %mul3A_514 = arith.mulf %gather3A_509, %get3A_47 : vector<16xf32>
      %add3A_515 = arith.addf %add3A_506, %mul3A_514 : vector<16xf32>
      %mul3A_516 = arith.mulf %gather3A_509, %get3A_51 : vector<16xf32>
      %add3A_517 = arith.addf %add3A_508, %mul3A_516 : vector<16xf32>
      %gather3A_518 = tpu.vector_load_idx %arg9[%add3A_470, %broadcast_in_dim3A_138] : memref<384x8xf32, #tpu.memory_space<vmem>>[vector<16xi32>, vector<16xi32>], vector<16xf32>,
      %mul3A_519 = arith.mulf %gather3A_518, %get3A_55 : vector<16xf32>
      %add3A_520 = arith.addf %add3A_511, %mul3A_519 : vector<16xf32>
      %mul3A_521 = arith.mulf %gather3A_518, %get3A_59 : vector<16xf32>
      %add3A_522 = arith.addf %add3A_513, %mul3A_521 : vector<16xf32>
      %mul3A_523 = arith.mulf %gather3A_518, %get3A_63 : vector<16xf32>
      %add3A_524 = arith.addf %add3A_515, %mul3A_523 : vector<16xf32>
      %mul3A_525 = arith.mulf %gather3A_518, %get3A_67 : vector<16xf32>
      %add3A_526 = arith.addf %add3A_517, %mul3A_525 : vector<16xf32>
      %gather3A_527 = tpu.vector_load_idx %arg9[%add3A_470, %broadcast_in_dim3A_140] : memref<384x8xf32, #tpu.memory_space<vmem>>[vector<16xi32>, vector<16xi32>], vector<16xf32>,
      %mul3A_528 = arith.mulf %gather3A_527, %get3A_71 : vector<16xf32>
      %add3A_529 = arith.addf %add3A_520, %mul3A_528 : vector<16xf32>
      %mul3A_530 = arith.mulf %gather3A_527, %get3A_75 : vector<16xf32>
      %add3A_531 = arith.addf %add3A_522, %mul3A_530 : vector<16xf32>
      %mul3A_532 = arith.mulf %gather3A_527, %get3A_79 : vector<16xf32>
      %add3A_533 = arith.addf %add3A_524, %mul3A_532 : vector<16xf32>
      %mul3A_534 = arith.mulf %gather3A_527, %get3A_83 : vector<16xf32>
      %add3A_535 = arith.addf %add3A_526, %mul3A_534 : vector<16xf32>
      %gather3A_536 = tpu.vector_load_idx %arg9[%add3A_470, %broadcast_in_dim3A_142] : memref<384x8xf32, #tpu.memory_space<vmem>>[vector<16xi32>, vector<16xi32>], vector<16xf32>,
      %mul3A_537 = arith.mulf %gather3A_536, %get3A_87 : vector<16xf32>
      %add3A_538 = arith.addf %add3A_529, %mul3A_537 : vector<16xf32>
      %mul3A_539 = arith.mulf %gather3A_536, %get3A_91 : vector<16xf32>
      %add3A_540 = arith.addf %add3A_531, %mul3A_539 : vector<16xf32>
      %mul3A_541 = arith.mulf %gather3A_536, %get3A_95 : vector<16xf32>
      %add3A_542 = arith.addf %add3A_533, %mul3A_541 : vector<16xf32>
      %mul3A_543 = arith.mulf %gather3A_536, %get3A_99 : vector<16xf32>
      %add3A_544 = arith.addf %add3A_535, %mul3A_543 : vector<16xf32>
      %gather3A_545 = tpu.vector_load_idx %arg9[%add3A_470, %broadcast_in_dim3A_144] : memref<384x8xf32, #tpu.memory_space<vmem>>[vector<16xi32>, vector<16xi32>], vector<16xf32>,
      %mul3A_546 = arith.mulf %gather3A_545, %get3A_103 : vector<16xf32>
      %add3A_547 = arith.addf %add3A_538, %mul3A_546 : vector<16xf32>
      %mul3A_548 = arith.mulf %gather3A_545, %get3A_107 : vector<16xf32>
      %add3A_549 = arith.addf %add3A_540, %mul3A_548 : vector<16xf32>
      %mul3A_550 = arith.mulf %gather3A_545, %get3A_111 : vector<16xf32>
      %add3A_551 = arith.addf %add3A_542, %mul3A_550 : vector<16xf32>
      %mul3A_552 = arith.mulf %gather3A_545, %get3A_115 : vector<16xf32>
      %add3A_553 = arith.addf %add3A_544, %mul3A_552 : vector<16xf32>
      %gather3A_554 = tpu.vector_load_idx %arg9[%add3A_470, %broadcast_in_dim3A_146] : memref<384x8xf32, #tpu.memory_space<vmem>>[vector<16xi32>, vector<16xi32>], vector<16xf32>,
      %mul3A_555 = arith.mulf %gather3A_554, %get3A_119 : vector<16xf32>
      %add3A_556 = arith.addf %add3A_547, %mul3A_555 : vector<16xf32>
      %mul3A_557 = arith.mulf %gather3A_554, %get3A_123 : vector<16xf32>
      %add3A_558 = arith.addf %add3A_549, %mul3A_557 : vector<16xf32>
      %mul3A_559 = arith.mulf %gather3A_554, %get3A_127 : vector<16xf32>
      %add3A_560 = arith.addf %add3A_551, %mul3A_559 : vector<16xf32>
      %mul3A_561 = arith.mulf %gather3A_554, %get3A_131 : vector<16xf32>
      %add3A_562 = arith.addf %add3A_553, %mul3A_561 : vector<16xf32>
      %swap3A_563 = arith.constant 0 : i32
      %swap3A_564 = arith.index_cast %swap3A_563 : i32 to index
      %swap3A_565 = arith.index_cast %add3A_466 : i32 to index
      %swap3A_566 = arith.constant 0 : index
      %swap3A_567 = tpu.vector_load %arg8[%swap3A_564, %swap3A_565, %swap3A_566] {strides = array<i32>} : memref<3x128x64xf32, #tpu.memory_space<vmem>>, vector<16xf32>,
      tpu.vector_store %arg8[%swap3A_564, %swap3A_565, %swap3A_566], %add3A_556 {strides = array<i32>} : memref<3x128x64xf32, #tpu.memory_space<vmem>>, vector<16xf32>,
      %swap3A_568 = arith.constant 0 : i32
      %swap3A_569 = arith.index_cast %swap3A_568 : i32 to index
      %swap3A_570 = arith.index_cast %add3A_466 : i32 to index
      %swap3A_571 = arith.constant 16 : index
      %swap3A_572 = tpu.vector_load %arg8[%swap3A_569, %swap3A_570, %swap3A_571] {strides = array<i32>} : memref<3x128x64xf32, #tpu.memory_space<vmem>>, vector<16xf32>,
      tpu.vector_store %arg8[%swap3A_569, %swap3A_570, %swap3A_571], %add3A_558 {strides = array<i32>} : memref<3x128x64xf32, #tpu.memory_space<vmem>>, vector<16xf32>,
      %swap3A_573 = arith.constant 0 : i32
      %swap3A_574 = arith.index_cast %swap3A_573 : i32 to index
      %swap3A_575 = arith.index_cast %add3A_466 : i32 to index
      %swap3A_576 = arith.constant 32 : index
      %swap3A_577 = tpu.vector_load %arg8[%swap3A_574, %swap3A_575, %swap3A_576] {strides = array<i32>} : memref<3x128x64xf32, #tpu.memory_space<vmem>>, vector<16xf32>,
      tpu.vector_store %arg8[%swap3A_574, %swap3A_575, %swap3A_576], %add3A_560 {strides = array<i32>} : memref<3x128x64xf32, #tpu.memory_space<vmem>>, vector<16xf32>,
      %swap3A_578 = arith.constant 0 : i32
      %swap3A_579 = arith.index_cast %swap3A_578 : i32 to index
      %swap3A_580 = arith.index_cast %add3A_466 : i32 to index
      %swap3A_581 = arith.constant 48 : index
      %swap3A_582 = tpu.vector_load %arg8[%swap3A_579, %swap3A_580, %swap3A_581] {strides = array<i32>} : memref<3x128x64xf32, #tpu.memory_space<vmem>>, vector<16xf32>,
      tpu.vector_store %arg8[%swap3A_579, %swap3A_580, %swap3A_581], %add3A_562 {strides = array<i32>} : memref<3x128x64xf32, #tpu.memory_space<vmem>>, vector<16xf32>,
      %mul3A_583 = arith.constant 4 : i32
      %mul3A_584 = arith.muli %scan3A_344, %mul3A_583 : i32
      %add3A_585 = arith.constant 2 : i32
      %add3A_586 = arith.addi %mul3A_584, %add3A_585 : i32
      %broadcast_in_dim3A_587 = arith.constant 0 : i32
      %broadcast_in_dim3A_588 = vector.broadcast %broadcast_in_dim3A_587 : i32 to vector<16xi32>
      %add3A_589 = vector.broadcast %add3A_586 : i32 to vector<16xi32>
      %add3A_590 = arith.addi %broadcast_in_dim3A_588, %add3A_589 : vector<16xi32>
      %get3A_591 = arith.constant 0 : i32
      %get3A_592 = arith.index_cast %get3A_591 : i32 to index
      %get3A_593 = arith.index_cast %add3A_586 : i32 to index
      %get3A_594 = arith.constant 0 : index
      %get3A_595 = tpu.vector_load %arg8[%get3A_592, %get3A_593, %get3A_594] {strides = array<i32>} : memref<3x128x64xf32, #tpu.memory_space<vmem>>, vector<16xf32>,
      %get3A_596 = arith.constant 0 : i32
      %get3A_597 = arith.index_cast %get3A_596 : i32 to index
      %get3A_598 = arith.index_cast %add3A_586 : i32 to index
      %get3A_599 = arith.constant 16 : index
      %get3A_600 = tpu.vector_load %arg8[%get3A_597, %get3A_598, %get3A_599] {strides = array<i32>} : memref<3x128x64xf32, #tpu.memory_space<vmem>>, vector<16xf32>,
      %get3A_601 = arith.constant 0 : i32
      %get3A_602 = arith.index_cast %get3A_601 : i32 to index
      %get3A_603 = arith.index_cast %add3A_586 : i32 to index
      %get3A_604 = arith.constant 32 : index
      %get3A_605 = tpu.vector_load %arg8[%get3A_602, %get3A_603, %get3A_604] {strides = array<i32>} : memref<3x128x64xf32, #tpu.memory_space<vmem>>, vector<16xf32>,
      %get3A_606 = arith.constant 0 : i32
      %get3A_607 = arith.index_cast %get3A_606 : i32 to index
      %get3A_608 = arith.index_cast %add3A_586 : i32 to index
      %get3A_609 = arith.constant 48 : index
      %get3A_610 = tpu.vector_load %arg8[%get3A_607, %get3A_608, %get3A_609] {strides = array<i32>} : memref<3x128x64xf32, #tpu.memory_space<vmem>>, vector<16xf32>,
      %gather3A_611 = tpu.vector_load_idx %arg9[%add3A_590, %broadcast_in_dim3A_132] : memref<384x8xf32, #tpu.memory_space<vmem>>[vector<16xi32>, vector<16xi32>], vector<16xf32>,
      %mul3A_612 = arith.mulf %gather3A_611, %get3A_7 : vector<16xf32>
      %add3A_613 = arith.addf %get3A_595, %mul3A_612 : vector<16xf32>
      %mul3A_614 = arith.mulf %gather3A_611, %get3A_11 : vector<16xf32>
      %add3A_615 = arith.addf %get3A_600, %mul3A_614 : vector<16xf32>
      %mul3A_616 = arith.mulf %gather3A_611, %get3A_15 : vector<16xf32>
      %add3A_617 = arith.addf %get3A_605, %mul3A_616 : vector<16xf32>
      %mul3A_618 = arith.mulf %gather3A_611, %get3A_19 : vector<16xf32>
      %add3A_619 = arith.addf %get3A_610, %mul3A_618 : vector<16xf32>
      %gather3A_620 = tpu.vector_load_idx %arg9[%add3A_590, %broadcast_in_dim3A_134] : memref<384x8xf32, #tpu.memory_space<vmem>>[vector<16xi32>, vector<16xi32>], vector<16xf32>,
      %mul3A_621 = arith.mulf %gather3A_620, %get3A_23 : vector<16xf32>
      %add3A_622 = arith.addf %add3A_613, %mul3A_621 : vector<16xf32>
      %mul3A_623 = arith.mulf %gather3A_620, %get3A_27 : vector<16xf32>
      %add3A_624 = arith.addf %add3A_615, %mul3A_623 : vector<16xf32>
      %mul3A_625 = arith.mulf %gather3A_620, %get3A_31 : vector<16xf32>
      %add3A_626 = arith.addf %add3A_617, %mul3A_625 : vector<16xf32>
      %mul3A_627 = arith.mulf %gather3A_620, %get3A_35 : vector<16xf32>
      %add3A_628 = arith.addf %add3A_619, %mul3A_627 : vector<16xf32>
      %gather3A_629 = tpu.vector_load_idx %arg9[%add3A_590, %broadcast_in_dim3A_136] : memref<384x8xf32, #tpu.memory_space<vmem>>[vector<16xi32>, vector<16xi32>], vector<16xf32>,
      %mul3A_630 = arith.mulf %gather3A_629, %get3A_39 : vector<16xf32>
      %add3A_631 = arith.addf %add3A_622, %mul3A_630 : vector<16xf32>
      %mul3A_632 = arith.mulf %gather3A_629, %get3A_43 : vector<16xf32>
      %add3A_633 = arith.addf %add3A_624, %mul3A_632 : vector<16xf32>
      %mul3A_634 = arith.mulf %gather3A_629, %get3A_47 : vector<16xf32>
      %add3A_635 = arith.addf %add3A_626, %mul3A_634 : vector<16xf32>
      %mul3A_636 = arith.mulf %gather3A_629, %get3A_51 : vector<16xf32>
      %add3A_637 = arith.addf %add3A_628, %mul3A_636 : vector<16xf32>
      %gather3A_638 = tpu.vector_load_idx %arg9[%add3A_590, %broadcast_in_dim3A_138] : memref<384x8xf32, #tpu.memory_space<vmem>>[vector<16xi32>, vector<16xi32>], vector<16xf32>,
      %mul3A_639 = arith.mulf %gather3A_638, %get3A_55 : vector<16xf32>
      %add3A_640 = arith.addf %add3A_631, %mul3A_639 : vector<16xf32>
      %mul3A_641 = arith.mulf %gather3A_638, %get3A_59 : vector<16xf32>
      %add3A_642 = arith.addf %add3A_633, %mul3A_641 : vector<16xf32>
      %mul3A_643 = arith.mulf %gather3A_638, %get3A_63 : vector<16xf32>
      %add3A_644 = arith.addf %add3A_635, %mul3A_643 : vector<16xf32>
      %mul3A_645 = arith.mulf %gather3A_638, %get3A_67 : vector<16xf32>
      %add3A_646 = arith.addf %add3A_637, %mul3A_645 : vector<16xf32>
      %gather3A_647 = tpu.vector_load_idx %arg9[%add3A_590, %broadcast_in_dim3A_140] : memref<384x8xf32, #tpu.memory_space<vmem>>[vector<16xi32>, vector<16xi32>], vector<16xf32>,
      %mul3A_648 = arith.mulf %gather3A_647, %get3A_71 : vector<16xf32>
      %add3A_649 = arith.addf %add3A_640, %mul3A_648 : vector<16xf32>
      %mul3A_650 = arith.mulf %gather3A_647, %get3A_75 : vector<16xf32>
      %add3A_651 = arith.addf %add3A_642, %mul3A_650 : vector<16xf32>
      %mul3A_652 = arith.mulf %gather3A_647, %get3A_79 : vector<16xf32>
      %add3A_653 = arith.addf %add3A_644, %mul3A_652 : vector<16xf32>
      %mul3A_654 = arith.mulf %gather3A_647, %get3A_83 : vector<16xf32>
      %add3A_655 = arith.addf %add3A_646, %mul3A_654 : vector<16xf32>
      %gather3A_656 = tpu.vector_load_idx %arg9[%add3A_590, %broadcast_in_dim3A_142] : memref<384x8xf32, #tpu.memory_space<vmem>>[vector<16xi32>, vector<16xi32>], vector<16xf32>,
      %mul3A_657 = arith.mulf %gather3A_656, %get3A_87 : vector<16xf32>
      %add3A_658 = arith.addf %add3A_649, %mul3A_657 : vector<16xf32>
      %mul3A_659 = arith.mulf %gather3A_656, %get3A_91 : vector<16xf32>
      %add3A_660 = arith.addf %add3A_651, %mul3A_659 : vector<16xf32>
      %mul3A_661 = arith.mulf %gather3A_656, %get3A_95 : vector<16xf32>
      %add3A_662 = arith.addf %add3A_653, %mul3A_661 : vector<16xf32>
      %mul3A_663 = arith.mulf %gather3A_656, %get3A_99 : vector<16xf32>
      %add3A_664 = arith.addf %add3A_655, %mul3A_663 : vector<16xf32>
      %gather3A_665 = tpu.vector_load_idx %arg9[%add3A_590, %broadcast_in_dim3A_144] : memref<384x8xf32, #tpu.memory_space<vmem>>[vector<16xi32>, vector<16xi32>], vector<16xf32>,
      %mul3A_666 = arith.mulf %gather3A_665, %get3A_103 : vector<16xf32>
      %add3A_667 = arith.addf %add3A_658, %mul3A_666 : vector<16xf32>
      %mul3A_668 = arith.mulf %gather3A_665, %get3A_107 : vector<16xf32>
      %add3A_669 = arith.addf %add3A_660, %mul3A_668 : vector<16xf32>
      %mul3A_670 = arith.mulf %gather3A_665, %get3A_111 : vector<16xf32>
      %add3A_671 = arith.addf %add3A_662, %mul3A_670 : vector<16xf32>
      %mul3A_672 = arith.mulf %gather3A_665, %get3A_115 : vector<16xf32>
      %add3A_673 = arith.addf %add3A_664, %mul3A_672 : vector<16xf32>
      %gather3A_674 = tpu.vector_load_idx %arg9[%add3A_590, %broadcast_in_dim3A_146] : memref<384x8xf32, #tpu.memory_space<vmem>>[vector<16xi32>, vector<16xi32>], vector<16xf32>,
      %mul3A_675 = arith.mulf %gather3A_674, %get3A_119 : vector<16xf32>
      %add3A_676 = arith.addf %add3A_667, %mul3A_675 : vector<16xf32>
      %mul3A_677 = arith.mulf %gather3A_674, %get3A_123 : vector<16xf32>
      %add3A_678 = arith.addf %add3A_669, %mul3A_677 : vector<16xf32>
      %mul3A_679 = arith.mulf %gather3A_674, %get3A_127 : vector<16xf32>
      %add3A_680 = arith.addf %add3A_671, %mul3A_679 : vector<16xf32>
      %mul3A_681 = arith.mulf %gather3A_674, %get3A_131 : vector<16xf32>
      %add3A_682 = arith.addf %add3A_673, %mul3A_681 : vector<16xf32>
      %swap3A_683 = arith.constant 0 : i32
      %swap3A_684 = arith.index_cast %swap3A_683 : i32 to index
      %swap3A_685 = arith.index_cast %add3A_586 : i32 to index
      %swap3A_686 = arith.constant 0 : index
      %swap3A_687 = tpu.vector_load %arg8[%swap3A_684, %swap3A_685, %swap3A_686] {strides = array<i32>} : memref<3x128x64xf32, #tpu.memory_space<vmem>>, vector<16xf32>,
      tpu.vector_store %arg8[%swap3A_684, %swap3A_685, %swap3A_686], %add3A_676 {strides = array<i32>} : memref<3x128x64xf32, #tpu.memory_space<vmem>>, vector<16xf32>,
      %swap3A_688 = arith.constant 0 : i32
      %swap3A_689 = arith.index_cast %swap3A_688 : i32 to index
      %swap3A_690 = arith.index_cast %add3A_586 : i32 to index
      %swap3A_691 = arith.constant 16 : index
      %swap3A_692 = tpu.vector_load %arg8[%swap3A_689, %swap3A_690, %swap3A_691] {strides = array<i32>} : memref<3x128x64xf32, #tpu.memory_space<vmem>>, vector<16xf32>,
      tpu.vector_store %arg8[%swap3A_689, %swap3A_690, %swap3A_691], %add3A_678 {strides = array<i32>} : memref<3x128x64xf32, #tpu.memory_space<vmem>>, vector<16xf32>,
      %swap3A_693 = arith.constant 0 : i32
      %swap3A_694 = arith.index_cast %swap3A_693 : i32 to index
      %swap3A_695 = arith.index_cast %add3A_586 : i32 to index
      %swap3A_696 = arith.constant 32 : index
      %swap3A_697 = tpu.vector_load %arg8[%swap3A_694, %swap3A_695, %swap3A_696] {strides = array<i32>} : memref<3x128x64xf32, #tpu.memory_space<vmem>>, vector<16xf32>,
      tpu.vector_store %arg8[%swap3A_694, %swap3A_695, %swap3A_696], %add3A_680 {strides = array<i32>} : memref<3x128x64xf32, #tpu.memory_space<vmem>>, vector<16xf32>,
      %swap3A_698 = arith.constant 0 : i32
      %swap3A_699 = arith.index_cast %swap3A_698 : i32 to index
      %swap3A_700 = arith.index_cast %add3A_586 : i32 to index
      %swap3A_701 = arith.constant 48 : index
      %swap3A_702 = tpu.vector_load %arg8[%swap3A_699, %swap3A_700, %swap3A_701] {strides = array<i32>} : memref<3x128x64xf32, #tpu.memory_space<vmem>>, vector<16xf32>,
      tpu.vector_store %arg8[%swap3A_699, %swap3A_700, %swap3A_701], %add3A_682 {strides = array<i32>} : memref<3x128x64xf32, #tpu.memory_space<vmem>>, vector<16xf32>,
      %mul3A_703 = arith.constant 4 : i32
      %mul3A_704 = arith.muli %scan3A_344, %mul3A_703 : i32
      %add3A_705 = arith.constant 3 : i32
      %add3A_706 = arith.addi %mul3A_704, %add3A_705 : i32
      %broadcast_in_dim3A_707 = arith.constant 0 : i32
      %broadcast_in_dim3A_708 = vector.broadcast %broadcast_in_dim3A_707 : i32 to vector<16xi32>
      %add3A_709 = vector.broadcast %add3A_706 : i32 to vector<16xi32>
      %add3A_710 = arith.addi %broadcast_in_dim3A_708, %add3A_709 : vector<16xi32>
      %get3A_711 = arith.constant 0 : i32
      %get3A_712 = arith.index_cast %get3A_711 : i32 to index
      %get3A_713 = arith.index_cast %add3A_706 : i32 to index
      %get3A_714 = arith.constant 0 : index
      %get3A_715 = tpu.vector_load %arg8[%get3A_712, %get3A_713, %get3A_714] {strides = array<i32>} : memref<3x128x64xf32, #tpu.memory_space<vmem>>, vector<16xf32>,
      %get3A_716 = arith.constant 0 : i32
      %get3A_717 = arith.index_cast %get3A_716 : i32 to index
      %get3A_718 = arith.index_cast %add3A_706 : i32 to index
      %get3A_719 = arith.constant 16 : index
      %get3A_720 = tpu.vector_load %arg8[%get3A_717, %get3A_718, %get3A_719] {strides = array<i32>} : memref<3x128x64xf32, #tpu.memory_space<vmem>>, vector<16xf32>,
      %get3A_721 = arith.constant 0 : i32
      %get3A_722 = arith.index_cast %get3A_721 : i32 to index
      %get3A_723 = arith.index_cast %add3A_706 : i32 to index
      %get3A_724 = arith.constant 32 : index
      %get3A_725 = tpu.vector_load %arg8[%get3A_722, %get3A_723, %get3A_724] {strides = array<i32>} : memref<3x128x64xf32, #tpu.memory_space<vmem>>, vector<16xf32>,
      %get3A_726 = arith.constant 0 : i32
      %get3A_727 = arith.index_cast %get3A_726 : i32 to index
      %get3A_728 = arith.index_cast %add3A_706 : i32 to index
      %get3A_729 = arith.constant 48 : index
      %get3A_730 = tpu.vector_load %arg8[%get3A_727, %get3A_728, %get3A_729] {strides = array<i32>} : memref<3x128x64xf32, #tpu.memory_space<vmem>>, vector<16xf32>,
      %gather3A_731 = tpu.vector_load_idx %arg9[%add3A_710, %broadcast_in_dim3A_132] : memref<384x8xf32, #tpu.memory_space<vmem>>[vector<16xi32>, vector<16xi32>], vector<16xf32>,
      %mul3A_732 = arith.mulf %gather3A_731, %get3A_7 : vector<16xf32>
      %add3A_733 = arith.addf %get3A_715, %mul3A_732 : vector<16xf32>
      %mul3A_734 = arith.mulf %gather3A_731, %get3A_11 : vector<16xf32>
      %add3A_735 = arith.addf %get3A_720, %mul3A_734 : vector<16xf32>
      %mul3A_736 = arith.mulf %gather3A_731, %get3A_15 : vector<16xf32>
      %add3A_737 = arith.addf %get3A_725, %mul3A_736 : vector<16xf32>
      %mul3A_738 = arith.mulf %gather3A_731, %get3A_19 : vector<16xf32>
      %add3A_739 = arith.addf %get3A_730, %mul3A_738 : vector<16xf32>
      %gather3A_740 = tpu.vector_load_idx %arg9[%add3A_710, %broadcast_in_dim3A_134] : memref<384x8xf32, #tpu.memory_space<vmem>>[vector<16xi32>, vector<16xi32>], vector<16xf32>,
      %mul3A_741 = arith.mulf %gather3A_740, %get3A_23 : vector<16xf32>
      %add3A_742 = arith.addf %add3A_733, %mul3A_741 : vector<16xf32>
      %mul3A_743 = arith.mulf %gather3A_740, %get3A_27 : vector<16xf32>
      %add3A_744 = arith.addf %add3A_735, %mul3A_743 : vector<16xf32>
      %mul3A_745 = arith.mulf %gather3A_740, %get3A_31 : vector<16xf32>
      %add3A_746 = arith.addf %add3A_737, %mul3A_745 : vector<16xf32>
      %mul3A_747 = arith.mulf %gather3A_740, %get3A_35 : vector<16xf32>
      %add3A_748 = arith.addf %add3A_739, %mul3A_747 : vector<16xf32>
      %gather3A_749 = tpu.vector_load_idx %arg9[%add3A_710, %broadcast_in_dim3A_136] : memref<384x8xf32, #tpu.memory_space<vmem>>[vector<16xi32>, vector<16xi32>], vector<16xf32>,
      %mul3A_750 = arith.mulf %gather3A_749, %get3A_39 : vector<16xf32>
      %add3A_751 = arith.addf %add3A_742, %mul3A_750 : vector<16xf32>
      %mul3A_752 = arith.mulf %gather3A_749, %get3A_43 : vector<16xf32>
      %add3A_753 = arith.addf %add3A_744, %mul3A_752 : vector<16xf32>
      %mul3A_754 = arith.mulf %gather3A_749, %get3A_47 : vector<16xf32>
      %add3A_755 = arith.addf %add3A_746, %mul3A_754 : vector<16xf32>
      %mul3A_756 = arith.mulf %gather3A_749, %get3A_51 : vector<16xf32>
      %add3A_757 = arith.addf %add3A_748, %mul3A_756 : vector<16xf32>
      %gather3A_758 = tpu.vector_load_idx %arg9[%add3A_710, %broadcast_in_dim3A_138] : memref<384x8xf32, #tpu.memory_space<vmem>>[vector<16xi32>, vector<16xi32>], vector<16xf32>,
      %mul3A_759 = arith.mulf %gather3A_758, %get3A_55 : vector<16xf32>
      %add3A_760 = arith.addf %add3A_751, %mul3A_759 : vector<16xf32>
      %mul3A_761 = arith.mulf %gather3A_758, %get3A_59 : vector<16xf32>
      %add3A_762 = arith.addf %add3A_753, %mul3A_761 : vector<16xf32>
      %mul3A_763 = arith.mulf %gather3A_758, %get3A_63 : vector<16xf32>
      %add3A_764 = arith.addf %add3A_755, %mul3A_763 : vector<16xf32>
      %mul3A_765 = arith.mulf %gather3A_758, %get3A_67 : vector<16xf32>
      %add3A_766 = arith.addf %add3A_757, %mul3A_765 : vector<16xf32>
      %gather3A_767 = tpu.vector_load_idx %arg9[%add3A_710, %broadcast_in_dim3A_140] : memref<384x8xf32, #tpu.memory_space<vmem>>[vector<16xi32>, vector<16xi32>], vector<16xf32>,
      %mul3A_768 = arith.mulf %gather3A_767, %get3A_71 : vector<16xf32>
      %add3A_769 = arith.addf %add3A_760, %mul3A_768 : vector<16xf32>
      %mul3A_770 = arith.mulf %gather3A_767, %get3A_75 : vector<16xf32>
      %add3A_771 = arith.addf %add3A_762, %mul3A_770 : vector<16xf32>
      %mul3A_772 = arith.mulf %gather3A_767, %get3A_79 : vector<16xf32>
      %add3A_773 = arith.addf %add3A_764, %mul3A_772 : vector<16xf32>
      %mul3A_774 = arith.mulf %gather3A_767, %get3A_83 : vector<16xf32>
      %add3A_775 = arith.addf %add3A_766, %mul3A_774 : vector<16xf32>
      %gather3A_776 = tpu.vector_load_idx %arg9[%add3A_710, %broadcast_in_dim3A_142] : memref<384x8xf32, #tpu.memory_space<vmem>>[vector<16xi32>, vector<16xi32>], vector<16xf32>,
      %mul3A_777 = arith.mulf %gather3A_776, %get3A_87 : vector<16xf32>
      %add3A_778 = arith.addf %add3A_769, %mul3A_777 : vector<16xf32>
      %mul3A_779 = arith.mulf %gather3A_776, %get3A_91 : vector<16xf32>
      %add3A_780 = arith.addf %add3A_771, %mul3A_779 : vector<16xf32>
      %mul3A_781 = arith.mulf %gather3A_776, %get3A_95 : vector<16xf32>
      %add3A_782 = arith.addf %add3A_773, %mul3A_781 : vector<16xf32>
      %mul3A_783 = arith.mulf %gather3A_776, %get3A_99 : vector<16xf32>
      %add3A_784 = arith.addf %add3A_775, %mul3A_783 : vector<16xf32>
      %gather3A_785 = tpu.vector_load_idx %arg9[%add3A_710, %broadcast_in_dim3A_144] : memref<384x8xf32, #tpu.memory_space<vmem>>[vector<16xi32>, vector<16xi32>], vector<16xf32>,
      %mul3A_786 = arith.mulf %gather3A_785, %get3A_103 : vector<16xf32>
      %add3A_787 = arith.addf %add3A_778, %mul3A_786 : vector<16xf32>
      %mul3A_788 = arith.mulf %gather3A_785, %get3A_107 : vector<16xf32>
      %add3A_789 = arith.addf %add3A_780, %mul3A_788 : vector<16xf32>
      %mul3A_790 = arith.mulf %gather3A_785, %get3A_111 : vector<16xf32>
      %add3A_791 = arith.addf %add3A_782, %mul3A_790 : vector<16xf32>
      %mul3A_792 = arith.mulf %gather3A_785, %get3A_115 : vector<16xf32>
      %add3A_793 = arith.addf %add3A_784, %mul3A_792 : vector<16xf32>
      %gather3A_794 = tpu.vector_load_idx %arg9[%add3A_710, %broadcast_in_dim3A_146] : memref<384x8xf32, #tpu.memory_space<vmem>>[vector<16xi32>, vector<16xi32>], vector<16xf32>,
      %mul3A_795 = arith.mulf %gather3A_794, %get3A_119 : vector<16xf32>
      %add3A_796 = arith.addf %add3A_787, %mul3A_795 : vector<16xf32>
      %mul3A_797 = arith.mulf %gather3A_794, %get3A_123 : vector<16xf32>
      %add3A_798 = arith.addf %add3A_789, %mul3A_797 : vector<16xf32>
      %mul3A_799 = arith.mulf %gather3A_794, %get3A_127 : vector<16xf32>
      %add3A_800 = arith.addf %add3A_791, %mul3A_799 : vector<16xf32>
      %mul3A_801 = arith.mulf %gather3A_794, %get3A_131 : vector<16xf32>
      %add3A_802 = arith.addf %add3A_793, %mul3A_801 : vector<16xf32>
      %swap3A_803 = arith.constant 0 : i32
      %swap3A_804 = arith.index_cast %swap3A_803 : i32 to index
      %swap3A_805 = arith.index_cast %add3A_706 : i32 to index
      %swap3A_806 = arith.constant 0 : index
      %swap3A_807 = tpu.vector_load %arg8[%swap3A_804, %swap3A_805, %swap3A_806] {strides = array<i32>} : memref<3x128x64xf32, #tpu.memory_space<vmem>>, vector<16xf32>,
      tpu.vector_store %arg8[%swap3A_804, %swap3A_805, %swap3A_806], %add3A_796 {strides = array<i32>} : memref<3x128x64xf32, #tpu.memory_space<vmem>>, vector<16xf32>,
      %swap3A_808 = arith.constant 0 : i32
      %swap3A_809 = arith.index_cast %swap3A_808 : i32 to index
      %swap3A_810 = arith.index_cast %add3A_706 : i32 to index
      %swap3A_811 = arith.constant 16 : index
      %swap3A_812 = tpu.vector_load %arg8[%swap3A_809, %swap3A_810, %swap3A_811] {strides = array<i32>} : memref<3x128x64xf32, #tpu.memory_space<vmem>>, vector<16xf32>,
      tpu.vector_store %arg8[%swap3A_809, %swap3A_810, %swap3A_811], %add3A_798 {strides = array<i32>} : memref<3x128x64xf32, #tpu.memory_space<vmem>>, vector<16xf32>,
      %swap3A_813 = arith.constant 0 : i32
      %swap3A_814 = arith.index_cast %swap3A_813 : i32 to index
      %swap3A_815 = arith.index_cast %add3A_706 : i32 to index
      %swap3A_816 = arith.constant 32 : index
      %swap3A_817 = tpu.vector_load %arg8[%swap3A_814, %swap3A_815, %swap3A_816] {strides = array<i32>} : memref<3x128x64xf32, #tpu.memory_space<vmem>>, vector<16xf32>,
      tpu.vector_store %arg8[%swap3A_814, %swap3A_815, %swap3A_816], %add3A_800 {strides = array<i32>} : memref<3x128x64xf32, #tpu.memory_space<vmem>>, vector<16xf32>,
      %swap3A_818 = arith.constant 0 : i32
      %swap3A_819 = arith.index_cast %swap3A_818 : i32 to index
      %swap3A_820 = arith.index_cast %add3A_706 : i32 to index
      %swap3A_821 = arith.constant 48 : index
      %swap3A_822 = tpu.vector_load %arg8[%swap3A_819, %swap3A_820, %swap3A_821] {strides = array<i32>} : memref<3x128x64xf32, #tpu.memory_space<vmem>>, vector<16xf32>,
      tpu.vector_store %arg8[%swap3A_819, %swap3A_820, %swap3A_821], %add3A_802 {strides = array<i32>} : memref<3x128x64xf32, #tpu.memory_space<vmem>>, vector<16xf32>,
    }
    %scan3A_221 = arith.constant 32 : i32
    %mul3A_222 = arith.constant 78 : i32
    %mul3A_223 = arith.constant 128 : i32
    %mul3A_224 = arith.muli %mul3A_222, %mul3A_223 : i32
    %add3A_225 = arith.addi %mul3A_4, %mul3A_224 : i32
    %dma_start3A_226 = arith.constant 0 : i32
    %dma_start3A_227 = arith.constant 0 : i32
    %dma_start3A_228 = arith.constant 0 : i32
    %dma_start3A_229 = tpu.memref_slice %arg8[%dma_start3A_226, %dma_start3A_227, %dma_start3A_228] : memref<3x128x64xf32, #tpu.memory_space<vmem>> -> memref<1x128x64xf32, #tpu.memory_space<vmem>>
    %dma_start3A_230 = tpu.memref_squeeze %dma_start3A_229 : memref<1x128x64xf32, #tpu.memory_space<vmem>> -> memref<128x64xf32, #tpu.memory_space<vmem>>
    %dma_start3A_231 = arith.constant 0 : i32
    %dma_start3A_232 = tpu.memref_slice %arg6[%add3A_225, %dma_start3A_231] : memref<327680x64xf32, #tpu.memory_space<hbm>> -> memref<128x64xf32, #tpu.memory_space<hbm>>
    %dma_start3A_233 = arith.constant 0 : i32
    %dma_start3A_234 = tpu.memref_slice %arg6[%add3A_225, %dma_start3A_233] : memref<327680x64xf32, #tpu.memory_space<hbm>> -> memref<128x64xf32, #tpu.memory_space<hbm>>
    %dma_start3A_235 = arith.constant 0 : i32
    %dma_start3A_236 = arith.constant 0 : i32
    %dma_start3A_237 = tpu.memref_slice %arg8[%dma_start3A_226, %dma_start3A_235, %dma_start3A_236] : memref<3x128x64xf32, #tpu.memory_space<vmem>> -> memref<1x128x64xf32, #tpu.memory_space<vmem>>
    %dma_start3A_238 = tpu.memref_squeeze %dma_start3A_237 : memref<1x128x64xf32, #tpu.memory_space<vmem>> -> memref<128x64xf32, #tpu.memory_space<vmem>>
    tpu.enqueue_dma source(%dma_start3A_238 : memref<128x64xf32, #tpu.memory_space<vmem>>) target(%dma_start3A_234 : memref<128x64xf32, #tpu.memory_space<hbm>>) target_semaphore(%arg14 : memref<!tpu.dma_semaphore, #tpu.memory_space<semaphore_mem>>)
    %add3A_239 = arith.constant 78 : i32
    %add3A_240 = arith.constant 2 : i32
    %add3A_241 = arith.addi %add3A_239, %add3A_240 : i32
    %lt3A = arith.constant 80 : i32
    %lt3A_242 = arith.cmpi slt, %add3A_241, %lt3A : i32
    %convert_element_type3A = arith.extui %lt3A_242 : i1 to i32
    %cond3A = arith.constant 78 : i32
    %cond3A_243 = arith.constant 0 : i32
    %cond3A_244 = arith.cmpi ne, %convert_element_type3A, %cond3A_243 : i32
    scf.if %cond3A_244 {
      %ge3A = arith.constant 1 : i32
      %ge3A_344 = arith.cmpi sge, %cond3A, %ge3A : i32
      %convert_element_type3A_345 = arith.extui %ge3A_344 : i1 to i32
      %cond3A_346 = arith.constant 0 : i32
      %cond3A_347 = arith.cmpi ne, %convert_element_type3A_345, %cond3A_346 : i32
      scf.if %cond3A_347 {
        %sub3A = arith.constant 1 : i32
        %sub3A_370 = arith.subi %cond3A, %sub3A : i32
        %mul3A_371 = arith.constant 128 : i32
        %mul3A_372 = arith.muli %sub3A_370, %mul3A_371 : i32
        %add3A_373 = arith.addi %mul3A_4, %mul3A_372 : i32
        %dma_wait3A_374 = arith.constant 2 : i32
        %dma_wait3A_375 = arith.constant 0 : i32
        %dma_wait3A_376 = arith.constant 0 : i32
        %dma_wait3A_377 = tpu.memref_slice %arg8[%dma_wait3A_374, %dma_wait3A_375, %dma_wait3A_376] : memref<3x128x64xf32, #tpu.memory_space<vmem>> -> memref<1x128x64xf32, #tpu.memory_space<vmem>>
        %dma_wait3A_378 = tpu.memref_squeeze %dma_wait3A_377 : memref<1x128x64xf32, #tpu.memory_space<vmem>> -> memref<128x64xf32, #tpu.memory_space<vmem>>
        %dma_wait3A_379 = arith.constant 0 : i32
        %dma_wait3A_380 = tpu.memref_slice %arg6[%add3A_373, %dma_wait3A_379] : memref<327680x64xf32, #tpu.memory_space<hbm>> -> memref<128x64xf32, #tpu.memory_space<hbm>>
        %dma_wait3A_381 = arith.constant 0 : i32
        %dma_wait3A_382 = tpu.memref_slice %arg6[%add3A_373, %dma_wait3A_381] : memref<327680x64xf32, #tpu.memory_space<hbm>> -> memref<128x64xf32, #tpu.memory_space<hbm>>
        %dma_wait3A_383 = arith.constant 0 : i32
        %dma_wait3A_384 = arith.constant 0 : i32
        %dma_wait3A_385 = tpu.memref_slice %arg8[%dma_wait3A_374, %dma_wait3A_383, %dma_wait3A_384] : memref<3x128x64xf32, #tpu.memory_space<vmem>> -> memref<1x128x64xf32, #tpu.memory_space<vmem>>
        %dma_wait3A_386 = tpu.memref_squeeze %dma_wait3A_385 : memref<1x128x64xf32, #tpu.memory_space<vmem>> -> memref<128x64xf32, #tpu.memory_space<vmem>>
        tpu.wait_dma2 semaphore(%arg14 : memref<!tpu.dma_semaphore, #tpu.memory_space<semaphore_mem>>) src(%dma_wait3A_386 : memref<128x64xf32, #tpu.memory_space<vmem>>) dst(%dma_wait3A_382 : memref<128x64xf32, #tpu.memory_space<hbm>>)
      } else {
      }
      %add3A_348 = arith.constant 2 : i32
      %add3A_349 = arith.addi %cond3A, %add3A_348 : i32
      %dma_start3A_350 = arith.constant 2 : i32
      %dma_start3A_351 = arith.constant 0 : i32
      %dma_start3A_352 = arith.constant 0 : i32
      %dma_start3A_353 = tpu.memref_slice %arg8[%dma_start3A_350, %dma_start3A_351, %dma_start3A_352] : memref<3x128x64xf32, #tpu.memory_space<vmem>> -> memref<1x128x64xf32, #tpu.memory_space<vmem>>
      %dma_start3A_354 = tpu.memref_squeeze %dma_start3A_353 : memref<1x128x64xf32, #tpu.memory_space<vmem>> -> memref<128x64xf32, #tpu.memory_space<vmem>>
      %dma_start3A_355 = arith.constant 0 : i32
      %dma_start3A_356 = tpu.memref_slice %arg7[%add3A_349, %dma_start3A_355] : memref<80x128xi32, #tpu.memory_space<vmem>> -> memref<1x128xi32, #tpu.memory_space<vmem>>
      %dma_start3A_357 = tpu.memref_squeeze %dma_start3A_356 : memref<1x128xi32, #tpu.memory_space<vmem>> -> memref<128xi32, #tpu.memory_space<vmem>>
      %dma_start3A_358 = arith.constant 0 : i32
      %dma_start3A_359 = arith.constant 0 : i32
      %dma_start3A_360 = tpu.memref_slice %arg3[%dma_start3A_358, %dma_start3A_359] : memref<1000000x64xf32, #tpu.memory_space<hbm>> -> memref<1000000x64xf32, #tpu.memory_space<hbm>>
      tpu.enqueue_indirect_dma source(%dma_start3A_360 : memref<1000000x64xf32, #tpu.memory_space<hbm>>) target(%dma_start3A_354 : memref<128x64xf32, #tpu.memory_space<vmem>>) offsets(%dma_start3A_357 : memref<128xi32, #tpu.memory_space<vmem>>) semaphore(%arg11 : memref<!tpu.dma_semaphore, #tpu.memory_space<semaphore_mem>>)
      %dma_start3A_361 = arith.constant 256 : i32
      %dma_start3A_362 = arith.constant 0 : i32
      %dma_start3A_363 = tpu.memref_slice %arg9[%dma_start3A_361, %dma_start3A_362] : memref<384x8xf32, #tpu.memory_space<vmem>> -> memref<128x8xf32, #tpu.memory_space<vmem>>
      %dma_start3A_364 = arith.constant 0 : i32
      %dma_start3A_365 = tpu.memref_slice %arg7[%add3A_349, %dma_start3A_364] : memref<80x128xi32, #tpu.memory_space<vmem>> -> memref<1x128xi32, #tpu.memory_space<vmem>>
      %dma_start3A_366 = tpu.memref_squeeze %dma_start3A_365 : memref<1x128xi32, #tpu.memory_space<vmem>> -> memref<128xi32, #tpu.memory_space<vmem>>
      %dma_start3A_367 = arith.constant 0 : i32
      %dma_start3A_368 = arith.constant 0 : i32
      %dma_start3A_369 = tpu.memref_slice %arg4[%dma_start3A_367, %dma_start3A_368] : memref<1000000x8xf32, #tpu.memory_space<hbm>> -> memref<1000000x8xf32, #tpu.memory_space<hbm>>
      tpu.enqueue_indirect_dma source(%dma_start3A_369 : memref<1000000x8xf32, #tpu.memory_space<hbm>>) target(%dma_start3A_363 : memref<128x8xf32, #tpu.memory_space<vmem>>) offsets(%dma_start3A_366 : memref<128xi32, #tpu.memory_space<vmem>>) semaphore(%arg12 : memref<!tpu.dma_semaphore, #tpu.memory_space<semaphore_mem>>)
    } else {
    }
    %dma_wait3A_245 = arith.constant 79 : i32
    %dma_wait3A_246 = arith.constant 1 : i32
    %dma_wait3A_247 = arith.constant 0 : i32
    %dma_wait3A_248 = arith.constant 0 : i32
    %dma_wait3A_249 = tpu.memref_slice %arg8[%dma_wait3A_246, %dma_wait3A_247, %dma_wait3A_248] : memref<3x128x64xf32, #tpu.memory_space<vmem>> -> memref<1x128x64xf32, #tpu.memory_space<vmem>>
    %dma_wait3A_250 = tpu.memref_squeeze %dma_wait3A_249 : memref<1x128x64xf32, #tpu.memory_space<vmem>> -> memref<128x64xf32, #tpu.memory_space<vmem>>
    %dma_wait3A_251 = arith.constant 0 : i32
    %dma_wait3A_252 = tpu.memref_slice %arg7[%dma_wait3A_245, %dma_wait3A_251] : memref<80x128xi32, #tpu.memory_space<vmem>> -> memref<1x128xi32, #tpu.memory_space<vmem>>
    %dma_wait3A_253 = tpu.memref_squeeze %dma_wait3A_252 : memref<1x128xi32, #tpu.memory_space<vmem>> -> memref<128xi32, #tpu.memory_space<vmem>>
    %dma_wait3A_254 = arith.constant 0 : i32
    %dma_wait3A_255 = arith.constant 0 : i32
    %dma_wait3A_256 = tpu.memref_slice %arg3[%dma_wait3A_254, %dma_wait3A_255] : memref<1000000x64xf32, #tpu.memory_space<hbm>> -> memref<1000000x64xf32, #tpu.memory_space<hbm>>
    tpu.wait_indirect_dma semaphore(%arg11 : memref<!tpu.dma_semaphore, #tpu.memory_space<semaphore_mem>>) src(%dma_wait3A_256 : memref<1000000x64xf32, #tpu.memory_space<hbm>>) dst(%dma_wait3A_250 : memref<128x64xf32, #tpu.memory_space<vmem>>)
    %dma_wait3A_257 = arith.constant 79 : i32
    %dma_wait3A_258 = arith.constant 128 : i32
    %dma_wait3A_259 = arith.constant 0 : i32
    %dma_wait3A_260 = tpu.memref_slice %arg9[%dma_wait3A_258, %dma_wait3A_259] : memref<384x8xf32, #tpu.memory_space<vmem>> -> memref<128x8xf32, #tpu.memory_space<vmem>>
    %dma_wait3A_261 = arith.constant 0 : i32
    %dma_wait3A_262 = tpu.memref_slice %arg7[%dma_wait3A_257, %dma_wait3A_261] : memref<80x128xi32, #tpu.memory_space<vmem>> -> memref<1x128xi32, #tpu.memory_space<vmem>>
    %dma_wait3A_263 = tpu.memref_squeeze %dma_wait3A_262 : memref<1x128xi32, #tpu.memory_space<vmem>> -> memref<128xi32, #tpu.memory_space<vmem>>
    %dma_wait3A_264 = arith.constant 0 : i32
    %dma_wait3A_265 = arith.constant 0 : i32
    %dma_wait3A_266 = tpu.memref_slice %arg4[%dma_wait3A_264, %dma_wait3A_265] : memref<1000000x8xf32, #tpu.memory_space<hbm>> -> memref<1000000x8xf32, #tpu.memory_space<hbm>>
    tpu.wait_indirect_dma semaphore(%arg12 : memref<!tpu.dma_semaphore, #tpu.memory_space<semaphore_mem>>) src(%dma_wait3A_266 : memref<1000000x8xf32, #tpu.memory_space<hbm>>) dst(%dma_wait3A_260 : memref<128x8xf32, #tpu.memory_space<vmem>>)
    %scan3A_267 = arith.constant 0 : i32
    %scan3A_268 = arith.constant 0 : i32
    %scan3A_269 = arith.constant 32 : i32
    %scan3A_270 = arith.addi %scan3A_268, %scan3A_269 : i32
    %scan3A_271 = arith.constant 1 : i32
    scf.for %scan3A_344 = %scan3A_268 to %scan3A_270 step %scan3A_271  : i32 {
      %mul3A_345 = arith.constant 4 : i32
      %mul3A_346 = arith.muli %scan3A_344, %mul3A_345 : i32
      %add3A_347 = arith.constant 0 : i32
      %add3A_348 = arith.addi %mul3A_346, %add3A_347 : i32
      %broadcast_in_dim3A_349 = arith.constant 128 : i32
      %broadcast_in_dim3A_350 = vector.broadcast %broadcast_in_dim3A_349 : i32 to vector<16xi32>
      %add3A_351 = vector.broadcast %add3A_348 : i32 to vector<16xi32>
      %add3A_352 = arith.addi %broadcast_in_dim3A_350, %add3A_351 : vector<16xi32>
      %get3A_353 = arith.constant 1 : i32
      %get3A_354 = arith.index_cast %get3A_353 : i32 to index
      %get3A_355 = arith.index_cast %add3A_348 : i32 to index
      %get3A_356 = arith.constant 0 : index
      %get3A_357 = tpu.vector_load %arg8[%get3A_354, %get3A_355, %get3A_356] {strides = array<i32>} : memref<3x128x64xf32, #tpu.memory_space<vmem>>, vector<16xf32>,
      %get3A_358 = arith.constant 1 : i32
      %get3A_359 = arith.index_cast %get3A_358 : i32 to index
      %get3A_360 = arith.index_cast %add3A_348 : i32 to index
      %get3A_361 = arith.constant 16 : index
      %get3A_362 = tpu.vector_load %arg8[%get3A_359, %get3A_360, %get3A_361] {strides = array<i32>} : memref<3x128x64xf32, #tpu.memory_space<vmem>>, vector<16xf32>,
      %get3A_363 = arith.constant 1 : i32
      %get3A_364 = arith.index_cast %get3A_363 : i32 to index
      %get3A_365 = arith.index_cast %add3A_348 : i32 to index
      %get3A_366 = arith.constant 32 : index
      %get3A_367 = tpu.vector_load %arg8[%get3A_364, %get3A_365, %get3A_366] {strides = array<i32>} : memref<3x128x64xf32, #tpu.memory_space<vmem>>, vector<16xf32>,
      %get3A_368 = arith.constant 1 : i32
      %get3A_369 = arith.index_cast %get3A_368 : i32 to index
      %get3A_370 = arith.index_cast %add3A_348 : i32 to index
      %get3A_371 = arith.constant 48 : index
      %get3A_372 = tpu.vector_load %arg8[%get3A_369, %get3A_370, %get3A_371] {strides = array<i32>} : memref<3x128x64xf32, #tpu.memory_space<vmem>>, vector<16xf32>,
      %gather3A = tpu.vector_load_idx %arg9[%add3A_352, %broadcast_in_dim3A_132] : memref<384x8xf32, #tpu.memory_space<vmem>>[vector<16xi32>, vector<16xi32>], vector<16xf32>,
      %mul3A_373 = arith.mulf %gather3A, %get3A_7 : vector<16xf32>
      %add3A_374 = arith.addf %get3A_357, %mul3A_373 : vector<16xf32>
      %mul3A_375 = arith.mulf %gather3A, %get3A_11 : vector<16xf32>
      %add3A_376 = arith.addf %get3A_362, %mul3A_375 : vector<16xf32>
      %mul3A_377 = arith.mulf %gather3A, %get3A_15 : vector<16xf32>
      %add3A_378 = arith.addf %get3A_367, %mul3A_377 : vector<16xf32>
      %mul3A_379 = arith.mulf %gather3A, %get3A_19 : vector<16xf32>
      %add3A_380 = arith.addf %get3A_372, %mul3A_379 : vector<16xf32>
      %gather3A_381 = tpu.vector_load_idx %arg9[%add3A_352, %broadcast_in_dim3A_134] : memref<384x8xf32, #tpu.memory_space<vmem>>[vector<16xi32>, vector<16xi32>], vector<16xf32>,
      %mul3A_382 = arith.mulf %gather3A_381, %get3A_23 : vector<16xf32>
      %add3A_383 = arith.addf %add3A_374, %mul3A_382 : vector<16xf32>
      %mul3A_384 = arith.mulf %gather3A_381, %get3A_27 : vector<16xf32>
      %add3A_385 = arith.addf %add3A_376, %mul3A_384 : vector<16xf32>
      %mul3A_386 = arith.mulf %gather3A_381, %get3A_31 : vector<16xf32>
      %add3A_387 = arith.addf %add3A_378, %mul3A_386 : vector<16xf32>
      %mul3A_388 = arith.mulf %gather3A_381, %get3A_35 : vector<16xf32>
      %add3A_389 = arith.addf %add3A_380, %mul3A_388 : vector<16xf32>
      %gather3A_390 = tpu.vector_load_idx %arg9[%add3A_352, %broadcast_in_dim3A_136] : memref<384x8xf32, #tpu.memory_space<vmem>>[vector<16xi32>, vector<16xi32>], vector<16xf32>,
      %mul3A_391 = arith.mulf %gather3A_390, %get3A_39 : vector<16xf32>
      %add3A_392 = arith.addf %add3A_383, %mul3A_391 : vector<16xf32>
      %mul3A_393 = arith.mulf %gather3A_390, %get3A_43 : vector<16xf32>
      %add3A_394 = arith.addf %add3A_385, %mul3A_393 : vector<16xf32>
      %mul3A_395 = arith.mulf %gather3A_390, %get3A_47 : vector<16xf32>
      %add3A_396 = arith.addf %add3A_387, %mul3A_395 : vector<16xf32>
      %mul3A_397 = arith.mulf %gather3A_390, %get3A_51 : vector<16xf32>
      %add3A_398 = arith.addf %add3A_389, %mul3A_397 : vector<16xf32>
      %gather3A_399 = tpu.vector_load_idx %arg9[%add3A_352, %broadcast_in_dim3A_138] : memref<384x8xf32, #tpu.memory_space<vmem>>[vector<16xi32>, vector<16xi32>], vector<16xf32>,
      %mul3A_400 = arith.mulf %gather3A_399, %get3A_55 : vector<16xf32>
      %add3A_401 = arith.addf %add3A_392, %mul3A_400 : vector<16xf32>
      %mul3A_402 = arith.mulf %gather3A_399, %get3A_59 : vector<16xf32>
      %add3A_403 = arith.addf %add3A_394, %mul3A_402 : vector<16xf32>
      %mul3A_404 = arith.mulf %gather3A_399, %get3A_63 : vector<16xf32>
      %add3A_405 = arith.addf %add3A_396, %mul3A_404 : vector<16xf32>
      %mul3A_406 = arith.mulf %gather3A_399, %get3A_67 : vector<16xf32>
      %add3A_407 = arith.addf %add3A_398, %mul3A_406 : vector<16xf32>
      %gather3A_408 = tpu.vector_load_idx %arg9[%add3A_352, %broadcast_in_dim3A_140] : memref<384x8xf32, #tpu.memory_space<vmem>>[vector<16xi32>, vector<16xi32>], vector<16xf32>,
      %mul3A_409 = arith.mulf %gather3A_408, %get3A_71 : vector<16xf32>
      %add3A_410 = arith.addf %add3A_401, %mul3A_409 : vector<16xf32>
      %mul3A_411 = arith.mulf %gather3A_408, %get3A_75 : vector<16xf32>
      %add3A_412 = arith.addf %add3A_403, %mul3A_411 : vector<16xf32>
      %mul3A_413 = arith.mulf %gather3A_408, %get3A_79 : vector<16xf32>
      %add3A_414 = arith.addf %add3A_405, %mul3A_413 : vector<16xf32>
      %mul3A_415 = arith.mulf %gather3A_408, %get3A_83 : vector<16xf32>
      %add3A_416 = arith.addf %add3A_407, %mul3A_415 : vector<16xf32>
      %gather3A_417 = tpu.vector_load_idx %arg9[%add3A_352, %broadcast_in_dim3A_142] : memref<384x8xf32, #tpu.memory_space<vmem>>[vector<16xi32>, vector<16xi32>], vector<16xf32>,
      %mul3A_418 = arith.mulf %gather3A_417, %get3A_87 : vector<16xf32>
      %add3A_419 = arith.addf %add3A_410, %mul3A_418 : vector<16xf32>
      %mul3A_420 = arith.mulf %gather3A_417, %get3A_91 : vector<16xf32>
      %add3A_421 = arith.addf %add3A_412, %mul3A_420 : vector<16xf32>
      %mul3A_422 = arith.mulf %gather3A_417, %get3A_95 : vector<16xf32>
      %add3A_423 = arith.addf %add3A_414, %mul3A_422 : vector<16xf32>
      %mul3A_424 = arith.mulf %gather3A_417, %get3A_99 : vector<16xf32>
      %add3A_425 = arith.addf %add3A_416, %mul3A_424 : vector<16xf32>
      %gather3A_426 = tpu.vector_load_idx %arg9[%add3A_352, %broadcast_in_dim3A_144] : memref<384x8xf32, #tpu.memory_space<vmem>>[vector<16xi32>, vector<16xi32>], vector<16xf32>,
      %mul3A_427 = arith.mulf %gather3A_426, %get3A_103 : vector<16xf32>
      %add3A_428 = arith.addf %add3A_419, %mul3A_427 : vector<16xf32>
      %mul3A_429 = arith.mulf %gather3A_426, %get3A_107 : vector<16xf32>
      %add3A_430 = arith.addf %add3A_421, %mul3A_429 : vector<16xf32>
      %mul3A_431 = arith.mulf %gather3A_426, %get3A_111 : vector<16xf32>
      %add3A_432 = arith.addf %add3A_423, %mul3A_431 : vector<16xf32>
      %mul3A_433 = arith.mulf %gather3A_426, %get3A_115 : vector<16xf32>
      %add3A_434 = arith.addf %add3A_425, %mul3A_433 : vector<16xf32>
      %gather3A_435 = tpu.vector_load_idx %arg9[%add3A_352, %broadcast_in_dim3A_146] : memref<384x8xf32, #tpu.memory_space<vmem>>[vector<16xi32>, vector<16xi32>], vector<16xf32>,
      %mul3A_436 = arith.mulf %gather3A_435, %get3A_119 : vector<16xf32>
      %add3A_437 = arith.addf %add3A_428, %mul3A_436 : vector<16xf32>
      %mul3A_438 = arith.mulf %gather3A_435, %get3A_123 : vector<16xf32>
      %add3A_439 = arith.addf %add3A_430, %mul3A_438 : vector<16xf32>
      %mul3A_440 = arith.mulf %gather3A_435, %get3A_127 : vector<16xf32>
      %add3A_441 = arith.addf %add3A_432, %mul3A_440 : vector<16xf32>
      %mul3A_442 = arith.mulf %gather3A_435, %get3A_131 : vector<16xf32>
      %add3A_443 = arith.addf %add3A_434, %mul3A_442 : vector<16xf32>
      %swap3A = arith.constant 1 : i32
      %swap3A_444 = arith.index_cast %swap3A : i32 to index
      %swap3A_445 = arith.index_cast %add3A_348 : i32 to index
      %swap3A_446 = arith.constant 0 : index
      %swap3A_447 = tpu.vector_load %arg8[%swap3A_444, %swap3A_445, %swap3A_446] {strides = array<i32>} : memref<3x128x64xf32, #tpu.memory_space<vmem>>, vector<16xf32>,
      tpu.vector_store %arg8[%swap3A_444, %swap3A_445, %swap3A_446], %add3A_437 {strides = array<i32>} : memref<3x128x64xf32, #tpu.memory_space<vmem>>, vector<16xf32>,
      %swap3A_448 = arith.constant 1 : i32
      %swap3A_449 = arith.index_cast %swap3A_448 : i32 to index
      %swap3A_450 = arith.index_cast %add3A_348 : i32 to index
      %swap3A_451 = arith.constant 16 : index
      %swap3A_452 = tpu.vector_load %arg8[%swap3A_449, %swap3A_450, %swap3A_451] {strides = array<i32>} : memref<3x128x64xf32, #tpu.memory_space<vmem>>, vector<16xf32>,
      tpu.vector_store %arg8[%swap3A_449, %swap3A_450, %swap3A_451], %add3A_439 {strides = array<i32>} : memref<3x128x64xf32, #tpu.memory_space<vmem>>, vector<16xf32>,
      %swap3A_453 = arith.constant 1 : i32
      %swap3A_454 = arith.index_cast %swap3A_453 : i32 to index
      %swap3A_455 = arith.index_cast %add3A_348 : i32 to index
      %swap3A_456 = arith.constant 32 : index
      %swap3A_457 = tpu.vector_load %arg8[%swap3A_454, %swap3A_455, %swap3A_456] {strides = array<i32>} : memref<3x128x64xf32, #tpu.memory_space<vmem>>, vector<16xf32>,
      tpu.vector_store %arg8[%swap3A_454, %swap3A_455, %swap3A_456], %add3A_441 {strides = array<i32>} : memref<3x128x64xf32, #tpu.memory_space<vmem>>, vector<16xf32>,
      %swap3A_458 = arith.constant 1 : i32
      %swap3A_459 = arith.index_cast %swap3A_458 : i32 to index
      %swap3A_460 = arith.index_cast %add3A_348 : i32 to index
      %swap3A_461 = arith.constant 48 : index
      %swap3A_462 = tpu.vector_load %arg8[%swap3A_459, %swap3A_460, %swap3A_461] {strides = array<i32>} : memref<3x128x64xf32, #tpu.memory_space<vmem>>, vector<16xf32>,
      tpu.vector_store %arg8[%swap3A_459, %swap3A_460, %swap3A_461], %add3A_443 {strides = array<i32>} : memref<3x128x64xf32, #tpu.memory_space<vmem>>, vector<16xf32>,
      %mul3A_463 = arith.constant 4 : i32
      %mul3A_464 = arith.muli %scan3A_344, %mul3A_463 : i32
      %add3A_465 = arith.constant 1 : i32
      %add3A_466 = arith.addi %mul3A_464, %add3A_465 : i32
      %broadcast_in_dim3A_467 = arith.constant 128 : i32
      %broadcast_in_dim3A_468 = vector.broadcast %broadcast_in_dim3A_467 : i32 to vector<16xi32>
      %add3A_469 = vector.broadcast %add3A_466 : i32 to vector<16xi32>
      %add3A_470 = arith.addi %broadcast_in_dim3A_468, %add3A_469 : vector<16xi32>
      %get3A_471 = arith.constant 1 : i32
      %get3A_472 = arith.index_cast %get3A_471 : i32 to index
      %get3A_473 = arith.index_cast %add3A_466 : i32 to index
      %get3A_474 = arith.constant 0 : index
      %get3A_475 = tpu.vector_load %arg8[%get3A_472, %get3A_473, %get3A_474] {strides = array<i32>} : memref<3x128x64xf32, #tpu.memory_space<vmem>>, vector<16xf32>,
      %get3A_476 = arith.constant 1 : i32
      %get3A_477 = arith.index_cast %get3A_476 : i32 to index
      %get3A_478 = arith.index_cast %add3A_466 : i32 to index
      %get3A_479 = arith.constant 16 : index
      %get3A_480 = tpu.vector_load %arg8[%get3A_477, %get3A_478, %get3A_479] {strides = array<i32>} : memref<3x128x64xf32, #tpu.memory_space<vmem>>, vector<16xf32>,
      %get3A_481 = arith.constant 1 : i32
      %get3A_482 = arith.index_cast %get3A_481 : i32 to index
      %get3A_483 = arith.index_cast %add3A_466 : i32 to index
      %get3A_484 = arith.constant 32 : index
      %get3A_485 = tpu.vector_load %arg8[%get3A_482, %get3A_483, %get3A_484] {strides = array<i32>} : memref<3x128x64xf32, #tpu.memory_space<vmem>>, vector<16xf32>,
      %get3A_486 = arith.constant 1 : i32
      %get3A_487 = arith.index_cast %get3A_486 : i32 to index
      %get3A_488 = arith.index_cast %add3A_466 : i32 to index
      %get3A_489 = arith.constant 48 : index
      %get3A_490 = tpu.vector_load %arg8[%get3A_487, %get3A_488, %get3A_489] {strides = array<i32>} : memref<3x128x64xf32, #tpu.memory_space<vmem>>, vector<16xf32>,
      %gather3A_491 = tpu.vector_load_idx %arg9[%add3A_470, %broadcast_in_dim3A_132] : memref<384x8xf32, #tpu.memory_space<vmem>>[vector<16xi32>, vector<16xi32>], vector<16xf32>,
      %mul3A_492 = arith.mulf %gather3A_491, %get3A_7 : vector<16xf32>
      %add3A_493 = arith.addf %get3A_475, %mul3A_492 : vector<16xf32>
      %mul3A_494 = arith.mulf %gather3A_491, %get3A_11 : vector<16xf32>
      %add3A_495 = arith.addf %get3A_480, %mul3A_494 : vector<16xf32>
      %mul3A_496 = arith.mulf %gather3A_491, %get3A_15 : vector<16xf32>
      %add3A_497 = arith.addf %get3A_485, %mul3A_496 : vector<16xf32>
      %mul3A_498 = arith.mulf %gather3A_491, %get3A_19 : vector<16xf32>
      %add3A_499 = arith.addf %get3A_490, %mul3A_498 : vector<16xf32>
      %gather3A_500 = tpu.vector_load_idx %arg9[%add3A_470, %broadcast_in_dim3A_134] : memref<384x8xf32, #tpu.memory_space<vmem>>[vector<16xi32>, vector<16xi32>], vector<16xf32>,
      %mul3A_501 = arith.mulf %gather3A_500, %get3A_23 : vector<16xf32>
      %add3A_502 = arith.addf %add3A_493, %mul3A_501 : vector<16xf32>
      %mul3A_503 = arith.mulf %gather3A_500, %get3A_27 : vector<16xf32>
      %add3A_504 = arith.addf %add3A_495, %mul3A_503 : vector<16xf32>
      %mul3A_505 = arith.mulf %gather3A_500, %get3A_31 : vector<16xf32>
      %add3A_506 = arith.addf %add3A_497, %mul3A_505 : vector<16xf32>
      %mul3A_507 = arith.mulf %gather3A_500, %get3A_35 : vector<16xf32>
      %add3A_508 = arith.addf %add3A_499, %mul3A_507 : vector<16xf32>
      %gather3A_509 = tpu.vector_load_idx %arg9[%add3A_470, %broadcast_in_dim3A_136] : memref<384x8xf32, #tpu.memory_space<vmem>>[vector<16xi32>, vector<16xi32>], vector<16xf32>,
      %mul3A_510 = arith.mulf %gather3A_509, %get3A_39 : vector<16xf32>
      %add3A_511 = arith.addf %add3A_502, %mul3A_510 : vector<16xf32>
      %mul3A_512 = arith.mulf %gather3A_509, %get3A_43 : vector<16xf32>
      %add3A_513 = arith.addf %add3A_504, %mul3A_512 : vector<16xf32>
      %mul3A_514 = arith.mulf %gather3A_509, %get3A_47 : vector<16xf32>
      %add3A_515 = arith.addf %add3A_506, %mul3A_514 : vector<16xf32>
      %mul3A_516 = arith.mulf %gather3A_509, %get3A_51 : vector<16xf32>
      %add3A_517 = arith.addf %add3A_508, %mul3A_516 : vector<16xf32>
      %gather3A_518 = tpu.vector_load_idx %arg9[%add3A_470, %broadcast_in_dim3A_138] : memref<384x8xf32, #tpu.memory_space<vmem>>[vector<16xi32>, vector<16xi32>], vector<16xf32>,
      %mul3A_519 = arith.mulf %gather3A_518, %get3A_55 : vector<16xf32>
      %add3A_520 = arith.addf %add3A_511, %mul3A_519 : vector<16xf32>
      %mul3A_521 = arith.mulf %gather3A_518, %get3A_59 : vector<16xf32>
      %add3A_522 = arith.addf %add3A_513, %mul3A_521 : vector<16xf32>
      %mul3A_523 = arith.mulf %gather3A_518, %get3A_63 : vector<16xf32>
      %add3A_524 = arith.addf %add3A_515, %mul3A_523 : vector<16xf32>
      %mul3A_525 = arith.mulf %gather3A_518, %get3A_67 : vector<16xf32>
      %add3A_526 = arith.addf %add3A_517, %mul3A_525 : vector<16xf32>
      %gather3A_527 = tpu.vector_load_idx %arg9[%add3A_470, %broadcast_in_dim3A_140] : memref<384x8xf32, #tpu.memory_space<vmem>>[vector<16xi32>, vector<16xi32>], vector<16xf32>,
      %mul3A_528 = arith.mulf %gather3A_527, %get3A_71 : vector<16xf32>
      %add3A_529 = arith.addf %add3A_520, %mul3A_528 : vector<16xf32>
      %mul3A_530 = arith.mulf %gather3A_527, %get3A_75 : vector<16xf32>
      %add3A_531 = arith.addf %add3A_522, %mul3A_530 : vector<16xf32>
      %mul3A_532 = arith.mulf %gather3A_527, %get3A_79 : vector<16xf32>
      %add3A_533 = arith.addf %add3A_524, %mul3A_532 : vector<16xf32>
      %mul3A_534 = arith.mulf %gather3A_527, %get3A_83 : vector<16xf32>
      %add3A_535 = arith.addf %add3A_526, %mul3A_534 : vector<16xf32>
      %gather3A_536 = tpu.vector_load_idx %arg9[%add3A_470, %broadcast_in_dim3A_142] : memref<384x8xf32, #tpu.memory_space<vmem>>[vector<16xi32>, vector<16xi32>], vector<16xf32>,
      %mul3A_537 = arith.mulf %gather3A_536, %get3A_87 : vector<16xf32>
      %add3A_538 = arith.addf %add3A_529, %mul3A_537 : vector<16xf32>
      %mul3A_539 = arith.mulf %gather3A_536, %get3A_91 : vector<16xf32>
      %add3A_540 = arith.addf %add3A_531, %mul3A_539 : vector<16xf32>
      %mul3A_541 = arith.mulf %gather3A_536, %get3A_95 : vector<16xf32>
      %add3A_542 = arith.addf %add3A_533, %mul3A_541 : vector<16xf32>
      %mul3A_543 = arith.mulf %gather3A_536, %get3A_99 : vector<16xf32>
      %add3A_544 = arith.addf %add3A_535, %mul3A_543 : vector<16xf32>
      %gather3A_545 = tpu.vector_load_idx %arg9[%add3A_470, %broadcast_in_dim3A_144] : memref<384x8xf32, #tpu.memory_space<vmem>>[vector<16xi32>, vector<16xi32>], vector<16xf32>,
      %mul3A_546 = arith.mulf %gather3A_545, %get3A_103 : vector<16xf32>
      %add3A_547 = arith.addf %add3A_538, %mul3A_546 : vector<16xf32>
      %mul3A_548 = arith.mulf %gather3A_545, %get3A_107 : vector<16xf32>
      %add3A_549 = arith.addf %add3A_540, %mul3A_548 : vector<16xf32>
      %mul3A_550 = arith.mulf %gather3A_545, %get3A_111 : vector<16xf32>
      %add3A_551 = arith.addf %add3A_542, %mul3A_550 : vector<16xf32>
      %mul3A_552 = arith.mulf %gather3A_545, %get3A_115 : vector<16xf32>
      %add3A_553 = arith.addf %add3A_544, %mul3A_552 : vector<16xf32>
      %gather3A_554 = tpu.vector_load_idx %arg9[%add3A_470, %broadcast_in_dim3A_146] : memref<384x8xf32, #tpu.memory_space<vmem>>[vector<16xi32>, vector<16xi32>], vector<16xf32>,
      %mul3A_555 = arith.mulf %gather3A_554, %get3A_119 : vector<16xf32>
      %add3A_556 = arith.addf %add3A_547, %mul3A_555 : vector<16xf32>
      %mul3A_557 = arith.mulf %gather3A_554, %get3A_123 : vector<16xf32>
      %add3A_558 = arith.addf %add3A_549, %mul3A_557 : vector<16xf32>
      %mul3A_559 = arith.mulf %gather3A_554, %get3A_127 : vector<16xf32>
      %add3A_560 = arith.addf %add3A_551, %mul3A_559 : vector<16xf32>
      %mul3A_561 = arith.mulf %gather3A_554, %get3A_131 : vector<16xf32>
      %add3A_562 = arith.addf %add3A_553, %mul3A_561 : vector<16xf32>
      %swap3A_563 = arith.constant 1 : i32
      %swap3A_564 = arith.index_cast %swap3A_563 : i32 to index
      %swap3A_565 = arith.index_cast %add3A_466 : i32 to index
      %swap3A_566 = arith.constant 0 : index
      %swap3A_567 = tpu.vector_load %arg8[%swap3A_564, %swap3A_565, %swap3A_566] {strides = array<i32>} : memref<3x128x64xf32, #tpu.memory_space<vmem>>, vector<16xf32>,
      tpu.vector_store %arg8[%swap3A_564, %swap3A_565, %swap3A_566], %add3A_556 {strides = array<i32>} : memref<3x128x64xf32, #tpu.memory_space<vmem>>, vector<16xf32>,
      %swap3A_568 = arith.constant 1 : i32
      %swap3A_569 = arith.index_cast %swap3A_568 : i32 to index
      %swap3A_570 = arith.index_cast %add3A_466 : i32 to index
      %swap3A_571 = arith.constant 16 : index
      %swap3A_572 = tpu.vector_load %arg8[%swap3A_569, %swap3A_570, %swap3A_571] {strides = array<i32>} : memref<3x128x64xf32, #tpu.memory_space<vmem>>, vector<16xf32>,
      tpu.vector_store %arg8[%swap3A_569, %swap3A_570, %swap3A_571], %add3A_558 {strides = array<i32>} : memref<3x128x64xf32, #tpu.memory_space<vmem>>, vector<16xf32>,
      %swap3A_573 = arith.constant 1 : i32
      %swap3A_574 = arith.index_cast %swap3A_573 : i32 to index
      %swap3A_575 = arith.index_cast %add3A_466 : i32 to index
      %swap3A_576 = arith.constant 32 : index
      %swap3A_577 = tpu.vector_load %arg8[%swap3A_574, %swap3A_575, %swap3A_576] {strides = array<i32>} : memref<3x128x64xf32, #tpu.memory_space<vmem>>, vector<16xf32>,
      tpu.vector_store %arg8[%swap3A_574, %swap3A_575, %swap3A_576], %add3A_560 {strides = array<i32>} : memref<3x128x64xf32, #tpu.memory_space<vmem>>, vector<16xf32>,
      %swap3A_578 = arith.constant 1 : i32
      %swap3A_579 = arith.index_cast %swap3A_578 : i32 to index
      %swap3A_580 = arith.index_cast %add3A_466 : i32 to index
      %swap3A_581 = arith.constant 48 : index
      %swap3A_582 = tpu.vector_load %arg8[%swap3A_579, %swap3A_580, %swap3A_581] {strides = array<i32>} : memref<3x128x64xf32, #tpu.memory_space<vmem>>, vector<16xf32>,
      tpu.vector_store %arg8[%swap3A_579, %swap3A_580, %swap3A_581], %add3A_562 {strides = array<i32>} : memref<3x128x64xf32, #tpu.memory_space<vmem>>, vector<16xf32>,
      %mul3A_583 = arith.constant 4 : i32
      %mul3A_584 = arith.muli %scan3A_344, %mul3A_583 : i32
      %add3A_585 = arith.constant 2 : i32
      %add3A_586 = arith.addi %mul3A_584, %add3A_585 : i32
      %broadcast_in_dim3A_587 = arith.constant 128 : i32
      %broadcast_in_dim3A_588 = vector.broadcast %broadcast_in_dim3A_587 : i32 to vector<16xi32>
      %add3A_589 = vector.broadcast %add3A_586 : i32 to vector<16xi32>
      %add3A_590 = arith.addi %broadcast_in_dim3A_588, %add3A_589 : vector<16xi32>
      %get3A_591 = arith.constant 1 : i32
      %get3A_592 = arith.index_cast %get3A_591 : i32 to index
      %get3A_593 = arith.index_cast %add3A_586 : i32 to index
      %get3A_594 = arith.constant 0 : index
      %get3A_595 = tpu.vector_load %arg8[%get3A_592, %get3A_593, %get3A_594] {strides = array<i32>} : memref<3x128x64xf32, #tpu.memory_space<vmem>>, vector<16xf32>,
      %get3A_596 = arith.constant 1 : i32
      %get3A_597 = arith.index_cast %get3A_596 : i32 to index
      %get3A_598 = arith.index_cast %add3A_586 : i32 to index
      %get3A_599 = arith.constant 16 : index
      %get3A_600 = tpu.vector_load %arg8[%get3A_597, %get3A_598, %get3A_599] {strides = array<i32>} : memref<3x128x64xf32, #tpu.memory_space<vmem>>, vector<16xf32>,
      %get3A_601 = arith.constant 1 : i32
      %get3A_602 = arith.index_cast %get3A_601 : i32 to index
      %get3A_603 = arith.index_cast %add3A_586 : i32 to index
      %get3A_604 = arith.constant 32 : index
      %get3A_605 = tpu.vector_load %arg8[%get3A_602, %get3A_603, %get3A_604] {strides = array<i32>} : memref<3x128x64xf32, #tpu.memory_space<vmem>>, vector<16xf32>,
      %get3A_606 = arith.constant 1 : i32
      %get3A_607 = arith.index_cast %get3A_606 : i32 to index
      %get3A_608 = arith.index_cast %add3A_586 : i32 to index
      %get3A_609 = arith.constant 48 : index
      %get3A_610 = tpu.vector_load %arg8[%get3A_607, %get3A_608, %get3A_609] {strides = array<i32>} : memref<3x128x64xf32, #tpu.memory_space<vmem>>, vector<16xf32>,
      %gather3A_611 = tpu.vector_load_idx %arg9[%add3A_590, %broadcast_in_dim3A_132] : memref<384x8xf32, #tpu.memory_space<vmem>>[vector<16xi32>, vector<16xi32>], vector<16xf32>,
      %mul3A_612 = arith.mulf %gather3A_611, %get3A_7 : vector<16xf32>
      %add3A_613 = arith.addf %get3A_595, %mul3A_612 : vector<16xf32>
      %mul3A_614 = arith.mulf %gather3A_611, %get3A_11 : vector<16xf32>
      %add3A_615 = arith.addf %get3A_600, %mul3A_614 : vector<16xf32>
      %mul3A_616 = arith.mulf %gather3A_611, %get3A_15 : vector<16xf32>
      %add3A_617 = arith.addf %get3A_605, %mul3A_616 : vector<16xf32>
      %mul3A_618 = arith.mulf %gather3A_611, %get3A_19 : vector<16xf32>
      %add3A_619 = arith.addf %get3A_610, %mul3A_618 : vector<16xf32>
      %gather3A_620 = tpu.vector_load_idx %arg9[%add3A_590, %broadcast_in_dim3A_134] : memref<384x8xf32, #tpu.memory_space<vmem>>[vector<16xi32>, vector<16xi32>], vector<16xf32>,
      %mul3A_621 = arith.mulf %gather3A_620, %get3A_23 : vector<16xf32>
      %add3A_622 = arith.addf %add3A_613, %mul3A_621 : vector<16xf32>
      %mul3A_623 = arith.mulf %gather3A_620, %get3A_27 : vector<16xf32>
      %add3A_624 = arith.addf %add3A_615, %mul3A_623 : vector<16xf32>
      %mul3A_625 = arith.mulf %gather3A_620, %get3A_31 : vector<16xf32>
      %add3A_626 = arith.addf %add3A_617, %mul3A_625 : vector<16xf32>
      %mul3A_627 = arith.mulf %gather3A_620, %get3A_35 : vector<16xf32>
      %add3A_628 = arith.addf %add3A_619, %mul3A_627 : vector<16xf32>
      %gather3A_629 = tpu.vector_load_idx %arg9[%add3A_590, %broadcast_in_dim3A_136] : memref<384x8xf32, #tpu.memory_space<vmem>>[vector<16xi32>, vector<16xi32>], vector<16xf32>,
      %mul3A_630 = arith.mulf %gather3A_629, %get3A_39 : vector<16xf32>
      %add3A_631 = arith.addf %add3A_622, %mul3A_630 : vector<16xf32>
      %mul3A_632 = arith.mulf %gather3A_629, %get3A_43 : vector<16xf32>
      %add3A_633 = arith.addf %add3A_624, %mul3A_632 : vector<16xf32>
      %mul3A_634 = arith.mulf %gather3A_629, %get3A_47 : vector<16xf32>
      %add3A_635 = arith.addf %add3A_626, %mul3A_634 : vector<16xf32>
      %mul3A_636 = arith.mulf %gather3A_629, %get3A_51 : vector<16xf32>
      %add3A_637 = arith.addf %add3A_628, %mul3A_636 : vector<16xf32>
      %gather3A_638 = tpu.vector_load_idx %arg9[%add3A_590, %broadcast_in_dim3A_138] : memref<384x8xf32, #tpu.memory_space<vmem>>[vector<16xi32>, vector<16xi32>], vector<16xf32>,
      %mul3A_639 = arith.mulf %gather3A_638, %get3A_55 : vector<16xf32>
      %add3A_640 = arith.addf %add3A_631, %mul3A_639 : vector<16xf32>
      %mul3A_641 = arith.mulf %gather3A_638, %get3A_59 : vector<16xf32>
      %add3A_642 = arith.addf %add3A_633, %mul3A_641 : vector<16xf32>
      %mul3A_643 = arith.mulf %gather3A_638, %get3A_63 : vector<16xf32>
      %add3A_644 = arith.addf %add3A_635, %mul3A_643 : vector<16xf32>
      %mul3A_645 = arith.mulf %gather3A_638, %get3A_67 : vector<16xf32>
      %add3A_646 = arith.addf %add3A_637, %mul3A_645 : vector<16xf32>
      %gather3A_647 = tpu.vector_load_idx %arg9[%add3A_590, %broadcast_in_dim3A_140] : memref<384x8xf32, #tpu.memory_space<vmem>>[vector<16xi32>, vector<16xi32>], vector<16xf32>,
      %mul3A_648 = arith.mulf %gather3A_647, %get3A_71 : vector<16xf32>
      %add3A_649 = arith.addf %add3A_640, %mul3A_648 : vector<16xf32>
      %mul3A_650 = arith.mulf %gather3A_647, %get3A_75 : vector<16xf32>
      %add3A_651 = arith.addf %add3A_642, %mul3A_650 : vector<16xf32>
      %mul3A_652 = arith.mulf %gather3A_647, %get3A_79 : vector<16xf32>
      %add3A_653 = arith.addf %add3A_644, %mul3A_652 : vector<16xf32>
      %mul3A_654 = arith.mulf %gather3A_647, %get3A_83 : vector<16xf32>
      %add3A_655 = arith.addf %add3A_646, %mul3A_654 : vector<16xf32>
      %gather3A_656 = tpu.vector_load_idx %arg9[%add3A_590, %broadcast_in_dim3A_142] : memref<384x8xf32, #tpu.memory_space<vmem>>[vector<16xi32>, vector<16xi32>], vector<16xf32>,
      %mul3A_657 = arith.mulf %gather3A_656, %get3A_87 : vector<16xf32>
      %add3A_658 = arith.addf %add3A_649, %mul3A_657 : vector<16xf32>
      %mul3A_659 = arith.mulf %gather3A_656, %get3A_91 : vector<16xf32>
      %add3A_660 = arith.addf %add3A_651, %mul3A_659 : vector<16xf32>
      %mul3A_661 = arith.mulf %gather3A_656, %get3A_95 : vector<16xf32>
      %add3A_662 = arith.addf %add3A_653, %mul3A_661 : vector<16xf32>
      %mul3A_663 = arith.mulf %gather3A_656, %get3A_99 : vector<16xf32>
      %add3A_664 = arith.addf %add3A_655, %mul3A_663 : vector<16xf32>
      %gather3A_665 = tpu.vector_load_idx %arg9[%add3A_590, %broadcast_in_dim3A_144] : memref<384x8xf32, #tpu.memory_space<vmem>>[vector<16xi32>, vector<16xi32>], vector<16xf32>,
      %mul3A_666 = arith.mulf %gather3A_665, %get3A_103 : vector<16xf32>
      %add3A_667 = arith.addf %add3A_658, %mul3A_666 : vector<16xf32>
      %mul3A_668 = arith.mulf %gather3A_665, %get3A_107 : vector<16xf32>
      %add3A_669 = arith.addf %add3A_660, %mul3A_668 : vector<16xf32>
      %mul3A_670 = arith.mulf %gather3A_665, %get3A_111 : vector<16xf32>
      %add3A_671 = arith.addf %add3A_662, %mul3A_670 : vector<16xf32>
      %mul3A_672 = arith.mulf %gather3A_665, %get3A_115 : vector<16xf32>
      %add3A_673 = arith.addf %add3A_664, %mul3A_672 : vector<16xf32>
      %gather3A_674 = tpu.vector_load_idx %arg9[%add3A_590, %broadcast_in_dim3A_146] : memref<384x8xf32, #tpu.memory_space<vmem>>[vector<16xi32>, vector<16xi32>], vector<16xf32>,
      %mul3A_675 = arith.mulf %gather3A_674, %get3A_119 : vector<16xf32>
      %add3A_676 = arith.addf %add3A_667, %mul3A_675 : vector<16xf32>
      %mul3A_677 = arith.mulf %gather3A_674, %get3A_123 : vector<16xf32>
      %add3A_678 = arith.addf %add3A_669, %mul3A_677 : vector<16xf32>
      %mul3A_679 = arith.mulf %gather3A_674, %get3A_127 : vector<16xf32>
      %add3A_680 = arith.addf %add3A_671, %mul3A_679 : vector<16xf32>
      %mul3A_681 = arith.mulf %gather3A_674, %get3A_131 : vector<16xf32>
      %add3A_682 = arith.addf %add3A_673, %mul3A_681 : vector<16xf32>
      %swap3A_683 = arith.constant 1 : i32
      %swap3A_684 = arith.index_cast %swap3A_683 : i32 to index
      %swap3A_685 = arith.index_cast %add3A_586 : i32 to index
      %swap3A_686 = arith.constant 0 : index
      %swap3A_687 = tpu.vector_load %arg8[%swap3A_684, %swap3A_685, %swap3A_686] {strides = array<i32>} : memref<3x128x64xf32, #tpu.memory_space<vmem>>, vector<16xf32>,
      tpu.vector_store %arg8[%swap3A_684, %swap3A_685, %swap3A_686], %add3A_676 {strides = array<i32>} : memref<3x128x64xf32, #tpu.memory_space<vmem>>, vector<16xf32>,
      %swap3A_688 = arith.constant 1 : i32
      %swap3A_689 = arith.index_cast %swap3A_688 : i32 to index
      %swap3A_690 = arith.index_cast %add3A_586 : i32 to index
      %swap3A_691 = arith.constant 16 : index
      %swap3A_692 = tpu.vector_load %arg8[%swap3A_689, %swap3A_690, %swap3A_691] {strides = array<i32>} : memref<3x128x64xf32, #tpu.memory_space<vmem>>, vector<16xf32>,
      tpu.vector_store %arg8[%swap3A_689, %swap3A_690, %swap3A_691], %add3A_678 {strides = array<i32>} : memref<3x128x64xf32, #tpu.memory_space<vmem>>, vector<16xf32>,
      %swap3A_693 = arith.constant 1 : i32
      %swap3A_694 = arith.index_cast %swap3A_693 : i32 to index
      %swap3A_695 = arith.index_cast %add3A_586 : i32 to index
      %swap3A_696 = arith.constant 32 : index
      %swap3A_697 = tpu.vector_load %arg8[%swap3A_694, %swap3A_695, %swap3A_696] {strides = array<i32>} : memref<3x128x64xf32, #tpu.memory_space<vmem>>, vector<16xf32>,
      tpu.vector_store %arg8[%swap3A_694, %swap3A_695, %swap3A_696], %add3A_680 {strides = array<i32>} : memref<3x128x64xf32, #tpu.memory_space<vmem>>, vector<16xf32>,
      %swap3A_698 = arith.constant 1 : i32
      %swap3A_699 = arith.index_cast %swap3A_698 : i32 to index
      %swap3A_700 = arith.index_cast %add3A_586 : i32 to index
      %swap3A_701 = arith.constant 48 : index
      %swap3A_702 = tpu.vector_load %arg8[%swap3A_699, %swap3A_700, %swap3A_701] {strides = array<i32>} : memref<3x128x64xf32, #tpu.memory_space<vmem>>, vector<16xf32>,
      tpu.vector_store %arg8[%swap3A_699, %swap3A_700, %swap3A_701], %add3A_682 {strides = array<i32>} : memref<3x128x64xf32, #tpu.memory_space<vmem>>, vector<16xf32>,
      %mul3A_703 = arith.constant 4 : i32
      %mul3A_704 = arith.muli %scan3A_344, %mul3A_703 : i32
      %add3A_705 = arith.constant 3 : i32
      %add3A_706 = arith.addi %mul3A_704, %add3A_705 : i32
      %broadcast_in_dim3A_707 = arith.constant 128 : i32
      %broadcast_in_dim3A_708 = vector.broadcast %broadcast_in_dim3A_707 : i32 to vector<16xi32>
      %add3A_709 = vector.broadcast %add3A_706 : i32 to vector<16xi32>
      %add3A_710 = arith.addi %broadcast_in_dim3A_708, %add3A_709 : vector<16xi32>
      %get3A_711 = arith.constant 1 : i32
      %get3A_712 = arith.index_cast %get3A_711 : i32 to index
      %get3A_713 = arith.index_cast %add3A_706 : i32 to index
      %get3A_714 = arith.constant 0 : index
      %get3A_715 = tpu.vector_load %arg8[%get3A_712, %get3A_713, %get3A_714] {strides = array<i32>} : memref<3x128x64xf32, #tpu.memory_space<vmem>>, vector<16xf32>,
      %get3A_716 = arith.constant 1 : i32
      %get3A_717 = arith.index_cast %get3A_716 : i32 to index
      %get3A_718 = arith.index_cast %add3A_706 : i32 to index
      %get3A_719 = arith.constant 16 : index
      %get3A_720 = tpu.vector_load %arg8[%get3A_717, %get3A_718, %get3A_719] {strides = array<i32>} : memref<3x128x64xf32, #tpu.memory_space<vmem>>, vector<16xf32>,
      %get3A_721 = arith.constant 1 : i32
      %get3A_722 = arith.index_cast %get3A_721 : i32 to index
      %get3A_723 = arith.index_cast %add3A_706 : i32 to index
      %get3A_724 = arith.constant 32 : index
      %get3A_725 = tpu.vector_load %arg8[%get3A_722, %get3A_723, %get3A_724] {strides = array<i32>} : memref<3x128x64xf32, #tpu.memory_space<vmem>>, vector<16xf32>,
      %get3A_726 = arith.constant 1 : i32
      %get3A_727 = arith.index_cast %get3A_726 : i32 to index
      %get3A_728 = arith.index_cast %add3A_706 : i32 to index
      %get3A_729 = arith.constant 48 : index
      %get3A_730 = tpu.vector_load %arg8[%get3A_727, %get3A_728, %get3A_729] {strides = array<i32>} : memref<3x128x64xf32, #tpu.memory_space<vmem>>, vector<16xf32>,
      %gather3A_731 = tpu.vector_load_idx %arg9[%add3A_710, %broadcast_in_dim3A_132] : memref<384x8xf32, #tpu.memory_space<vmem>>[vector<16xi32>, vector<16xi32>], vector<16xf32>,
      %mul3A_732 = arith.mulf %gather3A_731, %get3A_7 : vector<16xf32>
      %add3A_733 = arith.addf %get3A_715, %mul3A_732 : vector<16xf32>
      %mul3A_734 = arith.mulf %gather3A_731, %get3A_11 : vector<16xf32>
      %add3A_735 = arith.addf %get3A_720, %mul3A_734 : vector<16xf32>
      %mul3A_736 = arith.mulf %gather3A_731, %get3A_15 : vector<16xf32>
      %add3A_737 = arith.addf %get3A_725, %mul3A_736 : vector<16xf32>
      %mul3A_738 = arith.mulf %gather3A_731, %get3A_19 : vector<16xf32>
      %add3A_739 = arith.addf %get3A_730, %mul3A_738 : vector<16xf32>
      %gather3A_740 = tpu.vector_load_idx %arg9[%add3A_710, %broadcast_in_dim3A_134] : memref<384x8xf32, #tpu.memory_space<vmem>>[vector<16xi32>, vector<16xi32>], vector<16xf32>,
      %mul3A_741 = arith.mulf %gather3A_740, %get3A_23 : vector<16xf32>
      %add3A_742 = arith.addf %add3A_733, %mul3A_741 : vector<16xf32>
      %mul3A_743 = arith.mulf %gather3A_740, %get3A_27 : vector<16xf32>
      %add3A_744 = arith.addf %add3A_735, %mul3A_743 : vector<16xf32>
      %mul3A_745 = arith.mulf %gather3A_740, %get3A_31 : vector<16xf32>
      %add3A_746 = arith.addf %add3A_737, %mul3A_745 : vector<16xf32>
      %mul3A_747 = arith.mulf %gather3A_740, %get3A_35 : vector<16xf32>
      %add3A_748 = arith.addf %add3A_739, %mul3A_747 : vector<16xf32>
      %gather3A_749 = tpu.vector_load_idx %arg9[%add3A_710, %broadcast_in_dim3A_136] : memref<384x8xf32, #tpu.memory_space<vmem>>[vector<16xi32>, vector<16xi32>], vector<16xf32>,
      %mul3A_750 = arith.mulf %gather3A_749, %get3A_39 : vector<16xf32>
      %add3A_751 = arith.addf %add3A_742, %mul3A_750 : vector<16xf32>
      %mul3A_752 = arith.mulf %gather3A_749, %get3A_43 : vector<16xf32>
      %add3A_753 = arith.addf %add3A_744, %mul3A_752 : vector<16xf32>
      %mul3A_754 = arith.mulf %gather3A_749, %get3A_47 : vector<16xf32>
      %add3A_755 = arith.addf %add3A_746, %mul3A_754 : vector<16xf32>
      %mul3A_756 = arith.mulf %gather3A_749, %get3A_51 : vector<16xf32>
      %add3A_757 = arith.addf %add3A_748, %mul3A_756 : vector<16xf32>
      %gather3A_758 = tpu.vector_load_idx %arg9[%add3A_710, %broadcast_in_dim3A_138] : memref<384x8xf32, #tpu.memory_space<vmem>>[vector<16xi32>, vector<16xi32>], vector<16xf32>,
      %mul3A_759 = arith.mulf %gather3A_758, %get3A_55 : vector<16xf32>
      %add3A_760 = arith.addf %add3A_751, %mul3A_759 : vector<16xf32>
      %mul3A_761 = arith.mulf %gather3A_758, %get3A_59 : vector<16xf32>
      %add3A_762 = arith.addf %add3A_753, %mul3A_761 : vector<16xf32>
      %mul3A_763 = arith.mulf %gather3A_758, %get3A_63 : vector<16xf32>
      %add3A_764 = arith.addf %add3A_755, %mul3A_763 : vector<16xf32>
      %mul3A_765 = arith.mulf %gather3A_758, %get3A_67 : vector<16xf32>
      %add3A_766 = arith.addf %add3A_757, %mul3A_765 : vector<16xf32>
      %gather3A_767 = tpu.vector_load_idx %arg9[%add3A_710, %broadcast_in_dim3A_140] : memref<384x8xf32, #tpu.memory_space<vmem>>[vector<16xi32>, vector<16xi32>], vector<16xf32>,
      %mul3A_768 = arith.mulf %gather3A_767, %get3A_71 : vector<16xf32>
      %add3A_769 = arith.addf %add3A_760, %mul3A_768 : vector<16xf32>
      %mul3A_770 = arith.mulf %gather3A_767, %get3A_75 : vector<16xf32>
      %add3A_771 = arith.addf %add3A_762, %mul3A_770 : vector<16xf32>
      %mul3A_772 = arith.mulf %gather3A_767, %get3A_79 : vector<16xf32>
      %add3A_773 = arith.addf %add3A_764, %mul3A_772 : vector<16xf32>
      %mul3A_774 = arith.mulf %gather3A_767, %get3A_83 : vector<16xf32>
      %add3A_775 = arith.addf %add3A_766, %mul3A_774 : vector<16xf32>
      %gather3A_776 = tpu.vector_load_idx %arg9[%add3A_710, %broadcast_in_dim3A_142] : memref<384x8xf32, #tpu.memory_space<vmem>>[vector<16xi32>, vector<16xi32>], vector<16xf32>,
      %mul3A_777 = arith.mulf %gather3A_776, %get3A_87 : vector<16xf32>
      %add3A_778 = arith.addf %add3A_769, %mul3A_777 : vector<16xf32>
      %mul3A_779 = arith.mulf %gather3A_776, %get3A_91 : vector<16xf32>
      %add3A_780 = arith.addf %add3A_771, %mul3A_779 : vector<16xf32>
      %mul3A_781 = arith.mulf %gather3A_776, %get3A_95 : vector<16xf32>
      %add3A_782 = arith.addf %add3A_773, %mul3A_781 : vector<16xf32>
      %mul3A_783 = arith.mulf %gather3A_776, %get3A_99 : vector<16xf32>
      %add3A_784 = arith.addf %add3A_775, %mul3A_783 : vector<16xf32>
      %gather3A_785 = tpu.vector_load_idx %arg9[%add3A_710, %broadcast_in_dim3A_144] : memref<384x8xf32, #tpu.memory_space<vmem>>[vector<16xi32>, vector<16xi32>], vector<16xf32>,
      %mul3A_786 = arith.mulf %gather3A_785, %get3A_103 : vector<16xf32>
      %add3A_787 = arith.addf %add3A_778, %mul3A_786 : vector<16xf32>
      %mul3A_788 = arith.mulf %gather3A_785, %get3A_107 : vector<16xf32>
      %add3A_789 = arith.addf %add3A_780, %mul3A_788 : vector<16xf32>
      %mul3A_790 = arith.mulf %gather3A_785, %get3A_111 : vector<16xf32>
      %add3A_791 = arith.addf %add3A_782, %mul3A_790 : vector<16xf32>
      %mul3A_792 = arith.mulf %gather3A_785, %get3A_115 : vector<16xf32>
      %add3A_793 = arith.addf %add3A_784, %mul3A_792 : vector<16xf32>
      %gather3A_794 = tpu.vector_load_idx %arg9[%add3A_710, %broadcast_in_dim3A_146] : memref<384x8xf32, #tpu.memory_space<vmem>>[vector<16xi32>, vector<16xi32>], vector<16xf32>,
      %mul3A_795 = arith.mulf %gather3A_794, %get3A_119 : vector<16xf32>
      %add3A_796 = arith.addf %add3A_787, %mul3A_795 : vector<16xf32>
      %mul3A_797 = arith.mulf %gather3A_794, %get3A_123 : vector<16xf32>
      %add3A_798 = arith.addf %add3A_789, %mul3A_797 : vector<16xf32>
      %mul3A_799 = arith.mulf %gather3A_794, %get3A_127 : vector<16xf32>
      %add3A_800 = arith.addf %add3A_791, %mul3A_799 : vector<16xf32>
      %mul3A_801 = arith.mulf %gather3A_794, %get3A_131 : vector<16xf32>
      %add3A_802 = arith.addf %add3A_793, %mul3A_801 : vector<16xf32>
      %swap3A_803 = arith.constant 1 : i32
      %swap3A_804 = arith.index_cast %swap3A_803 : i32 to index
      %swap3A_805 = arith.index_cast %add3A_706 : i32 to index
      %swap3A_806 = arith.constant 0 : index
      %swap3A_807 = tpu.vector_load %arg8[%swap3A_804, %swap3A_805, %swap3A_806] {strides = array<i32>} : memref<3x128x64xf32, #tpu.memory_space<vmem>>, vector<16xf32>,
      tpu.vector_store %arg8[%swap3A_804, %swap3A_805, %swap3A_806], %add3A_796 {strides = array<i32>} : memref<3x128x64xf32, #tpu.memory_space<vmem>>, vector<16xf32>,
      %swap3A_808 = arith.constant 1 : i32
      %swap3A_809 = arith.index_cast %swap3A_808 : i32 to index
      %swap3A_810 = arith.index_cast %add3A_706 : i32 to index
      %swap3A_811 = arith.constant 16 : index
      %swap3A_812 = tpu.vector_load %arg8[%swap3A_809, %swap3A_810, %swap3A_811] {strides = array<i32>} : memref<3x128x64xf32, #tpu.memory_space<vmem>>, vector<16xf32>,
      tpu.vector_store %arg8[%swap3A_809, %swap3A_810, %swap3A_811], %add3A_798 {strides = array<i32>} : memref<3x128x64xf32, #tpu.memory_space<vmem>>, vector<16xf32>,
      %swap3A_813 = arith.constant 1 : i32
      %swap3A_814 = arith.index_cast %swap3A_813 : i32 to index
      %swap3A_815 = arith.index_cast %add3A_706 : i32 to index
      %swap3A_816 = arith.constant 32 : index
      %swap3A_817 = tpu.vector_load %arg8[%swap3A_814, %swap3A_815, %swap3A_816] {strides = array<i32>} : memref<3x128x64xf32, #tpu.memory_space<vmem>>, vector<16xf32>,
      tpu.vector_store %arg8[%swap3A_814, %swap3A_815, %swap3A_816], %add3A_800 {strides = array<i32>} : memref<3x128x64xf32, #tpu.memory_space<vmem>>, vector<16xf32>,
      %swap3A_818 = arith.constant 1 : i32
      %swap3A_819 = arith.index_cast %swap3A_818 : i32 to index
      %swap3A_820 = arith.index_cast %add3A_706 : i32 to index
      %swap3A_821 = arith.constant 48 : index
      %swap3A_822 = tpu.vector_load %arg8[%swap3A_819, %swap3A_820, %swap3A_821] {strides = array<i32>} : memref<3x128x64xf32, #tpu.memory_space<vmem>>, vector<16xf32>,
      tpu.vector_store %arg8[%swap3A_819, %swap3A_820, %swap3A_821], %add3A_802 {strides = array<i32>} : memref<3x128x64xf32, #tpu.memory_space<vmem>>, vector<16xf32>,
    }
    %scan3A_272 = arith.constant 32 : i32
    %mul3A_273 = arith.constant 79 : i32
    %mul3A_274 = arith.constant 128 : i32
    %mul3A_275 = arith.muli %mul3A_273, %mul3A_274 : i32
    %add3A_276 = arith.addi %mul3A_4, %mul3A_275 : i32
    %dma_start3A_277 = arith.constant 1 : i32
    %dma_start3A_278 = arith.constant 0 : i32
    %dma_start3A_279 = arith.constant 0 : i32
    %dma_start3A_280 = tpu.memref_slice %arg8[%dma_start3A_277, %dma_start3A_278, %dma_start3A_279] : memref<3x128x64xf32, #tpu.memory_space<vmem>> -> memref<1x128x64xf32, #tpu.memory_space<vmem>>
    %dma_start3A_281 = tpu.memref_squeeze %dma_start3A_280 : memref<1x128x64xf32, #tpu.memory_space<vmem>> -> memref<128x64xf32, #tpu.memory_space<vmem>>
    %dma_start3A_282 = arith.constant 0 : i32
    %dma_start3A_283 = tpu.memref_slice %arg6[%add3A_276, %dma_start3A_282] : memref<327680x64xf32, #tpu.memory_space<hbm>> -> memref<128x64xf32, #tpu.memory_space<hbm>>
    %dma_start3A_284 = arith.constant 0 : i32
    %dma_start3A_285 = tpu.memref_slice %arg6[%add3A_276, %dma_start3A_284] : memref<327680x64xf32, #tpu.memory_space<hbm>> -> memref<128x64xf32, #tpu.memory_space<hbm>>
    %dma_start3A_286 = arith.constant 0 : i32
    %dma_start3A_287 = arith.constant 0 : i32
    %dma_start3A_288 = tpu.memref_slice %arg8[%dma_start3A_277, %dma_start3A_286, %dma_start3A_287] : memref<3x128x64xf32, #tpu.memory_space<vmem>> -> memref<1x128x64xf32, #tpu.memory_space<vmem>>
    %dma_start3A_289 = tpu.memref_squeeze %dma_start3A_288 : memref<1x128x64xf32, #tpu.memory_space<vmem>> -> memref<128x64xf32, #tpu.memory_space<vmem>>
    tpu.enqueue_dma source(%dma_start3A_289 : memref<128x64xf32, #tpu.memory_space<vmem>>) target(%dma_start3A_285 : memref<128x64xf32, #tpu.memory_space<hbm>>) target_semaphore(%arg14 : memref<!tpu.dma_semaphore, #tpu.memory_space<semaphore_mem>>)
    %add3A_290 = arith.constant 79 : i32
    %add3A_291 = arith.constant 2 : i32
    %add3A_292 = arith.addi %add3A_290, %add3A_291 : i32
    %lt3A_293 = arith.constant 80 : i32
    %lt3A_294 = arith.cmpi slt, %add3A_292, %lt3A_293 : i32
    %convert_element_type3A_295 = arith.extui %lt3A_294 : i1 to i32
    %cond3A_296 = arith.constant 79 : i32
    %cond3A_297 = arith.constant 0 : i32
    %cond3A_298 = arith.cmpi ne, %convert_element_type3A_295, %cond3A_297 : i32
    scf.if %cond3A_298 {
      %ge3A = arith.constant 1 : i32
      %ge3A_344 = arith.cmpi sge, %cond3A_296, %ge3A : i32
      %convert_element_type3A_345 = arith.extui %ge3A_344 : i1 to i32
      %cond3A_346 = arith.constant 0 : i32
      %cond3A_347 = arith.cmpi ne, %convert_element_type3A_345, %cond3A_346 : i32
      scf.if %cond3A_347 {
        %sub3A = arith.constant 1 : i32
        %sub3A_370 = arith.subi %cond3A_296, %sub3A : i32
        %mul3A_371 = arith.constant 128 : i32
        %mul3A_372 = arith.muli %sub3A_370, %mul3A_371 : i32
        %add3A_373 = arith.addi %mul3A_4, %mul3A_372 : i32
        %dma_wait3A_374 = arith.constant 0 : i32
        %dma_wait3A_375 = arith.constant 0 : i32
        %dma_wait3A_376 = arith.constant 0 : i32
        %dma_wait3A_377 = tpu.memref_slice %arg8[%dma_wait3A_374, %dma_wait3A_375, %dma_wait3A_376] : memref<3x128x64xf32, #tpu.memory_space<vmem>> -> memref<1x128x64xf32, #tpu.memory_space<vmem>>
        %dma_wait3A_378 = tpu.memref_squeeze %dma_wait3A_377 : memref<1x128x64xf32, #tpu.memory_space<vmem>> -> memref<128x64xf32, #tpu.memory_space<vmem>>
        %dma_wait3A_379 = arith.constant 0 : i32
        %dma_wait3A_380 = tpu.memref_slice %arg6[%add3A_373, %dma_wait3A_379] : memref<327680x64xf32, #tpu.memory_space<hbm>> -> memref<128x64xf32, #tpu.memory_space<hbm>>
        %dma_wait3A_381 = arith.constant 0 : i32
        %dma_wait3A_382 = tpu.memref_slice %arg6[%add3A_373, %dma_wait3A_381] : memref<327680x64xf32, #tpu.memory_space<hbm>> -> memref<128x64xf32, #tpu.memory_space<hbm>>
        %dma_wait3A_383 = arith.constant 0 : i32
        %dma_wait3A_384 = arith.constant 0 : i32
        %dma_wait3A_385 = tpu.memref_slice %arg8[%dma_wait3A_374, %dma_wait3A_383, %dma_wait3A_384] : memref<3x128x64xf32, #tpu.memory_space<vmem>> -> memref<1x128x64xf32, #tpu.memory_space<vmem>>
        %dma_wait3A_386 = tpu.memref_squeeze %dma_wait3A_385 : memref<1x128x64xf32, #tpu.memory_space<vmem>> -> memref<128x64xf32, #tpu.memory_space<vmem>>
        tpu.wait_dma2 semaphore(%arg14 : memref<!tpu.dma_semaphore, #tpu.memory_space<semaphore_mem>>) src(%dma_wait3A_386 : memref<128x64xf32, #tpu.memory_space<vmem>>) dst(%dma_wait3A_382 : memref<128x64xf32, #tpu.memory_space<hbm>>)
      } else {
      }
      %add3A_348 = arith.constant 2 : i32
      %add3A_349 = arith.addi %cond3A_296, %add3A_348 : i32
      %dma_start3A_350 = arith.constant 0 : i32
      %dma_start3A_351 = arith.constant 0 : i32
      %dma_start3A_352 = arith.constant 0 : i32
      %dma_start3A_353 = tpu.memref_slice %arg8[%dma_start3A_350, %dma_start3A_351, %dma_start3A_352] : memref<3x128x64xf32, #tpu.memory_space<vmem>> -> memref<1x128x64xf32, #tpu.memory_space<vmem>>
      %dma_start3A_354 = tpu.memref_squeeze %dma_start3A_353 : memref<1x128x64xf32, #tpu.memory_space<vmem>> -> memref<128x64xf32, #tpu.memory_space<vmem>>
      %dma_start3A_355 = arith.constant 0 : i32
      %dma_start3A_356 = tpu.memref_slice %arg7[%add3A_349, %dma_start3A_355] : memref<80x128xi32, #tpu.memory_space<vmem>> -> memref<1x128xi32, #tpu.memory_space<vmem>>
      %dma_start3A_357 = tpu.memref_squeeze %dma_start3A_356 : memref<1x128xi32, #tpu.memory_space<vmem>> -> memref<128xi32, #tpu.memory_space<vmem>>
      %dma_start3A_358 = arith.constant 0 : i32
      %dma_start3A_359 = arith.constant 0 : i32
      %dma_start3A_360 = tpu.memref_slice %arg3[%dma_start3A_358, %dma_start3A_359] : memref<1000000x64xf32, #tpu.memory_space<hbm>> -> memref<1000000x64xf32, #tpu.memory_space<hbm>>
      tpu.enqueue_indirect_dma source(%dma_start3A_360 : memref<1000000x64xf32, #tpu.memory_space<hbm>>) target(%dma_start3A_354 : memref<128x64xf32, #tpu.memory_space<vmem>>) offsets(%dma_start3A_357 : memref<128xi32, #tpu.memory_space<vmem>>) semaphore(%arg11 : memref<!tpu.dma_semaphore, #tpu.memory_space<semaphore_mem>>)
      %dma_start3A_361 = arith.constant 0 : i32
      %dma_start3A_362 = arith.constant 0 : i32
      %dma_start3A_363 = tpu.memref_slice %arg9[%dma_start3A_361, %dma_start3A_362] : memref<384x8xf32, #tpu.memory_space<vmem>> -> memref<128x8xf32, #tpu.memory_space<vmem>>
      %dma_start3A_364 = arith.constant 0 : i32
      %dma_start3A_365 = tpu.memref_slice %arg7[%add3A_349, %dma_start3A_364] : memref<80x128xi32, #tpu.memory_space<vmem>> -> memref<1x128xi32, #tpu.memory_space<vmem>>
      %dma_start3A_366 = tpu.memref_squeeze %dma_start3A_365 : memref<1x128xi32, #tpu.memory_space<vmem>> -> memref<128xi32, #tpu.memory_space<vmem>>
      %dma_start3A_367 = arith.constant 0 : i32
      %dma_start3A_368 = arith.constant 0 : i32
      %dma_start3A_369 = tpu.memref_slice %arg4[%dma_start3A_367, %dma_start3A_368] : memref<1000000x8xf32, #tpu.memory_space<hbm>> -> memref<1000000x8xf32, #tpu.memory_space<hbm>>
      tpu.enqueue_indirect_dma source(%dma_start3A_369 : memref<1000000x8xf32, #tpu.memory_space<hbm>>) target(%dma_start3A_363 : memref<128x8xf32, #tpu.memory_space<vmem>>) offsets(%dma_start3A_366 : memref<128xi32, #tpu.memory_space<vmem>>) semaphore(%arg12 : memref<!tpu.dma_semaphore, #tpu.memory_space<semaphore_mem>>)
    } else {
    }
    %add3A_299 = arith.constant 9856 : i32
    %add3A_300 = arith.addi %mul3A_4, %add3A_299 : i32
    %dma_wait3A_301 = arith.constant 2 : i32
    %dma_wait3A_302 = arith.constant 0 : i32
    %dma_wait3A_303 = arith.constant 0 : i32
    %dma_wait3A_304 = tpu.memref_slice %arg8[%dma_wait3A_301, %dma_wait3A_302, %dma_wait3A_303] : memref<3x128x64xf32, #tpu.memory_space<vmem>> -> memref<1x128x64xf32, #tpu.memory_space<vmem>>
    %dma_wait3A_305 = tpu.memref_squeeze %dma_wait3A_304 : memref<1x128x64xf32, #tpu.memory_space<vmem>> -> memref<128x64xf32, #tpu.memory_space<vmem>>
    %dma_wait3A_306 = arith.constant 0 : i32
    %dma_wait3A_307 = tpu.memref_slice %arg6[%add3A_300, %dma_wait3A_306] : memref<327680x64xf32, #tpu.memory_space<hbm>> -> memref<128x64xf32, #tpu.memory_space<hbm>>
    %dma_wait3A_308 = arith.constant 0 : i32
    %dma_wait3A_309 = tpu.memref_slice %arg6[%add3A_300, %dma_wait3A_308] : memref<327680x64xf32, #tpu.memory_space<hbm>> -> memref<128x64xf32, #tpu.memory_space<hbm>>
    %dma_wait3A_310 = arith.constant 0 : i32
    %dma_wait3A_311 = arith.constant 0 : i32
    %dma_wait3A_312 = tpu.memref_slice %arg8[%dma_wait3A_301, %dma_wait3A_310, %dma_wait3A_311] : memref<3x128x64xf32, #tpu.memory_space<vmem>> -> memref<1x128x64xf32, #tpu.memory_space<vmem>>
    %dma_wait3A_313 = tpu.memref_squeeze %dma_wait3A_312 : memref<1x128x64xf32, #tpu.memory_space<vmem>> -> memref<128x64xf32, #tpu.memory_space<vmem>>
    tpu.wait_dma2 semaphore(%arg14 : memref<!tpu.dma_semaphore, #tpu.memory_space<semaphore_mem>>) src(%dma_wait3A_313 : memref<128x64xf32, #tpu.memory_space<vmem>>) dst(%dma_wait3A_309 : memref<128x64xf32, #tpu.memory_space<hbm>>)
    %add3A_314 = arith.constant 9984 : i32
    %add3A_315 = arith.addi %mul3A_4, %add3A_314 : i32
    %dma_wait3A_316 = arith.constant 0 : i32
    %dma_wait3A_317 = arith.constant 0 : i32
    %dma_wait3A_318 = arith.constant 0 : i32
    %dma_wait3A_319 = tpu.memref_slice %arg8[%dma_wait3A_316, %dma_wait3A_317, %dma_wait3A_318] : memref<3x128x64xf32, #tpu.memory_space<vmem>> -> memref<1x128x64xf32, #tpu.memory_space<vmem>>
    %dma_wait3A_320 = tpu.memref_squeeze %dma_wait3A_319 : memref<1x128x64xf32, #tpu.memory_space<vmem>> -> memref<128x64xf32, #tpu.memory_space<vmem>>
    %dma_wait3A_321 = arith.constant 0 : i32
    %dma_wait3A_322 = tpu.memref_slice %arg6[%add3A_315, %dma_wait3A_321] : memref<327680x64xf32, #tpu.memory_space<hbm>> -> memref<128x64xf32, #tpu.memory_space<hbm>>
    %dma_wait3A_323 = arith.constant 0 : i32
    %dma_wait3A_324 = tpu.memref_slice %arg6[%add3A_315, %dma_wait3A_323] : memref<327680x64xf32, #tpu.memory_space<hbm>> -> memref<128x64xf32, #tpu.memory_space<hbm>>
    %dma_wait3A_325 = arith.constant 0 : i32
    %dma_wait3A_326 = arith.constant 0 : i32
    %dma_wait3A_327 = tpu.memref_slice %arg8[%dma_wait3A_316, %dma_wait3A_325, %dma_wait3A_326] : memref<3x128x64xf32, #tpu.memory_space<vmem>> -> memref<1x128x64xf32, #tpu.memory_space<vmem>>
    %dma_wait3A_328 = tpu.memref_squeeze %dma_wait3A_327 : memref<1x128x64xf32, #tpu.memory_space<vmem>> -> memref<128x64xf32, #tpu.memory_space<vmem>>
    tpu.wait_dma2 semaphore(%arg14 : memref<!tpu.dma_semaphore, #tpu.memory_space<semaphore_mem>>) src(%dma_wait3A_328 : memref<128x64xf32, #tpu.memory_space<vmem>>) dst(%dma_wait3A_324 : memref<128x64xf32, #tpu.memory_space<hbm>>)
    %add3A_329 = arith.constant 10112 : i32
    %add3A_330 = arith.addi %mul3A_4, %add3A_329 : i32
    %dma_wait3A_331 = arith.constant 1 : i32
    %dma_wait3A_332 = arith.constant 0 : i32
    %dma_wait3A_333 = arith.constant 0 : i32
    %dma_wait3A_334 = tpu.memref_slice %arg8[%dma_wait3A_331, %dma_wait3A_332, %dma_wait3A_333] : memref<3x128x64xf32, #tpu.memory_space<vmem>> -> memref<1x128x64xf32, #tpu.memory_space<vmem>>
    %dma_wait3A_335 = tpu.memref_squeeze %dma_wait3A_334 : memref<1x128x64xf32, #tpu.memory_space<vmem>> -> memref<128x64xf32, #tpu.memory_space<vmem>>
    %dma_wait3A_336 = arith.constant 0 : i32
    %dma_wait3A_337 = tpu.memref_slice %arg6[%add3A_330, %dma_wait3A_336] : memref<327680x64xf32, #tpu.memory_space<hbm>> -> memref<128x64xf32, #tpu.memory_space<hbm>>
    %dma_wait3A_338 = arith.constant 0 : i32
    %dma_wait3A_339 = tpu.memref_slice %arg6[%add3A_330, %dma_wait3A_338] : memref<327680x64xf32, #tpu.memory_space<hbm>> -> memref<128x64xf32, #tpu.memory_space<hbm>>
    %dma_wait3A_340 = arith.constant 0 : i32
    %dma_wait3A_341 = arith.constant 0 : i32
    %dma_wait3A_342 = tpu.memref_slice %arg8[%dma_wait3A_331, %dma_wait3A_340, %dma_wait3A_341] : memref<3x128x64xf32, #tpu.memory_space<vmem>> -> memref<1x128x64xf32, #tpu.memory_space<vmem>>
    %dma_wait3A_343 = tpu.memref_squeeze %dma_wait3A_342 : memref<1x128x64xf32, #tpu.memory_space<vmem>> -> memref<128x64xf32, #tpu.memory_space<vmem>>
    tpu.wait_dma2 semaphore(%arg14 : memref<!tpu.dma_semaphore, #tpu.memory_space<semaphore_mem>>) src(%dma_wait3A_343 : memref<128x64xf32, #tpu.memory_space<vmem>>) dst(%dma_wait3A_339 : memref<128x64xf32, #tpu.memory_space<hbm>>)
    return
  }
}

</mosaic_0001>

<sc_bundles>
// kernel: kernel.3.cloned.1.call-start
scs
__scs_entry_jumppad:
0x0: {  	(pc) =	sbr.rel $0x88, $3  }
0x1: {  	(tag) =	ssettag $0x0;
	lr =	simm.s32 $0x1  }
0x2: {  	[smem:$0x3F9D] =	sst lr;
	_ =	strace $0xD0000000  }
0x3: {  	_ = 	snop  }
0x4: {  	_ = 	snop  }
0x5: {  	_ = 	snop  }
0x6: {  	_ = 	snop  }
0x7: {  	_ = 	snop  }
__scs_overlays_trampoline_lowered:
0x8: {  	[smem:$0x3FAC] =	sst s0  }
0x9: {  	[smem:$0x3FAD] =	sst s1  }
0xa: {  	[smem:$0x3FAE] =	sst s2  }
0xb: {  	[smem:$0x3FAF] =	sst s3  }
0xc: {  	[smem:$0x3FB0] =	sst s4  }
0xd: {  	[smem:$0x3FB1] =	sst s5  }
0xe: {  	[smem:$0x3FB2] =	sst s6  }
0xf: {  	[smem:$0x3FB3] =	sst s7  }
0x10: {  	[smem:$0x3FB4] =	sst s8  }
0x11: {  	[smem:$0x3FB5] =	sst s9;
	s0 =	simm.s32 @!p0 $0x0  }
0x12: {  	s1 =	sld [smem:$0x3F9B];
	s0 =	simm.s32 @p0 $0x1  }
0x13: {  	[smem:$0x3FB6] =	sst s0;
	s0 =	simm.s32 @!p1 $0x0  }
0x14: {  	s2 =	sld [smem:$0x3F9A];
	s0 =	simm.s32 @p1 $0x1  }
0x15: {  	[smem:$0x3FB7] =	sst s0;
	s0 =	simm.s32 @!p2 $0x0  }
0x16: {  	s3 =	sld [smem:$0x3FDB];
	s0 =	simm.s32 @p2 $0x1  }
0x17: {  	s4 =	simm.s32 $0x1BF5;
	[smem:$0x3FB9] =	sst s0  }
0x18: {  	s0 =	sld [smem:$0x3F9C];
	_ =	swait.ge [sflag:s4], $0x0  }
0x19: {  	s7 =	sld [smem:$0x3F9D]  }
0x1a: {  	s8 =	sadd.s32 $0xFFFFE003, lr  }
0x1b: {  	s9 =	sadd.s32 $0xFFFFFEF7, lr;
	s5 =	simm.s32 $0xFFFFFFFF;
	p2 =	slt.u32 s8, $0xFFFFF086  }
0x1c: {  	p1 =	slt.u32 s9, $0xF7A;
	s5 =	simm.s32 @!p2 $0x0  }
0x1d: {  	s5 =	simm.s32 @p1 $0x1;
	p0 =	seq.s32 s7, s2  }
0x1e: {  	s7 =	smul.u32 @!p0 $0xF7A, s2;
	p2 =	seq.s32 @!p0 s5, $0x0  }
0x1f: {  	s9 =	smul.u32 $0xF7A, s1;
	s8 =	simm.s32 @!p0 $0x1BF5;
	p2 =	por !p2, p0  }
0x20: {  	[sflag:s8] =	ssyncset.s32 @!p0 $0xFFFFF086;
	s6 =	sadd.s32 @!p0 s3, s7;
	s7 =	simm.s32 @!p0 $0x108  }
0x21: {  	s3 =	sadd.s32 s3, s9;
	s6 =	sadd.s32 @!p0 $0x88, s6;
	s7 =	simm.s32 @p2 $0x1082  }
0x22: {  	[simem:s7], [sflag:s8] =	dma.local @!p0 [hbm:s6], $0xF7A  }
0x23: {  	s9 =	sor.u32 $0xD0000000, s2;
	s6 =	simm.s32 $0x108;
	_ =	swait.ge @!p0 [sflag:s8], $0x0  }
0x24: {  	s3 =	sadd.s32 $0x88, s3;
	s6 =	simm.s32 @!p1 $0x1082;
	[sflag:s4] =	ssyncset.s32 $0xFFFFF086  }
0x25: {  	[simem:s6], [sflag:s4] =	dma.local [hbm:s3], $0xF7A  }
0x26: {  	[smem:$0x3F9D] =	sst s1;
	(tag) =	ssettag s2;
	_ =	strace s9  }
0x27: {  	s1 =	sld [smem:$0x3FAD]  }
0x28: {  	s2 =	sld [smem:$0x3FAE]  }
0x29: {  	s4 =	sld [smem:$0x3FB0]  }
0x2a: {  	p0 =	seq.s32 s5, $0x0;
	s5 =	sld [smem:$0x3FB1]  }
0x2b: {  	s6 =	sld [smem:$0x3FB2]  }
0x2c: {  	s7 =	sld [smem:$0x3FB3]  }
0x2d: {  	s3 =	simm.s32 $0x108;
	s8 =	sld [smem:$0x3FB4]  }
0x2e: {  	s3 =	simm.s32 @!p0 $0x1082;
	s9 =	sld [smem:$0x3FB5]  }
0x2f: {  	lr =	sadd.s32 s0, s3;
	s0 =	sld [smem:$0x3FAC]  }
0x30: {  	s3 =	sld [smem:$0x3FAF]  }
0x31: {  	[smem:$0x3FB8] =	sst s10  }
0x32: {  	s10 =	sld [smem:$0x3FB6];
	_ =	sdelay $0x3  }
0x33: {  	p0 =	seq.s32 s10, $0x1;
	s10 =	sld [smem:$0x3FB8];
	_ =	sdelay $0x3  }
0x34: {  	[smem:$0x3FB8] =	sst s10  }
0x35: {  	s10 =	sld [smem:$0x3FB7];
	_ =	sdelay $0x3  }
0x36: {  	p1 =	seq.s32 s10, $0x1;
	s10 =	sld [smem:$0x3FB8];
	_ =	sdelay $0x3  }
0x37: {  	[smem:$0x3FB8] =	sst s10  }
0x38: {  	s10 =	sld [smem:$0x3FB9]  }
0x39: {  	_ = 	snop;
	(pc) =	sbr.ind lr, $3  }
0x3a: {  	_ = 	snop  }
0x3b: {  	_ = 	snop  }
0x3c: {  	p2 =	seq.s32 s10, $0x1;
	s10 =	sld [smem:$0x3FB8]  }
0x3d: {  	_ =	shalt  }
0x3e: {  	_ =	shalt  }
0x3f: {  	_ =	shalt  }
0x40: {  	_ =	shalt  }
0x41: {  	_ =	shalt  }
0x42: {  	_ =	shalt  }
0x43: {  	_ =	shalt  }
0x44: {  	_ =	shalt  }
0x45: {  	_ =	shalt  }
0x46: {  	_ =	shalt  }
0x47: {  	_ =	shalt  }
0x48: {  	_ =	shalt  }
0x49: {  	_ =	shalt  }
0x4a: {  	_ =	shalt  }
0x4b: {  	_ =	shalt  }
0x4c: {  	_ =	shalt  }
0x4d: {  	_ =	shalt  }
0x4e: {  	_ =	shalt  }
0x4f: {  	_ =	shalt  }
0x50: {  	_ =	shalt  }
0x51: {  	_ =	shalt  }
0x52: {  	_ =	shalt  }
0x53: {  	_ =	shalt  }
0x54: {  	_ =	shalt  }
0x55: {  	_ =	shalt  }
0x56: {  	_ =	shalt  }
0x57: {  	_ =	shalt  }
0x58: {  	_ =	shalt  }
0x59: {  	_ =	shalt  }
0x5a: {  	_ =	shalt  }
0x5b: {  	_ =	shalt  }
0x5c: {  	_ =	shalt  }
0x5d: {  	_ =	shalt  }
0x5e: {  	_ =	shalt  }
0x5f: {  	_ =	shalt  }
0x60: {  	_ =	shalt  }
0x61: {  	_ =	shalt  }
0x62: {  	_ =	shalt  }
0x63: {  	_ =	shalt  }
0x64: {  	_ =	shalt  }
0x65: {  	_ =	shalt  }
0x66: {  	_ =	shalt  }
0x67: {  	_ =	shalt  }
0x68: {  	_ =	shalt  }
0x69: {  	_ =	shalt  }
0x6a: {  	_ =	shalt  }
0x6b: {  	_ =	shalt  }
0x6c: {  	_ =	shalt  }
0x6d: {  	_ =	shalt  }
0x6e: {  	_ =	shalt  }
0x6f: {  	_ =	shalt  }
0x70: {  	_ =	shalt  }
0x71: {  	_ =	shalt  }
0x72: {  	_ =	shalt  }
0x73: {  	_ =	shalt  }
0x74: {  	_ =	shalt  }
0x75: {  	_ =	shalt  }
0x76: {  	_ =	shalt  }
0x77: {  	_ =	shalt  }
0x78: {  	_ =	shalt  }
0x79: {  	_ =	shalt  }
0x7a: {  	_ =	shalt  }
0x7b: {  	_ =	shalt  }
0x7c: {  	_ =	shalt  }
0x7d: {  	_ =	shalt  }
0x7e: {  	_ =	shalt  }
0x7f: {  	_ =	shalt  }
0x80: {  	_ =	shalt  }
0x81: {  	_ =	shalt  }
0x82: {  	_ =	shalt  }
0x83: {  	_ =	shalt  }
0x84: {  	_ =	shalt  }
0x85: {  	_ =	shalt  }
0x86: {  	_ =	shalt  }
0x87: {  	_ =	shalt  }
.Lfunc_end0:
.L_simem_size_0:
called_computation.1_lowered:
.L_overlay_start_0:
0x88: {  	s2 =	sld [smem:$0x3FD9]  }
0x89: {  	s3 =	sld [smem:$0x3FFE];
	_ =	sdelay $0x1  }
0x8a: {  	s1 =	srdreg.scid  }
0x8b: {  	s0 =	sand.u32 $0x1, s1  }
0x8c: {  	s17 =	sshll.u32 s0, $0xA;
	s2 =	sadd.s32 s3, s2  }
0x8d: {  	s2 =	sadd.s32 s2, s17  }
0x8e: {  	[smem:$0x3FC4] =	sst s2  }
0x8f: {  	_ = 	snop  }
0x90: {  	s2 =	sld [smem:$0x3FD0];
	(tm) =	ssettm $0x1  }
0x91: {  	s18 =	sld [smem:$0x3FFB];
	_ =	sdelay $0x3  }
0x92: {  	_ =	strace s18  }
0x93: {  	s3 =	sld [smem:$0x3FFC];
	_ =	sdelay $0x3  }
0x94: {  	_ =	strace s3  }
0x95: {  	s3 =	sld [smem:$0x3FFD];
	_ =	sdelay $0x3  }
0x96: {  	_ =	strace s3  }
0x97: {  	_ =	strace $0x8FFFFFFF  }
0x98: {  	s19 =	sld [smem:$0x3FDB];
	_ =	sdelay $0x1  }
0x99: {  	s4 =	simm.s32 $_scs_section_size  }
0x9a: {  	s5 =	simm.s32 $_size__tile_overlayer_lowered;
	s6 =	simm.s32 $_tile_overlayer_lowered  }
0x9b: {  	s22 =	simm.s32 $0x1BFF;
	s21 =	sshll.u32 s6, $0x1;
	s3 =	sadd.s32 s4, s19  }
0x9c: {  	s7 =	simm.s32 $0x0;
	s20 =	sshll.u32 s5, $0x1;
	s5 =	sadd.s32 s21, s3  }
0x9d: {  	[timem:s7], [sflag:s22] =	dma.local [hbm:s5], s20  }
0x9e: {  	_ =	swait.ge [sflag:s22], s20  }
0x9f: {  	s4 =	ssub.s32 $0x0, s20;
	[sflag:s22] =	ssyncset.done $0x0  }
0xa0: {  	[sflag:s22] =	ssyncadd.s32 s4;
	_ =	sdelay $0x1  }
0xa1: {  	s23 =	simm.s32 $0x1B8B  }
0xa2: {  	_ =	swait.ge [sflag:s23], $0x1  }
0xa3: {  	[sflag:s23] =	ssyncset.done $0x0  }
0xa4: {  	s25 =	simm.s32 $0x1B8E;
	s24 =	sld [smem:$0x3FFE];
	[sflag:s23] =	ssyncadd.s32 $0xFFFFFFFF  }
0xa5: {  	s26 =	simm.s32 $execute0_lowered;
	[smem:$0x3FD2] =	sst s25  }
0xa6: {  	s5 =	sshll.u32 s26, $0x1;
	_ =	strace $0x80000046;
	[dreg:$0x1] =	wrdreg $0xFFFFFFFF  }
0xa7: {  	s28 =	simm.s32 $_size_execute0_lowered;
	s3 =	sadd.s32 s3, s5;
	[dreg:$0x0] =	wrdreg $0x0  }
0xa8: {  	s5 =	sshll.u32 s28, $0x1;
	[dreg:$0x2] =	wrdreg s3  }
0xa9: {  	[dreg:$0x3] =	wrdreg s5  }
0xaa: {  	[dreg:$0x4] =	wrdreg $0xC0  }
0xab: {  	_ =	task [dreg:s7], $0x5FFFF  }
0xac: {  	[dreg:$0x1] =	wrdreg $0xFFFFFFFF  }
0xad: {  	[dreg:$0x0] =	wrdreg $0x60  }
0xae: {  	[dreg:$0x2] =	wrdreg s24  }
0xaf: {  	[dreg:$0x3] =	wrdreg s2  }
0xb0: {  	[dreg:$0x4] =	wrdreg $0x9  }
0xb1: {  	_ =	task.clear_ibuf [dreg:s7], $0x5FFFF;
	_ =	strace $0x90000046  }
0xb2: {  	s29 =	simm.s32 $0x9;
	_ =	strace $0x80000048  }
0xb3: {  	_ =	swait.ge [sflag:s29], $0x1  }
0xb4: {  	[sflag:s29] =	ssyncadd.s32 $0xFFFFFFFF  }
0xb5: {  	_ =	strace $0x90000048  }
0xb6: {  	_ =	sfence  }
0xb7: {  	s30 =	sld [smem:$0x0];
	_ =	sdelay $0x2  }
0xb8: {  	s31 =	sshll.u32 s1, $0xD;
	s1 =	sshrl.u32 s1, $0x2  }
0xb9: {  	s3 =	sand.u32 $0x4000, s31;
	s1 =	sadd.s32 s1, s30  }
0xba: {  	s0 =	sor.u32 s3, s0;
	s1 =	sshll.u32 s1, $0x11  }
0xbb: {  	s0 =	sor.u32 s1, s0  }
0xbc: {  	s0 =	sadd.s32 $0x8F2B, s0  }
0xbd: {  	[sflag:s0] =	ssyncadd.remote.s32 $0x1  }
0xbe: {  	_ =	sfence.sel $0xFFFF  }
0xbf: {  	[dreg:$0x0] =	wrdreg $0xFFFFFFFF;
	(pc) =	sbr.abs _section_cstart, $3  }
0xc0: {  	[dreg:$0x1] =	wrdreg $0xFFFFFFFF  }
0xc1: {  	_ =	task.clear_ibuf [dreg:s7], $0x2FFFF;
	_ =	strace $0x9FFFFFFF  }
0xc2: {  	(tm) =	ssettm $0x7FFFFFFF  }
0xc3: {  	_ =	shalt  }
tec
execute0_lowered:
.L_overlay_start_1:
0x0: {  	(tag) =	ssettag $0x1  }
0x1: {  	s0 =	rddreg [dreg:$0x0];
	s1 =	srdreg.scid  }
0x2: {  	s3 =	stileid.u32;
	s2 =	rddreg [dreg:$0x1];
	s14 =	simm.s32 $0x5  }
0x3: {  	s16 =	simm.s32 $0x3;
	s17 =	simm.s32 $0x80;
	s18 =	simm.s32 $0x2800  }
0x4: {  	s19 =	simm.s32 $0x8800;
	s20 =	simm.s32 $0x4800;
	s21 =	simm.s32 $0x8C00  }
0x5: {  	s22 =	simm.s32 $0x1;
	s23 =	simm.s32 $0x2;
	s24 =	simm.s32 $0x6800  }
0x6: {  	s25 =	simm.s32 $0x9000;
	s1 =	sand.u32 $0x1, s1;
	s4 =	sshll.u32 s3, $0x1  }
0x7: {  	s26 =	simm.s32 $0x4;
	s28 =	simm.s32 $0x0;
	s8 =	sor.u32 s1, s4  }
0x8: {  	s3 =	simm.s32 $0x0;
	s5 =	sadd.s32 $0xF43200, s0;
	s4 =	smul.u32 $0x500, s8  }
0x9: {  	s6 =	sadd.s32 $0x16E4400, s0;
	[smem:$0x7FF] =	sst s3;
	s1 =	ssub.s32 $0x2, s1  }
0xa: {  	s10 =	sshrl.u32 s1, $0x1;
	s9 =	sadd.s32 s4, s0;
	s4 =	smul.u32 $0xA0000, s8  }
0xb: {  	_ =	strace $0x80000047;
	s30 =	ssub.s32 s1, s10;
	s0 =	sadd.s32 $0xAE00, s0  }
0xc: {  	s8 =	smul.u32 $0x2800, s8;
	s13 =	smax.u32 s30, $0x1;
	s31 =	sshrl.u32 s4, $0x3  }
0xd: {  	[dreg:$0x3] =	wrdreg s0;
	s9 =	sadd.s32 $0xE00, s9;
	s1 =	sadd.s32 s2, s31  }
0xe: {  	v0 =	vimm.s32 $0x0;
	vm0 =	vcmask $0x300;
	s10 =	sor.u32 $0x2000, s4;
	s11 =	sadd.s32 $0x13800, s1;
	s12 =	sadd.s32 $0x13C00, s1  }
.LBB2_1:
0xf: {  	[tilespmem:s3], [sflag:$0x5] =	stream.linear.gather [hbm4b:s9+s3], $0x2800, $0x38;
	[tilespmem:$0x9600] =	vst v63  }
0x10: {  	_ =	swait.ge [sflag:s14], $0x2800  }
0x11: {  	[sflag:s14] =	ssyncset.done $0x0  }
0x12: {  	s1 =	simm.s32 $0x9400;
	s0 =	rddreg [dreg:$0x3];
	[sflag:s14] =	ssyncadd.s32 $0xFFFFD800  }
0x13: {  	[tilespmem:s1], [sflag:$0x3] =	stream.linear.gather [hbm4b:s0+s3], $0x200, $0x38;
	[tilespmem:$0x9600] =	vst v63  }
0x14: {  	_ =	swait.ge [sflag:s16], $0x200  }
0x15: {  	[sflag:s16] =	ssyncset.done $0x0  }
0x16: {  	[sflag:s16] =	ssyncadd.s32 $0xFFFFFE00  }
0x17: {  	v1 =	vld [tilespmem:$0x9400]  }
0x18: {  	v2 =	vld [tilespmem:$0x9410]  }
0x19: {  	v3 =	vld [tilespmem:$0x9420]  }
0x1a: {  	v4 =	vld [tilespmem:$0x9430]  }
0x1b: {  	v5 =	vld [tilespmem:$0x9440]  }
0x1c: {  	v6 =	vld [tilespmem:$0x9450]  }
0x1d: {  	v7 =	vld [tilespmem:$0x9460]  }
0x1e: {  	v8 =	vld [tilespmem:$0x9470]  }
0x1f: {  	v9 =	vld [tilespmem:$0x9480]  }
0x20: {  	v10 =	vld [tilespmem:$0x9490]  }
0x21: {  	v11 =	vld [tilespmem:$0x94A0]  }
0x22: {  	v12 =	vld [tilespmem:$0x94B0]  }
0x23: {  	v13 =	vld [tilespmem:$0x94C0]  }
0x24: {  	v14 =	vld [tilespmem:$0x94D0]  }
0x25: {  	v15 =	vld [tilespmem:$0x94E0]  }
0x26: {  	v16 =	vld [tilespmem:$0x94F0]  }
0x27: {  	v17 =	vld [tilespmem:$0x9500]  }
0x28: {  	v18 =	vld [tilespmem:$0x9510]  }
0x29: {  	v19 =	vld [tilespmem:$0x9520]  }
0x2a: {  	v20 =	vld [tilespmem:$0x9530]  }
0x2b: {  	v21 =	vld [tilespmem:$0x9540]  }
0x2c: {  	v22 =	vld [tilespmem:$0x9550]  }
0x2d: {  	v23 =	vld [tilespmem:$0x9560]  }
0x2e: {  	v24 =	vld [tilespmem:$0x9570]  }
0x2f: {  	v25 =	vld [tilespmem:$0x9580]  }
0x30: {  	v26 =	vld [tilespmem:$0x9590]  }
0x31: {  	v27 =	vld [tilespmem:$0x95A0]  }
0x32: {  	v28 =	vld [tilespmem:$0x95B0]  }
0x33: {  	v29 =	vld [tilespmem:$0x95C0]  }
0x34: {  	v30 =	vld [tilespmem:$0x95D0]  }
0x35: {  	v31 =	vld [tilespmem:$0x95E0]  }
0x36: {  	v32 =	vld [tilespmem:$0x95F0];
	[tilespmem:s18], [sflag:$0x1] =	stream.indirect.gather [hbm4b:s5+s17], $0x40, s3, s17, $0xb8  }
0x37: {  	_ = 	snop  }
0x38: {  	[tilespmem:s19], [sflag:$0x2] =	stream.indirect.gather [hbm4b:s6+s17], $0x8, s3, s17, $0xb8;
	[tilespmem:$0x9600] =	vst v63  }
0x39: {  	_ = 	snop  }
0x3a: {  	[tilespmem:s20], [sflag:$0x1] =	stream.indirect.gather [hbm4b:s5+s17], $0x40, s17, s17, $0xb8;
	[tilespmem:$0x9600] =	vst v63  }
0x3b: {  	s29 =	simm.s32 $0x0  }
0x3c: {  	[tilespmem:s21], [sflag:$0x2] =	stream.indirect.gather [hbm4b:s6+s17], $0x8, s17, s17, $0xb8;
	[tilespmem:$0x9600] =	vst v63  }
.LBB2_2:
0x3d: {  	_ =	swait.ge [sflag:s22], $0x2000  }
0x3e: {  	[sflag:s22] =	ssyncset.done $0x0  }
0x3f: {  	[sflag:s22] =	ssyncadd.s32 $0xFFFFE000  }
0x40: {  	_ =	swait.ge [sflag:s23], $0x400  }
0x41: {  	[sflag:s23] =	ssyncset.done $0x0  }
0x42: {  	s0 =	simm.s32 $0x0;
	s1 =	simm.s32 $0x2880;
	[sflag:s23] =	ssyncadd.s32 $0xFFFFFC00  }
.LBB2_3:
0x43: {  	s15 =	sshll.u32 s0, $0x3  }
0x44: {  	v33 =	vmov s15;
	_ =	sdelay $0x1  }
0x45: {  	v34 =	vor.u32 $0x1, v33;
	_ =	sdelay $0x1  }
0x46: {  	v38 =	vor.u32 $0x2, v33  }
0x47: {  	v36 =	vld.idx.msk [tilespmem:v33+s19+$0x0], $0xffff  }
0x48: {  	v41 =	vor.u32 $0x3, v33  }
0x49: {  	v34 =	vld.idx.msk [tilespmem:v34+s19+$0x0], $0xffff  }
0x4a: {  	v51 =	vor.u32 $0x5, v33  }
0x4b: {  	v38 =	vld.idx.msk [tilespmem:v38+s19+$0x0], $0xffff  }
0x4c: {  	v35 =	vld [tilespmem:s1+$0xFFFFFF80];
	v63 =	vor.u32 $0x4, v33;
	v42 =	vmul.f32 v36, v1  }
0x4d: {  	v54 =	vor.u32 $0x6, v33;
	v41 =	vld.idx.msk [tilespmem:v41+s19+$0x0], $0xffff;
	v43 =	vmul.f32 v36, v2;
	v44 =	vmul.f32 v36, v3  }
0x4e: {  	v37 =	vld [tilespmem:s1+$0xFFFFFF90];
	v33 =	vor.u32 $0x7, v33;
	v36 =	vmul.f32 v36, v4;
	v48 =	vmul.f32 v34, v5  }
0x4f: {  	v58 =	vld.idx.msk [tilespmem:v51+s19+$0x0], $0xffff;
	v49 =	vmul.f32 v34, v6;
	v50 =	vmul.f32 v34, v7  }
0x50: {  	v39 =	vld [tilespmem:s1+$0xFFFFFFA0];
	v34 =	vmul.f32 v34, v8;
	v52 =	vmul.f32 v38, v9  }
0x51: {  	v40 =	vld [tilespmem:s1+$0xFFFFFFB0];
	v53 =	vmul.f32 v38, v10;
	v55 =	vmul.f32 v38, v11  }
0x52: {  	v38 =	vmul.f32 v38, v12;
	v56 =	vmul.f32 v41, v13  }
0x53: {  	v33 =	vld.idx.msk [tilespmem:v33+s19+$0x0], $0xffff;
	v57 =	vmul.f32 v41, v14;
	v59 =	vmul.f32 v41, v15;
	v35 =	vadd.f32 v42, v35  }
0x54: {  	v41 =	vmul.f32 v41, v16;
	v45 =	vmul.f32 v58, v21;
	v42 =	vld.idx.msk [tilespmem:v63+s19+$0x0], $0xffff  }
0x55: {  	v46 =	vmul.f32 v58, v22;
	v37 =	vadd.f32 v43, v37;
	v35 =	vadd.f32 v48, v35  }
0x56: {  	v47 =	vmul.f32 v58, v23;
	v39 =	vadd.f32 v44, v39;
	v36 =	vadd.f32 v36, v40  }
0x57: {  	v40 =	vmul.f32 v58, v24;
	v37 =	vadd.f32 v49, v37;
	v35 =	vadd.f32 v52, v35  }
0x58: {  	v44 =	vld.idx.msk [tilespmem:v54+s19+$0x0], $0xffff;
	v39 =	vadd.f32 v50, v39;
	v34 =	vadd.f32 v34, v36;
	v51 =	vmul.f32 v33, v29  }
0x59: {  	v36 =	vadd.f32 v53, v37;
	v60 =	vmul.f32 v42, v17;
	v35 =	vadd.f32 v56, v35  }
0x5a: {  	v39 =	vadd.f32 v55, v39;
	v34 =	vadd.f32 v38, v34;
	v61 =	vmul.f32 v42, v18  }
0x5b: {  	v62 =	vmul.f32 v42, v19;
	v36 =	vadd.f32 v57, v36;
	v35 =	vadd.f32 v60, v35  }
0x5c: {  	v63 =	vmul.f32 v42, v20;
	v37 =	vadd.f32 v59, v39;
	v34 =	vadd.f32 v41, v34  }
0x5d: {  	v48 =	vmul.f32 v44, v25;
	v36 =	vadd.f32 v61, v36;
	v35 =	vadd.f32 v45, v35  }
0x5e: {  	v53 =	vmul.f32 v33, v30;
	v37 =	vadd.f32 v62, v37;
	v34 =	vadd.f32 v63, v34  }
0x5f: {  	v49 =	vmul.f32 v44, v26;
	v36 =	vadd.f32 v46, v36;
	v35 =	vadd.f32 v48, v35  }
0x60: {  	v50 =	vmul.f32 v44, v27;
	v37 =	vadd.f32 v47, v37;
	v34 =	vadd.f32 v40, v34  }
0x61: {  	v52 =	vmul.f32 v44, v28;
	v36 =	vadd.f32 v49, v36;
	v35 =	vadd.f32 v51, v35  }
0x62: {  	s30 =	sadd.s32 $0x8, s15;
	v54 =	vmul.f32 v33, v31;
	v33 =	vmul.f32 v33, v32;
	v37 =	vadd.f32 v50, v37  }
0x63: {  	v34 =	vadd.f32 v52, v34;
	v36 =	vadd.f32 v53, v36;
	[tilespmem:s1+$0xFFFFFF80] =	vst v35;
	v35 =	vmov s30  }
0x64: {  	v37 =	vadd.f32 v54, v37  }
0x65: {  	v33 =	vadd.f32 v33, v34;
	[tilespmem:s1+$0xFFFFFF90] =	vst v36;
	v55 =	vor.u32 $0x1, v35  }
0x66: {  	[tilespmem:s1+$0xFFFFFFA0] =	vst v37  }
0x67: {  	[tilespmem:s1+$0xFFFFFFB0] =	vst v33;
	v58 =	vor.u32 $0x2, v35  }
0x68: {  	v61 =	vor.u32 $0x3, v35;
	v36 =	vld.idx.msk [tilespmem:v35+s19+$0x0], $0xffff  }
0x69: {  	v56 =	vld [tilespmem:s1+$0xFFFFFFC0];
	v49 =	vor.u32 $0x4, v35  }
0x6a: {  	v33 =	vld.idx.msk [tilespmem:v55+s19+$0x0], $0xffff  }
0x6b: {  	v57 =	vld [tilespmem:s1+$0xFFFFFFD0]  }
0x6c: {  	v38 =	vld.idx.msk [tilespmem:v58+s19+$0x0], $0xffff  }
0x6d: {  	v41 =	vld.idx.msk [tilespmem:v61+s19+$0x0], $0xffff;
	v62 =	vmul.f32 v36, v1;
	v63 =	vmul.f32 v36, v2  }
0x6e: {  	v42 =	vld.idx.msk [tilespmem:v49+s19+$0x0], $0xffff;
	v48 =	vmul.f32 v36, v3;
	v36 =	vmul.f32 v36, v4  }
0x6f: {  	v59 =	vld [tilespmem:s1+$0xFFFFFFE0];
	v50 =	vmul.f32 v33, v5;
	v51 =	vmul.f32 v33, v6  }
0x70: {  	v60 =	vld [tilespmem:s1+$0xFFFFFFF0];
	v52 =	vmul.f32 v33, v7;
	v33 =	vmul.f32 v33, v8  }
0x71: {  	v53 =	vor.u32 $0x5, v35;
	v54 =	vmul.f32 v38, v9;
	v55 =	vmul.f32 v38, v10  }
0x72: {  	v58 =	vmul.f32 v41, v13;
	v61 =	vmul.f32 v41, v15  }
0x73: {  	v45 =	vmul.f32 v42, v19;
	v46 =	vmul.f32 v42, v20  }
0x74: {  	v34 =	vadd.f32 v62, v56;
	v37 =	vadd.f32 v63, v57;
	v56 =	vor.u32 $0x6, v35  }
0x75: {  	v39 =	vadd.f32 v48, v59;
	v36 =	vadd.f32 v36, v60;
	v57 =	vmul.f32 v38, v11  }
0x76: {  	v38 =	vmul.f32 v38, v12;
	v35 =	vor.u32 $0x7, v35;
	v60 =	vld.idx.msk [tilespmem:v53+s19+$0x0], $0xffff;
	v34 =	vadd.f32 v50, v34  }
0x77: {  	v59 =	vmul.f32 v41, v14;
	v37 =	vadd.f32 v51, v37;
	v39 =	vadd.f32 v52, v39  }
0x78: {  	v41 =	vmul.f32 v41, v16;
	v33 =	vadd.f32 v33, v36;
	v34 =	vadd.f32 v54, v34  }
0x79: {  	v62 =	vmul.f32 v42, v17;
	v36 =	vadd.f32 v55, v37;
	v39 =	vadd.f32 v57, v39;
	v44 =	vld.idx.msk [tilespmem:v56+s19+$0x0], $0xffff  }
0x7a: {  	v63 =	vmul.f32 v42, v18;
	v33 =	vadd.f32 v38, v33;
	v34 =	vadd.f32 v58, v34  }
0x7b: {  	v35 =	vld.idx.msk [tilespmem:v35+s19+$0x0], $0xffff;
	v47 =	vmul.f32 v60, v21;
	v36 =	vadd.f32 v59, v36;
	v37 =	vadd.f32 v61, v39  }
0x7c: {  	v48 =	vmul.f32 v60, v22;
	v33 =	vadd.f32 v41, v33;
	v34 =	vadd.f32 v62, v34  }
0x7d: {  	v49 =	vmul.f32 v60, v23;
	v36 =	vadd.f32 v63, v36;
	v37 =	vadd.f32 v45, v37  }
0x7e: {  	v33 =	vadd.f32 v46, v33;
	v34 =	vadd.f32 v47, v34;
	v50 =	vmul.f32 v44, v25  }
0x7f: {  	v40 =	vmul.f32 v60, v24;
	v36 =	vadd.f32 v48, v36;
	v37 =	vadd.f32 v49, v37  }
0x80: {  	v51 =	vmul.f32 v44, v26;
	v53 =	vmul.f32 v35, v29;
	v34 =	vadd.f32 v50, v34  }
0x81: {  	v33 =	vadd.f32 v40, v33;
	v52 =	vmul.f32 v44, v27;
	v54 =	vmul.f32 v44, v28  }
0x82: {  	v55 =	vmul.f32 v35, v30;
	v36 =	vadd.f32 v51, v36;
	v34 =	vadd.f32 v53, v34  }
0x83: {  	s31 =	sadd.s32 $0x10, s15;
	v56 =	vmul.f32 v35, v31;
	v35 =	vmul.f32 v35, v32;
	v37 =	vadd.f32 v52, v37  }
0x84: {  	v33 =	vadd.f32 v54, v33;
	v36 =	vadd.f32 v55, v36;
	[tilespmem:s1+$0xFFFFFFC0] =	vst v34;
	v34 =	vmov s31  }
0x85: {  	v37 =	vadd.f32 v56, v37  }
0x86: {  	v33 =	vadd.f32 v35, v33;
	[tilespmem:s1+$0xFFFFFFD0] =	vst v36;
	v57 =	vor.u32 $0x1, v34  }
0x87: {  	[tilespmem:s1+$0xFFFFFFE0] =	vst v37  }
0x88: {  	[tilespmem:s1+$0xFFFFFFF0] =	vst v33;
	v60 =	vor.u32 $0x2, v34  }
0x89: {  	v63 =	vor.u32 $0x3, v34;
	v36 =	vld.idx.msk [tilespmem:v34+s19+$0x0], $0xffff  }
0x8a: {  	v58 =	vld [tilespmem:s1+$0x0];
	v51 =	vor.u32 $0x4, v34  }
0x8b: {  	v33 =	vld.idx.msk [tilespmem:v57+s19+$0x0], $0xffff  }
0x8c: {  	v59 =	vld [tilespmem:s1+$0x10]  }
0x8d: {  	v38 =	vld.idx.msk [tilespmem:v60+s19+$0x0], $0xffff  }
0x8e: {  	v41 =	vld.idx.msk [tilespmem:v63+s19+$0x0], $0xffff;
	v48 =	vmul.f32 v36, v1  }
0x8f: {  	v42 =	vld.idx.msk [tilespmem:v51+s19+$0x0], $0xffff;
	v49 =	vmul.f32 v36, v2;
	v50 =	vmul.f32 v36, v3  }
0x90: {  	v61 =	vld [tilespmem:s1+$0x20];
	v36 =	vmul.f32 v36, v4;
	v52 =	vmul.f32 v33, v5  }
0x91: {  	v62 =	vld [tilespmem:s1+$0x30];
	v53 =	vmul.f32 v33, v6;
	v54 =	vmul.f32 v33, v7  }
0x92: {  	v55 =	vor.u32 $0x5, v34;
	v33 =	vmul.f32 v33, v8;
	v56 =	vmul.f32 v38, v9  }
0x93: {  	v57 =	vmul.f32 v38, v10;
	v60 =	vmul.f32 v41, v13  }
0x94: {  	v63 =	vmul.f32 v41, v15;
	v51 =	vmul.f32 v42, v20;
	v35 =	vadd.f32 v48, v58  }
0x95: {  	v37 =	vadd.f32 v49, v59;
	v39 =	vadd.f32 v50, v61;
	v58 =	vor.u32 $0x6, v34  }
0x96: {  	v36 =	vadd.f32 v36, v62;
	v59 =	vmul.f32 v38, v11;
	v38 =	vmul.f32 v38, v12  }
0x97: {  	v34 =	vor.u32 $0x7, v34;
	v61 =	vmul.f32 v41, v14;
	v62 =	vld.idx.msk [tilespmem:v55+s19+$0x0], $0xffff;
	v35 =	vadd.f32 v52, v35  }
0x98: {  	v41 =	vmul.f32 v41, v16;
	v37 =	vadd.f32 v53, v37;
	v39 =	vadd.f32 v54, v39  }
0x99: {  	v48 =	vmul.f32 v42, v17;
	v33 =	vadd.f32 v33, v36;
	v35 =	vadd.f32 v56, v35  }
0x9a: {  	v49 =	vmul.f32 v42, v18;
	v36 =	vadd.f32 v57, v37;
	v39 =	vadd.f32 v59, v39;
	v44 =	vld.idx.msk [tilespmem:v58+s19+$0x0], $0xffff  }
0x9b: {  	v50 =	vmul.f32 v42, v19;
	v33 =	vadd.f32 v38, v33;
	v35 =	vadd.f32 v60, v35  }
0x9c: {  	v34 =	vld.idx.msk [tilespmem:v34+s19+$0x0], $0xffff;
	v52 =	vmul.f32 v62, v21;
	v36 =	vadd.f32 v61, v36;
	v37 =	vadd.f32 v63, v39  }
0x9d: {  	v53 =	vmul.f32 v62, v22;
	v33 =	vadd.f32 v41, v33;
	v35 =	vadd.f32 v48, v35  }
0x9e: {  	v54 =	vmul.f32 v62, v23;
	v36 =	vadd.f32 v49, v36;
	v37 =	vadd.f32 v50, v37  }
0x9f: {  	v33 =	vadd.f32 v51, v33;
	v35 =	vadd.f32 v52, v35;
	v55 =	vmul.f32 v44, v25  }
0xa0: {  	v40 =	vmul.f32 v62, v24;
	v36 =	vadd.f32 v53, v36;
	v37 =	vadd.f32 v54, v37  }
0xa1: {  	v56 =	vmul.f32 v44, v26;
	v58 =	vmul.f32 v34, v29;
	v35 =	vadd.f32 v55, v35  }
0xa2: {  	v33 =	vadd.f32 v40, v33;
	v57 =	vmul.f32 v44, v27;
	v59 =	vmul.f32 v44, v28  }
0xa3: {  	v60 =	vmul.f32 v34, v30;
	v36 =	vadd.f32 v56, v36;
	v35 =	vadd.f32 v58, v35  }
0xa4: {  	s15 =	sadd.s32 $0x18, s15;
	v61 =	vmul.f32 v34, v31;
	v34 =	vmul.f32 v34, v32;
	v37 =	vadd.f32 v57, v37  }
0xa5: {  	v33 =	vadd.f32 v59, v33;
	v36 =	vadd.f32 v60, v36;
	[tilespmem:s1+$0x0] =	vst v35;
	v35 =	vmov s15  }
0xa6: {  	v37 =	vadd.f32 v61, v37  }
0xa7: {  	v33 =	vadd.f32 v34, v33;
	[tilespmem:s1+$0x10] =	vst v36;
	v62 =	vor.u32 $0x1, v35  }
0xa8: {  	[tilespmem:s1+$0x20] =	vst v37  }
0xa9: {  	[tilespmem:s1+$0x30] =	vst v33;
	v49 =	vor.u32 $0x2, v35  }
0xaa: {  	v36 =	vld.idx.msk [tilespmem:v35+s19+$0x0], $0xffff  }
0xab: {  	v52 =	vor.u32 $0x3, v35  }
0xac: {  	v33 =	vld.idx.msk [tilespmem:v62+s19+$0x0], $0xffff  }
0xad: {  	v63 =	vld [tilespmem:s1+$0x40]  }
0xae: {  	v56 =	vor.u32 $0x4, v35;
	v38 =	vld.idx.msk [tilespmem:v49+s19+$0x0], $0xffff  }
0xaf: {  	v48 =	vld [tilespmem:s1+$0x50];
	v53 =	vmul.f32 v36, v1;
	v54 =	vmul.f32 v36, v2  }
0xb0: {  	v41 =	vld.idx.msk [tilespmem:v52+s19+$0x0], $0xffff;
	v55 =	vmul.f32 v36, v3;
	v36 =	vmul.f32 v36, v4  }
0xb1: {  	v50 =	vld [tilespmem:s1+$0x60];
	v57 =	vmul.f32 v33, v5;
	v58 =	vmul.f32 v33, v6  }
0xb2: {  	v51 =	vld [tilespmem:s1+$0x70];
	v59 =	vmul.f32 v33, v7;
	v33 =	vmul.f32 v33, v8  }
0xb3: {  	v60 =	vor.u32 $0x5, v35;
	v42 =	vld.idx.msk [tilespmem:v56+s19+$0x0], $0xffff;
	v61 =	vmul.f32 v38, v9;
	v62 =	vmul.f32 v38, v10  }
0xb4: {  	v45 =	vmul.f32 v38, v11;
	v38 =	vmul.f32 v38, v12  }
0xb5: {  	v46 =	vmul.f32 v41, v13;
	v47 =	vmul.f32 v41, v14  }
0xb6: {  	v49 =	vmul.f32 v41, v15;
	v41 =	vmul.f32 v41, v16  }
0xb7: {  	v34 =	vadd.f32 v53, v63;
	v37 =	vadd.f32 v54, v48;
	v63 =	vor.u32 $0x6, v35  }
0xb8: {  	v52 =	vmul.f32 v42, v19;
	v39 =	vadd.f32 v55, v50;
	v36 =	vadd.f32 v36, v51;
	v48 =	vld.idx.msk [tilespmem:v60+s19+$0x0], $0xffff  }
0xb9: {  	v35 =	vor.u32 $0x7, v35;
	v34 =	vadd.f32 v57, v34;
	v37 =	vadd.f32 v58, v37  }
0xba: {  	v50 =	vmul.f32 v42, v17;
	v39 =	vadd.f32 v59, v39;
	v33 =	vadd.f32 v33, v36  }
0xbb: {  	v51 =	vmul.f32 v42, v18;
	v34 =	vadd.f32 v61, v34;
	v36 =	vadd.f32 v62, v37  }
0xbc: {  	v53 =	vmul.f32 v42, v20;
	v39 =	vadd.f32 v45, v39;
	v33 =	vadd.f32 v38, v33;
	v44 =	vld.idx.msk [tilespmem:v63+s19+$0x0], $0xffff  }
0xbd: {  	v54 =	vmul.f32 v48, v21;
	v34 =	vadd.f32 v46, v34;
	v36 =	vadd.f32 v47, v36  }
0xbe: {  	v35 =	vld.idx.msk [tilespmem:v35+s19+$0x0], $0xffff;
	v55 =	vmul.f32 v48, v22;
	v37 =	vadd.f32 v49, v39;
	v33 =	vadd.f32 v41, v33  }
0xbf: {  	v56 =	vmul.f32 v48, v23;
	v34 =	vadd.f32 v50, v34;
	v36 =	vadd.f32 v51, v36  }
0xc0: {  	v40 =	vmul.f32 v48, v24;
	v37 =	vadd.f32 v52, v37;
	v33 =	vadd.f32 v53, v33  }
0xc1: {  	v34 =	vadd.f32 v54, v34;
	v36 =	vadd.f32 v55, v36;
	v57 =	vmul.f32 v44, v25  }
0xc2: {  	v37 =	vadd.f32 v56, v37;
	v33 =	vadd.f32 v40, v33;
	v58 =	vmul.f32 v44, v26  }
0xc3: {  	v59 =	vmul.f32 v44, v27;
	v60 =	vmul.f32 v35, v29;
	v34 =	vadd.f32 v57, v34  }
0xc4: {  	v61 =	vmul.f32 v44, v28;
	v62 =	vmul.f32 v35, v30;
	v36 =	vadd.f32 v58, v36  }
0xc5: {  	p0 =	sne.s32 s0, $0x7C;
	v63 =	vmul.f32 v35, v31;
	v37 =	vadd.f32 v59, v37;
	v34 =	vadd.f32 v60, v34  }
.Ltmp0:
0xc6: {  	v35 =	vmul.f32 v35, v32;
	v33 =	vadd.f32 v61, v33;
	v36 =	vadd.f32 v62, v36;
	(pc) =	sbr.rel @p0 .LBB2_3-.Ltmp0, $4  }
0xc7: {  	v37 =	vadd.f32 v63, v37;
	[tilespmem:s1+$0x40] =	vst v34  }
0xc8: {  	v33 =	vadd.f32 v35, v33;
	[tilespmem:s1+$0x50] =	vst v36  }
0xc9: {  	[tilespmem:s1+$0x60] =	vst v37  }
0xca: {  	s0 =	sadd.s32 $0x4, s0;
	[tilespmem:s1+$0x70] =	vst v33;
	s1 =	sadd.s32 $0x100, s1  }
0xcb: {  	s0 =	smul.u32 $0x180, s29;
	_ =	sdelay $0x1  }
0xcc: {  	s0 =	sadd.s32 s8, s0  }
0xcd: {  	p0 =	seq.s32 s29, $0x0;
	s0 =	sshll.u32 s0, $0x3  }
0xce: {  	s15 =	smul.u32 $0x3, s29;
	s1 =	simm.s32 @!p0 $0x4;
	s0 =	sadd.s32 s2, s0  }
0xcf: {  	[hbm4b:s0+s3] =	stream.linear.scatter [tilespmem:s18], [sflag:$0x4], $0x2000, $0x38;
	[tilespmem:$0x9600] =	vst v63  }
0xd0: {  	s30 =	sadd.s32 $0x2, s15;
	_ =	swait.ge @!p0 [sflag:s1], $0x2000  }
0xd1: {  	s0 =	sshll.u32 s30, $0x7;
	[sflag:s1] =	ssyncset.done @!p0 $0x0  }
0xd2: {  	s0 =	sand.u32 $0x3FFFFF80, s0;
	[sflag:s1] =	ssyncadd.s32 @!p0 $0xFFFFE000  }
0xd3: {  	[tilespmem:s24], [sflag:$0x1] =	stream.indirect.gather [hbm4b:s5+s17], $0x40, s0, s17, $0xb8;
	[tilespmem:$0x9600] =	vst v63  }
0xd4: {  	_ = 	snop  }
0xd5: {  	[tilespmem:s25], [sflag:$0x2] =	stream.indirect.gather [hbm4b:s6+s17], $0x8, s0, s17, $0xb8;
	[tilespmem:$0x9600] =	vst v63  }
0xd6: {  	_ =	swait.ge [sflag:s22], $0x2000  }
0xd7: {  	[sflag:s22] =	ssyncset.done $0x0  }
0xd8: {  	[sflag:s22] =	ssyncadd.s32 $0xFFFFE000  }
0xd9: {  	_ =	swait.ge [sflag:s23], $0x400  }
0xda: {  	[sflag:s23] =	ssyncset.done $0x0  }
0xdb: {  	s31 =	simm.s32 $0x48F0;
	s1 =	simm.s32 $0x0;
	[sflag:s23] =	ssyncadd.s32 $0xFFFFFC00  }
.LBB2_5:
0xdc: {  	v34 =	vmov s1;
	v33 =	vsel vm0, $0x3, v0  }
0xdd: {  	v35 =	vshll.u32 v34, v33;
	v34 =	vsel vm0, $0x400, v0  }
0xde: {  	v35 =	vadd.s32 v34, v35  }
0xdf: {  	v35 =	vbroadcast v35, $0x0;
	_ =	sdelay $0x2  }
0xe0: {  	v36 =	vor.u32 $0x1, v35;
	_ =	sdelay $0x1  }
0xe1: {  	v40 =	vor.u32 $0x2, v35  }
0xe2: {  	v37 =	vld.idx.msk [tilespmem:v35+s19+$0x0], $0xffff  }
0xe3: {  	v44 =	vor.u32 $0x3, v35  }
0xe4: {  	v36 =	vld.idx.msk [tilespmem:v36+s19+$0x0], $0xffff  }
0xe5: {  	v38 =	vld [tilespmem:s31+$0xFFFFFF10]  }
0xe6: {  	v56 =	vor.u32 $0x6, v35;
	v40 =	vld.idx.msk [tilespmem:v40+s19+$0x0], $0xffff  }
0xe7: {  	v39 =	vld [tilespmem:s31+$0xFFFFFF20];
	v47 =	vor.u32 $0x5, v35;
	v43 =	vmul.f32 v37, v1  }
0xe8: {  	v44 =	vld.idx.msk [tilespmem:v44+s19+$0x0], $0xffff;
	v45 =	vmul.f32 v37, v2;
	v49 =	vmul.f32 v37, v3  }
0xe9: {  	v41 =	vld [tilespmem:s31+$0xFFFFFF30];
	v37 =	vmul.f32 v37, v4;
	v51 =	vmul.f32 v36, v5  }
0xea: {  	v42 =	vld [tilespmem:s31+$0xFFFFFF40];
	v46 =	vmul.f32 v36, v6;
	v52 =	vmul.f32 v36, v7  }
0xeb: {  	v48 =	vld.idx.msk [tilespmem:v56+s19+$0x0], $0xffff;
	v36 =	vmul.f32 v36, v8;
	v53 =	vmul.f32 v40, v9  }
0xec: {  	v50 =	vor.u32 $0x4, v35;
	v59 =	vld.idx.msk [tilespmem:v47+s19+$0x0], $0xffff;
	v54 =	vmul.f32 v40, v10;
	v55 =	vmul.f32 v40, v11  }
0xed: {  	v40 =	vmul.f32 v40, v12;
	v57 =	vmul.f32 v44, v13  }
0xee: {  	v35 =	vor.u32 $0x7, v35;
	v58 =	vmul.f32 v44, v14;
	v60 =	vmul.f32 v44, v15  }
0xef: {  	v61 =	vmul.f32 v44, v16;
	v38 =	vadd.f32 v43, v38;
	v39 =	vadd.f32 v45, v39  }
0xf0: {  	v56 =	vmul.f32 v48, v27;
	v41 =	vadd.f32 v49, v41;
	v37 =	vadd.f32 v37, v42  }
0xf1: {  	v45 =	vld.idx.msk [tilespmem:v50+s19+$0x0], $0xffff;
	v50 =	vmul.f32 v59, v21;
	v38 =	vadd.f32 v51, v38;
	v39 =	vadd.f32 v46, v39  }
0xf2: {  	v41 =	vadd.f32 v52, v41;
	v36 =	vadd.f32 v36, v37;
	v51 =	vmul.f32 v59, v22  }
0xf3: {  	v52 =	vmul.f32 v59, v23;
	v38 =	vadd.f32 v53, v38;
	v39 =	vadd.f32 v54, v39  }
0xf4: {  	v35 =	vld.idx.msk [tilespmem:v35+s19+$0x0], $0xffff;
	v37 =	vadd.f32 v55, v41;
	v53 =	vmul.f32 v59, v24;
	v54 =	vmul.f32 v48, v25  }
0xf5: {  	v36 =	vadd.f32 v40, v36;
	v55 =	vmul.f32 v48, v26;
	v59 =	vmul.f32 v48, v28  }
0xf6: {  	v62 =	vmul.f32 v45, v17;
	v63 =	vmul.f32 v45, v18;
	v38 =	vadd.f32 v57, v38  }
0xf7: {  	v49 =	vmul.f32 v45, v19;
	v39 =	vadd.f32 v58, v39;
	v37 =	vadd.f32 v60, v37  }
0xf8: {  	s0 =	sadd.s32 $0x1, s1;
	v45 =	vmul.f32 v45, v20;
	v36 =	vadd.f32 v61, v36;
	v38 =	vadd.f32 v62, v38  }
0xf9: {  	v57 =	vmov s0;
	v58 =	vmul.f32 v35, v29;
	v39 =	vadd.f32 v63, v39  }
0xfa: {  	v60 =	vmul.f32 v35, v30;
	v37 =	vadd.f32 v49, v37;
	v38 =	vadd.f32 v50, v38  }
0xfb: {  	v61 =	vmul.f32 v35, v31;
	v36 =	vadd.f32 v45, v36;
	v39 =	vadd.f32 v51, v39  }
0xfc: {  	v41 =	vshll.u32 v57, v33;
	v37 =	vadd.f32 v52, v37;
	v38 =	vadd.f32 v54, v38  }
0xfd: {  	v41 =	vadd.s32 v34, v41;
	v36 =	vadd.f32 v53, v36;
	v39 =	vadd.f32 v55, v39  }
0xfe: {  	v41 =	vbroadcast v41, $0x0;
	v37 =	vadd.f32 v56, v37;
	v38 =	vadd.f32 v58, v38  }
0xff: {  	v35 =	vmul.f32 v35, v32;
	v36 =	vadd.f32 v59, v36;
	v39 =	vadd.f32 v60, v39  }
0x100: {  	v37 =	vadd.f32 v61, v37;
	[tilespmem:s31+$0xFFFFFF10] =	vst v38  }
0x101: {  	v62 =	vor.u32 $0x1, v41;
	v35 =	vadd.f32 v35, v36;
	[tilespmem:s31+$0xFFFFFF20] =	vst v39  }
0x102: {  	[tilespmem:s31+$0xFFFFFF30] =	vst v37  }
0x103: {  	v48 =	vld [tilespmem:s31+$0xFFFFFF50];
	v50 =	vor.u32 $0x2, v41;
	[tilespmem:s31+$0xFFFFFF40] =	vst v35  }
0x104: {  	v54 =	vor.u32 $0x3, v41;
	v63 =	vld.idx.msk [tilespmem:v41+s19+$0x0], $0xffff  }
0x105: {  	v49 =	vld [tilespmem:s31+$0xFFFFFF60]  }
0x106: {  	v35 =	vld.idx.msk [tilespmem:v62+s19+$0x0], $0xffff  }
0x107: {  	v51 =	vld [tilespmem:s31+$0xFFFFFF70]  }
0x108: {  	v57 =	vor.u32 $0x4, v41;
	v39 =	vld.idx.msk [tilespmem:v50+s19+$0x0], $0xffff  }
0x109: {  	v44 =	vld.idx.msk [tilespmem:v54+s19+$0x0], $0xffff;
	v53 =	vmul.f32 v63, v1;
	v55 =	vmul.f32 v63, v2  }
0x10a: {  	v52 =	vld [tilespmem:s31+$0xFFFFFF80];
	v56 =	vmul.f32 v63, v3;
	v36 =	vmul.f32 v63, v4  }
0x10b: {  	v58 =	vmul.f32 v35, v5;
	v59 =	vmul.f32 v35, v6  }
0x10c: {  	s7 =	sadd.s32 $0x2, s1;
	v61 =	vor.u32 $0x5, v41;
	v60 =	vmul.f32 v35, v7;
	v35 =	vmul.f32 v35, v8  }
0x10d: {  	v47 =	vmov s7;
	v45 =	vld.idx.msk [tilespmem:v57+s19+$0x0], $0xffff;
	v62 =	vmul.f32 v39, v9;
	v63 =	vmul.f32 v39, v10  }
0x10e: {  	v50 =	vmul.f32 v44, v13;
	v37 =	vadd.f32 v53, v48;
	v38 =	vadd.f32 v55, v49  }
0x10f: {  	v54 =	vmul.f32 v44, v16;
	v40 =	vadd.f32 v56, v51;
	v36 =	vadd.f32 v36, v52  }
0x110: {  	v48 =	vmul.f32 v39, v11;
	v49 =	vor.u32 $0x6, v41;
	v39 =	vmul.f32 v39, v12  }
0x111: {  	v51 =	vmul.f32 v44, v14;
	v52 =	vld.idx.msk [tilespmem:v61+s19+$0x0], $0xffff;
	v53 =	vmul.f32 v44, v15;
	v41 =	vor.u32 $0x7, v41  }
0x112: {  	v55 =	vmul.f32 v45, v17;
	v37 =	vadd.f32 v58, v37;
	v38 =	vadd.f32 v59, v38  }
0x113: {  	v56 =	vmul.f32 v45, v18;
	v40 =	vadd.f32 v60, v40;
	v35 =	vadd.f32 v35, v36  }
0x114: {  	v58 =	vmul.f32 v45, v19;
	v37 =	vadd.f32 v62, v37;
	v38 =	vadd.f32 v63, v38  }
0x115: {  	v45 =	vmul.f32 v45, v20;
	v36 =	vadd.f32 v48, v40;
	v35 =	vadd.f32 v39, v35  }
0x116: {  	v40 =	vshll.u32 v47, v33;
	v57 =	vld.idx.msk [tilespmem:v49+s19+$0x0], $0xffff;
	v59 =	vmul.f32 v52, v21;
	v60 =	vmul.f32 v52, v22  }
0x117: {  	v61 =	vmul.f32 v52, v23;
	v37 =	vadd.f32 v50, v37;
	v38 =	vadd.f32 v51, v38  }
0x118: {  	v41 =	vld.idx.msk [tilespmem:v41+s19+$0x0], $0xffff;
	v62 =	vmul.f32 v52, v24;
	v36 =	vadd.f32 v53, v36;
	v35 =	vadd.f32 v54, v35  }
0x119: {  	v40 =	vadd.s32 v34, v40;
	v37 =	vadd.f32 v55, v37;
	v38 =	vadd.f32 v56, v38  }
0x11a: {  	v40 =	vbroadcast v40, $0x0;
	v36 =	vadd.f32 v58, v36;
	v35 =	vadd.f32 v45, v35  }
0x11b: {  	v37 =	vadd.f32 v59, v37;
	v38 =	vadd.f32 v60, v38;
	v63 =	vmul.f32 v57, v25  }
0x11c: {  	v45 =	vmul.f32 v57, v26;
	v36 =	vadd.f32 v61, v36;
	v35 =	vadd.f32 v62, v35  }
0x11d: {  	v46 =	vmul.f32 v57, v27;
	v48 =	vmul.f32 v41, v29;
	v37 =	vadd.f32 v63, v37  }
0x11e: {  	v49 =	vmul.f32 v57, v28;
	v50 =	vmul.f32 v41, v30;
	v38 =	vadd.f32 v45, v38  }
0x11f: {  	v51 =	vmul.f32 v41, v31;
	v36 =	vadd.f32 v46, v36;
	v37 =	vadd.f32 v48, v37  }
0x120: {  	v41 =	vmul.f32 v41, v32;
	v35 =	vadd.f32 v49, v35;
	v38 =	vadd.f32 v50, v38  }
0x121: {  	v36 =	vadd.f32 v51, v36;
	[tilespmem:s31+$0xFFFFFF50] =	vst v37  }
0x122: {  	v52 =	vor.u32 $0x1, v40;
	v35 =	vadd.f32 v41, v35;
	[tilespmem:s31+$0xFFFFFF60] =	vst v38  }
0x123: {  	[tilespmem:s31+$0xFFFFFF70] =	vst v36  }
0x124: {  	v55 =	vor.u32 $0x2, v40;
	[tilespmem:s31+$0xFFFFFF80] =	vst v35  }
0x125: {  	v59 =	vor.u32 $0x3, v40;
	v36 =	vld.idx.msk [tilespmem:v40+s19+$0x0], $0xffff  }
0x126: {  	v53 =	vld [tilespmem:s31+$0xFFFFFF90]  }
0x127: {  	v35 =	vld.idx.msk [tilespmem:v52+s19+$0x0], $0xffff  }
0x128: {  	v54 =	vld [tilespmem:s31+$0xFFFFFFA0]  }
0x129: {  	v62 =	vor.u32 $0x4, v40;
	v39 =	vld.idx.msk [tilespmem:v55+s19+$0x0], $0xffff  }
0x12a: {  	v44 =	vld.idx.msk [tilespmem:v59+s19+$0x0], $0xffff;
	v58 =	vmul.f32 v36, v1  }
0x12b: {  	v56 =	vld [tilespmem:s31+$0xFFFFFFB0];
	v60 =	vmul.f32 v36, v2;
	v61 =	vmul.f32 v36, v3  }
0x12c: {  	v57 =	vld [tilespmem:s31+$0xFFFFFFC0];
	v36 =	vmul.f32 v36, v4;
	v63 =	vmul.f32 v35, v5  }
0x12d: {  	v50 =	vor.u32 $0x5, v40;
	v48 =	vmul.f32 v35, v6;
	v49 =	vmul.f32 v35, v7  }
0x12e: {  	v45 =	vld.idx.msk [tilespmem:v62+s19+$0x0], $0xffff;
	v35 =	vmul.f32 v35, v8;
	v51 =	vmul.f32 v39, v9  }
0x12f: {  	v52 =	vmul.f32 v39, v10;
	v55 =	vmul.f32 v44, v13  }
0x130: {  	v59 =	vmul.f32 v44, v16;
	v37 =	vadd.f32 v58, v53;
	v38 =	vadd.f32 v60, v54  }
0x131: {  	v41 =	vadd.f32 v61, v56;
	v36 =	vadd.f32 v36, v57;
	v53 =	vmul.f32 v39, v11  }
0x132: {  	v54 =	vor.u32 $0x6, v40;
	v39 =	vmul.f32 v39, v12;
	v56 =	vmul.f32 v44, v14;
	v57 =	vld.idx.msk [tilespmem:v50+s19+$0x0], $0xffff  }
0x133: {  	v58 =	vmul.f32 v44, v15;
	v40 =	vor.u32 $0x7, v40;
	v60 =	vmul.f32 v45, v17  }
0x134: {  	v61 =	vmul.f32 v45, v18;
	v37 =	vadd.f32 v63, v37;
	v38 =	vadd.f32 v48, v38  }
0x135: {  	v41 =	vadd.f32 v49, v41;
	v35 =	vadd.f32 v35, v36;
	v63 =	vmul.f32 v45, v19  }
0x136: {  	v45 =	vmul.f32 v45, v20;
	v37 =	vadd.f32 v51, v37;
	v38 =	vadd.f32 v52, v38  }
0x137: {  	v36 =	vadd.f32 v53, v41;
	v46 =	vmul.f32 v57, v21;
	v47 =	vmul.f32 v57, v22  }
0x138: {  	s15 =	sadd.s32 $0x3, s1;
	v35 =	vadd.f32 v39, v35;
	v62 =	vld.idx.msk [tilespmem:v54+s19+$0x0], $0xffff;
	v48 =	vmul.f32 v57, v23;
	v49 =	vmul.f32 v57, v24  }
0x139: {  	v37 =	vadd.f32 v55, v37;
	v38 =	vadd.f32 v56, v38;
	v55 =	vmov s15  }
0x13a: {  	v40 =	vld.idx.msk [tilespmem:v40+s19+$0x0], $0xffff;
	v36 =	vadd.f32 v58, v36;
	v35 =	vadd.f32 v59, v35;
	v42 =	vshll.u32 v55, v33  }
0x13b: {  	v37 =	vadd.f32 v60, v37;
	v38 =	vadd.f32 v61, v38;
	v42 =	vadd.s32 v34, v42  }
0x13c: {  	v36 =	vadd.f32 v63, v36;
	v35 =	vadd.f32 v45, v35;
	v41 =	vbroadcast v42, $0x0  }
0x13d: {  	v37 =	vadd.f32 v46, v37;
	v38 =	vadd.f32 v47, v38;
	v50 =	vmul.f32 v62, v25  }
0x13e: {  	v51 =	vmul.f32 v62, v26;
	v36 =	vadd.f32 v48, v36;
	v35 =	vadd.f32 v49, v35  }
0x13f: {  	v52 =	vmul.f32 v62, v27;
	v54 =	vmul.f32 v40, v29;
	v37 =	vadd.f32 v50, v37  }
0x140: {  	v53 =	vmul.f32 v62, v28;
	v56 =	vmul.f32 v40, v30;
	v38 =	vadd.f32 v51, v38  }
0x141: {  	v57 =	vmul.f32 v40, v31;
	v36 =	vadd.f32 v52, v36;
	v37 =	vadd.f32 v54, v37  }
0x142: {  	v40 =	vmul.f32 v40, v32;
	v35 =	vadd.f32 v53, v35;
	v38 =	vadd.f32 v56, v38  }
0x143: {  	v36 =	vadd.f32 v57, v36;
	[tilespmem:s31+$0xFFFFFF90] =	vst v37  }
0x144: {  	v58 =	vor.u32 $0x1, v41;
	v35 =	vadd.f32 v40, v35;
	[tilespmem:s31+$0xFFFFFFA0] =	vst v38  }
0x145: {  	[tilespmem:s31+$0xFFFFFFB0] =	vst v36  }
0x146: {  	v59 =	vld [tilespmem:s31+$0xFFFFFFD0];
	v61 =	vor.u32 $0x2, v41;
	[tilespmem:s31+$0xFFFFFFC0] =	vst v35  }
0x147: {  	v48 =	vor.u32 $0x3, v41;
	v37 =	vld.idx.msk [tilespmem:v41+s19+$0x0], $0xffff  }
0x148: {  	v60 =	vld [tilespmem:s31+$0xFFFFFFE0];
	v52 =	vor.u32 $0x4, v41  }
0x149: {  	v35 =	vld.idx.msk [tilespmem:v58+s19+$0x0], $0xffff  }
0x14a: {  	v62 =	vld [tilespmem:s31+$0xFFFFFFF0]  }
0x14b: {  	v39 =	vld.idx.msk [tilespmem:v61+s19+$0x0], $0xffff  }
0x14c: {  	v43 =	vld.idx.msk [tilespmem:v48+s19+$0x0], $0xffff;
	v49 =	vmul.f32 v37, v1;
	v50 =	vmul.f32 v37, v2  }
0x14d: {  	v44 =	vld.idx.msk [tilespmem:v52+s19+$0x0], $0xffff;
	v51 =	vmul.f32 v37, v3;
	v37 =	vmul.f32 v37, v4  }
0x14e: {  	v63 =	vld [tilespmem:s31+$0x0];
	v53 =	vmul.f32 v35, v5;
	v54 =	vmul.f32 v35, v6  }
0x14f: {  	v56 =	vor.u32 $0x5, v41;
	v55 =	vmul.f32 v35, v7;
	v35 =	vmul.f32 v35, v8  }
0x150: {  	v57 =	vmul.f32 v39, v9;
	v58 =	vmul.f32 v39, v10  }
0x151: {  	v61 =	vmul.f32 v43, v13;
	v48 =	vmul.f32 v43, v15;
	v36 =	vadd.f32 v49, v59  }
0x152: {  	v52 =	vmul.f32 v44, v20;
	v38 =	vadd.f32 v50, v60;
	v40 =	vadd.f32 v51, v62  }
0x153: {  	v37 =	vadd.f32 v37, v63;
	v59 =	vor.u32 $0x6, v41;
	v60 =	vmul.f32 v39, v11  }
0x154: {  	v39 =	vmul.f32 v39, v12;
	v41 =	vor.u32 $0x7, v41;
	v62 =	vmul.f32 v43, v14;
	v63 =	vld.idx.msk [tilespmem:v56+s19+$0x0], $0xffff  }
0x155: {  	v43 =	vmul.f32 v43, v16;
	v36 =	vadd.f32 v53, v36;
	v38 =	vadd.f32 v54, v38  }
0x156: {  	v49 =	vmul.f32 v44, v17;
	v40 =	vadd.f32 v55, v40;
	v35 =	vadd.f32 v35, v37  }
0x157: {  	v50 =	vmul.f32 v44, v18;
	v36 =	vadd.f32 v57, v36;
	v37 =	vadd.f32 v58, v38  }
0x158: {  	v51 =	vmul.f32 v44, v19;
	v40 =	vadd.f32 v60, v40;
	v35 =	vadd.f32 v39, v35;
	v46 =	vld.idx.msk [tilespmem:v59+s19+$0x0], $0xffff  }
0x159: {  	v53 =	vmul.f32 v63, v21;
	v36 =	vadd.f32 v61, v36;
	v37 =	vadd.f32 v62, v37  }
0x15a: {  	v41 =	vld.idx.msk [tilespmem:v41+s19+$0x0], $0xffff;
	v54 =	vmul.f32 v63, v22;
	v38 =	vadd.f32 v48, v40;
	v35 =	vadd.f32 v43, v35  }
0x15b: {  	v55 =	vmul.f32 v63, v23;
	v36 =	vadd.f32 v49, v36;
	v37 =	vadd.f32 v50, v37  }
0x15c: {  	v42 =	vmul.f32 v63, v24;
	v38 =	vadd.f32 v51, v38;
	v35 =	vadd.f32 v52, v35  }
0x15d: {  	v36 =	vadd.f32 v53, v36;
	v37 =	vadd.f32 v54, v37;
	v56 =	vmul.f32 v46, v25  }
0x15e: {  	v38 =	vadd.f32 v55, v38;
	v35 =	vadd.f32 v42, v35;
	v57 =	vmul.f32 v46, v26  }
0x15f: {  	v58 =	vmul.f32 v46, v27;
	v59 =	vmul.f32 v41, v29;
	v36 =	vadd.f32 v56, v36  }
0x160: {  	v60 =	vmul.f32 v46, v28;
	v61 =	vmul.f32 v41, v30;
	v37 =	vadd.f32 v57, v37  }
0x161: {  	p0 =	sne.s32 s1, $0x7C;
	v62 =	vmul.f32 v41, v31;
	v38 =	vadd.f32 v58, v38;
	v36 =	vadd.f32 v59, v36  }
.Ltmp1:
0x162: {  	v63 =	vmul.f32 v41, v32;
	v35 =	vadd.f32 v60, v35;
	v37 =	vadd.f32 v61, v37;
	(pc) =	sbr.rel @p0 .LBB2_5-.Ltmp1, $4  }
0x163: {  	v38 =	vadd.f32 v62, v38;
	[tilespmem:s31+$0xFFFFFFD0] =	vst v36  }
0x164: {  	v35 =	vadd.f32 v63, v35;
	[tilespmem:s31+$0xFFFFFFE0] =	vst v37  }
0x165: {  	[tilespmem:s31+$0xFFFFFFF0] =	vst v38  }
0x166: {  	s1 =	sadd.s32 $0x4, s1;
	[tilespmem:s31+$0x0] =	vst v35;
	s31 =	sadd.s32 $0x100, s31  }
0x167: {  	s0 =	smul.u32 $0x6000, s29;
	_ =	sdelay $0x1  }
0x168: {  	s0 =	sadd.s32 s0, s10  }
0x169: {  	s0 =	sshrl.u32 s0, $0x3  }
0x16a: {  	s1 =	simm.s32 $0x0;
	s15 =	smul.u32 $0x600, s29;
	s0 =	sadd.s32 s2, s0  }
0x16b: {  	[hbm4b:s0+s1] =	stream.linear.scatter [tilespmem:s20], [sflag:$0x4], $0x2000, $0x38;
	[tilespmem:$0x9600] =	vst v63  }
0x16c: {  	_ =	swait.ge [sflag:s26], $0x2000  }
0x16d: {  	s31 =	sshra.s32 s15, $0x2;
	[sflag:s26] =	ssyncset.done $0x0  }
0x16e: {  	s0 =	sadd.s32 $0x180, s31;
	[sflag:s26] =	ssyncadd.s32 $0xFFFFE000  }
0x16f: {  	[tilespmem:s18], [sflag:$0x1] =	stream.indirect.gather [hbm4b:s5+s17], $0x40, s0, s17, $0xb8;
	[tilespmem:$0x9600] =	vst v63  }
0x170: {  	_ = 	snop  }
0x171: {  	[tilespmem:s19], [sflag:$0x2] =	stream.indirect.gather [hbm4b:s6+s17], $0x8, s0, s17, $0xb8;
	[tilespmem:$0x9600] =	vst v63  }
0x172: {  	_ =	swait.ge [sflag:s22], $0x2000  }
0x173: {  	[sflag:s22] =	ssyncset.done $0x0  }
0x174: {  	[sflag:s22] =	ssyncadd.s32 $0xFFFFE000  }
0x175: {  	_ =	swait.ge [sflag:s23], $0x400  }
0x176: {  	[sflag:s23] =	ssyncset.done $0x0  }
0x177: {  	s0 =	simm.s32 $0x3;
	[sflag:s23] =	ssyncadd.s32 $0xFFFFFC00  }
.LBB2_7:
0x178: {  	s15 =	sadd.s32 $0xFFFFFFFD, s0  }
0x179: {  	v35 =	vmov s15  }
0x17a: {  	v36 =	vshll.u32 v35, v33;
	v35 =	vsel vm0, $0x800, v0  }
0x17b: {  	v36 =	vadd.s32 v35, v36  }
0x17c: {  	v36 =	vbroadcast v36, $0x0;
	_ =	sdelay $0x2  }
0x17d: {  	v37 =	vor.u32 $0x1, v36;
	_ =	sdelay $0x1  }
0x17e: {  	v41 =	vor.u32 $0x2, v36  }
0x17f: {  	s15 =	sshra.s32 s1, $0x2;
	v38 =	vld.idx.msk [tilespmem:v36+s19+$0x0], $0xffff  }
0x180: {  	v39 =	vld [tilespmem:s15+$0x6800];
	v45 =	vor.u32 $0x3, v36  }
0x181: {  	v37 =	vld.idx.msk [tilespmem:v37+s19+$0x0], $0xffff  }
0x182: {  	v40 =	vld [tilespmem:s15+$0x6810]  }
0x183: {  	v57 =	vor.u32 $0x4, v36;
	v48 =	vor.u32 $0x5, v36;
	v41 =	vld.idx.msk [tilespmem:v41+s19+$0x0], $0xffff  }
0x184: {  	v42 =	vld [tilespmem:s15+$0x6820];
	v63 =	vor.u32 $0x6, v36;
	v44 =	vmul.f32 v38, v1;
	v46 =	vmul.f32 v38, v2  }
0x185: {  	v36 =	vor.u32 $0x7, v36;
	v45 =	vld.idx.msk [tilespmem:v45+s19+$0x0], $0xffff;
	v56 =	vmul.f32 v38, v3;
	v38 =	vmul.f32 v38, v4  }
0x186: {  	v43 =	vld [tilespmem:s15+$0x6830];
	v58 =	vmul.f32 v37, v5;
	v47 =	vmul.f32 v37, v6  }
0x187: {  	v59 =	vmul.f32 v37, v7;
	v37 =	vmul.f32 v37, v8  }
0x188: {  	v60 =	vmul.f32 v41, v9;
	v61 =	vmul.f32 v41, v10  }
0x189: {  	v51 =	vld.idx.msk [tilespmem:v48+s19+$0x0], $0xffff;
	v62 =	vmul.f32 v41, v11;
	v41 =	vmul.f32 v41, v12  }
0x18a: {  	v36 =	vld.idx.msk [tilespmem:v36+s19+$0x0], $0xffff;
	v49 =	vmul.f32 v45, v13;
	v39 =	vadd.f32 v44, v39;
	v40 =	vadd.f32 v46, v40  }
0x18b: {  	v50 =	vmul.f32 v45, v14;
	v42 =	vadd.f32 v56, v42;
	v38 =	vadd.f32 v38, v43  }
0x18c: {  	v52 =	vmul.f32 v45, v15;
	v39 =	vadd.f32 v58, v39;
	v40 =	vadd.f32 v47, v40  }
0x18d: {  	s7 =	sadd.s32 $0xFFFFFFFE, s0;
	v53 =	vmul.f32 v45, v16;
	v46 =	vld.idx.msk [tilespmem:v57+s19+$0x0], $0xffff;
	v42 =	vadd.f32 v59, v42;
	v37 =	vadd.f32 v37, v38  }
0x18e: {  	v58 =	vmul.f32 v51, v21;
	v59 =	vmul.f32 v51, v22;
	v47 =	vmov s7  }
0x18f: {  	v56 =	vld.idx.msk [tilespmem:v63+s19+$0x0], $0xffff;
	v48 =	vmul.f32 v36, v29;
	v39 =	vadd.f32 v60, v39;
	v40 =	vadd.f32 v61, v40  }
0x190: {  	v38 =	vadd.f32 v62, v42;
	v37 =	vadd.f32 v41, v37;
	v60 =	vmul.f32 v51, v23  }
0x191: {  	v61 =	vmul.f32 v51, v24;
	v42 =	vshll.u32 v47, v33;
	v51 =	vmul.f32 v36, v31  }
0x192: {  	v54 =	vmul.f32 v46, v17;
	v55 =	vmul.f32 v46, v18;
	v39 =	vadd.f32 v49, v39  }
0x193: {  	v57 =	vmul.f32 v46, v19;
	v46 =	vmul.f32 v46, v20;
	v40 =	vadd.f32 v50, v40  }
0x194: {  	v62 =	vmul.f32 v56, v25;
	v38 =	vadd.f32 v52, v38;
	v39 =	vadd.f32 v54, v39  }
0x195: {  	v63 =	vmul.f32 v56, v26;
	v37 =	vadd.f32 v53, v37;
	v40 =	vadd.f32 v55, v40  }
0x196: {  	v42 =	vadd.s32 v35, v42;
	v38 =	vadd.f32 v57, v38;
	v39 =	vadd.f32 v58, v39  }
0x197: {  	v49 =	vmul.f32 v56, v28;
	v37 =	vadd.f32 v46, v37;
	v40 =	vadd.f32 v59, v40  }
0x198: {  	v46 =	vmul.f32 v56, v27;
	v38 =	vadd.f32 v60, v38;
	v39 =	vadd.f32 v62, v39  }
0x199: {  	v50 =	vmul.f32 v36, v30;
	v37 =	vadd.f32 v61, v37;
	v40 =	vadd.f32 v63, v40  }
0x19a: {  	v42 =	vbroadcast v42, $0x0;
	v38 =	vadd.f32 v46, v38;
	v39 =	vadd.f32 v48, v39  }
0x19b: {  	v36 =	vmul.f32 v36, v32;
	v37 =	vadd.f32 v49, v37;
	v40 =	vadd.f32 v50, v40  }
0x19c: {  	v38 =	vadd.f32 v51, v38;
	[tilespmem:s15+$0x6800] =	vst v39  }
0x19d: {  	v52 =	vor.u32 $0x1, v42;
	v36 =	vadd.f32 v36, v37;
	[tilespmem:s15+$0x6810] =	vst v40  }
0x19e: {  	v56 =	vor.u32 $0x2, v42;
	[tilespmem:s15+$0x6820] =	vst v38  }
0x19f: {  	v54 =	vld [tilespmem:s15+$0x6840];
	v60 =	vor.u32 $0x3, v42;
	[tilespmem:s15+$0x6830] =	vst v36  }
0x1a0: {  	v63 =	vor.u32 $0x4, v42;
	v53 =	vld.idx.msk [tilespmem:v42+s19+$0x0], $0xffff  }
0x1a1: {  	v55 =	vld [tilespmem:s15+$0x6850]  }
0x1a2: {  	v36 =	vld.idx.msk [tilespmem:v52+s19+$0x0], $0xffff  }
0x1a3: {  	v40 =	vld.idx.msk [tilespmem:v56+s19+$0x0], $0xffff  }
0x1a4: {  	v45 =	vld.idx.msk [tilespmem:v60+s19+$0x0], $0xffff  }
0x1a5: {  	v46 =	vld.idx.msk [tilespmem:v63+s19+$0x0], $0xffff;
	v59 =	vmul.f32 v53, v1  }
0x1a6: {  	v57 =	vld [tilespmem:s15+$0x6860];
	v61 =	vmul.f32 v53, v2;
	v62 =	vmul.f32 v53, v3  }
0x1a7: {  	v37 =	vmul.f32 v53, v4;
	v52 =	vmul.f32 v36, v5  }
0x1a8: {  	v58 =	vld [tilespmem:s15+$0x6870];
	v53 =	vmul.f32 v36, v6;
	v56 =	vmul.f32 v40, v9  }
0x1a9: {  	v60 =	vmul.f32 v45, v13;
	v63 =	vmul.f32 v45, v15  }
0x1aa: {  	v48 =	vmul.f32 v45, v16;
	v49 =	vmul.f32 v46, v17;
	v38 =	vadd.f32 v59, v54  }
0x1ab: {  	v50 =	vmul.f32 v46, v18;
	v39 =	vadd.f32 v61, v55;
	v41 =	vadd.f32 v62, v57  }
0x1ac: {  	v54 =	vmul.f32 v36, v7;
	v55 =	vor.u32 $0x5, v42;
	v36 =	vmul.f32 v36, v8  }
0x1ad: {  	v37 =	vadd.f32 v37, v58;
	v57 =	vmul.f32 v40, v10;
	v58 =	vmul.f32 v40, v11  }
0x1ae: {  	v59 =	vor.u32 $0x6, v42;
	v40 =	vmul.f32 v40, v12;
	v38 =	vadd.f32 v52, v38  }
0x1af: {  	v42 =	vor.u32 $0x7, v42;
	v39 =	vadd.f32 v53, v39;
	v41 =	vadd.f32 v54, v41  }
0x1b0: {  	v61 =	vmul.f32 v45, v14;
	v36 =	vadd.f32 v36, v37;
	v38 =	vadd.f32 v56, v38  }
0x1b1: {  	s7 =	sadd.s32 $0xFFFFFFFF, s0;
	v52 =	vmul.f32 v46, v19;
	v39 =	vadd.f32 v57, v39;
	v37 =	vadd.f32 v58, v41;
	v62 =	vld.idx.msk [tilespmem:v55+s19+$0x0], $0xffff  }
0x1b2: {  	v36 =	vadd.f32 v40, v36;
	v38 =	vadd.f32 v60, v38;
	v60 =	vmov s7  }
0x1b3: {  	v46 =	vmul.f32 v46, v20;
	v51 =	vld.idx.msk [tilespmem:v59+s19+$0x0], $0xffff;
	v39 =	vadd.f32 v61, v39;
	v41 =	vshll.u32 v60, v33  }
0x1b4: {  	v42 =	vld.idx.msk [tilespmem:v42+s19+$0x0], $0xffff;
	v37 =	vadd.f32 v63, v37;
	v36 =	vadd.f32 v48, v36;
	v41 =	vadd.s32 v35, v41  }
0x1b5: {  	v38 =	vadd.f32 v49, v38;
	v39 =	vadd.f32 v50, v39;
	v41 =	vbroadcast v41, $0x0  }
0x1b6: {  	v37 =	vadd.f32 v52, v37;
	v53 =	vmul.f32 v62, v21;
	v54 =	vmul.f32 v62, v22  }
0x1b7: {  	v36 =	vadd.f32 v46, v36;
	v55 =	vmul.f32 v62, v23;
	v56 =	vmul.f32 v62, v24  }
0x1b8: {  	v57 =	vmul.f32 v51, v25;
	v58 =	vmul.f32 v51, v26;
	v38 =	vadd.f32 v53, v38  }
0x1b9: {  	v59 =	vmul.f32 v51, v27;
	v61 =	vmul.f32 v42, v29;
	v39 =	vadd.f32 v54, v39  }
0x1ba: {  	v62 =	vmul.f32 v51, v28;
	v37 =	vadd.f32 v55, v37;
	v38 =	vadd.f32 v57, v38  }
0x1bb: {  	v63 =	vmul.f32 v42, v30;
	v36 =	vadd.f32 v56, v36;
	v39 =	vadd.f32 v58, v39  }
0x1bc: {  	v48 =	vmul.f32 v42, v31;
	v37 =	vadd.f32 v59, v37;
	v38 =	vadd.f32 v61, v38  }
0x1bd: {  	v42 =	vmul.f32 v42, v32;
	v36 =	vadd.f32 v62, v36;
	v39 =	vadd.f32 v63, v39  }
0x1be: {  	v37 =	vadd.f32 v48, v37;
	[tilespmem:s15+$0x6840] =	vst v38  }
0x1bf: {  	v49 =	vor.u32 $0x1, v41;
	v36 =	vadd.f32 v42, v36;
	[tilespmem:s15+$0x6850] =	vst v39  }
0x1c0: {  	v52 =	vor.u32 $0x2, v41;
	[tilespmem:s15+$0x6860] =	vst v37  }
0x1c1: {  	v50 =	vld [tilespmem:s15+$0x6880];
	v56 =	vor.u32 $0x3, v41;
	[tilespmem:s15+$0x6870] =	vst v36  }
0x1c2: {  	v37 =	vld.idx.msk [tilespmem:v41+s19+$0x0], $0xffff  }
0x1c3: {  	v51 =	vld [tilespmem:s15+$0x6890]  }
0x1c4: {  	v36 =	vld.idx.msk [tilespmem:v49+s19+$0x0], $0xffff  }
0x1c5: {  	v40 =	vld.idx.msk [tilespmem:v52+s19+$0x0], $0xffff  }
0x1c6: {  	v59 =	vor.u32 $0x4, v41;
	v45 =	vld.idx.msk [tilespmem:v56+s19+$0x0], $0xffff  }
0x1c7: {  	v53 =	vld [tilespmem:s15+$0x68A0];
	v55 =	vmul.f32 v37, v1;
	v57 =	vmul.f32 v37, v2  }
0x1c8: {  	v54 =	vld [tilespmem:s15+$0x68B0];
	v58 =	vmul.f32 v37, v3;
	v37 =	vmul.f32 v37, v4  }
0x1c9: {  	v63 =	vor.u32 $0x5, v41;
	v60 =	vmul.f32 v36, v5;
	v61 =	vmul.f32 v36, v6  }
0x1ca: {  	v62 =	vmul.f32 v36, v7;
	v36 =	vmul.f32 v36, v8  }
0x1cb: {  	v46 =	vld.idx.msk [tilespmem:v59+s19+$0x0], $0xffff;
	v52 =	vmul.f32 v40, v10;
	v56 =	vmul.f32 v45, v14;
	v38 =	vadd.f32 v55, v50  }
0x1cc: {  	v59 =	vmul.f32 v45, v16;
	v39 =	vadd.f32 v57, v51;
	v42 =	vadd.f32 v58, v53  }
0x1cd: {  	v37 =	vadd.f32 v37, v54;
	v51 =	vmul.f32 v40, v9;
	v53 =	vmul.f32 v40, v11  }
0x1ce: {  	v54 =	vor.u32 $0x6, v41;
	v40 =	vmul.f32 v40, v12;
	v55 =	vmul.f32 v45, v13;
	v57 =	vld.idx.msk [tilespmem:v63+s19+$0x0], $0xffff  }
0x1cf: {  	v58 =	vmul.f32 v45, v15;
	v41 =	vor.u32 $0x7, v41;
	v38 =	vadd.f32 v60, v38  }
0x1d0: {  	v63 =	vmul.f32 v46, v19;
	v39 =	vadd.f32 v61, v39;
	v42 =	vadd.f32 v62, v42  }
0x1d1: {  	v36 =	vadd.f32 v36, v37;
	v60 =	vmul.f32 v46, v17;
	v61 =	vmul.f32 v46, v18  }
0x1d2: {  	v46 =	vmul.f32 v46, v20;
	v38 =	vadd.f32 v51, v38;
	v39 =	vadd.f32 v52, v39  }
0x1d3: {  	v37 =	vadd.f32 v53, v42;
	v48 =	vmul.f32 v57, v21;
	v49 =	vmul.f32 v57, v22  }
0x1d4: {  	v36 =	vadd.f32 v40, v36;
	v62 =	vld.idx.msk [tilespmem:v54+s19+$0x0], $0xffff;
	v50 =	vmul.f32 v57, v23;
	v51 =	vmul.f32 v57, v24  }
0x1d5: {  	v38 =	vadd.f32 v55, v38;
	v39 =	vadd.f32 v56, v39;
	v55 =	vmov s0  }
0x1d6: {  	v41 =	vld.idx.msk [tilespmem:v41+s19+$0x0], $0xffff;
	v37 =	vadd.f32 v58, v37;
	v36 =	vadd.f32 v59, v36;
	v42 =	vshll.u32 v55, v33  }
0x1d7: {  	v38 =	vadd.f32 v60, v38;
	v39 =	vadd.f32 v61, v39;
	v35 =	vadd.s32 v35, v42  }
0x1d8: {  	v37 =	vadd.f32 v63, v37;
	v36 =	vadd.f32 v46, v36;
	v35 =	vbroadcast v35, $0x0  }
0x1d9: {  	v38 =	vadd.f32 v48, v38;
	v39 =	vadd.f32 v49, v39;
	v52 =	vmul.f32 v62, v25  }
0x1da: {  	v53 =	vmul.f32 v62, v26;
	v37 =	vadd.f32 v50, v37;
	v36 =	vadd.f32 v51, v36  }
0x1db: {  	v54 =	vmul.f32 v62, v27;
	v56 =	vmul.f32 v41, v29;
	v38 =	vadd.f32 v52, v38  }
0x1dc: {  	v57 =	vmul.f32 v62, v28;
	v58 =	vmul.f32 v41, v30;
	v39 =	vadd.f32 v53, v39  }
0x1dd: {  	v59 =	vmul.f32 v41, v31;
	v37 =	vadd.f32 v54, v37;
	v38 =	vadd.f32 v56, v38  }
0x1de: {  	v41 =	vmul.f32 v41, v32;
	v36 =	vadd.f32 v57, v36;
	v39 =	vadd.f32 v58, v39  }
0x1df: {  	v37 =	vadd.f32 v59, v37;
	[tilespmem:s15+$0x6880] =	vst v38  }
0x1e0: {  	v60 =	vor.u32 $0x1, v35;
	v36 =	vadd.f32 v41, v36;
	[tilespmem:s15+$0x6890] =	vst v39  }
0x1e1: {  	[tilespmem:s15+$0x68A0] =	vst v37  }
0x1e2: {  	v61 =	vld [tilespmem:s15+$0x68C0];
	v63 =	vor.u32 $0x2, v35;
	[tilespmem:s15+$0x68B0] =	vst v36  }
0x1e3: {  	v50 =	vor.u32 $0x3, v35;
	v38 =	vld.idx.msk [tilespmem:v35+s19+$0x0], $0xffff  }
0x1e4: {  	v62 =	vld [tilespmem:s15+$0x68D0];
	v54 =	vor.u32 $0x4, v35  }
0x1e5: {  	v37 =	vld.idx.msk [tilespmem:v60+s19+$0x0], $0xffff  }
0x1e6: {  	v48 =	vld [tilespmem:s15+$0x68E0]  }
0x1e7: {  	v40 =	vld.idx.msk [tilespmem:v63+s19+$0x0], $0xffff  }
0x1e8: {  	v43 =	vld.idx.msk [tilespmem:v50+s19+$0x0], $0xffff;
	v51 =	vmul.f32 v38, v1;
	v52 =	vmul.f32 v38, v2  }
0x1e9: {  	v44 =	vld.idx.msk [tilespmem:v54+s19+$0x0], $0xffff;
	v53 =	vmul.f32 v38, v3;
	v38 =	vmul.f32 v38, v4  }
0x1ea: {  	v49 =	vld [tilespmem:s15+$0x68F0];
	v55 =	vmul.f32 v37, v5;
	v56 =	vmul.f32 v37, v6  }
0x1eb: {  	v58 =	vor.u32 $0x5, v35;
	v57 =	vmul.f32 v37, v7;
	v37 =	vmul.f32 v37, v8  }
0x1ec: {  	v59 =	vmul.f32 v40, v9;
	v60 =	vmul.f32 v40, v10  }
0x1ed: {  	v63 =	vmul.f32 v43, v13;
	v47 =	vmul.f32 v43, v14;
	v36 =	vadd.f32 v51, v61  }
0x1ee: {  	v50 =	vmul.f32 v44, v17;
	v39 =	vadd.f32 v52, v62;
	v41 =	vadd.f32 v53, v48  }
0x1ef: {  	v38 =	vadd.f32 v38, v49;
	v61 =	vor.u32 $0x6, v35;
	v62 =	vmul.f32 v40, v11  }
0x1f0: {  	v40 =	vmul.f32 v40, v12;
	v35 =	vor.u32 $0x7, v35;
	v48 =	vld.idx.msk [tilespmem:v58+s19+$0x0], $0xffff;
	v49 =	vmul.f32 v43, v15  }
0x1f1: {  	v43 =	vmul.f32 v43, v16;
	v36 =	vadd.f32 v55, v36;
	v39 =	vadd.f32 v56, v39  }
0x1f2: {  	v51 =	vmul.f32 v44, v18;
	v41 =	vadd.f32 v57, v41;
	v37 =	vadd.f32 v37, v38  }
0x1f3: {  	v52 =	vmul.f32 v44, v19;
	v36 =	vadd.f32 v59, v36;
	v38 =	vadd.f32 v60, v39  }
0x1f4: {  	v53 =	vmul.f32 v44, v20;
	v41 =	vadd.f32 v62, v41;
	v37 =	vadd.f32 v40, v37;
	v46 =	vld.idx.msk [tilespmem:v61+s19+$0x0], $0xffff  }
0x1f5: {  	v54 =	vmul.f32 v48, v21;
	v36 =	vadd.f32 v63, v36;
	v38 =	vadd.f32 v47, v38  }
0x1f6: {  	v35 =	vld.idx.msk [tilespmem:v35+s19+$0x0], $0xffff;
	v55 =	vmul.f32 v48, v22;
	v39 =	vadd.f32 v49, v41;
	v37 =	vadd.f32 v43, v37  }
0x1f7: {  	v56 =	vmul.f32 v48, v23;
	v36 =	vadd.f32 v50, v36;
	v38 =	vadd.f32 v51, v38  }
0x1f8: {  	v42 =	vmul.f32 v48, v24;
	v39 =	vadd.f32 v52, v39;
	v37 =	vadd.f32 v53, v37  }
0x1f9: {  	v36 =	vadd.f32 v54, v36;
	v38 =	vadd.f32 v55, v38;
	v57 =	vmul.f32 v46, v25  }
0x1fa: {  	v39 =	vadd.f32 v56, v39;
	v37 =	vadd.f32 v42, v37;
	v58 =	vmul.f32 v46, v26  }
0x1fb: {  	v59 =	vmul.f32 v46, v27;
	v60 =	vmul.f32 v35, v29;
	v36 =	vadd.f32 v57, v36  }
0x1fc: {  	v61 =	vmul.f32 v46, v28;
	v62 =	vmul.f32 v35, v30;
	v38 =	vadd.f32 v58, v38  }
0x1fd: {  	p0 =	sne.s32 s1, $0x7C00;
	v63 =	vmul.f32 v35, v31;
	v39 =	vadd.f32 v59, v39;
	v36 =	vadd.f32 v60, v36  }
.Ltmp2:
0x1fe: {  	v35 =	vmul.f32 v35, v32;
	v37 =	vadd.f32 v61, v37;
	v38 =	vadd.f32 v62, v38;
	(pc) =	sbr.rel @p0 .LBB2_7-.Ltmp2, $4  }
0x1ff: {  	v39 =	vadd.f32 v63, v39;
	[tilespmem:s15+$0x68C0] =	vst v36  }
0x200: {  	v35 =	vadd.f32 v35, v37;
	[tilespmem:s15+$0x68D0] =	vst v38  }
0x201: {  	[tilespmem:s15+$0x68E0] =	vst v39  }
0x202: {  	s1 =	sadd.s32 $0x400, s1;
	s0 =	sadd.s32 $0x4, s0;
	[tilespmem:s15+$0x68F0] =	vst v35  }
0x203: {  	s0 =	sshll.u32 s30, $0xD  }
0x204: {  	s0 =	sadd.s32 s4, s0  }
0x205: {  	s0 =	sshrl.u32 s0, $0x3  }
0x206: {  	s29 =	sadd.s32 $0x1, s29;
	s0 =	sadd.s32 s2, s0  }
0x207: {  	[hbm4b:s0+s3] =	stream.linear.scatter [tilespmem:s24], [sflag:$0x4], $0x2000, $0x38;
	[tilespmem:$0x9600] =	vst v63  }
0x208: {  	p0 =	sne.s32 s29, $0x1A;
	_ =	swait.ge [sflag:s26], $0x2000  }
.Ltmp3:
0x209: {  	[sflag:s26] =	ssyncset.done $0x0;
	(pc) =	sbr.rel @p0 .LBB2_2-.Ltmp3, $4  }
0x20a: {  	s31 =	sadd.s32 $0x200, s31;
	[sflag:s26] =	ssyncadd.s32 $0xFFFFE000  }
0x20b: {  	[tilespmem:s20], [sflag:$0x1] =	stream.indirect.gather [hbm4b:s5+s17], $0x40, s31, s17, $0xb8;
	[tilespmem:$0x9600] =	vst v63  }
0x20c: {  	_ = 	snop  }
0x20d: {  	[tilespmem:s21], [sflag:$0x2] =	stream.indirect.gather [hbm4b:s6+s17], $0x8, s31, s17, $0xb8;
	[tilespmem:$0x9600] =	vst v63  }
0x20e: {  	_ =	swait.ge [sflag:s22], $0x2000  }
0x20f: {  	[sflag:s22] =	ssyncset.done $0x0  }
0x210: {  	[sflag:s22] =	ssyncadd.s32 $0xFFFFE000  }
0x211: {  	_ =	swait.ge [sflag:s23], $0x400  }
0x212: {  	[sflag:s23] =	ssyncset.done $0x0  }
0x213: {  	s0 =	simm.s32 $0x0;
	s1 =	simm.s32 $0x2880;
	[sflag:s23] =	ssyncadd.s32 $0xFFFFFC00  }
.LBB2_10:
0x214: {  	s15 =	sshll.u32 s0, $0x3  }
0x215: {  	v35 =	vmov s15;
	_ =	sdelay $0x1  }
0x216: {  	v36 =	vor.u32 $0x1, v35;
	_ =	sdelay $0x1  }
0x217: {  	v40 =	vor.u32 $0x2, v35  }
0x218: {  	v38 =	vld.idx.msk [tilespmem:v35+s19+$0x0], $0xffff  }
0x219: {  	v43 =	vor.u32 $0x3, v35  }
0x21a: {  	v36 =	vld.idx.msk [tilespmem:v36+s19+$0x0], $0xffff  }
0x21b: {  	v37 =	vld [tilespmem:s1+$0xFFFFFF80]  }
0x21c: {  	v60 =	vor.u32 $0x4, v35;
	v48 =	vor.u32 $0x5, v35;
	v40 =	vld.idx.msk [tilespmem:v40+s19+$0x0], $0xffff  }
0x21d: {  	v39 =	vld [tilespmem:s1+$0xFFFFFF90];
	v51 =	vor.u32 $0x6, v35;
	v44 =	vmul.f32 v38, v1;
	v45 =	vmul.f32 v38, v2  }
0x21e: {  	v35 =	vor.u32 $0x7, v35;
	v43 =	vld.idx.msk [tilespmem:v43+s19+$0x0], $0xffff;
	v46 =	vmul.f32 v38, v3;
	v38 =	vmul.f32 v38, v4  }
0x21f: {  	v41 =	vld [tilespmem:s1+$0xFFFFFFA0];
	v61 =	vmul.f32 v36, v5;
	v62 =	vmul.f32 v36, v6  }
0x220: {  	v42 =	vld [tilespmem:s1+$0xFFFFFFB0];
	v63 =	vmul.f32 v36, v7;
	v36 =	vmul.f32 v36, v8  }
0x221: {  	v55 =	vld.idx.msk [tilespmem:v48+s19+$0x0], $0xffff;
	v49 =	vmul.f32 v40, v9;
	v50 =	vmul.f32 v40, v10  }
0x222: {  	v52 =	vmul.f32 v40, v11;
	v40 =	vmul.f32 v40, v12  }
0x223: {  	v35 =	vld.idx.msk [tilespmem:v35+s19+$0x0], $0xffff;
	v53 =	vmul.f32 v43, v13;
	v54 =	vmul.f32 v43, v14;
	v37 =	vadd.f32 v44, v37  }
0x224: {  	v56 =	vmul.f32 v43, v15;
	v39 =	vadd.f32 v45, v39;
	v41 =	vadd.f32 v46, v41;
	v44 =	vld.idx.msk [tilespmem:v60+s19+$0x0], $0xffff  }
0x225: {  	v43 =	vmul.f32 v43, v16;
	v38 =	vadd.f32 v38, v42;
	v37 =	vadd.f32 v61, v37  }
0x226: {  	v42 =	vmul.f32 v55, v24;
	v39 =	vadd.f32 v62, v39;
	v41 =	vadd.f32 v63, v41  }
0x227: {  	v61 =	vmul.f32 v55, v21;
	v62 =	vmul.f32 v55, v22;
	v37 =	vadd.f32 v49, v37  }
0x228: {  	v46 =	vld.idx.msk [tilespmem:v51+s19+$0x0], $0xffff;
	v36 =	vadd.f32 v36, v38;
	v63 =	vmul.f32 v55, v23;
	v48 =	vmul.f32 v35, v29  }
0x229: {  	v38 =	vadd.f32 v50, v39;
	v57 =	vmul.f32 v44, v17;
	v37 =	vadd.f32 v53, v37  }
0x22a: {  	v41 =	vadd.f32 v52, v41;
	v36 =	vadd.f32 v40, v36;
	v58 =	vmul.f32 v44, v18  }
0x22b: {  	v59 =	vmul.f32 v44, v19;
	v38 =	vadd.f32 v54, v38;
	v37 =	vadd.f32 v57, v37  }
0x22c: {  	v60 =	vmul.f32 v44, v20;
	v39 =	vadd.f32 v56, v41;
	v36 =	vadd.f32 v43, v36  }
0x22d: {  	v44 =	vmul.f32 v46, v25;
	v38 =	vadd.f32 v58, v38;
	v37 =	vadd.f32 v61, v37  }
0x22e: {  	v50 =	vmul.f32 v35, v30;
	v39 =	vadd.f32 v59, v39;
	v36 =	vadd.f32 v60, v36  }
0x22f: {  	v45 =	vmul.f32 v46, v26;
	v38 =	vadd.f32 v62, v38;
	v37 =	vadd.f32 v44, v37  }
0x230: {  	v47 =	vmul.f32 v46, v27;
	v39 =	vadd.f32 v63, v39;
	v36 =	vadd.f32 v42, v36  }
0x231: {  	v49 =	vmul.f32 v46, v28;
	v38 =	vadd.f32 v45, v38;
	v37 =	vadd.f32 v48, v37  }
0x232: {  	s7 =	sadd.s32 $0x8, s15;
	v51 =	vmul.f32 v35, v31;
	v35 =	vmul.f32 v35, v32;
	v39 =	vadd.f32 v47, v39  }
0x233: {  	v36 =	vadd.f32 v49, v36;
	v38 =	vadd.f32 v50, v38;
	[tilespmem:s1+$0xFFFFFF80] =	vst v37;
	v37 =	vmov s7  }
0x234: {  	v39 =	vadd.f32 v51, v39  }
0x235: {  	v35 =	vadd.f32 v35, v36;
	[tilespmem:s1+$0xFFFFFF90] =	vst v38;
	v52 =	vor.u32 $0x1, v37  }
0x236: {  	[tilespmem:s1+$0xFFFFFFA0] =	vst v39  }
0x237: {  	[tilespmem:s1+$0xFFFFFFB0] =	vst v35;
	v55 =	vor.u32 $0x2, v37  }
0x238: {  	v58 =	vor.u32 $0x3, v37;
	v38 =	vld.idx.msk [tilespmem:v37+s19+$0x0], $0xffff  }
0x239: {  	v53 =	vld [tilespmem:s1+$0xFFFFFFC0];
	v62 =	vor.u32 $0x4, v37  }
0x23a: {  	v35 =	vld.idx.msk [tilespmem:v52+s19+$0x0], $0xffff  }
0x23b: {  	v54 =	vld [tilespmem:s1+$0xFFFFFFD0]  }
0x23c: {  	v40 =	vld.idx.msk [tilespmem:v55+s19+$0x0], $0xffff  }
0x23d: {  	v43 =	vld.idx.msk [tilespmem:v58+s19+$0x0], $0xffff;
	v59 =	vmul.f32 v38, v1  }
0x23e: {  	v44 =	vld.idx.msk [tilespmem:v62+s19+$0x0], $0xffff;
	v60 =	vmul.f32 v38, v2;
	v61 =	vmul.f32 v38, v3  }
0x23f: {  	v56 =	vld [tilespmem:s1+$0xFFFFFFE0];
	v38 =	vmul.f32 v38, v4;
	v63 =	vmul.f32 v35, v5  }
0x240: {  	v57 =	vld [tilespmem:s1+$0xFFFFFFF0];
	v48 =	vmul.f32 v35, v6;
	v49 =	vmul.f32 v35, v7  }
0x241: {  	v50 =	vor.u32 $0x5, v37;
	v35 =	vmul.f32 v35, v8;
	v51 =	vmul.f32 v40, v9  }
0x242: {  	v52 =	vmul.f32 v40, v10;
	v55 =	vmul.f32 v43, v13  }
0x243: {  	v58 =	vmul.f32 v43, v15;
	v62 =	vmul.f32 v44, v20;
	v36 =	vadd.f32 v59, v53  }
0x244: {  	v39 =	vadd.f32 v60, v54;
	v41 =	vadd.f32 v61, v56;
	v53 =	vor.u32 $0x6, v37  }
0x245: {  	v38 =	vadd.f32 v38, v57;
	v54 =	vmul.f32 v40, v11;
	v40 =	vmul.f32 v40, v12  }
0x246: {  	v37 =	vor.u32 $0x7, v37;
	v56 =	vmul.f32 v43, v14;
	v57 =	vld.idx.msk [tilespmem:v50+s19+$0x0], $0xffff;
	v36 =	vadd.f32 v63, v36  }
0x247: {  	v43 =	vmul.f32 v43, v16;
	v39 =	vadd.f32 v48, v39;
	v41 =	vadd.f32 v49, v41  }
0x248: {  	v59 =	vmul.f32 v44, v17;
	v35 =	vadd.f32 v35, v38;
	v36 =	vadd.f32 v51, v36  }
0x249: {  	v60 =	vmul.f32 v44, v18;
	v38 =	vadd.f32 v52, v39;
	v41 =	vadd.f32 v54, v41;
	v46 =	vld.idx.msk [tilespmem:v53+s19+$0x0], $0xffff  }
0x24a: {  	v61 =	vmul.f32 v44, v19;
	v35 =	vadd.f32 v40, v35;
	v36 =	vadd.f32 v55, v36  }
0x24b: {  	v37 =	vld.idx.msk [tilespmem:v37+s19+$0x0], $0xffff;
	v63 =	vmul.f32 v57, v21;
	v38 =	vadd.f32 v56, v38;
	v39 =	vadd.f32 v58, v41  }
0x24c: {  	v45 =	vmul.f32 v57, v22;
	v35 =	vadd.f32 v43, v35;
	v36 =	vadd.f32 v59, v36  }
0x24d: {  	v47 =	vmul.f32 v57, v23;
	v38 =	vadd.f32 v60, v38;
	v39 =	vadd.f32 v61, v39  }
0x24e: {  	v35 =	vadd.f32 v62, v35;
	v36 =	vadd.f32 v63, v36;
	v48 =	vmul.f32 v46, v25  }
0x24f: {  	v42 =	vmul.f32 v57, v24;
	v38 =	vadd.f32 v45, v38;
	v39 =	vadd.f32 v47, v39  }
0x250: {  	v49 =	vmul.f32 v46, v26;
	v51 =	vmul.f32 v37, v29;
	v36 =	vadd.f32 v48, v36  }
0x251: {  	v35 =	vadd.f32 v42, v35;
	v50 =	vmul.f32 v46, v27;
	v52 =	vmul.f32 v46, v28  }
0x252: {  	v53 =	vmul.f32 v37, v30;
	v38 =	vadd.f32 v49, v38;
	v36 =	vadd.f32 v51, v36  }
0x253: {  	s30 =	sadd.s32 $0x10, s15;
	v54 =	vmul.f32 v37, v31;
	v37 =	vmul.f32 v37, v32;
	v39 =	vadd.f32 v50, v39  }
0x254: {  	v35 =	vadd.f32 v52, v35;
	v38 =	vadd.f32 v53, v38;
	[tilespmem:s1+$0xFFFFFFC0] =	vst v36;
	v36 =	vmov s30  }
0x255: {  	v39 =	vadd.f32 v54, v39  }
0x256: {  	v35 =	vadd.f32 v37, v35;
	[tilespmem:s1+$0xFFFFFFD0] =	vst v38;
	v55 =	vor.u32 $0x1, v36  }
0x257: {  	[tilespmem:s1+$0xFFFFFFE0] =	vst v39  }
0x258: {  	[tilespmem:s1+$0xFFFFFFF0] =	vst v35;
	v58 =	vor.u32 $0x2, v36  }
0x259: {  	v61 =	vor.u32 $0x3, v36;
	v38 =	vld.idx.msk [tilespmem:v36+s19+$0x0], $0xffff  }
0x25a: {  	v57 =	vld [tilespmem:s1+$0x10];
	v49 =	vor.u32 $0x4, v36  }
0x25b: {  	v35 =	vld.idx.msk [tilespmem:v55+s19+$0x0], $0xffff  }
0x25c: {  	v56 =	vld [tilespmem:s1+$0x0]  }
0x25d: {  	v40 =	vld.idx.msk [tilespmem:v58+s19+$0x0], $0xffff  }
0x25e: {  	v43 =	vld.idx.msk [tilespmem:v61+s19+$0x0], $0xffff;
	v62 =	vmul.f32 v38, v1  }
0x25f: {  	v44 =	vld.idx.msk [tilespmem:v49+s19+$0x0], $0xffff;
	v63 =	vmul.f32 v38, v2;
	v48 =	vmul.f32 v38, v3  }
0x260: {  	v59 =	vld [tilespmem:s1+$0x20];
	v38 =	vmul.f32 v38, v4;
	v50 =	vmul.f32 v35, v5  }
0x261: {  	v60 =	vld [tilespmem:s1+$0x30];
	v51 =	vmul.f32 v35, v6;
	v52 =	vmul.f32 v35, v7  }
0x262: {  	v53 =	vor.u32 $0x5, v36;
	v35 =	vmul.f32 v35, v8;
	v54 =	vmul.f32 v40, v9  }
0x263: {  	v55 =	vmul.f32 v40, v10;
	v58 =	vmul.f32 v43, v13  }
0x264: {  	v61 =	vmul.f32 v43, v15;
	v49 =	vmul.f32 v44, v20;
	v37 =	vadd.f32 v62, v56  }
0x265: {  	v39 =	vadd.f32 v63, v57;
	v41 =	vadd.f32 v48, v59;
	v56 =	vor.u32 $0x6, v36  }
0x266: {  	v38 =	vadd.f32 v38, v60;
	v57 =	vmul.f32 v40, v11;
	v40 =	vmul.f32 v40, v12  }
0x267: {  	v36 =	vor.u32 $0x7, v36;
	v59 =	vmul.f32 v43, v14;
	v60 =	vld.idx.msk [tilespmem:v53+s19+$0x0], $0xffff;
	v37 =	vadd.f32 v50, v37  }
0x268: {  	v43 =	vmul.f32 v43, v16;
	v39 =	vadd.f32 v51, v39;
	v41 =	vadd.f32 v52, v41  }
0x269: {  	v62 =	vmul.f32 v44, v17;
	v35 =	vadd.f32 v35, v38;
	v37 =	vadd.f32 v54, v37  }
0x26a: {  	v63 =	vmul.f32 v44, v18;
	v38 =	vadd.f32 v55, v39;
	v41 =	vadd.f32 v57, v41;
	v46 =	vld.idx.msk [tilespmem:v56+s19+$0x0], $0xffff  }
0x26b: {  	v48 =	vmul.f32 v44, v19;
	v35 =	vadd.f32 v40, v35;
	v37 =	vadd.f32 v58, v37  }
0x26c: {  	v36 =	vld.idx.msk [tilespmem:v36+s19+$0x0], $0xffff;
	v50 =	vmul.f32 v60, v21;
	v38 =	vadd.f32 v59, v38;
	v39 =	vadd.f32 v61, v41  }
0x26d: {  	v51 =	vmul.f32 v60, v22;
	v35 =	vadd.f32 v43, v35;
	v37 =	vadd.f32 v62, v37  }
0x26e: {  	v52 =	vmul.f32 v60, v23;
	v38 =	vadd.f32 v63, v38;
	v39 =	vadd.f32 v48, v39  }
0x26f: {  	v35 =	vadd.f32 v49, v35;
	v37 =	vadd.f32 v50, v37;
	v53 =	vmul.f32 v46, v25  }
0x270: {  	v42 =	vmul.f32 v60, v24;
	v38 =	vadd.f32 v51, v38;
	v39 =	vadd.f32 v52, v39  }
0x271: {  	v54 =	vmul.f32 v46, v26;
	v56 =	vmul.f32 v36, v29;
	v37 =	vadd.f32 v53, v37  }
0x272: {  	v35 =	vadd.f32 v42, v35;
	v55 =	vmul.f32 v46, v27;
	v57 =	vmul.f32 v46, v28  }
0x273: {  	v58 =	vmul.f32 v36, v30;
	v38 =	vadd.f32 v54, v38;
	v37 =	vadd.f32 v56, v37  }
0x274: {  	s31 =	sadd.s32 $0x18, s15;
	v59 =	vmul.f32 v36, v31;
	v36 =	vmul.f32 v36, v32;
	v39 =	vadd.f32 v55, v39  }
0x275: {  	v35 =	vadd.f32 v57, v35;
	v38 =	vadd.f32 v58, v38;
	[tilespmem:s1+$0x0] =	vst v37;
	v37 =	vmov s31  }
0x276: {  	v39 =	vadd.f32 v59, v39  }
0x277: {  	v35 =	vadd.f32 v36, v35;
	[tilespmem:s1+$0x10] =	vst v38;
	v60 =	vor.u32 $0x1, v37  }
0x278: {  	[tilespmem:s1+$0x20] =	vst v39  }
0x279: {  	v61 =	vld [tilespmem:s1+$0x40];
	[tilespmem:s1+$0x30] =	vst v35;
	v63 =	vor.u32 $0x2, v37  }
0x27a: {  	v50 =	vor.u32 $0x3, v37;
	v38 =	vld.idx.msk [tilespmem:v37+s19+$0x0], $0xffff  }
0x27b: {  	v62 =	vld [tilespmem:s1+$0x50];
	v54 =	vor.u32 $0x4, v37  }
0x27c: {  	v35 =	vld.idx.msk [tilespmem:v60+s19+$0x0], $0xffff  }
0x27d: {  	v48 =	vld [tilespmem:s1+$0x60]  }
0x27e: {  	v40 =	vld.idx.msk [tilespmem:v63+s19+$0x0], $0xffff  }
0x27f: {  	v43 =	vld.idx.msk [tilespmem:v50+s19+$0x0], $0xffff;
	v51 =	vmul.f32 v38, v1;
	v52 =	vmul.f32 v38, v2  }
0x280: {  	v44 =	vld.idx.msk [tilespmem:v54+s19+$0x0], $0xffff;
	v53 =	vmul.f32 v38, v3;
	v38 =	vmul.f32 v38, v4  }
0x281: {  	v49 =	vld [tilespmem:s1+$0x70];
	v55 =	vmul.f32 v35, v5;
	v56 =	vmul.f32 v35, v6  }
0x282: {  	v58 =	vor.u32 $0x5, v37;
	v57 =	vmul.f32 v35, v7;
	v35 =	vmul.f32 v35, v8  }
0x283: {  	v59 =	vmul.f32 v40, v9;
	v60 =	vmul.f32 v40, v10  }
0x284: {  	v63 =	vmul.f32 v43, v13;
	v47 =	vmul.f32 v43, v14;
	v36 =	vadd.f32 v51, v61  }
0x285: {  	v50 =	vmul.f32 v44, v17;
	v39 =	vadd.f32 v52, v62;
	v41 =	vadd.f32 v53, v48  }
0x286: {  	v38 =	vadd.f32 v38, v49;
	v61 =	vor.u32 $0x6, v37;
	v62 =	vmul.f32 v40, v11  }
0x287: {  	v40 =	vmul.f32 v40, v12;
	v37 =	vor.u32 $0x7, v37;
	v48 =	vld.idx.msk [tilespmem:v58+s19+$0x0], $0xffff;
	v49 =	vmul.f32 v43, v15  }
0x288: {  	v43 =	vmul.f32 v43, v16;
	v36 =	vadd.f32 v55, v36;
	v39 =	vadd.f32 v56, v39  }
0x289: {  	v51 =	vmul.f32 v44, v18;
	v41 =	vadd.f32 v57, v41;
	v35 =	vadd.f32 v35, v38  }
0x28a: {  	v52 =	vmul.f32 v44, v19;
	v36 =	vadd.f32 v59, v36;
	v38 =	vadd.f32 v60, v39  }
0x28b: {  	v53 =	vmul.f32 v44, v20;
	v41 =	vadd.f32 v62, v41;
	v35 =	vadd.f32 v40, v35;
	v46 =	vld.idx.msk [tilespmem:v61+s19+$0x0], $0xffff  }
0x28c: {  	v54 =	vmul.f32 v48, v21;
	v36 =	vadd.f32 v63, v36;
	v38 =	vadd.f32 v47, v38  }
0x28d: {  	v37 =	vld.idx.msk [tilespmem:v37+s19+$0x0], $0xffff;
	v55 =	vmul.f32 v48, v22;
	v39 =	vadd.f32 v49, v41;
	v35 =	vadd.f32 v43, v35  }
0x28e: {  	v56 =	vmul.f32 v48, v23;
	v36 =	vadd.f32 v50, v36;
	v38 =	vadd.f32 v51, v38  }
0x28f: {  	v42 =	vmul.f32 v48, v24;
	v39 =	vadd.f32 v52, v39;
	v35 =	vadd.f32 v53, v35  }
0x290: {  	v36 =	vadd.f32 v54, v36;
	v38 =	vadd.f32 v55, v38;
	v57 =	vmul.f32 v46, v25  }
0x291: {  	v39 =	vadd.f32 v56, v39;
	v35 =	vadd.f32 v42, v35;
	v58 =	vmul.f32 v46, v26  }
0x292: {  	v59 =	vmul.f32 v46, v27;
	v60 =	vmul.f32 v37, v29;
	v36 =	vadd.f32 v57, v36  }
0x293: {  	v61 =	vmul.f32 v46, v28;
	v62 =	vmul.f32 v37, v30;
	v38 =	vadd.f32 v58, v38  }
0x294: {  	p0 =	sne.s32 s0, $0x7C;
	v63 =	vmul.f32 v37, v31;
	v39 =	vadd.f32 v59, v39;
	v36 =	vadd.f32 v60, v36  }
.Ltmp4:
0x295: {  	v37 =	vmul.f32 v37, v32;
	v35 =	vadd.f32 v61, v35;
	v38 =	vadd.f32 v62, v38;
	(pc) =	sbr.rel @p0 .LBB2_10-.Ltmp4, $4  }
0x296: {  	v39 =	vadd.f32 v63, v39;
	[tilespmem:s1+$0x40] =	vst v36  }
0x297: {  	v35 =	vadd.f32 v37, v35;
	[tilespmem:s1+$0x50] =	vst v38  }
0x298: {  	[tilespmem:s1+$0x60] =	vst v39  }
0x299: {  	s0 =	sadd.s32 $0x4, s0;
	[tilespmem:s1+$0x70] =	vst v35;
	s1 =	sadd.s32 $0x100, s1  }
0x29a: {  	s1 =	simm.s32 $0x0  }
0x29b: {  	[hbm4b:s11+s1] =	stream.linear.scatter [tilespmem:s18], [sflag:$0x4], $0x2000, $0x38;
	[tilespmem:$0x9600] =	vst v63  }
0x29c: {  	_ =	swait.ge [sflag:s22], $0x2000  }
0x29d: {  	[sflag:s22] =	ssyncset.done $0x0  }
0x29e: {  	[sflag:s22] =	ssyncadd.s32 $0xFFFFE000  }
0x29f: {  	_ =	swait.ge [sflag:s23], $0x400  }
0x2a0: {  	[sflag:s23] =	ssyncset.done $0x0  }
0x2a1: {  	s0 =	simm.s32 $0x48F0;
	[sflag:s23] =	ssyncadd.s32 $0xFFFFFC00  }
.LBB2_12:
0x2a2: {  	v35 =	vmov s1  }
0x2a3: {  	v35 =	vshll.u32 v35, v33  }
0x2a4: {  	v35 =	vadd.s32 v34, v35  }
0x2a5: {  	v35 =	vbroadcast v35, $0x0;
	_ =	sdelay $0x2  }
0x2a6: {  	v36 =	vor.u32 $0x1, v35;
	_ =	sdelay $0x1  }
0x2a7: {  	v40 =	vor.u32 $0x2, v35  }
0x2a8: {  	v37 =	vld.idx.msk [tilespmem:v35+s19+$0x0], $0xffff  }
0x2a9: {  	v44 =	vor.u32 $0x3, v35  }
0x2aa: {  	v36 =	vld.idx.msk [tilespmem:v36+s19+$0x0], $0xffff  }
0x2ab: {  	v38 =	vld [tilespmem:s0+$0xFFFFFF10]  }
0x2ac: {  	v56 =	vor.u32 $0x6, v35;
	v40 =	vld.idx.msk [tilespmem:v40+s19+$0x0], $0xffff  }
0x2ad: {  	v39 =	vld [tilespmem:s0+$0xFFFFFF20];
	v47 =	vor.u32 $0x5, v35;
	v43 =	vmul.f32 v37, v1  }
0x2ae: {  	v44 =	vld.idx.msk [tilespmem:v44+s19+$0x0], $0xffff;
	v45 =	vmul.f32 v37, v2;
	v49 =	vmul.f32 v37, v3  }
0x2af: {  	v41 =	vld [tilespmem:s0+$0xFFFFFF30];
	v37 =	vmul.f32 v37, v4;
	v51 =	vmul.f32 v36, v5  }
0x2b0: {  	v42 =	vld [tilespmem:s0+$0xFFFFFF40];
	v46 =	vmul.f32 v36, v6;
	v52 =	vmul.f32 v36, v7  }
0x2b1: {  	v48 =	vld.idx.msk [tilespmem:v56+s19+$0x0], $0xffff;
	v36 =	vmul.f32 v36, v8;
	v53 =	vmul.f32 v40, v9  }
0x2b2: {  	v50 =	vor.u32 $0x4, v35;
	v59 =	vld.idx.msk [tilespmem:v47+s19+$0x0], $0xffff;
	v54 =	vmul.f32 v40, v10;
	v55 =	vmul.f32 v40, v11  }
0x2b3: {  	v40 =	vmul.f32 v40, v12;
	v57 =	vmul.f32 v44, v13  }
0x2b4: {  	v35 =	vor.u32 $0x7, v35;
	v58 =	vmul.f32 v44, v14;
	v60 =	vmul.f32 v44, v15  }
0x2b5: {  	v61 =	vmul.f32 v44, v16;
	v38 =	vadd.f32 v43, v38;
	v39 =	vadd.f32 v45, v39  }
0x2b6: {  	v56 =	vmul.f32 v48, v27;
	v41 =	vadd.f32 v49, v41;
	v37 =	vadd.f32 v37, v42  }
0x2b7: {  	v45 =	vld.idx.msk [tilespmem:v50+s19+$0x0], $0xffff;
	v50 =	vmul.f32 v59, v21;
	v38 =	vadd.f32 v51, v38;
	v39 =	vadd.f32 v46, v39  }
0x2b8: {  	v41 =	vadd.f32 v52, v41;
	v36 =	vadd.f32 v36, v37;
	v51 =	vmul.f32 v59, v22  }
0x2b9: {  	v52 =	vmul.f32 v59, v23;
	v38 =	vadd.f32 v53, v38;
	v39 =	vadd.f32 v54, v39  }
0x2ba: {  	v35 =	vld.idx.msk [tilespmem:v35+s19+$0x0], $0xffff;
	v37 =	vadd.f32 v55, v41;
	v53 =	vmul.f32 v59, v24;
	v54 =	vmul.f32 v48, v25  }
0x2bb: {  	v36 =	vadd.f32 v40, v36;
	v55 =	vmul.f32 v48, v26;
	v59 =	vmul.f32 v48, v28  }
0x2bc: {  	v62 =	vmul.f32 v45, v17;
	v63 =	vmul.f32 v45, v18;
	v38 =	vadd.f32 v57, v38  }
0x2bd: {  	v49 =	vmul.f32 v45, v19;
	v39 =	vadd.f32 v58, v39;
	v37 =	vadd.f32 v60, v37  }
0x2be: {  	s7 =	sadd.s32 $0x1, s1;
	v45 =	vmul.f32 v45, v20;
	v36 =	vadd.f32 v61, v36;
	v38 =	vadd.f32 v62, v38  }
0x2bf: {  	v57 =	vmov s7;
	v58 =	vmul.f32 v35, v29;
	v39 =	vadd.f32 v63, v39  }
0x2c0: {  	v60 =	vmul.f32 v35, v30;
	v37 =	vadd.f32 v49, v37;
	v38 =	vadd.f32 v50, v38  }
0x2c1: {  	v61 =	vmul.f32 v35, v31;
	v36 =	vadd.f32 v45, v36;
	v39 =	vadd.f32 v51, v39  }
0x2c2: {  	v41 =	vshll.u32 v57, v33;
	v37 =	vadd.f32 v52, v37;
	v38 =	vadd.f32 v54, v38  }
0x2c3: {  	v41 =	vadd.s32 v34, v41;
	v36 =	vadd.f32 v53, v36;
	v39 =	vadd.f32 v55, v39  }
0x2c4: {  	v41 =	vbroadcast v41, $0x0;
	v37 =	vadd.f32 v56, v37;
	v38 =	vadd.f32 v58, v38  }
0x2c5: {  	v35 =	vmul.f32 v35, v32;
	v36 =	vadd.f32 v59, v36;
	v39 =	vadd.f32 v60, v39  }
0x2c6: {  	v37 =	vadd.f32 v61, v37;
	[tilespmem:s0+$0xFFFFFF10] =	vst v38  }
0x2c7: {  	v62 =	vor.u32 $0x1, v41;
	v35 =	vadd.f32 v35, v36;
	[tilespmem:s0+$0xFFFFFF20] =	vst v39  }
0x2c8: {  	[tilespmem:s0+$0xFFFFFF30] =	vst v37  }
0x2c9: {  	v48 =	vld [tilespmem:s0+$0xFFFFFF50];
	v50 =	vor.u32 $0x2, v41;
	[tilespmem:s0+$0xFFFFFF40] =	vst v35  }
0x2ca: {  	v54 =	vor.u32 $0x3, v41;
	v63 =	vld.idx.msk [tilespmem:v41+s19+$0x0], $0xffff  }
0x2cb: {  	v49 =	vld [tilespmem:s0+$0xFFFFFF60]  }
0x2cc: {  	v35 =	vld.idx.msk [tilespmem:v62+s19+$0x0], $0xffff  }
0x2cd: {  	v51 =	vld [tilespmem:s0+$0xFFFFFF70]  }
0x2ce: {  	v57 =	vor.u32 $0x4, v41;
	v39 =	vld.idx.msk [tilespmem:v50+s19+$0x0], $0xffff  }
0x2cf: {  	v44 =	vld.idx.msk [tilespmem:v54+s19+$0x0], $0xffff;
	v53 =	vmul.f32 v63, v1;
	v55 =	vmul.f32 v63, v2  }
0x2d0: {  	v52 =	vld [tilespmem:s0+$0xFFFFFF80];
	v56 =	vmul.f32 v63, v3;
	v36 =	vmul.f32 v63, v4  }
0x2d1: {  	v58 =	vmul.f32 v35, v5;
	v59 =	vmul.f32 v35, v6  }
0x2d2: {  	s30 =	sadd.s32 $0x2, s1;
	v61 =	vor.u32 $0x5, v41;
	v60 =	vmul.f32 v35, v7;
	v35 =	vmul.f32 v35, v8  }
0x2d3: {  	v47 =	vmov s30;
	v45 =	vld.idx.msk [tilespmem:v57+s19+$0x0], $0xffff;
	v62 =	vmul.f32 v39, v9;
	v63 =	vmul.f32 v39, v10  }
0x2d4: {  	v50 =	vmul.f32 v44, v13;
	v37 =	vadd.f32 v53, v48;
	v38 =	vadd.f32 v55, v49  }
0x2d5: {  	v54 =	vmul.f32 v44, v16;
	v40 =	vadd.f32 v56, v51;
	v36 =	vadd.f32 v36, v52  }
0x2d6: {  	v48 =	vmul.f32 v39, v11;
	v49 =	vor.u32 $0x6, v41;
	v39 =	vmul.f32 v39, v12  }
0x2d7: {  	v51 =	vmul.f32 v44, v14;
	v52 =	vld.idx.msk [tilespmem:v61+s19+$0x0], $0xffff;
	v53 =	vmul.f32 v44, v15;
	v41 =	vor.u32 $0x7, v41  }
0x2d8: {  	v55 =	vmul.f32 v45, v17;
	v37 =	vadd.f32 v58, v37;
	v38 =	vadd.f32 v59, v38  }
0x2d9: {  	v56 =	vmul.f32 v45, v18;
	v40 =	vadd.f32 v60, v40;
	v35 =	vadd.f32 v35, v36  }
0x2da: {  	v58 =	vmul.f32 v45, v19;
	v37 =	vadd.f32 v62, v37;
	v38 =	vadd.f32 v63, v38  }
0x2db: {  	v45 =	vmul.f32 v45, v20;
	v36 =	vadd.f32 v48, v40;
	v35 =	vadd.f32 v39, v35  }
0x2dc: {  	v40 =	vshll.u32 v47, v33;
	v57 =	vld.idx.msk [tilespmem:v49+s19+$0x0], $0xffff;
	v59 =	vmul.f32 v52, v21;
	v60 =	vmul.f32 v52, v22  }
0x2dd: {  	v61 =	vmul.f32 v52, v23;
	v37 =	vadd.f32 v50, v37;
	v38 =	vadd.f32 v51, v38  }
0x2de: {  	v41 =	vld.idx.msk [tilespmem:v41+s19+$0x0], $0xffff;
	v62 =	vmul.f32 v52, v24;
	v36 =	vadd.f32 v53, v36;
	v35 =	vadd.f32 v54, v35  }
0x2df: {  	v40 =	vadd.s32 v34, v40;
	v37 =	vadd.f32 v55, v37;
	v38 =	vadd.f32 v56, v38  }
0x2e0: {  	v40 =	vbroadcast v40, $0x0;
	v36 =	vadd.f32 v58, v36;
	v35 =	vadd.f32 v45, v35  }
0x2e1: {  	v37 =	vadd.f32 v59, v37;
	v38 =	vadd.f32 v60, v38;
	v63 =	vmul.f32 v57, v25  }
0x2e2: {  	v45 =	vmul.f32 v57, v26;
	v36 =	vadd.f32 v61, v36;
	v35 =	vadd.f32 v62, v35  }
0x2e3: {  	v46 =	vmul.f32 v57, v27;
	v48 =	vmul.f32 v41, v29;
	v37 =	vadd.f32 v63, v37  }
0x2e4: {  	v49 =	vmul.f32 v57, v28;
	v50 =	vmul.f32 v41, v30;
	v38 =	vadd.f32 v45, v38  }
0x2e5: {  	v51 =	vmul.f32 v41, v31;
	v36 =	vadd.f32 v46, v36;
	v37 =	vadd.f32 v48, v37  }
0x2e6: {  	v41 =	vmul.f32 v41, v32;
	v35 =	vadd.f32 v49, v35;
	v38 =	vadd.f32 v50, v38  }
0x2e7: {  	v36 =	vadd.f32 v51, v36;
	[tilespmem:s0+$0xFFFFFF50] =	vst v37  }
0x2e8: {  	v52 =	vor.u32 $0x1, v40;
	v35 =	vadd.f32 v41, v35;
	[tilespmem:s0+$0xFFFFFF60] =	vst v38  }
0x2e9: {  	[tilespmem:s0+$0xFFFFFF70] =	vst v36  }
0x2ea: {  	v55 =	vor.u32 $0x2, v40;
	[tilespmem:s0+$0xFFFFFF80] =	vst v35  }
0x2eb: {  	v59 =	vor.u32 $0x3, v40;
	v36 =	vld.idx.msk [tilespmem:v40+s19+$0x0], $0xffff  }
0x2ec: {  	v53 =	vld [tilespmem:s0+$0xFFFFFF90]  }
0x2ed: {  	v35 =	vld.idx.msk [tilespmem:v52+s19+$0x0], $0xffff  }
0x2ee: {  	v54 =	vld [tilespmem:s0+$0xFFFFFFA0]  }
0x2ef: {  	v62 =	vor.u32 $0x4, v40;
	v39 =	vld.idx.msk [tilespmem:v55+s19+$0x0], $0xffff  }
0x2f0: {  	v44 =	vld.idx.msk [tilespmem:v59+s19+$0x0], $0xffff;
	v58 =	vmul.f32 v36, v1  }
0x2f1: {  	v56 =	vld [tilespmem:s0+$0xFFFFFFB0];
	v60 =	vmul.f32 v36, v2;
	v61 =	vmul.f32 v36, v3  }
0x2f2: {  	v57 =	vld [tilespmem:s0+$0xFFFFFFC0];
	v36 =	vmul.f32 v36, v4;
	v63 =	vmul.f32 v35, v5  }
0x2f3: {  	v50 =	vor.u32 $0x5, v40;
	v48 =	vmul.f32 v35, v6;
	v49 =	vmul.f32 v35, v7  }
0x2f4: {  	v45 =	vld.idx.msk [tilespmem:v62+s19+$0x0], $0xffff;
	v35 =	vmul.f32 v35, v8;
	v51 =	vmul.f32 v39, v9  }
0x2f5: {  	v52 =	vmul.f32 v39, v10;
	v55 =	vmul.f32 v44, v13  }
0x2f6: {  	v59 =	vmul.f32 v44, v16;
	v37 =	vadd.f32 v58, v53;
	v38 =	vadd.f32 v60, v54  }
0x2f7: {  	v41 =	vadd.f32 v61, v56;
	v36 =	vadd.f32 v36, v57;
	v53 =	vmul.f32 v39, v11  }
0x2f8: {  	v54 =	vor.u32 $0x6, v40;
	v39 =	vmul.f32 v39, v12;
	v56 =	vmul.f32 v44, v14;
	v57 =	vld.idx.msk [tilespmem:v50+s19+$0x0], $0xffff  }
0x2f9: {  	v58 =	vmul.f32 v44, v15;
	v40 =	vor.u32 $0x7, v40;
	v60 =	vmul.f32 v45, v17  }
0x2fa: {  	v61 =	vmul.f32 v45, v18;
	v37 =	vadd.f32 v63, v37;
	v38 =	vadd.f32 v48, v38  }
0x2fb: {  	v41 =	vadd.f32 v49, v41;
	v35 =	vadd.f32 v35, v36;
	v63 =	vmul.f32 v45, v19  }
0x2fc: {  	v45 =	vmul.f32 v45, v20;
	v37 =	vadd.f32 v51, v37;
	v38 =	vadd.f32 v52, v38  }
0x2fd: {  	v36 =	vadd.f32 v53, v41;
	v46 =	vmul.f32 v57, v21;
	v47 =	vmul.f32 v57, v22  }
0x2fe: {  	s31 =	sadd.s32 $0x3, s1;
	v35 =	vadd.f32 v39, v35;
	v62 =	vld.idx.msk [tilespmem:v54+s19+$0x0], $0xffff;
	v48 =	vmul.f32 v57, v23;
	v49 =	vmul.f32 v57, v24  }
0x2ff: {  	v37 =	vadd.f32 v55, v37;
	v38 =	vadd.f32 v56, v38;
	v55 =	vmov s31  }
0x300: {  	v40 =	vld.idx.msk [tilespmem:v40+s19+$0x0], $0xffff;
	v36 =	vadd.f32 v58, v36;
	v35 =	vadd.f32 v59, v35;
	v42 =	vshll.u32 v55, v33  }
0x301: {  	v37 =	vadd.f32 v60, v37;
	v38 =	vadd.f32 v61, v38;
	v42 =	vadd.s32 v34, v42  }
0x302: {  	v36 =	vadd.f32 v63, v36;
	v35 =	vadd.f32 v45, v35;
	v41 =	vbroadcast v42, $0x0  }
0x303: {  	v37 =	vadd.f32 v46, v37;
	v38 =	vadd.f32 v47, v38;
	v50 =	vmul.f32 v62, v25  }
0x304: {  	v51 =	vmul.f32 v62, v26;
	v36 =	vadd.f32 v48, v36;
	v35 =	vadd.f32 v49, v35  }
0x305: {  	v52 =	vmul.f32 v62, v27;
	v54 =	vmul.f32 v40, v29;
	v37 =	vadd.f32 v50, v37  }
0x306: {  	v53 =	vmul.f32 v62, v28;
	v56 =	vmul.f32 v40, v30;
	v38 =	vadd.f32 v51, v38  }
0x307: {  	v57 =	vmul.f32 v40, v31;
	v36 =	vadd.f32 v52, v36;
	v37 =	vadd.f32 v54, v37  }
0x308: {  	v40 =	vmul.f32 v40, v32;
	v35 =	vadd.f32 v53, v35;
	v38 =	vadd.f32 v56, v38  }
0x309: {  	v36 =	vadd.f32 v57, v36;
	[tilespmem:s0+$0xFFFFFF90] =	vst v37  }
0x30a: {  	v58 =	vor.u32 $0x1, v41;
	v35 =	vadd.f32 v40, v35;
	[tilespmem:s0+$0xFFFFFFA0] =	vst v38  }
0x30b: {  	[tilespmem:s0+$0xFFFFFFB0] =	vst v36  }
0x30c: {  	v59 =	vld [tilespmem:s0+$0xFFFFFFD0];
	v61 =	vor.u32 $0x2, v41;
	[tilespmem:s0+$0xFFFFFFC0] =	vst v35  }
0x30d: {  	v48 =	vor.u32 $0x3, v41;
	v37 =	vld.idx.msk [tilespmem:v41+s19+$0x0], $0xffff  }
0x30e: {  	v60 =	vld [tilespmem:s0+$0xFFFFFFE0];
	v52 =	vor.u32 $0x4, v41  }
0x30f: {  	v35 =	vld.idx.msk [tilespmem:v58+s19+$0x0], $0xffff  }
0x310: {  	v62 =	vld [tilespmem:s0+$0xFFFFFFF0]  }
0x311: {  	v39 =	vld.idx.msk [tilespmem:v61+s19+$0x0], $0xffff  }
0x312: {  	v43 =	vld.idx.msk [tilespmem:v48+s19+$0x0], $0xffff;
	v49 =	vmul.f32 v37, v1;
	v50 =	vmul.f32 v37, v2  }
0x313: {  	v44 =	vld.idx.msk [tilespmem:v52+s19+$0x0], $0xffff;
	v51 =	vmul.f32 v37, v3;
	v37 =	vmul.f32 v37, v4  }
0x314: {  	v63 =	vld [tilespmem:s0+$0x0];
	v53 =	vmul.f32 v35, v5;
	v54 =	vmul.f32 v35, v6  }
0x315: {  	v56 =	vor.u32 $0x5, v41;
	v55 =	vmul.f32 v35, v7;
	v35 =	vmul.f32 v35, v8  }
0x316: {  	v57 =	vmul.f32 v39, v9;
	v58 =	vmul.f32 v39, v10  }
0x317: {  	v61 =	vmul.f32 v43, v13;
	v48 =	vmul.f32 v43, v15;
	v36 =	vadd.f32 v49, v59  }
0x318: {  	v52 =	vmul.f32 v44, v20;
	v38 =	vadd.f32 v50, v60;
	v40 =	vadd.f32 v51, v62  }
0x319: {  	v37 =	vadd.f32 v37, v63;
	v59 =	vor.u32 $0x6, v41;
	v60 =	vmul.f32 v39, v11  }
0x31a: {  	v39 =	vmul.f32 v39, v12;
	v41 =	vor.u32 $0x7, v41;
	v62 =	vmul.f32 v43, v14;
	v63 =	vld.idx.msk [tilespmem:v56+s19+$0x0], $0xffff  }
0x31b: {  	v43 =	vmul.f32 v43, v16;
	v36 =	vadd.f32 v53, v36;
	v38 =	vadd.f32 v54, v38  }
0x31c: {  	v49 =	vmul.f32 v44, v17;
	v40 =	vadd.f32 v55, v40;
	v35 =	vadd.f32 v35, v37  }
0x31d: {  	v50 =	vmul.f32 v44, v18;
	v36 =	vadd.f32 v57, v36;
	v37 =	vadd.f32 v58, v38  }
0x31e: {  	v51 =	vmul.f32 v44, v19;
	v40 =	vadd.f32 v60, v40;
	v35 =	vadd.f32 v39, v35;
	v46 =	vld.idx.msk [tilespmem:v59+s19+$0x0], $0xffff  }
0x31f: {  	v53 =	vmul.f32 v63, v21;
	v36 =	vadd.f32 v61, v36;
	v37 =	vadd.f32 v62, v37  }
0x320: {  	v41 =	vld.idx.msk [tilespmem:v41+s19+$0x0], $0xffff;
	v54 =	vmul.f32 v63, v22;
	v38 =	vadd.f32 v48, v40;
	v35 =	vadd.f32 v43, v35  }
0x321: {  	v55 =	vmul.f32 v63, v23;
	v36 =	vadd.f32 v49, v36;
	v37 =	vadd.f32 v50, v37  }
0x322: {  	v42 =	vmul.f32 v63, v24;
	v38 =	vadd.f32 v51, v38;
	v35 =	vadd.f32 v52, v35  }
0x323: {  	v36 =	vadd.f32 v53, v36;
	v37 =	vadd.f32 v54, v37;
	v56 =	vmul.f32 v46, v25  }
0x324: {  	v38 =	vadd.f32 v55, v38;
	v35 =	vadd.f32 v42, v35;
	v57 =	vmul.f32 v46, v26  }
0x325: {  	v58 =	vmul.f32 v46, v27;
	v59 =	vmul.f32 v41, v29;
	v36 =	vadd.f32 v56, v36  }
0x326: {  	v60 =	vmul.f32 v46, v28;
	v61 =	vmul.f32 v41, v30;
	v37 =	vadd.f32 v57, v37  }
0x327: {  	p0 =	sne.s32 s1, $0x7C;
	v62 =	vmul.f32 v41, v31;
	v38 =	vadd.f32 v58, v38;
	v36 =	vadd.f32 v59, v36  }
.Ltmp5:
0x328: {  	v63 =	vmul.f32 v41, v32;
	v35 =	vadd.f32 v60, v35;
	v37 =	vadd.f32 v61, v37;
	(pc) =	sbr.rel @p0 .LBB2_12-.Ltmp5, $4  }
0x329: {  	v38 =	vadd.f32 v62, v38;
	[tilespmem:s0+$0xFFFFFFD0] =	vst v36  }
0x32a: {  	v35 =	vadd.f32 v63, v35;
	[tilespmem:s0+$0xFFFFFFE0] =	vst v37  }
0x32b: {  	[tilespmem:s0+$0xFFFFFFF0] =	vst v38  }
0x32c: {  	s1 =	sadd.s32 $0x4, s1;
	[tilespmem:s0+$0x0] =	vst v35;
	s0 =	sadd.s32 $0x100, s0  }
0x32d: {  	[hbm4b:s12+s3] =	stream.linear.scatter [tilespmem:s20], [sflag:$0x4], $0x2000, $0x38;
	[tilespmem:$0x9600] =	vst v63  }
0x32e: {  	_ =	swait.ge [sflag:s26], $0x2000  }
0x32f: {  	[sflag:s26] =	ssyncset.done $0x0  }
0x330: {  	s28 =	sadd.s32 $0x1, s28;
	[sflag:s26] =	ssyncadd.s32 $0xFFFFE000  }
0x331: {  	p0 =	sne.s32 s28, s13;
	_ =	swait.ge [sflag:s26], $0x2000  }
.Ltmp6:
0x332: {  	[sflag:s26] =	ssyncset.done $0x0;
	(pc) =	sbr.rel @p0 .LBB2_1-.Ltmp6, $4  }
0x333: {  	[sflag:s26] =	ssyncadd.s32 $0xFFFFE000  }
0x334: {  	_ =	swait.ge [sflag:s26], $0x2000  }
0x335: {  	[sflag:s26] =	ssyncset.done $0x0  }
0x336: {  	[sflag:s26] =	ssyncadd.s32 $0xFFFFE000  }
0x337: {  	_ =	sfence.sel $0x180000  }
0x338: {  	[bflag:$0x0] =	sbarrier.arrive $0xFFFF  }
0x339: {  	_ =	strace $0x90000047  }
0x33a: {  	s0 =	stileid.u32;
	[bflag:$0x2] =	sbarrier.arrive $0xFFFF  }
0x33b: {  	p0 =	sne.s32 s0, $0x0;
	s0 =	rddreg [dreg:$0x2]  }
0x33c: {  	s0 =	sadd.s32 @!p0 $0x100000, s0  }
0x33d: {  	[sflag:s0] =	ssyncadd.tile.s32 @!p0 $0x1;
	_ =	shalt  }
.Lfunc_end2:
_tile_overlayer_lowered:
.L_overlay_start_2:
0x33e: {  	(tag) =	ssettag $0x2  }
0x33f: {  	s0 =	rddreg [dreg:$0x0];
	s2 =	stileid.u32  }
0x340: {  	s1 =	rddreg [dreg:$0x1];
	p0 =	sne.s32 s2, $0x0  }
0x341: {  	s3 =	rddreg [dreg:$0x2];
	[bflag:$0x3] =	sbarrier.arrive $0xFFFF;
	s2 =	simm.s32 @!p0 $0x1C05  }
0x342: {  	[timem:s3], [sflag:s2] =	dma.local @!p0 [hbm:s0], s1  }
0x343: {  	s0 =	simm.s32 @!p0 $0x5  }
0x344: {  	_ =	swait.ge @!p0 [sflag:s0], s1  }
0x345: {  	s1 =	ssub.s32 @!p0 $0x0, s1;
	[sflag:s0] =	ssyncset.done @!p0 $0x0  }
0x346: {  	[sflag:s0] =	ssyncadd.s32 @!p0 s1  }
0x347: {  	[bflag:$0x3] =	sbarrier.arrive $0xFFFF  }
0x348: {  	_ =	shalt  }

// kernel: sparse-core-data-format-call.cloned.1.call-start
scs
called_computation_lowered:
.L_overlay_start_0:
0x0: {  	s2 =	sld [smem:$0x3FD9]  }
0x1: {  	s3 =	sld [smem:$0x3FFE];
	_ =	sdelay $0x1  }
0x2: {  	s1 =	srdreg.scid  }
0x3: {  	s0 =	sand.u32 $0x1, s1  }
0x4: {  	s18 =	sshll.u32 s0, $0xA;
	s2 =	sadd.s32 s3, s2  }
0x5: {  	s2 =	sadd.s32 s2, s18  }
0x6: {  	[smem:$0x3FC4] =	sst s2  }
0x7: {  	_ = 	snop  }
0x8: {  	s2 =	sld [smem:$0x3FD0];
	(tm) =	ssettm $0x1  }
0x9: {  	s19 =	sld [smem:$0x3FFB];
	_ =	sdelay $0x3  }
0xa: {  	_ =	strace s19  }
0xb: {  	s3 =	sld [smem:$0x3FFC];
	_ =	sdelay $0x3  }
0xc: {  	_ =	strace s3  }
0xd: {  	s3 =	sld [smem:$0x3FFD];
	_ =	sdelay $0x3  }
0xe: {  	_ =	strace s3  }
0xf: {  	_ =	strace $0x8FFFFFFF  }
0x10: {  	s20 =	sld [smem:$0x3FDB];
	_ =	sdelay $0x1  }
0x11: {  	s4 =	simm.s32 $_scs_section_size  }
0x12: {  	s5 =	simm.s32 $_size__tile_overlayer_lowered;
	s6 =	simm.s32 $_tile_overlayer_lowered  }
0x13: {  	s23 =	simm.s32 $0x1BFF;
	s22 =	sshll.u32 s6, $0x1;
	s3 =	sadd.s32 s4, s20  }
0x14: {  	s7 =	simm.s32 $0x0;
	s21 =	sshll.u32 s5, $0x1;
	s5 =	sadd.s32 s22, s3  }
0x15: {  	[timem:s7], [sflag:s23] =	dma.local [hbm:s5], s21  }
0x16: {  	_ =	swait.ge [sflag:s23], s21  }
0x17: {  	s4 =	ssub.s32 $0x0, s21;
	[sflag:s23] =	ssyncset.done $0x0  }
0x18: {  	[sflag:s23] =	ssyncadd.s32 s4;
	_ =	sdelay $0x1  }
0x19: {  	s24 =	simm.s32 $0x1B8B  }
0x1a: {  	_ =	swait.ge [sflag:s24], $0x1  }
0x1b: {  	[sflag:s24] =	ssyncset.done $0x0  }
0x1c: {  	s26 =	simm.s32 $0x1B8E;
	s25 =	sld [smem:$0x3FFE];
	[sflag:s24] =	ssyncadd.s32 $0xFFFFFFFF  }
0x1d: {  	s27 =	simm.s32 $execute0_lowered;
	[smem:$0x3FD2] =	sst s26  }
0x1e: {  	s5 =	sshll.u32 s27, $0x1;
	_ =	strace $0x80000049;
	[dreg:$0x1] =	wrdreg $0xFFFFFFFF  }
0x1f: {  	s28 =	simm.s32 $_size_execute0_lowered;
	s3 =	sadd.s32 s3, s5;
	[dreg:$0x0] =	wrdreg $0x0  }
0x20: {  	s5 =	sshll.u32 s28, $0x1;
	[dreg:$0x2] =	wrdreg s3  }
0x21: {  	[dreg:$0x3] =	wrdreg s5  }
0x22: {  	[dreg:$0x4] =	wrdreg $0xC0  }
0x23: {  	_ =	task [dreg:s7], $0x5FFFF  }
0x24: {  	[dreg:$0x1] =	wrdreg $0xFFFFFFFF  }
0x25: {  	[dreg:$0x0] =	wrdreg $0x60  }
0x26: {  	[dreg:$0x2] =	wrdreg s25  }
0x27: {  	[dreg:$0x3] =	wrdreg s2  }
0x28: {  	[dreg:$0x4] =	wrdreg $0x9  }
0x29: {  	_ =	task.clear_ibuf [dreg:s7], $0x5FFFF;
	_ =	strace $0x90000049  }
0x2a: {  	s29 =	simm.s32 $0x9;
	_ =	strace $0x8000004B  }
0x2b: {  	_ =	swait.ge [sflag:s29], $0x1  }
0x2c: {  	[sflag:s29] =	ssyncadd.s32 $0xFFFFFFFF  }
0x2d: {  	_ =	strace $0x9000004B  }
0x2e: {  	_ =	sfence  }
0x2f: {  	s30 =	sld [smem:$0x0];
	_ =	sdelay $0x2  }
0x30: {  	s31 =	sshll.u32 s1, $0xD;
	s1 =	sshrl.u32 s1, $0x2  }
0x31: {  	s3 =	sand.u32 $0x4000, s31;
	s1 =	sadd.s32 s1, s30  }
0x32: {  	s0 =	sor.u32 s3, s0;
	s1 =	sshll.u32 s1, $0x11  }
0x33: {  	s0 =	sor.u32 s1, s0  }
0x34: {  	s0 =	sadd.s32 $0x8F2B, s0  }
0x35: {  	[sflag:s0] =	ssyncadd.remote.s32 $0x1  }
0x36: {  	_ =	sfence.sel $0xFFFF  }
0x37: {  	[dreg:$0x0] =	wrdreg $0xFFFFFFFF;
	(pc) =	sbr.abs _section_cstart, $3  }
0x38: {  	[dreg:$0x1] =	wrdreg $0xFFFFFFFF  }
0x39: {  	_ =	task.clear_ibuf [dreg:s7], $0x2FFFF;
	_ =	strace $0x9FFFFFFF  }
0x3a: {  	(tm) =	ssettm $0x7FFFFFFF  }
0x3b: {  	_ =	shalt  }
tec
execute0_lowered:
.L_overlay_start_1:
0x0: {  	(tag) =	ssettag $0x1  }
0x1: {  	s0 =	srdreg.scid  }
0x2: {  	s1 =	sshll.u32 s0, $0x4  }
0x3: {  	s0 =	stileid.u32;
	s1 =	sand.u32 $0x10, s1  }
0x4: {  	s1 =	sor.u32 s0, s1  }
0x5: {  	s6 =	rddreg [dreg:$0x0];
	s4 =	simm.s32 $0x1;
	s2 =	sshll.u32 s1, $0x7  }
0x6: {  	s7 =	simm.s32 $0x2;
	s12 =	simm.s32 $0x0;
	s1 =	ssub.s32 $0x4000, s2  }
0x7: {  	s8 =	simm.s32 $0x20000;
	s13 =	simm.s32 $0x0;
	s3 =	sand.u32 $0xF80, s1  }
0x8: {  	s9 =	simm.s32 $0x0;
	s5 =	sshrl.u32 s1, $0xC;
	p0 =	sne.s32 s3, $0x0  }
.Ltmp0:
0x9: {  	s1 =	rddreg [dreg:$0x2];
	s4 =	simm.s32 @!p0 $0x0;
	(pc) =	sbr.rel .LBB1_1-.Ltmp0, $4  }
0xa: {  	s11 =	simm.s32 $0x0;
	s3 =	rddreg [dreg:$0x1];
	s5 =	sadd.s32 s4, s5  }
0xb: {  	_ =	strace $0x8000004A;
	s4 =	simm.s32 $0x1;
	s5 =	smul.u32 $0x14, s5  }
0xc: {  	s6 =	sadd.s32 $0xE00, s6;
	s10 =	smov.u32 s2;
	[sflag:s4] =	ssyncpa.u1 $0x0  }
0xd: {  	p0 =	por $0x0, $0x0;
	[sflag:s7] =	ssyncpa.u1 $0x0;
	s7 =	sor.u32 $0x1, s5  }
.LBB1_4:
0xe: {  	s16 =	sshll.u32 s13, $0x3;
	s17 =	sand.u32 $0x78, s13  }
0xf: {  	s30 =	sand.u32 $0x1F800, s13;
	s12 =	sshll.u32 s12, $0x11;
	s16 =	sand.u32 $0x3C00, s16  }
0x10: {  	[tilespmem:s15+$0x810 ss:$0x81] =	vst.msk $0xffff, v2;
	s31 =	sand.u32 $0x7, s13;
	s16 =	sor.u32 s17, s16;
	s17 =	sadd.s32 s3, s30  }
0x11: {  	[tilespmem:s15+$0x1020 ss:$0x81] =	vst.msk $0xffff, v0;
	s13 =	sshll.u32 s31, $0x12;
	s12 =	sadd.s32 s12, s17;
	s16 =	sshrl.u32 s16, $0x3  }
0x12: {  	[tilespmem:s15+$0x0 ss:$0x81] =	vst.msk $0xffff, v1;
	s13 =	sor.u32 $0x400, s13;
	s12 =	sadd.s32 s16, s12  }
0x13: {  	[hbm4b:s12+s13] =	stream.strided.scatter [tilespmem:s14], [sflag:$0x2], $0x2000, s8, s13, $0x20;
	[tilespmem:$0x8080] =	vst v63  }
.LBB1_5:
0x14: {  	s14 =	sadd.s32 $0x1, s9  }
0x15: {  	s12 =	sadd.s32 $0x1000, s10;
	s16 =	smov.u32 s10;
	p2 =	sgt.s32 s14, $0x13  }
0x16: {  	s16 =	smov.u32 @p2 s12  }
0x17: {  	s14 =	simm.s32 @p2 $0x0;
	p2 =	sgt.s32 s16, $0x3FFF  }
0x18: {  	s16 =	smov.u32 @p2 s2;
	p2 =	sne.s32 s11, s7  }
.Ltmp1:
0x19: {  	p1 =	slt.u32 s11, $0x2;
	(pc) =	sbr.rel @!p2 .LBB1_6-.Ltmp1, $4  }
0x1a: {  	s15 =	simm.s32 @!p1 $0x2  }
0x1b: {  	s13 =	smov.u32 s10;
	p0 =	por !p0, !p0;
	_ =	swait.ge @!p1 [sflag:s15], $0x2000  }
0x1c: {  	s12 =	smov.u32 s9;
	[sflag:s15] =	ssyncset.done @!p1 $0x0;
	s9 =	smov.u32 s14  }
0x1d: {  	s11 =	sadd.s32 $0x1, s11;
	[sflag:s15] =	ssyncadd.s32 @!p1 $0xFFFFE000;
	s10 =	smov.u32 s16  }
.LBB1_1:
0x1e: {  	p1 =	sge.u32 s11, s5  }
0x1f: {  	s14 =	sand.u32 @!p1 $0x1FFFFFF, s9  }
0x20: {  	s15 =	smulhi.u32 @!p1 $0xAAAAAAB, s14;
	_ =	sdelay $0x1  }
0x21: {  	s15 =	smul.u32 @!p1 $0x18, s15  }
0x22: {  	s16 =	sxor.u32 @!p1 $0xFFFFFFFF, s11;
	s17 =	smul.u32 @!p1 $0x180, s10  }
0x23: {  	s31 =	sadd.s32 $0xFFFFFFFF, s11;
	s16 =	sshll.u32 @!p1 s16, $0xD;
	s14 =	ssub.s32 @!p1 s14, s15  }
0x24: {  	s15 =	sand.u32 @!p1 $0x2000, s16;
	s16 =	sadd.s32 @!p1 s6, s17;
	s14 =	sshll.u32 @!p1 s14, $0x4  }
0x25: {  	s17 =	simm.s32 @!p1 $0xC00;
	s14 =	sadd.s32 @!p1 s14, s16;
	s16 =	simm.s32 @!p1 $0x40  }
0x26: {  	[tilespmem:s15], [sflag:$0x1] =	stream.strided.gather @!p1 [hbm4b:s14+s16], $0x2000, s17, s16, $0x38;
	[tilespmem:$0x8080] =	vst v63  }
0x27: {  	p1 =	sge.u32 s31, s5  }
.Ltmp2:
0x28: {  	_ = 	snop;
	(pc) =	sbr.rel @p1 .LBB1_5-.Ltmp2, $1  }
0x29: {  	_ =	sdelay $0x3  }
0x2a: {  	s14 =	simm.s32 $0x1  }
0x2b: {  	_ =	swait.ge [sflag:s4], $0x2000;
	s14 =	simm.s32 @!p0 $0x0  }
0x2c: {  	[sflag:s4] =	ssyncset.done $0x0;
	s15 =	sshll.u32 s14, $0xD  }
0x2d: {  	[sflag:s4] =	ssyncadd.s32 $0xFFFFE000;
	s18 =	sor.u32 $0x20, s15  }
0x2e: {  	s14 =	smul.u32 $0x8100, s14;
	v3 =	vld [tilespmem:s18+$0x10]  }
0x2f: {  	s30 =	sand.u32 $0x1, s11;
	v2 =	vld [tilespmem:s18+$0xFFFFFFF0]  }
0x30: {  	s15 =	smul.u32 $0x8100, s30;
	s14 =	sshrl.u32 s14, $0x2;
	v0 =	vld [tilespmem:s18+$0x0]  }
0x31: {  	v1 =	vld [tilespmem:s18+$0xFFFFFFE0];
	s16 =	sor.u32 $0x4000, s14  }
0x32: {  	s31 =	sshrl.u32 s15, $0x2;
	s15 =	sadd.s32 $0x0, s16  }
0x33: {  	s17 =	simm.s32 $0x4;
	s18 =	sadd.s32 $0x40, s18;
	s14 =	sor.u32 $0x4000, s31;
	[tilespmem:s15+$0x1830 ss:$0x81] =	vst.msk $0xffff, v3  }
.LBB1_3:
0x34: {  	v3 =	vld [tilespmem:s18+$0x10];
	p1 =	sne.s32 s17, $0x1FC;
	[tilespmem:s15+$0x810 ss:$0x81] =	vst.msk $0xffff, v2;
	s19 =	smov.u32 s17;
	s17 =	sadd.s32 $0x4, s17  }
.Ltmp3:
0x35: {  	v2 =	vld [tilespmem:s18+$0xFFFFFFF0];
	[tilespmem:s15+$0x1020 ss:$0x81] =	vst.msk $0xffff, v0;
	(pc) =	sbr.rel @p1 .LBB1_3-.Ltmp3, $4  }
0x36: {  	v0 =	vld [tilespmem:s18+$0x0];
	[tilespmem:s15+$0x0 ss:$0x81] =	vst.msk $0xffff, v1  }
0x37: {  	s15 =	sshra.s32 s19, $0x2;
	v1 =	vld [tilespmem:s18+$0xFFFFFFE0]  }
0x38: {  	s15 =	sadd.s32 s15, s16  }
0x39: {  	s18 =	sadd.s32 $0x40, s18;
	[tilespmem:s15+$0x1830 ss:$0x81] =	vst.msk $0xffff, v3  }
.Ltmp4:
0x3a: {  	_ = 	snop;
	(pc) =	sbr.rel .LBB1_4-.Ltmp4, $1  }
0x3b: {  	_ =	sdelay $0x3  }
.LBB1_6:
0x3c: {  	_ =	sfence.sel $0x180000  }
0x3d: {  	s2 =	simm.s32 $0x1;
	[bflag:$0x0] =	sbarrier.arrive $0xFFFF  }
0x3e: {  	s31 =	simm.s32 $0x2;
	[sflag:s2] =	ssyncpa.u1 $0x1  }
0x3f: {  	[sflag:s31] =	ssyncpa.u1 $0x1  }
0x40: {  	p0 =	sne.s32 s0, $0x0;
	_ =	strace $0x9000004A  }
0x41: {  	s0 =	sadd.s32 @!p0 $0x100000, s1;
	[bflag:$0x2] =	sbarrier.arrive $0xFFFF  }
0x42: {  	[sflag:s0] =	ssyncadd.tile.s32 @!p0 $0x1;
	_ =	shalt  }
.Lfunc_end1:
_tile_overlayer_lowered:
.L_overlay_start_2:
0x43: {  	(tag) =	ssettag $0x2  }
0x44: {  	s0 =	rddreg [dreg:$0x0];
	s2 =	stileid.u32  }
0x45: {  	s1 =	rddreg [dreg:$0x1];
	p0 =	sne.s32 s2, $0x0  }
0x46: {  	s3 =	rddreg [dreg:$0x2];
	[bflag:$0x3] =	sbarrier.arrive $0xFFFF;
	s2 =	simm.s32 @!p0 $0x1C01  }
0x47: {  	[timem:s3], [sflag:s2] =	dma.local @!p0 [hbm:s0], s1  }
0x48: {  	s0 =	simm.s32 @!p0 $0x1  }
0x49: {  	_ =	swait.ge @!p0 [sflag:s0], s1  }
0x4a: {  	s1 =	ssub.s32 @!p0 $0x0, s1;
	[sflag:s0] =	ssyncset.done @!p0 $0x0  }
0x4b: {  	[sflag:s0] =	ssyncadd.s32 @!p0 s1  }
0x4c: {  	[bflag:$0x3] =	sbarrier.arrive $0xFFFF  }
0x4d: {  	_ =	shalt  }

</sc_bundles>
